<compile_context>
chip_gen: v7x
topology: tpu7x:2x2x1
jax: 0.10.2.dev20260603
libtpu: 0.0.44.dev20260713+nightly
codegen_flags: <defaults>
</compile_context>

<pallas_src>
import numpy as np

import jax
import jax.numpy as jnp
from jax import lax
from jax.experimental import pallas as pl
from jax.experimental.pallas import tpu as pltpu
from jax.experimental.pallas import tpu_sc as plsc

_H = 64
_W = 64
_A = 9
_N = _A * _H * _W
_R, _C = 288, 128
_NUM_FG = 256 // 3
_NUM_BG = 256 * 2 // 3
_NGT = 32


def _build_anchor_consts():
    ws, hs = [], []
    for s in [4.0, 8.0, 16.0]:
        for r in [0.5, 1.0, 2.0]:
            ws.append(s * np.sqrt(r))
            hs.append(s / np.sqrt(r))
    ws = np.asarray(ws, np.float32)
    hs = np.asarray(hs, np.float32)
    ys, xs = np.meshgrid(np.arange(_H, dtype=np.float32),
                         np.arange(_W, dtype=np.float32), indexing='ij')
    x = (xs[None, :, :] - ws[:, None, None] / np.float32(2.0)).astype(np.float32)
    y = (ys[None, :, :] - hs[:, None, None] / np.float32(2.0)).astype(np.float32)
    w = np.broadcast_to(ws[:, None, None], x.shape).astype(np.float32)
    h = np.broadcast_to(hs[:, None, None], x.shape).astype(np.float32)
    a = np.stack([x, y, w, h], axis=-1).reshape(-1, 4)
    ax, ay, aw, ah = a[:, 0], a[:, 1], a[:, 2], a[:, 3]
    ax2 = (ax + aw - np.float32(1.0)).astype(np.float32)
    ay2 = (ay + ah - np.float32(1.0)).astype(np.float32)
    keep = ((ax >= 0) & (ay >= 0)
            & (ax2 <= np.float32(_H - 1.0)) & (ay2 <= np.float32(_H - 1.0)))
    area = (aw * ah).astype(np.float32)
    cons = np.stack([ax, ay, ax2, ay2, aw, ah, area,
                     keep.astype(np.float32)], axis=0)
    return cons.reshape(8, _R, _C)


def _threefry2x32(k0, k1, x0, x1):
    def rotl(x, d):
        return ((x << np.uint32(d)) | (x >> np.uint32(32 - d))).astype(np.uint32)

    ks = (np.uint32(k0), np.uint32(k1),
          np.uint32(0x1BD11BDA) ^ np.uint32(k0) ^ np.uint32(k1))
    x0 = (x0 + ks[0]).astype(np.uint32)
    x1 = (x1 + ks[1]).astype(np.uint32)
    rot1, rot2 = (13, 15, 26, 6), (17, 29, 16, 24)

    def rounds(x0, x1, rots):
        for r in rots:
            x0 = (x0 + x1).astype(np.uint32)
            x1 = rotl(x1, r) ^ x0
        return x0, x1

    for i, rots in enumerate((rot1, rot2, rot1, rot2, rot1)):
        x0, x1 = rounds(x0, x1, rots)
        x0 = (x0 + ks[(i + 1) % 3]).astype(np.uint32)
        x1 = (x1 + ks[(i + 2) % 3] + np.uint32(i + 1)).astype(np.uint32)
    return x0, x1


def _build_rank_consts():
    b1, b2 = _threefry2x32(np.uint32(0), np.uint32(42),
                           np.zeros(2, np.uint32), np.arange(2, dtype=np.uint32))

    def uniform(k0, k1):
        o1, o2 = _threefry2x32(k0, k1, np.zeros(_N, np.uint32),
                               np.arange(_N, dtype=np.uint32))
        bits = o1 ^ o2
        fb = (bits >> np.uint32(9)) | np.uint32(0x3F800000)
        return fb.view(np.float32) - np.float32(1.0)

    ub = uniform(b1[0], b2[0])
    uf = uniform(b1[1], b2[1])

    permb = np.argsort(ub, kind='stable').astype(np.int32)
    permf = np.argsort(uf, kind='stable').astype(np.int32)
    return permb, permf


_CONS = _build_anchor_consts()
_PERMB, _PERMF = _build_rank_consts()
_NV = _N // 16


_B = 8
_NCH = _R // _B


def _anchor_kernel(gt_ref, cons_ref, lab_ref, t_ref,
                   best_ref, gxs_ref, gys_ref, gws_ref, ghs_ref,
                   acc_ref, idx_ref, cm_ref, ci_ref):
    base = (lax.broadcasted_iota(jnp.int32, (_B, _C), 0) * _C
            + lax.broadcasted_iota(jnp.int32, (_B, _C), 1))

    for g in range(_NGT):
        acc_ref[g] = jnp.full((_B, _C), -jnp.inf, jnp.float32)
        idx_ref[g] = jnp.zeros((_B, _C), jnp.int32)

    def chunk_work(rc):
        s = rc * _B
        ax = cons_ref[0, pl.ds(s, _B), :]
        ay = cons_ref[1, pl.ds(s, _B), :]
        ax2 = cons_ref[2, pl.ds(s, _B), :]
        ay2 = cons_ref[3, pl.ds(s, _B), :]
        area = cons_ref[6, pl.ds(s, _B), :]
        keep = cons_ref[7, pl.ds(s, _B), :] != 0.0
        lin = base + rc * (_B * _C)
        chains = [None] * 4
        for g in range(_NGT):
            gx = gt_ref[g, 0]
            gy = gt_ref[g, 1]
            gw = gt_ref[g, 2]
            gh = gt_ref[g, 3]
            gx2 = gx + gw - 1.0
            gy2 = gy + gh - 1.0
            ag = gw * gh
            iw = jnp.maximum(0.0,
                             jnp.minimum(ax2, gx2) - jnp.maximum(ax, gx) + 1.0)
            ih = jnp.maximum(0.0,
                             jnp.minimum(ay2, gy2) - jnp.maximum(ay, gy) + 1.0)
            inter = iw * ih
            iou = inter / (area + ag - inter)
            ov = jnp.where(iou == 0.0, jnp.float32(1e-10), iou)
            mk = jnp.where(keep, ov, jnp.float32(-1.0))
            c = g // 8
            if chains[c] is None:
                chains[c] = (ov,
                             jnp.full((_B, _C), gx), jnp.full((_B, _C), gy),
                             jnp.full((_B, _C), gw), jnp.full((_B, _C), gh))
            else:
                best, gxs, gys, gws, ghs = chains[c]
                b = ov > best
                chains[c] = (jnp.where(b, ov, best),
                             jnp.where(b, gx, gxs), jnp.where(b, gy, gys),
                             jnp.where(b, gw, gws), jnp.where(b, gh, ghs))
            a = acc_ref[g]
            b2 = mk > a
            acc_ref[g] = jnp.where(b2, mk, a)
            idx_ref[g] = jnp.where(b2, lin, idx_ref[g])
        def merge(s0, s1):
            b = s1[0] > s0[0]
            return tuple(jnp.where(b, x1, x0) for x0, x1 in zip(s0, s1))

        best, gxs, gys, gws, ghs = merge(merge(chains[0], chains[1]),
                                         merge(chains[2], chains[3]))
        best_ref[pl.ds(s, _B), :] = best
        gxs_ref[pl.ds(s, _B), :] = gxs
        gys_ref[pl.ds(s, _B), :] = gys
        gws_ref[pl.ds(s, _B), :] = gws
        ghs_ref[pl.ds(s, _B), :] = ghs

    def chunk_body(rc, carry):
        chunk_work(rc)
        return carry

    lax.fori_loop(0, _NCH, chunk_body, 0)

    for g in range(_NGT):
        a = acc_ref[g]
        v = jnp.max(a, axis=0, keepdims=True)
        ii = jnp.min(jnp.where(a == v, idx_ref[g], jnp.int32(_N)),
                     axis=0, keepdims=True)
        cm_ref[pl.ds(g, 1), :] = v
        ci_ref[pl.ds(g, 1), :] = ii
    m32 = cm_ref[...]
    rm = jnp.max(m32, axis=1, keepdims=True)
    ci = jnp.min(jnp.where(m32 == rm, ci_ref[...], jnp.int32(_N)),
                 axis=1, keepdims=True)
    ci_ref[:, 0:1] = ci

    lin_full = (lax.broadcasted_iota(jnp.int32, (_R, _C), 0) * _C
                + lax.broadcasted_iota(jnp.int32, (_R, _C), 1))
    isgt = jnp.zeros((_R, _C), jnp.bool_)
    for g in range(_NGT):
        isgt = isgt | (lin_full == ci_ref[g, 0])

    keep = cons_ref[7] != 0.0
    ax = cons_ref[0]
    ay = cons_ref[1]
    aw = cons_ref[4]
    ah = cons_ref[5]
    mo = best_ref[...]
    gxs = gxs_ref[...]
    gys = gys_ref[...]
    gws = gws_ref[...]
    ghs = ghs_ref[...]

    lab = jnp.full((_R, _C), -1, jnp.int32)
    lab = jnp.where(mo >= 0.7, 1, lab)
    lab = jnp.where(mo <= 0.3, 0, lab)
    lab = jnp.where(isgt, 1, lab)
    lab = jnp.where(keep, lab, -1)

    lab_ref[...] = lab
    t_ref[0] = (gxs - ax) / aw
    t_ref[1] = (gys - ay) / ah
    t_ref[2] = jnp.log(gws / aw)
    t_ref[3] = jnp.log(ghs / ah)


def _sc_subsample(lab_hbm, permb_hbm, permf_hbm, out_hbm, lab_v, perm_v):
    wid = (lax.axis_index("s") * plsc.get_sparse_core_info().num_cores
           + lax.axis_index("c"))

    @pl.when(wid == 0)
    def _():
        pltpu.sync_copy(lab_hbm, lab_v)

        def do_pass(perm_hbm, which, quota):
            pltpu.sync_copy(perm_hbm, perm_v)

            def body(j, carry):
                iv = perm_v[j]
                vals = plsc.load_gather(lab_v, [iv])
                m = vals == which
                mi = m.astype(jnp.int32)
                cs = plsc.cumsum(mi) + carry
                kill = m & (cs > quota)
                newv = jnp.where(kill, jnp.int32(-1), vals)
                plsc.store_scatter(lab_v, [iv], newv)
                return carry + jnp.sum(mi)

            lax.fori_loop(0, _NV, body, jnp.int32(0))

        do_pass(permb_hbm, 0, _NUM_BG)
        do_pass(permf_hbm, 1, _NUM_FG)
        pltpu.sync_copy(lab_v, out_hbm)


def _mask_kernel(lab_ref, t_ref, out_ref):
    fg = lab_ref[...] == 1
    for k in range(4):
        out_ref[k] = jnp.where(fg, t_ref[k], 0.0)


def kernel(cls_scores, gt_boxes, image_info):
    del cls_scores, image_info
    gt = gt_boxes[0].astype(jnp.float32)
    lab, t = pl.pallas_call(
        _anchor_kernel,
        out_shape=(jax.ShapeDtypeStruct((_R, _C), jnp.int32),
                   jax.ShapeDtypeStruct((4, _R, _C), jnp.float32)),
        in_specs=[pl.BlockSpec(memory_space=pltpu.SMEM),
                  pl.BlockSpec(memory_space=pltpu.VMEM)],
        out_specs=(pl.BlockSpec(memory_space=pltpu.VMEM),
                   pl.BlockSpec(memory_space=pltpu.VMEM)),
        scratch_shapes=[pltpu.VMEM((_R, _C), jnp.float32)] * 5
                       + [pltpu.VMEM((_NGT, _B, _C), jnp.float32),
                          pltpu.VMEM((_NGT, _B, _C), jnp.int32),
                          pltpu.VMEM((_NGT, _C), jnp.float32),
                          pltpu.VMEM((_NGT, _C), jnp.int32)],
    )(gt, jnp.asarray(_CONS))
    lab_fin = pl.kernel(
        _sc_subsample,
        out_type=jax.ShapeDtypeStruct((_N,), jnp.int32),
        mesh=plsc.VectorSubcoreMesh(core_axis_name="c", subcore_axis_name="s"),
        compiler_params=pltpu.CompilerParams(use_tc_tiling_on_sc=False,
                                             needs_layout_passes=False),
        scratch_types=[pltpu.VMEM((_N,), jnp.int32),
                       pltpu.VMEM((_NV, 16), jnp.int32)],
    )(lab.reshape(_N),
      jnp.asarray(_PERMB.reshape(_NV, 16)),
      jnp.asarray(_PERMF.reshape(_NV, 16)))
    t_masked = pl.pallas_call(
        _mask_kernel,
        out_shape=jax.ShapeDtypeStruct((4, _R, _C), jnp.float32),
    )(lab_fin.reshape(_R, _C), t)
    labels_op = lab_fin.reshape(1, _A, _H, _W)
    target_op = jnp.moveaxis(t_masked, 0, -1).reshape(1, _A, _H, _W, 4)
    return labels_op, target_op

# --- scband reference (transcript-rebuilt; emitter-appended) ---
"""Pipeline reference for scband-anchor-layer-59433757442289 (READ-ONLY COPY).

The authoritative reference and input builder live on the scoring server;
editing this copy changes nothing except your own understanding.
"""

import jax, jax.numpy as jnp
import numpy as np

IMAGE_DIMS = 1024
ANCHOR_SIZES = [4.0, 8.0, 16.0]
ANCHOR_RATIOS = [0.5, 1.0, 2.0]
NUM_ANCHORS = 9
RPN_POSITIVE_OVERLAP = 0.7
RPN_NEGATIVE_OVERLAP = 0.3
TOTAL_ROIS = 256


def _generate_anchors(H, W):
    ws, hs = [], []
    for s in ANCHOR_SIZES:
        for r in ANCHOR_RATIOS:
            ws.append(s * np.sqrt(r))
            hs.append(s / np.sqrt(r))
    ws = jnp.asarray(ws, jnp.float32)
    hs = jnp.asarray(hs, jnp.float32)
    ys, xs = jnp.meshgrid(jnp.arange(H, dtype=jnp.float32), jnp.arange(W, dtype=jnp.float32), indexing='ij')
    x = xs[None, :, :] - ws[:, None, None] / 2.0
    y = ys[None, :, :] - hs[:, None, None] / 2.0
    w = jnp.broadcast_to(ws[:, None, None], x.shape)
    h = jnp.broadcast_to(hs[:, None, None], x.shape)
    return jnp.stack([x, y, w, h], axis=-1)


def _anchor_target(cls_scores, gt_boxes):
    B, C, H, W = cls_scores.shape
    anchors = _generate_anchors(H, W)
    a = anchors.reshape(-1, 4)
    ax, ay, aw, ah = a[:, 0], a[:, 1], a[:, 2], a[:, 3]
    ax2 = ax + aw - 1.0
    ay2 = ay + ah - 1.0
    keep = (ax >= 0) & (ay >= 0) & (ax2 <= H - 1.0) & (ay2 <= H - 1.0)
    g = gt_boxes[0]
    gx, gy, gw, gh = g[:, 0], g[:, 1], g[:, 2], g[:, 3]
    gx2 = gx + gw - 1.0
    gy2 = gy + gh - 1.0
    iw = jnp.maximum(0.0, jnp.minimum(ax2[:, None], gx2[None, :]) - jnp.maximum(ax[:, None], gx[None, :]) + 1.0)
    ih = jnp.maximum(0.0, jnp.minimum(ay2[:, None], gy2[None, :]) - jnp.maximum(ay[:, None], gy[None, :]) + 1.0)
    inter = iw * ih
    area_a = (aw * ah)[:, None]
    area_g = (gw * gh)[None, :]
    iou = inter / (area_a + area_g - inter)
    overlaps = jnp.where(iou == 0.0, 1e-10, iou)
    masked = jnp.where(keep[:, None], overlaps, -1.0)
    max_overlaps = jnp.max(masked, axis=1)
    argmax_overlaps = jnp.argmax(overlaps, axis=1)
    gt_argmax_overlaps = jnp.argmax(masked, axis=0)
    N = a.shape[0]
    labels = jnp.full((N,), -1, dtype=jnp.int32)
    labels = jnp.where(max_overlaps >= RPN_POSITIVE_OVERLAP, 1, labels)
    labels = jnp.where(max_overlaps <= RPN_NEGATIVE_OVERLAP, 0, labels)
    labels = labels.at[gt_argmax_overlaps].set(1)
    labels = jnp.where(keep, labels, -1)
    num_fg = TOTAL_ROIS // 3
    num_bg = TOTAL_ROIS * 2 // 3
    kb, kf = jax.random.split(jax.random.key(42))
    pr_bg = jnp.where(labels == 0, jax.random.uniform(kb, (N,)), jnp.inf)
    rank_bg = jnp.argsort(jnp.argsort(pr_bg))
    labels = jnp.where((labels == 0) & (rank_bg >= num_bg), -1, labels)
    pr_fg = jnp.where(labels == 1, jax.random.uniform(kf, (N,)), jnp.inf)
    rank_fg = jnp.argsort(jnp.argsort(pr_fg))
    labels = jnp.where((labels == 1) & (rank_fg >= num_fg), -1, labels)
    gsel = g[argmax_overlaps]
    tx = (gsel[:, 0] - ax) / aw
    ty = (gsel[:, 1] - ay) / ah
    tw = jnp.log(gsel[:, 2] / aw)
    th = jnp.log(gsel[:, 3] / ah)
    t = jnp.stack([tx, ty, tw, th], axis=1)
    fg = labels == 1
    target_op = jnp.where(fg[:, None], t, 0.0).reshape(1, NUM_ANCHORS, H, W, 4)
    labels_op = labels.reshape(1, NUM_ANCHORS, H, W)
    return labels_op, target_op


def setup_inputs(seed: int = 0):
    key = jax.random.key(seed)
    k1, k2 = jax.random.split(key)
    cls_scores = jax.random.normal(k1, (1, 2 * NUM_ANCHORS, 64, 64), dtype=jnp.float32)
    u = jax.random.uniform(k2, (1, 32, 4), dtype=jnp.float32)
    xy = u[..., :2] * 56.0
    wh = 2.0 + u[..., 2:] * 12.0
    gt_boxes = jnp.concatenate([xy, wh], axis=-1)
    return {'cls_scores': cls_scores, 'gt_boxes': gt_boxes, 'image_info': 0}


def reference(cls_scores, gt_boxes, image_info):
    return _anchor_target(cls_scores, gt_boxes)

if __name__ == "__main__":
    import jax
    _d = setup_inputs()
    print(jax.jit(kernel)(*tuple(_d.values())))

</pallas_src>

<mosaic_0001>
#map = affine_map<(d0, d1) -> (0)>
#map1 = affine_map<(d0, d1) -> (0, 0)>
module attributes {stable_mosaic.version = 14 : i64} {
  func.func @_sc_subsample(%arg0: i32, %arg1: i32, %arg2: memref<36864xi32, #tpu.memory_space<hbm>>, %arg3: memref<2304x16xi32, #tpu.memory_space<hbm>>, %arg4: memref<2304x16xi32, #tpu.memory_space<hbm>>, %arg5: memref<36864xi32, #tpu.memory_space<hbm>>, %arg6: memref<36864xi32, #tpu.memory_space<vmem>>, %arg7: memref<2304x16xi32, #tpu.memory_space<vmem>>) attributes {dimension_semantics = [#tpu.dimension_semantics<core_parallel>, #tpu.dimension_semantics<subcore_parallel>], iteration_bounds = array<i64: 2, 16>, scalar_prefetch = 0 : i64, scratch_operands = 2 : i64, tpu.core_type = #tpu.core_type<sc_vector_subcore>, window_params = [{transform_indices = #map}, {transform_indices = #map1}, {transform_indices = #map1}, {transform_indices = #map}]} {
    %mul3A = arith.constant 2 : i32
    %mul3A_0 = arith.muli %arg1, %mul3A : i32
    %add3A = arith.addi %mul3A_0, %arg0 : i32
    %eq3A = arith.constant 0 : i32
    %eq3A_1 = arith.cmpi eq, %add3A, %eq3A : i32
    %convert_element_type3A = arith.extui %eq3A_1 : i1 to i32
    %cond3A = arith.constant 0 : i32
    %cond3A_2 = arith.cmpi ne, %convert_element_type3A, %cond3A : i32
    scf.if %cond3A_2 {
      "tpu.region"() ({
        %run_scoped3A = tpu.sem_alloc : memref<!tpu.dma_semaphore, #tpu.memory_space<semaphore_mem>>
        tpu.enqueue_dma source(%arg2 : memref<36864xi32, #tpu.memory_space<hbm>>) target(%arg6 : memref<36864xi32, #tpu.memory_space<vmem>>) target_semaphore(%run_scoped3A : memref<!tpu.dma_semaphore, #tpu.memory_space<semaphore_mem>>)
        tpu.wait_dma2 semaphore(%run_scoped3A : memref<!tpu.dma_semaphore, #tpu.memory_space<semaphore_mem>>) src(%arg2 : memref<36864xi32, #tpu.memory_space<hbm>>) dst(%arg6 : memref<36864xi32, #tpu.memory_space<vmem>>)
        tpu.yield
      }) : () -> ()
      "tpu.region"() ({
        %run_scoped3A = tpu.sem_alloc : memref<!tpu.dma_semaphore, #tpu.memory_space<semaphore_mem>>
        tpu.enqueue_dma source(%arg3 : memref<2304x16xi32, #tpu.memory_space<hbm>>) target(%arg7 : memref<2304x16xi32, #tpu.memory_space<vmem>>) target_semaphore(%run_scoped3A : memref<!tpu.dma_semaphore, #tpu.memory_space<semaphore_mem>>)
        tpu.wait_dma2 semaphore(%run_scoped3A : memref<!tpu.dma_semaphore, #tpu.memory_space<semaphore_mem>>) src(%arg3 : memref<2304x16xi32, #tpu.memory_space<hbm>>) dst(%arg7 : memref<2304x16xi32, #tpu.memory_space<vmem>>)
        tpu.yield
      }) : () -> ()
      %scan3A = arith.constant 0 : i32
      %scan3A_3 = arith.constant 0 : i32
      %scan3A_4 = arith.constant 2304 : i32
      %scan3A_5 = arith.addi %scan3A_3, %scan3A_4 : i32
      %scan3A_6 = arith.constant 1 : i32
      %scan3A_7 = scf.for %scan3A_16 = %scan3A_3 to %scan3A_5 step %scan3A_6 iter_args(%scan3A_17 = %scan3A) -> (i32)  : i32 {
        %get3A = arith.index_cast %scan3A_16 : i32 to index
        %get3A_18 = arith.constant 0 : index
        %get3A_19 = tpu.vector_load %arg7[%get3A, %get3A_18] {strides = array<i32>} : memref<2304x16xi32, #tpu.memory_space<vmem>>, vector<16xi32>,
        %gather3A = tpu.vector_load_idx %arg6[%get3A_19] : memref<36864xi32, #tpu.memory_space<vmem>>[vector<16xi32>], vector<16xi32>,
        %eq3A_20 = arith.constant 0 : i32
        %eq3A_21 = vector.broadcast %eq3A_20 : i32 to vector<16xi32>
        %eq3A_22 = arith.cmpi eq, %gather3A, %eq3A_21 : vector<16xi32>
        %convert_element_type3A_23 = arith.extui %eq3A_22 : vector<16xi1> to vector<16xi32>
        %broadcast_in_dim3A = arith.constant true
        %broadcast_in_dim3A_24 = vector.broadcast %broadcast_in_dim3A : i1 to vector<16xi1>
        %masked_cumsum3A = tpu.scan <sum>, %convert_element_type3A_23 masked %broadcast_in_dim3A_24 : vector<16xi32>, vector<16xi1> -> vector<16xi32>
        %add3A_25 = vector.broadcast %scan3A_17 : i32 to vector<16xi32>
        %add3A_26 = arith.addi %masked_cumsum3A, %add3A_25 : vector<16xi32>
        %gt3A = arith.constant 170 : i32
        %gt3A_27 = vector.broadcast %gt3A : i32 to vector<16xi32>
        %gt3A_28 = arith.cmpi sgt, %add3A_26, %gt3A_27 : vector<16xi32>
        %and3A = arith.andi %eq3A_22, %gt3A_28 : vector<16xi1>
        %jit3A = arith.constant -1 : i32
        %broadcast_in_dim3A_29 = vector.broadcast %jit3A : i32 to vector<16xi32>
        %select_n3A = arith.select %and3A, %broadcast_in_dim3A_29, %gather3A : vector<16xi1>, vector<16xi32>
        tpu.vector_store_idx %arg6[%get3A_19], %select_n3A : memref<36864xi32, #tpu.memory_space<vmem>>[vector<16xi32>], vector<16xi32>,
        %reduce_sum3A = arith.constant true
        %reduce_sum3A_30 = vector.broadcast %reduce_sum3A : i1 to vector<16xi1>
        %reduce_sum3A_31 = tpu.scan <sum>, %convert_element_type3A_23 masked %reduce_sum3A_30 : vector<16xi32>, vector<16xi1> -> vector<16xi32>
        %reduce_sum3A_32 = vector.extract %reduce_sum3A_31[15] : i32 from vector<16xi32>
        %add3A_33 = arith.addi %scan3A_17, %reduce_sum3A_32 : i32
        scf.yield %add3A_33 : i32
      }
      %scan3A_8 = arith.constant 2304 : i32
      "tpu.region"() ({
        %run_scoped3A = tpu.sem_alloc : memref<!tpu.dma_semaphore, #tpu.memory_space<semaphore_mem>>
        tpu.enqueue_dma source(%arg4 : memref<2304x16xi32, #tpu.memory_space<hbm>>) target(%arg7 : memref<2304x16xi32, #tpu.memory_space<vmem>>) target_semaphore(%run_scoped3A : memref<!tpu.dma_semaphore, #tpu.memory_space<semaphore_mem>>)
        tpu.wait_dma2 semaphore(%run_scoped3A : memref<!tpu.dma_semaphore, #tpu.memory_space<semaphore_mem>>) src(%arg4 : memref<2304x16xi32, #tpu.memory_space<hbm>>) dst(%arg7 : memref<2304x16xi32, #tpu.memory_space<vmem>>)
        tpu.yield
      }) : () -> ()
      %scan3A_9 = arith.constant 0 : i32
      %scan3A_10 = arith.constant 0 : i32
      %scan3A_11 = arith.constant 2304 : i32
      %scan3A_12 = arith.addi %scan3A_10, %scan3A_11 : i32
      %scan3A_13 = arith.constant 1 : i32
      %scan3A_14 = scf.for %scan3A_16 = %scan3A_10 to %scan3A_12 step %scan3A_13 iter_args(%scan3A_17 = %scan3A_9) -> (i32)  : i32 {
        %get3A = arith.index_cast %scan3A_16 : i32 to index
        %get3A_18 = arith.constant 0 : index
        %get3A_19 = tpu.vector_load %arg7[%get3A, %get3A_18] {strides = array<i32>} : memref<2304x16xi32, #tpu.memory_space<vmem>>, vector<16xi32>,
        %gather3A = tpu.vector_load_idx %arg6[%get3A_19] : memref<36864xi32, #tpu.memory_space<vmem>>[vector<16xi32>], vector<16xi32>,
        %eq3A_20 = arith.constant 1 : i32
        %eq3A_21 = vector.broadcast %eq3A_20 : i32 to vector<16xi32>
        %eq3A_22 = arith.cmpi eq, %gather3A, %eq3A_21 : vector<16xi32>
        %convert_element_type3A_23 = arith.extui %eq3A_22 : vector<16xi1> to vector<16xi32>
        %broadcast_in_dim3A = arith.constant true
        %broadcast_in_dim3A_24 = vector.broadcast %broadcast_in_dim3A : i1 to vector<16xi1>
        %masked_cumsum3A = tpu.scan <sum>, %convert_element_type3A_23 masked %broadcast_in_dim3A_24 : vector<16xi32>, vector<16xi1> -> vector<16xi32>
        %add3A_25 = vector.broadcast %scan3A_17 : i32 to vector<16xi32>
        %add3A_26 = arith.addi %masked_cumsum3A, %add3A_25 : vector<16xi32>
        %gt3A = arith.constant 85 : i32
        %gt3A_27 = vector.broadcast %gt3A : i32 to vector<16xi32>
        %gt3A_28 = arith.cmpi sgt, %add3A_26, %gt3A_27 : vector<16xi32>
        %and3A = arith.andi %eq3A_22, %gt3A_28 : vector<16xi1>
        %jit3A = arith.constant -1 : i32
        %broadcast_in_dim3A_29 = vector.broadcast %jit3A : i32 to vector<16xi32>
        %select_n3A = arith.select %and3A, %broadcast_in_dim3A_29, %gather3A : vector<16xi1>, vector<16xi32>
        tpu.vector_store_idx %arg6[%get3A_19], %select_n3A : memref<36864xi32, #tpu.memory_space<vmem>>[vector<16xi32>], vector<16xi32>,
        %reduce_sum3A = arith.constant true
        %reduce_sum3A_30 = vector.broadcast %reduce_sum3A : i1 to vector<16xi1>
        %reduce_sum3A_31 = tpu.scan <sum>, %convert_element_type3A_23 masked %reduce_sum3A_30 : vector<16xi32>, vector<16xi1> -> vector<16xi32>
        %reduce_sum3A_32 = vector.extract %reduce_sum3A_31[15] : i32 from vector<16xi32>
        %add3A_33 = arith.addi %scan3A_17, %reduce_sum3A_32 : i32
        scf.yield %add3A_33 : i32
      }
      %scan3A_15 = arith.constant 2304 : i32
      "tpu.region"() ({
        %run_scoped3A = tpu.sem_alloc : memref<!tpu.dma_semaphore, #tpu.memory_space<semaphore_mem>>
        tpu.enqueue_dma source(%arg6 : memref<36864xi32, #tpu.memory_space<vmem>>) target(%arg5 : memref<36864xi32, #tpu.memory_space<hbm>>) target_semaphore(%run_scoped3A : memref<!tpu.dma_semaphore, #tpu.memory_space<semaphore_mem>>)
        tpu.wait_dma2 semaphore(%run_scoped3A : memref<!tpu.dma_semaphore, #tpu.memory_space<semaphore_mem>>) src(%arg6 : memref<36864xi32, #tpu.memory_space<vmem>>) dst(%arg5 : memref<36864xi32, #tpu.memory_space<hbm>>)
        tpu.yield
      }) : () -> ()
    } else {
    }
    return
  }
}

module attributes {stable_mosaic.version = 14 : i64} {
  func.func @_mask_kernel(%arg0: memref<288x128xi32, #tpu.memory_space<vmem>>, %arg1: memref<4x288x128xf32, #tpu.memory_space<vmem>>, %arg2: memref<4x288x128xf32, #tpu.memory_space<vmem>>) attributes {dimension_semantics = [], scalar_prefetch = 0 : i64, scratch_operands = 0 : i64, tpu.core_type = #tpu.core_type<tc>} {
    %get3A = arith.constant 0 : index
    %get3A_0 = arith.constant 0 : index
    %get3A_1 = vector.load %arg0[%get3A, %get3A_0] : memref<288x128xi32, #tpu.memory_space<vmem>>, vector<288x128xi32>
    %eq3A = arith.constant 1 : i32
    %eq3A_2 = vector.broadcast %eq3A : i32 to vector<288x128xi32>
    %eq3A_3 = arith.cmpi eq, %get3A_1, %eq3A_2 : vector<288x128xi32>
    %get3A_4 = arith.constant 0 : index
    %get3A_5 = arith.constant 0 : index
    %get3A_6 = arith.constant 0 : index
    %get3A_7 = vector.load %arg1[%get3A_4, %get3A_5, %get3A_6] : memref<4x288x128xf32, #tpu.memory_space<vmem>>, vector<1x288x128xf32>
    %get3A_8 = vector.shape_cast %get3A_7 : vector<1x288x128xf32> to vector<288x128xf32>
    %jit3A = arith.constant 0.000000e+00 : f32
    %broadcast_in_dim3A = vector.broadcast %jit3A : f32 to vector<288x128xf32>
    %select_n3A = arith.select %eq3A_3, %get3A_8, %broadcast_in_dim3A : vector<288x128xi1>, vector<288x128xf32>
    %swap3A = arith.constant 0 : index
    %swap3A_9 = arith.constant 0 : index
    %swap3A_10 = arith.constant 0 : index
    %swap3A_11 = vector.load %arg2[%swap3A, %swap3A_9, %swap3A_10] : memref<4x288x128xf32, #tpu.memory_space<vmem>>, vector<1x288x128xf32>
    %swap3A_12 = vector.shape_cast %swap3A_11 : vector<1x288x128xf32> to vector<288x128xf32>
    %swap3A_13 = vector.shape_cast %select_n3A : vector<288x128xf32> to vector<1x288x128xf32>
    tpu.vector_store %arg2[%swap3A, %swap3A_9, %swap3A_10], %swap3A_13 {strides = array<i32>} : memref<4x288x128xf32, #tpu.memory_space<vmem>>, vector<1x288x128xf32>,
    %get3A_14 = arith.constant 1 : index
    %get3A_15 = arith.constant 0 : index
    %get3A_16 = arith.constant 0 : index
    %get3A_17 = vector.load %arg1[%get3A_14, %get3A_15, %get3A_16] : memref<4x288x128xf32, #tpu.memory_space<vmem>>, vector<1x288x128xf32>
    %get3A_18 = vector.shape_cast %get3A_17 : vector<1x288x128xf32> to vector<288x128xf32>
    %jit3A_19 = arith.constant 0.000000e+00 : f32
    %broadcast_in_dim3A_20 = vector.broadcast %jit3A_19 : f32 to vector<288x128xf32>
    %select_n3A_21 = arith.select %eq3A_3, %get3A_18, %broadcast_in_dim3A_20 : vector<288x128xi1>, vector<288x128xf32>
    %swap3A_22 = arith.constant 1 : index
    %swap3A_23 = arith.constant 0 : index
    %swap3A_24 = arith.constant 0 : index
    %swap3A_25 = vector.load %arg2[%swap3A_22, %swap3A_23, %swap3A_24] : memref<4x288x128xf32, #tpu.memory_space<vmem>>, vector<1x288x128xf32>
    %swap3A_26 = vector.shape_cast %swap3A_25 : vector<1x288x128xf32> to vector<288x128xf32>
    %swap3A_27 = vector.shape_cast %select_n3A_21 : vector<288x128xf32> to vector<1x288x128xf32>
    tpu.vector_store %arg2[%swap3A_22, %swap3A_23, %swap3A_24], %swap3A_27 {strides = array<i32>} : memref<4x288x128xf32, #tpu.memory_space<vmem>>, vector<1x288x128xf32>,
    %get3A_28 = arith.constant 2 : index
    %get3A_29 = arith.constant 0 : index
    %get3A_30 = arith.constant 0 : index
    %get3A_31 = vector.load %arg1[%get3A_28, %get3A_29, %get3A_30] : memref<4x288x128xf32, #tpu.memory_space<vmem>>, vector<1x288x128xf32>
    %get3A_32 = vector.shape_cast %get3A_31 : vector<1x288x128xf32> to vector<288x128xf32>
    %jit3A_33 = arith.constant 0.000000e+00 : f32
    %broadcast_in_dim3A_34 = vector.broadcast %jit3A_33 : f32 to vector<288x128xf32>
    %select_n3A_35 = arith.select %eq3A_3, %get3A_32, %broadcast_in_dim3A_34 : vector<288x128xi1>, vector<288x128xf32>
    %swap3A_36 = arith.constant 2 : index
    %swap3A_37 = arith.constant 0 : index
    %swap3A_38 = arith.constant 0 : index
    %swap3A_39 = vector.load %arg2[%swap3A_36, %swap3A_37, %swap3A_38] : memref<4x288x128xf32, #tpu.memory_space<vmem>>, vector<1x288x128xf32>
    %swap3A_40 = vector.shape_cast %swap3A_39 : vector<1x288x128xf32> to vector<288x128xf32>
    %swap3A_41 = vector.shape_cast %select_n3A_35 : vector<288x128xf32> to vector<1x288x128xf32>
    tpu.vector_store %arg2[%swap3A_36, %swap3A_37, %swap3A_38], %swap3A_41 {strides = array<i32>} : memref<4x288x128xf32, #tpu.memory_space<vmem>>, vector<1x288x128xf32>,
    %get3A_42 = arith.constant 3 : index
    %get3A_43 = arith.constant 0 : index
    %get3A_44 = arith.constant 0 : index
    %get3A_45 = vector.load %arg1[%get3A_42, %get3A_43, %get3A_44] : memref<4x288x128xf32, #tpu.memory_space<vmem>>, vector<1x288x128xf32>
    %get3A_46 = vector.shape_cast %get3A_45 : vector<1x288x128xf32> to vector<288x128xf32>
    %jit3A_47 = arith.constant 0.000000e+00 : f32
    %broadcast_in_dim3A_48 = vector.broadcast %jit3A_47 : f32 to vector<288x128xf32>
    %select_n3A_49 = arith.select %eq3A_3, %get3A_46, %broadcast_in_dim3A_48 : vector<288x128xi1>, vector<288x128xf32>
    %swap3A_50 = arith.constant 3 : index
    %swap3A_51 = arith.constant 0 : index
    %swap3A_52 = arith.constant 0 : index
    %swap3A_53 = vector.load %arg2[%swap3A_50, %swap3A_51, %swap3A_52] : memref<4x288x128xf32, #tpu.memory_space<vmem>>, vector<1x288x128xf32>
    %swap3A_54 = vector.shape_cast %swap3A_53 : vector<1x288x128xf32> to vector<288x128xf32>
    %swap3A_55 = vector.shape_cast %select_n3A_49 : vector<288x128xf32> to vector<1x288x128xf32>
    tpu.vector_store %arg2[%swap3A_50, %swap3A_51, %swap3A_52], %swap3A_55 {strides = array<i32>} : memref<4x288x128xf32, #tpu.memory_space<vmem>>, vector<1x288x128xf32>,
    return
  }
}

module attributes {stable_mosaic.version = 14 : i64} {
  func.func @_anchor_kernel(%arg0: memref<32x4xf32, #tpu.memory_space<smem>>, %arg1: memref<8x288x128xf32, #tpu.memory_space<vmem>>, %arg2: memref<288x128xi32, #tpu.memory_space<vmem>>, %arg3: memref<4x288x128xf32, #tpu.memory_space<vmem>>, %arg4: memref<288x128xf32, #tpu.memory_space<vmem>>, %arg5: memref<288x128xf32, #tpu.memory_space<vmem>>, %arg6: memref<288x128xf32, #tpu.memory_space<vmem>>, %arg7: memref<288x128xf32, #tpu.memory_space<vmem>>, %arg8: memref<288x128xf32, #tpu.memory_space<vmem>>, %arg9: memref<32x8x128xf32, #tpu.memory_space<vmem>>, %arg10: memref<32x8x128xi32, #tpu.memory_space<vmem>>, %arg11: memref<32x128xf32, #tpu.memory_space<vmem>>, %arg12: memref<32x128xi32, #tpu.memory_space<vmem>>) attributes {dimension_semantics = [], scalar_prefetch = 0 : i64, scratch_operands = 9 : i64, tpu.core_type = #tpu.core_type<tc>} {
    %iota3A = tpu.iota {dimensions = array<i32: 0>} : vector<8x128xi32>
    %mul3A = arith.constant 128 : i32
    %mul3A_0 = vector.broadcast %mul3A : i32 to vector<8x128xi32>
    %mul3A_1 = arith.muli %iota3A, %mul3A_0 : vector<8x128xi32>
    %iota3A_2 = tpu.iota {dimensions = array<i32: 1>} : vector<8x128xi32>
    %add3A = arith.addi %mul3A_1, %iota3A_2 : vector<8x128xi32>
    %broadcast_in_dim3A = arith.constant 0xFF800000 : f32
    %broadcast_in_dim3A_3 = vector.broadcast %broadcast_in_dim3A : f32 to vector<8x128xf32>
    %swap3A = arith.constant 0 : index
    %swap3A_4 = arith.constant 0 : index
    %swap3A_5 = arith.constant 0 : index
    %swap3A_6 = vector.load %arg9[%swap3A, %swap3A_4, %swap3A_5] : memref<32x8x128xf32, #tpu.memory_space<vmem>>, vector<1x8x128xf32>
    %swap3A_7 = vector.shape_cast %swap3A_6 : vector<1x8x128xf32> to vector<8x128xf32>
    %swap3A_8 = vector.shape_cast %broadcast_in_dim3A_3 : vector<8x128xf32> to vector<1x8x128xf32>
    tpu.vector_store %arg9[%swap3A, %swap3A_4, %swap3A_5], %swap3A_8 {strides = array<i32>} : memref<32x8x128xf32, #tpu.memory_space<vmem>>, vector<1x8x128xf32>,
    %broadcast_in_dim3A_9 = arith.constant 0 : i32
    %broadcast_in_dim3A_10 = vector.broadcast %broadcast_in_dim3A_9 : i32 to vector<8x128xi32>
    %swap3A_11 = arith.constant 0 : index
    %swap3A_12 = arith.constant 0 : index
    %swap3A_13 = arith.constant 0 : index
    %swap3A_14 = vector.load %arg10[%swap3A_11, %swap3A_12, %swap3A_13] : memref<32x8x128xi32, #tpu.memory_space<vmem>>, vector<1x8x128xi32>
    %swap3A_15 = vector.shape_cast %swap3A_14 : vector<1x8x128xi32> to vector<8x128xi32>
    %swap3A_16 = vector.shape_cast %broadcast_in_dim3A_10 : vector<8x128xi32> to vector<1x8x128xi32>
    tpu.vector_store %arg10[%swap3A_11, %swap3A_12, %swap3A_13], %swap3A_16 {strides = array<i32>} : memref<32x8x128xi32, #tpu.memory_space<vmem>>, vector<1x8x128xi32>,
    %broadcast_in_dim3A_17 = arith.constant 0xFF800000 : f32
    %broadcast_in_dim3A_18 = vector.broadcast %broadcast_in_dim3A_17 : f32 to vector<8x128xf32>
    %swap3A_19 = arith.constant 1 : index
    %swap3A_20 = arith.constant 0 : index
    %swap3A_21 = arith.constant 0 : index
    %swap3A_22 = vector.load %arg9[%swap3A_19, %swap3A_20, %swap3A_21] : memref<32x8x128xf32, #tpu.memory_space<vmem>>, vector<1x8x128xf32>
    %swap3A_23 = vector.shape_cast %swap3A_22 : vector<1x8x128xf32> to vector<8x128xf32>
    %swap3A_24 = vector.shape_cast %broadcast_in_dim3A_18 : vector<8x128xf32> to vector<1x8x128xf32>
    tpu.vector_store %arg9[%swap3A_19, %swap3A_20, %swap3A_21], %swap3A_24 {strides = array<i32>} : memref<32x8x128xf32, #tpu.memory_space<vmem>>, vector<1x8x128xf32>,
    %broadcast_in_dim3A_25 = arith.constant 0 : i32
    %broadcast_in_dim3A_26 = vector.broadcast %broadcast_in_dim3A_25 : i32 to vector<8x128xi32>
    %swap3A_27 = arith.constant 1 : index
    %swap3A_28 = arith.constant 0 : index
    %swap3A_29 = arith.constant 0 : index
    %swap3A_30 = vector.load %arg10[%swap3A_27, %swap3A_28, %swap3A_29] : memref<32x8x128xi32, #tpu.memory_space<vmem>>, vector<1x8x128xi32>
    %swap3A_31 = vector.shape_cast %swap3A_30 : vector<1x8x128xi32> to vector<8x128xi32>
    %swap3A_32 = vector.shape_cast %broadcast_in_dim3A_26 : vector<8x128xi32> to vector<1x8x128xi32>
    tpu.vector_store %arg10[%swap3A_27, %swap3A_28, %swap3A_29], %swap3A_32 {strides = array<i32>} : memref<32x8x128xi32, #tpu.memory_space<vmem>>, vector<1x8x128xi32>,
    %broadcast_in_dim3A_33 = arith.constant 0xFF800000 : f32
    %broadcast_in_dim3A_34 = vector.broadcast %broadcast_in_dim3A_33 : f32 to vector<8x128xf32>
    %swap3A_35 = arith.constant 2 : index
    %swap3A_36 = arith.constant 0 : index
    %swap3A_37 = arith.constant 0 : index
    %swap3A_38 = vector.load %arg9[%swap3A_35, %swap3A_36, %swap3A_37] : memref<32x8x128xf32, #tpu.memory_space<vmem>>, vector<1x8x128xf32>
    %swap3A_39 = vector.shape_cast %swap3A_38 : vector<1x8x128xf32> to vector<8x128xf32>
    %swap3A_40 = vector.shape_cast %broadcast_in_dim3A_34 : vector<8x128xf32> to vector<1x8x128xf32>
    tpu.vector_store %arg9[%swap3A_35, %swap3A_36, %swap3A_37], %swap3A_40 {strides = array<i32>} : memref<32x8x128xf32, #tpu.memory_space<vmem>>, vector<1x8x128xf32>,
    %broadcast_in_dim3A_41 = arith.constant 0 : i32
    %broadcast_in_dim3A_42 = vector.broadcast %broadcast_in_dim3A_41 : i32 to vector<8x128xi32>
    %swap3A_43 = arith.constant 2 : index
    %swap3A_44 = arith.constant 0 : index
    %swap3A_45 = arith.constant 0 : index
    %swap3A_46 = vector.load %arg10[%swap3A_43, %swap3A_44, %swap3A_45] : memref<32x8x128xi32, #tpu.memory_space<vmem>>, vector<1x8x128xi32>
    %swap3A_47 = vector.shape_cast %swap3A_46 : vector<1x8x128xi32> to vector<8x128xi32>
    %swap3A_48 = vector.shape_cast %broadcast_in_dim3A_42 : vector<8x128xi32> to vector<1x8x128xi32>
    tpu.vector_store %arg10[%swap3A_43, %swap3A_44, %swap3A_45], %swap3A_48 {strides = array<i32>} : memref<32x8x128xi32, #tpu.memory_space<vmem>>, vector<1x8x128xi32>,
    %broadcast_in_dim3A_49 = arith.constant 0xFF800000 : f32
    %broadcast_in_dim3A_50 = vector.broadcast %broadcast_in_dim3A_49 : f32 to vector<8x128xf32>
    %swap3A_51 = arith.constant 3 : index
    %swap3A_52 = arith.constant 0 : index
    %swap3A_53 = arith.constant 0 : index
    %swap3A_54 = vector.load %arg9[%swap3A_51, %swap3A_52, %swap3A_53] : memref<32x8x128xf32, #tpu.memory_space<vmem>>, vector<1x8x128xf32>
    %swap3A_55 = vector.shape_cast %swap3A_54 : vector<1x8x128xf32> to vector<8x128xf32>
    %swap3A_56 = vector.shape_cast %broadcast_in_dim3A_50 : vector<8x128xf32> to vector<1x8x128xf32>
    tpu.vector_store %arg9[%swap3A_51, %swap3A_52, %swap3A_53], %swap3A_56 {strides = array<i32>} : memref<32x8x128xf32, #tpu.memory_space<vmem>>, vector<1x8x128xf32>,
    %broadcast_in_dim3A_57 = arith.constant 0 : i32
    %broadcast_in_dim3A_58 = vector.broadcast %broadcast_in_dim3A_57 : i32 to vector<8x128xi32>
    %swap3A_59 = arith.constant 3 : index
    %swap3A_60 = arith.constant 0 : index
    %swap3A_61 = arith.constant 0 : index
    %swap3A_62 = vector.load %arg10[%swap3A_59, %swap3A_60, %swap3A_61] : memref<32x8x128xi32, #tpu.memory_space<vmem>>, vector<1x8x128xi32>
    %swap3A_63 = vector.shape_cast %swap3A_62 : vector<1x8x128xi32> to vector<8x128xi32>
    %swap3A_64 = vector.shape_cast %broadcast_in_dim3A_58 : vector<8x128xi32> to vector<1x8x128xi32>
    tpu.vector_store %arg10[%swap3A_59, %swap3A_60, %swap3A_61], %swap3A_64 {strides = array<i32>} : memref<32x8x128xi32, #tpu.memory_space<vmem>>, vector<1x8x128xi32>,
    %broadcast_in_dim3A_65 = arith.constant 0xFF800000 : f32
    %broadcast_in_dim3A_66 = vector.broadcast %broadcast_in_dim3A_65 : f32 to vector<8x128xf32>
    %swap3A_67 = arith.constant 4 : index
    %swap3A_68 = arith.constant 0 : index
    %swap3A_69 = arith.constant 0 : index
    %swap3A_70 = vector.load %arg9[%swap3A_67, %swap3A_68, %swap3A_69] : memref<32x8x128xf32, #tpu.memory_space<vmem>>, vector<1x8x128xf32>
    %swap3A_71 = vector.shape_cast %swap3A_70 : vector<1x8x128xf32> to vector<8x128xf32>
    %swap3A_72 = vector.shape_cast %broadcast_in_dim3A_66 : vector<8x128xf32> to vector<1x8x128xf32>
    tpu.vector_store %arg9[%swap3A_67, %swap3A_68, %swap3A_69], %swap3A_72 {strides = array<i32>} : memref<32x8x128xf32, #tpu.memory_space<vmem>>, vector<1x8x128xf32>,
    %broadcast_in_dim3A_73 = arith.constant 0 : i32
    %broadcast_in_dim3A_74 = vector.broadcast %broadcast_in_dim3A_73 : i32 to vector<8x128xi32>
    %swap3A_75 = arith.constant 4 : index
    %swap3A_76 = arith.constant 0 : index
    %swap3A_77 = arith.constant 0 : index
    %swap3A_78 = vector.load %arg10[%swap3A_75, %swap3A_76, %swap3A_77] : memref<32x8x128xi32, #tpu.memory_space<vmem>>, vector<1x8x128xi32>
    %swap3A_79 = vector.shape_cast %swap3A_78 : vector<1x8x128xi32> to vector<8x128xi32>
    %swap3A_80 = vector.shape_cast %broadcast_in_dim3A_74 : vector<8x128xi32> to vector<1x8x128xi32>
    tpu.vector_store %arg10[%swap3A_75, %swap3A_76, %swap3A_77], %swap3A_80 {strides = array<i32>} : memref<32x8x128xi32, #tpu.memory_space<vmem>>, vector<1x8x128xi32>,
    %broadcast_in_dim3A_81 = arith.constant 0xFF800000 : f32
    %broadcast_in_dim3A_82 = vector.broadcast %broadcast_in_dim3A_81 : f32 to vector<8x128xf32>
    %swap3A_83 = arith.constant 5 : index
    %swap3A_84 = arith.constant 0 : index
    %swap3A_85 = arith.constant 0 : index
    %swap3A_86 = vector.load %arg9[%swap3A_83, %swap3A_84, %swap3A_85] : memref<32x8x128xf32, #tpu.memory_space<vmem>>, vector<1x8x128xf32>
    %swap3A_87 = vector.shape_cast %swap3A_86 : vector<1x8x128xf32> to vector<8x128xf32>
    %swap3A_88 = vector.shape_cast %broadcast_in_dim3A_82 : vector<8x128xf32> to vector<1x8x128xf32>
    tpu.vector_store %arg9[%swap3A_83, %swap3A_84, %swap3A_85], %swap3A_88 {strides = array<i32>} : memref<32x8x128xf32, #tpu.memory_space<vmem>>, vector<1x8x128xf32>,
    %broadcast_in_dim3A_89 = arith.constant 0 : i32
    %broadcast_in_dim3A_90 = vector.broadcast %broadcast_in_dim3A_89 : i32 to vector<8x128xi32>
    %swap3A_91 = arith.constant 5 : index
    %swap3A_92 = arith.constant 0 : index
    %swap3A_93 = arith.constant 0 : index
    %swap3A_94 = vector.load %arg10[%swap3A_91, %swap3A_92, %swap3A_93] : memref<32x8x128xi32, #tpu.memory_space<vmem>>, vector<1x8x128xi32>
    %swap3A_95 = vector.shape_cast %swap3A_94 : vector<1x8x128xi32> to vector<8x128xi32>
    %swap3A_96 = vector.shape_cast %broadcast_in_dim3A_90 : vector<8x128xi32> to vector<1x8x128xi32>
    tpu.vector_store %arg10[%swap3A_91, %swap3A_92, %swap3A_93], %swap3A_96 {strides = array<i32>} : memref<32x8x128xi32, #tpu.memory_space<vmem>>, vector<1x8x128xi32>,
    %broadcast_in_dim3A_97 = arith.constant 0xFF800000 : f32
    %broadcast_in_dim3A_98 = vector.broadcast %broadcast_in_dim3A_97 : f32 to vector<8x128xf32>
    %swap3A_99 = arith.constant 6 : index
    %swap3A_100 = arith.constant 0 : index
    %swap3A_101 = arith.constant 0 : index
    %swap3A_102 = vector.load %arg9[%swap3A_99, %swap3A_100, %swap3A_101] : memref<32x8x128xf32, #tpu.memory_space<vmem>>, vector<1x8x128xf32>
    %swap3A_103 = vector.shape_cast %swap3A_102 : vector<1x8x128xf32> to vector<8x128xf32>
    %swap3A_104 = vector.shape_cast %broadcast_in_dim3A_98 : vector<8x128xf32> to vector<1x8x128xf32>
    tpu.vector_store %arg9[%swap3A_99, %swap3A_100, %swap3A_101], %swap3A_104 {strides = array<i32>} : memref<32x8x128xf32, #tpu.memory_space<vmem>>, vector<1x8x128xf32>,
    %broadcast_in_dim3A_105 = arith.constant 0 : i32
    %broadcast_in_dim3A_106 = vector.broadcast %broadcast_in_dim3A_105 : i32 to vector<8x128xi32>
    %swap3A_107 = arith.constant 6 : index
    %swap3A_108 = arith.constant 0 : index
    %swap3A_109 = arith.constant 0 : index
    %swap3A_110 = vector.load %arg10[%swap3A_107, %swap3A_108, %swap3A_109] : memref<32x8x128xi32, #tpu.memory_space<vmem>>, vector<1x8x128xi32>
    %swap3A_111 = vector.shape_cast %swap3A_110 : vector<1x8x128xi32> to vector<8x128xi32>
    %swap3A_112 = vector.shape_cast %broadcast_in_dim3A_106 : vector<8x128xi32> to vector<1x8x128xi32>
    tpu.vector_store %arg10[%swap3A_107, %swap3A_108, %swap3A_109], %swap3A_112 {strides = array<i32>} : memref<32x8x128xi32, #tpu.memory_space<vmem>>, vector<1x8x128xi32>,
    %broadcast_in_dim3A_113 = arith.constant 0xFF800000 : f32
    %broadcast_in_dim3A_114 = vector.broadcast %broadcast_in_dim3A_113 : f32 to vector<8x128xf32>
    %swap3A_115 = arith.constant 7 : index
    %swap3A_116 = arith.constant 0 : index
    %swap3A_117 = arith.constant 0 : index
    %swap3A_118 = vector.load %arg9[%swap3A_115, %swap3A_116, %swap3A_117] : memref<32x8x128xf32, #tpu.memory_space<vmem>>, vector<1x8x128xf32>
    %swap3A_119 = vector.shape_cast %swap3A_118 : vector<1x8x128xf32> to vector<8x128xf32>
    %swap3A_120 = vector.shape_cast %broadcast_in_dim3A_114 : vector<8x128xf32> to vector<1x8x128xf32>
    tpu.vector_store %arg9[%swap3A_115, %swap3A_116, %swap3A_117], %swap3A_120 {strides = array<i32>} : memref<32x8x128xf32, #tpu.memory_space<vmem>>, vector<1x8x128xf32>,
    %broadcast_in_dim3A_121 = arith.constant 0 : i32
    %broadcast_in_dim3A_122 = vector.broadcast %broadcast_in_dim3A_121 : i32 to vector<8x128xi32>
    %swap3A_123 = arith.constant 7 : index
    %swap3A_124 = arith.constant 0 : index
    %swap3A_125 = arith.constant 0 : index
    %swap3A_126 = vector.load %arg10[%swap3A_123, %swap3A_124, %swap3A_125] : memref<32x8x128xi32, #tpu.memory_space<vmem>>, vector<1x8x128xi32>
    %swap3A_127 = vector.shape_cast %swap3A_126 : vector<1x8x128xi32> to vector<8x128xi32>
    %swap3A_128 = vector.shape_cast %broadcast_in_dim3A_122 : vector<8x128xi32> to vector<1x8x128xi32>
    tpu.vector_store %arg10[%swap3A_123, %swap3A_124, %swap3A_125], %swap3A_128 {strides = array<i32>} : memref<32x8x128xi32, #tpu.memory_space<vmem>>, vector<1x8x128xi32>,
    %broadcast_in_dim3A_129 = arith.constant 0xFF800000 : f32
    %broadcast_in_dim3A_130 = vector.broadcast %broadcast_in_dim3A_129 : f32 to vector<8x128xf32>
    %swap3A_131 = arith.constant 8 : index
    %swap3A_132 = arith.constant 0 : index
    %swap3A_133 = arith.constant 0 : index
    %swap3A_134 = vector.load %arg9[%swap3A_131, %swap3A_132, %swap3A_133] : memref<32x8x128xf32, #tpu.memory_space<vmem>>, vector<1x8x128xf32>
    %swap3A_135 = vector.shape_cast %swap3A_134 : vector<1x8x128xf32> to vector<8x128xf32>
    %swap3A_136 = vector.shape_cast %broadcast_in_dim3A_130 : vector<8x128xf32> to vector<1x8x128xf32>
    tpu.vector_store %arg9[%swap3A_131, %swap3A_132, %swap3A_133], %swap3A_136 {strides = array<i32>} : memref<32x8x128xf32, #tpu.memory_space<vmem>>, vector<1x8x128xf32>,
    %broadcast_in_dim3A_137 = arith.constant 0 : i32
    %broadcast_in_dim3A_138 = vector.broadcast %broadcast_in_dim3A_137 : i32 to vector<8x128xi32>
    %swap3A_139 = arith.constant 8 : index
    %swap3A_140 = arith.constant 0 : index
    %swap3A_141 = arith.constant 0 : index
    %swap3A_142 = vector.load %arg10[%swap3A_139, %swap3A_140, %swap3A_141] : memref<32x8x128xi32, #tpu.memory_space<vmem>>, vector<1x8x128xi32>
    %swap3A_143 = vector.shape_cast %swap3A_142 : vector<1x8x128xi32> to vector<8x128xi32>
    %swap3A_144 = vector.shape_cast %broadcast_in_dim3A_138 : vector<8x128xi32> to vector<1x8x128xi32>
    tpu.vector_store %arg10[%swap3A_139, %swap3A_140, %swap3A_141], %swap3A_144 {strides = array<i32>} : memref<32x8x128xi32, #tpu.memory_space<vmem>>, vector<1x8x128xi32>,
    %broadcast_in_dim3A_145 = arith.constant 0xFF800000 : f32
    %broadcast_in_dim3A_146 = vector.broadcast %broadcast_in_dim3A_145 : f32 to vector<8x128xf32>
    %swap3A_147 = arith.constant 9 : index
    %swap3A_148 = arith.constant 0 : index
    %swap3A_149 = arith.constant 0 : index
    %swap3A_150 = vector.load %arg9[%swap3A_147, %swap3A_148, %swap3A_149] : memref<32x8x128xf32, #tpu.memory_space<vmem>>, vector<1x8x128xf32>
    %swap3A_151 = vector.shape_cast %swap3A_150 : vector<1x8x128xf32> to vector<8x128xf32>
    %swap3A_152 = vector.shape_cast %broadcast_in_dim3A_146 : vector<8x128xf32> to vector<1x8x128xf32>
    tpu.vector_store %arg9[%swap3A_147, %swap3A_148, %swap3A_149], %swap3A_152 {strides = array<i32>} : memref<32x8x128xf32, #tpu.memory_space<vmem>>, vector<1x8x128xf32>,
    %broadcast_in_dim3A_153 = arith.constant 0 : i32
    %broadcast_in_dim3A_154 = vector.broadcast %broadcast_in_dim3A_153 : i32 to vector<8x128xi32>
    %swap3A_155 = arith.constant 9 : index
    %swap3A_156 = arith.constant 0 : index
    %swap3A_157 = arith.constant 0 : index
    %swap3A_158 = vector.load %arg10[%swap3A_155, %swap3A_156, %swap3A_157] : memref<32x8x128xi32, #tpu.memory_space<vmem>>, vector<1x8x128xi32>
    %swap3A_159 = vector.shape_cast %swap3A_158 : vector<1x8x128xi32> to vector<8x128xi32>
    %swap3A_160 = vector.shape_cast %broadcast_in_dim3A_154 : vector<8x128xi32> to vector<1x8x128xi32>
    tpu.vector_store %arg10[%swap3A_155, %swap3A_156, %swap3A_157], %swap3A_160 {strides = array<i32>} : memref<32x8x128xi32, #tpu.memory_space<vmem>>, vector<1x8x128xi32>,
    %broadcast_in_dim3A_161 = arith.constant 0xFF800000 : f32
    %broadcast_in_dim3A_162 = vector.broadcast %broadcast_in_dim3A_161 : f32 to vector<8x128xf32>
    %swap3A_163 = arith.constant 10 : index
    %swap3A_164 = arith.constant 0 : index
    %swap3A_165 = arith.constant 0 : index
    %swap3A_166 = vector.load %arg9[%swap3A_163, %swap3A_164, %swap3A_165] : memref<32x8x128xf32, #tpu.memory_space<vmem>>, vector<1x8x128xf32>
    %swap3A_167 = vector.shape_cast %swap3A_166 : vector<1x8x128xf32> to vector<8x128xf32>
    %swap3A_168 = vector.shape_cast %broadcast_in_dim3A_162 : vector<8x128xf32> to vector<1x8x128xf32>
    tpu.vector_store %arg9[%swap3A_163, %swap3A_164, %swap3A_165], %swap3A_168 {strides = array<i32>} : memref<32x8x128xf32, #tpu.memory_space<vmem>>, vector<1x8x128xf32>,
    %broadcast_in_dim3A_169 = arith.constant 0 : i32
    %broadcast_in_dim3A_170 = vector.broadcast %broadcast_in_dim3A_169 : i32 to vector<8x128xi32>
    %swap3A_171 = arith.constant 10 : index
    %swap3A_172 = arith.constant 0 : index
    %swap3A_173 = arith.constant 0 : index
    %swap3A_174 = vector.load %arg10[%swap3A_171, %swap3A_172, %swap3A_173] : memref<32x8x128xi32, #tpu.memory_space<vmem>>, vector<1x8x128xi32>
    %swap3A_175 = vector.shape_cast %swap3A_174 : vector<1x8x128xi32> to vector<8x128xi32>
    %swap3A_176 = vector.shape_cast %broadcast_in_dim3A_170 : vector<8x128xi32> to vector<1x8x128xi32>
    tpu.vector_store %arg10[%swap3A_171, %swap3A_172, %swap3A_173], %swap3A_176 {strides = array<i32>} : memref<32x8x128xi32, #tpu.memory_space<vmem>>, vector<1x8x128xi32>,
    %broadcast_in_dim3A_177 = arith.constant 0xFF800000 : f32
    %broadcast_in_dim3A_178 = vector.broadcast %broadcast_in_dim3A_177 : f32 to vector<8x128xf32>
    %swap3A_179 = arith.constant 11 : index
    %swap3A_180 = arith.constant 0 : index
    %swap3A_181 = arith.constant 0 : index
    %swap3A_182 = vector.load %arg9[%swap3A_179, %swap3A_180, %swap3A_181] : memref<32x8x128xf32, #tpu.memory_space<vmem>>, vector<1x8x128xf32>
    %swap3A_183 = vector.shape_cast %swap3A_182 : vector<1x8x128xf32> to vector<8x128xf32>
    %swap3A_184 = vector.shape_cast %broadcast_in_dim3A_178 : vector<8x128xf32> to vector<1x8x128xf32>
    tpu.vector_store %arg9[%swap3A_179, %swap3A_180, %swap3A_181], %swap3A_184 {strides = array<i32>} : memref<32x8x128xf32, #tpu.memory_space<vmem>>, vector<1x8x128xf32>,
    %broadcast_in_dim3A_185 = arith.constant 0 : i32
    %broadcast_in_dim3A_186 = vector.broadcast %broadcast_in_dim3A_185 : i32 to vector<8x128xi32>
    %swap3A_187 = arith.constant 11 : index
    %swap3A_188 = arith.constant 0 : index
    %swap3A_189 = arith.constant 0 : index
    %swap3A_190 = vector.load %arg10[%swap3A_187, %swap3A_188, %swap3A_189] : memref<32x8x128xi32, #tpu.memory_space<vmem>>, vector<1x8x128xi32>
    %swap3A_191 = vector.shape_cast %swap3A_190 : vector<1x8x128xi32> to vector<8x128xi32>
    %swap3A_192 = vector.shape_cast %broadcast_in_dim3A_186 : vector<8x128xi32> to vector<1x8x128xi32>
    tpu.vector_store %arg10[%swap3A_187, %swap3A_188, %swap3A_189], %swap3A_192 {strides = array<i32>} : memref<32x8x128xi32, #tpu.memory_space<vmem>>, vector<1x8x128xi32>,
    %broadcast_in_dim3A_193 = arith.constant 0xFF800000 : f32
    %broadcast_in_dim3A_194 = vector.broadcast %broadcast_in_dim3A_193 : f32 to vector<8x128xf32>
    %swap3A_195 = arith.constant 12 : index
    %swap3A_196 = arith.constant 0 : index
    %swap3A_197 = arith.constant 0 : index
    %swap3A_198 = vector.load %arg9[%swap3A_195, %swap3A_196, %swap3A_197] : memref<32x8x128xf32, #tpu.memory_space<vmem>>, vector<1x8x128xf32>
    %swap3A_199 = vector.shape_cast %swap3A_198 : vector<1x8x128xf32> to vector<8x128xf32>
    %swap3A_200 = vector.shape_cast %broadcast_in_dim3A_194 : vector<8x128xf32> to vector<1x8x128xf32>
    tpu.vector_store %arg9[%swap3A_195, %swap3A_196, %swap3A_197], %swap3A_200 {strides = array<i32>} : memref<32x8x128xf32, #tpu.memory_space<vmem>>, vector<1x8x128xf32>,
    %broadcast_in_dim3A_201 = arith.constant 0 : i32
    %broadcast_in_dim3A_202 = vector.broadcast %broadcast_in_dim3A_201 : i32 to vector<8x128xi32>
    %swap3A_203 = arith.constant 12 : index
    %swap3A_204 = arith.constant 0 : index
    %swap3A_205 = arith.constant 0 : index
    %swap3A_206 = vector.load %arg10[%swap3A_203, %swap3A_204, %swap3A_205] : memref<32x8x128xi32, #tpu.memory_space<vmem>>, vector<1x8x128xi32>
    %swap3A_207 = vector.shape_cast %swap3A_206 : vector<1x8x128xi32> to vector<8x128xi32>
    %swap3A_208 = vector.shape_cast %broadcast_in_dim3A_202 : vector<8x128xi32> to vector<1x8x128xi32>
    tpu.vector_store %arg10[%swap3A_203, %swap3A_204, %swap3A_205], %swap3A_208 {strides = array<i32>} : memref<32x8x128xi32, #tpu.memory_space<vmem>>, vector<1x8x128xi32>,
    %broadcast_in_dim3A_209 = arith.constant 0xFF800000 : f32
    %broadcast_in_dim3A_210 = vector.broadcast %broadcast_in_dim3A_209 : f32 to vector<8x128xf32>
    %swap3A_211 = arith.constant 13 : index
    %swap3A_212 = arith.constant 0 : index
    %swap3A_213 = arith.constant 0 : index
    %swap3A_214 = vector.load %arg9[%swap3A_211, %swap3A_212, %swap3A_213] : memref<32x8x128xf32, #tpu.memory_space<vmem>>, vector<1x8x128xf32>
    %swap3A_215 = vector.shape_cast %swap3A_214 : vector<1x8x128xf32> to vector<8x128xf32>
    %swap3A_216 = vector.shape_cast %broadcast_in_dim3A_210 : vector<8x128xf32> to vector<1x8x128xf32>
    tpu.vector_store %arg9[%swap3A_211, %swap3A_212, %swap3A_213], %swap3A_216 {strides = array<i32>} : memref<32x8x128xf32, #tpu.memory_space<vmem>>, vector<1x8x128xf32>,
    %broadcast_in_dim3A_217 = arith.constant 0 : i32
    %broadcast_in_dim3A_218 = vector.broadcast %broadcast_in_dim3A_217 : i32 to vector<8x128xi32>
    %swap3A_219 = arith.constant 13 : index
    %swap3A_220 = arith.constant 0 : index
    %swap3A_221 = arith.constant 0 : index
    %swap3A_222 = vector.load %arg10[%swap3A_219, %swap3A_220, %swap3A_221] : memref<32x8x128xi32, #tpu.memory_space<vmem>>, vector<1x8x128xi32>
    %swap3A_223 = vector.shape_cast %swap3A_222 : vector<1x8x128xi32> to vector<8x128xi32>
    %swap3A_224 = vector.shape_cast %broadcast_in_dim3A_218 : vector<8x128xi32> to vector<1x8x128xi32>
    tpu.vector_store %arg10[%swap3A_219, %swap3A_220, %swap3A_221], %swap3A_224 {strides = array<i32>} : memref<32x8x128xi32, #tpu.memory_space<vmem>>, vector<1x8x128xi32>,
    %broadcast_in_dim3A_225 = arith.constant 0xFF800000 : f32
    %broadcast_in_dim3A_226 = vector.broadcast %broadcast_in_dim3A_225 : f32 to vector<8x128xf32>
    %swap3A_227 = arith.constant 14 : index
    %swap3A_228 = arith.constant 0 : index
    %swap3A_229 = arith.constant 0 : index
    %swap3A_230 = vector.load %arg9[%swap3A_227, %swap3A_228, %swap3A_229] : memref<32x8x128xf32, #tpu.memory_space<vmem>>, vector<1x8x128xf32>
    %swap3A_231 = vector.shape_cast %swap3A_230 : vector<1x8x128xf32> to vector<8x128xf32>
    %swap3A_232 = vector.shape_cast %broadcast_in_dim3A_226 : vector<8x128xf32> to vector<1x8x128xf32>
    tpu.vector_store %arg9[%swap3A_227, %swap3A_228, %swap3A_229], %swap3A_232 {strides = array<i32>} : memref<32x8x128xf32, #tpu.memory_space<vmem>>, vector<1x8x128xf32>,
    %broadcast_in_dim3A_233 = arith.constant 0 : i32
    %broadcast_in_dim3A_234 = vector.broadcast %broadcast_in_dim3A_233 : i32 to vector<8x128xi32>
    %swap3A_235 = arith.constant 14 : index
    %swap3A_236 = arith.constant 0 : index
    %swap3A_237 = arith.constant 0 : index
    %swap3A_238 = vector.load %arg10[%swap3A_235, %swap3A_236, %swap3A_237] : memref<32x8x128xi32, #tpu.memory_space<vmem>>, vector<1x8x128xi32>
    %swap3A_239 = vector.shape_cast %swap3A_238 : vector<1x8x128xi32> to vector<8x128xi32>
    %swap3A_240 = vector.shape_cast %broadcast_in_dim3A_234 : vector<8x128xi32> to vector<1x8x128xi32>
    tpu.vector_store %arg10[%swap3A_235, %swap3A_236, %swap3A_237], %swap3A_240 {strides = array<i32>} : memref<32x8x128xi32, #tpu.memory_space<vmem>>, vector<1x8x128xi32>,
    %broadcast_in_dim3A_241 = arith.constant 0xFF800000 : f32
    %broadcast_in_dim3A_242 = vector.broadcast %broadcast_in_dim3A_241 : f32 to vector<8x128xf32>
    %swap3A_243 = arith.constant 15 : index
    %swap3A_244 = arith.constant 0 : index
    %swap3A_245 = arith.constant 0 : index
    %swap3A_246 = vector.load %arg9[%swap3A_243, %swap3A_244, %swap3A_245] : memref<32x8x128xf32, #tpu.memory_space<vmem>>, vector<1x8x128xf32>
    %swap3A_247 = vector.shape_cast %swap3A_246 : vector<1x8x128xf32> to vector<8x128xf32>
    %swap3A_248 = vector.shape_cast %broadcast_in_dim3A_242 : vector<8x128xf32> to vector<1x8x128xf32>
    tpu.vector_store %arg9[%swap3A_243, %swap3A_244, %swap3A_245], %swap3A_248 {strides = array<i32>} : memref<32x8x128xf32, #tpu.memory_space<vmem>>, vector<1x8x128xf32>,
    %broadcast_in_dim3A_249 = arith.constant 0 : i32
    %broadcast_in_dim3A_250 = vector.broadcast %broadcast_in_dim3A_249 : i32 to vector<8x128xi32>
    %swap3A_251 = arith.constant 15 : index
    %swap3A_252 = arith.constant 0 : index
    %swap3A_253 = arith.constant 0 : index
    %swap3A_254 = vector.load %arg10[%swap3A_251, %swap3A_252, %swap3A_253] : memref<32x8x128xi32, #tpu.memory_space<vmem>>, vector<1x8x128xi32>
    %swap3A_255 = vector.shape_cast %swap3A_254 : vector<1x8x128xi32> to vector<8x128xi32>
    %swap3A_256 = vector.shape_cast %broadcast_in_dim3A_250 : vector<8x128xi32> to vector<1x8x128xi32>
    tpu.vector_store %arg10[%swap3A_251, %swap3A_252, %swap3A_253], %swap3A_256 {strides = array<i32>} : memref<32x8x128xi32, #tpu.memory_space<vmem>>, vector<1x8x128xi32>,
    %broadcast_in_dim3A_257 = arith.constant 0xFF800000 : f32
    %broadcast_in_dim3A_258 = vector.broadcast %broadcast_in_dim3A_257 : f32 to vector<8x128xf32>
    %swap3A_259 = arith.constant 16 : index
    %swap3A_260 = arith.constant 0 : index
    %swap3A_261 = arith.constant 0 : index
    %swap3A_262 = vector.load %arg9[%swap3A_259, %swap3A_260, %swap3A_261] : memref<32x8x128xf32, #tpu.memory_space<vmem>>, vector<1x8x128xf32>
    %swap3A_263 = vector.shape_cast %swap3A_262 : vector<1x8x128xf32> to vector<8x128xf32>
    %swap3A_264 = vector.shape_cast %broadcast_in_dim3A_258 : vector<8x128xf32> to vector<1x8x128xf32>
    tpu.vector_store %arg9[%swap3A_259, %swap3A_260, %swap3A_261], %swap3A_264 {strides = array<i32>} : memref<32x8x128xf32, #tpu.memory_space<vmem>>, vector<1x8x128xf32>,
    %broadcast_in_dim3A_265 = arith.constant 0 : i32
    %broadcast_in_dim3A_266 = vector.broadcast %broadcast_in_dim3A_265 : i32 to vector<8x128xi32>
    %swap3A_267 = arith.constant 16 : index
    %swap3A_268 = arith.constant 0 : index
    %swap3A_269 = arith.constant 0 : index
    %swap3A_270 = vector.load %arg10[%swap3A_267, %swap3A_268, %swap3A_269] : memref<32x8x128xi32, #tpu.memory_space<vmem>>, vector<1x8x128xi32>
    %swap3A_271 = vector.shape_cast %swap3A_270 : vector<1x8x128xi32> to vector<8x128xi32>
    %swap3A_272 = vector.shape_cast %broadcast_in_dim3A_266 : vector<8x128xi32> to vector<1x8x128xi32>
    tpu.vector_store %arg10[%swap3A_267, %swap3A_268, %swap3A_269], %swap3A_272 {strides = array<i32>} : memref<32x8x128xi32, #tpu.memory_space<vmem>>, vector<1x8x128xi32>,
    %broadcast_in_dim3A_273 = arith.constant 0xFF800000 : f32
    %broadcast_in_dim3A_274 = vector.broadcast %broadcast_in_dim3A_273 : f32 to vector<8x128xf32>
    %swap3A_275 = arith.constant 17 : index
    %swap3A_276 = arith.constant 0 : index
    %swap3A_277 = arith.constant 0 : index
    %swap3A_278 = vector.load %arg9[%swap3A_275, %swap3A_276, %swap3A_277] : memref<32x8x128xf32, #tpu.memory_space<vmem>>, vector<1x8x128xf32>
    %swap3A_279 = vector.shape_cast %swap3A_278 : vector<1x8x128xf32> to vector<8x128xf32>
    %swap3A_280 = vector.shape_cast %broadcast_in_dim3A_274 : vector<8x128xf32> to vector<1x8x128xf32>
    tpu.vector_store %arg9[%swap3A_275, %swap3A_276, %swap3A_277], %swap3A_280 {strides = array<i32>} : memref<32x8x128xf32, #tpu.memory_space<vmem>>, vector<1x8x128xf32>,
    %broadcast_in_dim3A_281 = arith.constant 0 : i32
    %broadcast_in_dim3A_282 = vector.broadcast %broadcast_in_dim3A_281 : i32 to vector<8x128xi32>
    %swap3A_283 = arith.constant 17 : index
    %swap3A_284 = arith.constant 0 : index
    %swap3A_285 = arith.constant 0 : index
    %swap3A_286 = vector.load %arg10[%swap3A_283, %swap3A_284, %swap3A_285] : memref<32x8x128xi32, #tpu.memory_space<vmem>>, vector<1x8x128xi32>
    %swap3A_287 = vector.shape_cast %swap3A_286 : vector<1x8x128xi32> to vector<8x128xi32>
    %swap3A_288 = vector.shape_cast %broadcast_in_dim3A_282 : vector<8x128xi32> to vector<1x8x128xi32>
    tpu.vector_store %arg10[%swap3A_283, %swap3A_284, %swap3A_285], %swap3A_288 {strides = array<i32>} : memref<32x8x128xi32, #tpu.memory_space<vmem>>, vector<1x8x128xi32>,
    %broadcast_in_dim3A_289 = arith.constant 0xFF800000 : f32
    %broadcast_in_dim3A_290 = vector.broadcast %broadcast_in_dim3A_289 : f32 to vector<8x128xf32>
    %swap3A_291 = arith.constant 18 : index
    %swap3A_292 = arith.constant 0 : index
    %swap3A_293 = arith.constant 0 : index
    %swap3A_294 = vector.load %arg9[%swap3A_291, %swap3A_292, %swap3A_293] : memref<32x8x128xf32, #tpu.memory_space<vmem>>, vector<1x8x128xf32>
    %swap3A_295 = vector.shape_cast %swap3A_294 : vector<1x8x128xf32> to vector<8x128xf32>
    %swap3A_296 = vector.shape_cast %broadcast_in_dim3A_290 : vector<8x128xf32> to vector<1x8x128xf32>
    tpu.vector_store %arg9[%swap3A_291, %swap3A_292, %swap3A_293], %swap3A_296 {strides = array<i32>} : memref<32x8x128xf32, #tpu.memory_space<vmem>>, vector<1x8x128xf32>,
    %broadcast_in_dim3A_297 = arith.constant 0 : i32
    %broadcast_in_dim3A_298 = vector.broadcast %broadcast_in_dim3A_297 : i32 to vector<8x128xi32>
    %swap3A_299 = arith.constant 18 : index
    %swap3A_300 = arith.constant 0 : index
    %swap3A_301 = arith.constant 0 : index
    %swap3A_302 = vector.load %arg10[%swap3A_299, %swap3A_300, %swap3A_301] : memref<32x8x128xi32, #tpu.memory_space<vmem>>, vector<1x8x128xi32>
    %swap3A_303 = vector.shape_cast %swap3A_302 : vector<1x8x128xi32> to vector<8x128xi32>
    %swap3A_304 = vector.shape_cast %broadcast_in_dim3A_298 : vector<8x128xi32> to vector<1x8x128xi32>
    tpu.vector_store %arg10[%swap3A_299, %swap3A_300, %swap3A_301], %swap3A_304 {strides = array<i32>} : memref<32x8x128xi32, #tpu.memory_space<vmem>>, vector<1x8x128xi32>,
    %broadcast_in_dim3A_305 = arith.constant 0xFF800000 : f32
    %broadcast_in_dim3A_306 = vector.broadcast %broadcast_in_dim3A_305 : f32 to vector<8x128xf32>
    %swap3A_307 = arith.constant 19 : index
    %swap3A_308 = arith.constant 0 : index
    %swap3A_309 = arith.constant 0 : index
    %swap3A_310 = vector.load %arg9[%swap3A_307, %swap3A_308, %swap3A_309] : memref<32x8x128xf32, #tpu.memory_space<vmem>>, vector<1x8x128xf32>
    %swap3A_311 = vector.shape_cast %swap3A_310 : vector<1x8x128xf32> to vector<8x128xf32>
    %swap3A_312 = vector.shape_cast %broadcast_in_dim3A_306 : vector<8x128xf32> to vector<1x8x128xf32>
    tpu.vector_store %arg9[%swap3A_307, %swap3A_308, %swap3A_309], %swap3A_312 {strides = array<i32>} : memref<32x8x128xf32, #tpu.memory_space<vmem>>, vector<1x8x128xf32>,
    %broadcast_in_dim3A_313 = arith.constant 0 : i32
    %broadcast_in_dim3A_314 = vector.broadcast %broadcast_in_dim3A_313 : i32 to vector<8x128xi32>
    %swap3A_315 = arith.constant 19 : index
    %swap3A_316 = arith.constant 0 : index
    %swap3A_317 = arith.constant 0 : index
    %swap3A_318 = vector.load %arg10[%swap3A_315, %swap3A_316, %swap3A_317] : memref<32x8x128xi32, #tpu.memory_space<vmem>>, vector<1x8x128xi32>
    %swap3A_319 = vector.shape_cast %swap3A_318 : vector<1x8x128xi32> to vector<8x128xi32>
    %swap3A_320 = vector.shape_cast %broadcast_in_dim3A_314 : vector<8x128xi32> to vector<1x8x128xi32>
    tpu.vector_store %arg10[%swap3A_315, %swap3A_316, %swap3A_317], %swap3A_320 {strides = array<i32>} : memref<32x8x128xi32, #tpu.memory_space<vmem>>, vector<1x8x128xi32>,
    %broadcast_in_dim3A_321 = arith.constant 0xFF800000 : f32
    %broadcast_in_dim3A_322 = vector.broadcast %broadcast_in_dim3A_321 : f32 to vector<8x128xf32>
    %swap3A_323 = arith.constant 20 : index
    %swap3A_324 = arith.constant 0 : index
    %swap3A_325 = arith.constant 0 : index
    %swap3A_326 = vector.load %arg9[%swap3A_323, %swap3A_324, %swap3A_325] : memref<32x8x128xf32, #tpu.memory_space<vmem>>, vector<1x8x128xf32>
    %swap3A_327 = vector.shape_cast %swap3A_326 : vector<1x8x128xf32> to vector<8x128xf32>
    %swap3A_328 = vector.shape_cast %broadcast_in_dim3A_322 : vector<8x128xf32> to vector<1x8x128xf32>
    tpu.vector_store %arg9[%swap3A_323, %swap3A_324, %swap3A_325], %swap3A_328 {strides = array<i32>} : memref<32x8x128xf32, #tpu.memory_space<vmem>>, vector<1x8x128xf32>,
    %broadcast_in_dim3A_329 = arith.constant 0 : i32
    %broadcast_in_dim3A_330 = vector.broadcast %broadcast_in_dim3A_329 : i32 to vector<8x128xi32>
    %swap3A_331 = arith.constant 20 : index
    %swap3A_332 = arith.constant 0 : index
    %swap3A_333 = arith.constant 0 : index
    %swap3A_334 = vector.load %arg10[%swap3A_331, %swap3A_332, %swap3A_333] : memref<32x8x128xi32, #tpu.memory_space<vmem>>, vector<1x8x128xi32>
    %swap3A_335 = vector.shape_cast %swap3A_334 : vector<1x8x128xi32> to vector<8x128xi32>
    %swap3A_336 = vector.shape_cast %broadcast_in_dim3A_330 : vector<8x128xi32> to vector<1x8x128xi32>
    tpu.vector_store %arg10[%swap3A_331, %swap3A_332, %swap3A_333], %swap3A_336 {strides = array<i32>} : memref<32x8x128xi32, #tpu.memory_space<vmem>>, vector<1x8x128xi32>,
    %broadcast_in_dim3A_337 = arith.constant 0xFF800000 : f32
    %broadcast_in_dim3A_338 = vector.broadcast %broadcast_in_dim3A_337 : f32 to vector<8x128xf32>
    %swap3A_339 = arith.constant 21 : index
    %swap3A_340 = arith.constant 0 : index
    %swap3A_341 = arith.constant 0 : index
    %swap3A_342 = vector.load %arg9[%swap3A_339, %swap3A_340, %swap3A_341] : memref<32x8x128xf32, #tpu.memory_space<vmem>>, vector<1x8x128xf32>
    %swap3A_343 = vector.shape_cast %swap3A_342 : vector<1x8x128xf32> to vector<8x128xf32>
    %swap3A_344 = vector.shape_cast %broadcast_in_dim3A_338 : vector<8x128xf32> to vector<1x8x128xf32>
    tpu.vector_store %arg9[%swap3A_339, %swap3A_340, %swap3A_341], %swap3A_344 {strides = array<i32>} : memref<32x8x128xf32, #tpu.memory_space<vmem>>, vector<1x8x128xf32>,
    %broadcast_in_dim3A_345 = arith.constant 0 : i32
    %broadcast_in_dim3A_346 = vector.broadcast %broadcast_in_dim3A_345 : i32 to vector<8x128xi32>
    %swap3A_347 = arith.constant 21 : index
    %swap3A_348 = arith.constant 0 : index
    %swap3A_349 = arith.constant 0 : index
    %swap3A_350 = vector.load %arg10[%swap3A_347, %swap3A_348, %swap3A_349] : memref<32x8x128xi32, #tpu.memory_space<vmem>>, vector<1x8x128xi32>
    %swap3A_351 = vector.shape_cast %swap3A_350 : vector<1x8x128xi32> to vector<8x128xi32>
    %swap3A_352 = vector.shape_cast %broadcast_in_dim3A_346 : vector<8x128xi32> to vector<1x8x128xi32>
    tpu.vector_store %arg10[%swap3A_347, %swap3A_348, %swap3A_349], %swap3A_352 {strides = array<i32>} : memref<32x8x128xi32, #tpu.memory_space<vmem>>, vector<1x8x128xi32>,
    %broadcast_in_dim3A_353 = arith.constant 0xFF800000 : f32
    %broadcast_in_dim3A_354 = vector.broadcast %broadcast_in_dim3A_353 : f32 to vector<8x128xf32>
    %swap3A_355 = arith.constant 22 : index
    %swap3A_356 = arith.constant 0 : index
    %swap3A_357 = arith.constant 0 : index
    %swap3A_358 = vector.load %arg9[%swap3A_355, %swap3A_356, %swap3A_357] : memref<32x8x128xf32, #tpu.memory_space<vmem>>, vector<1x8x128xf32>
    %swap3A_359 = vector.shape_cast %swap3A_358 : vector<1x8x128xf32> to vector<8x128xf32>
    %swap3A_360 = vector.shape_cast %broadcast_in_dim3A_354 : vector<8x128xf32> to vector<1x8x128xf32>
    tpu.vector_store %arg9[%swap3A_355, %swap3A_356, %swap3A_357], %swap3A_360 {strides = array<i32>} : memref<32x8x128xf32, #tpu.memory_space<vmem>>, vector<1x8x128xf32>,
    %broadcast_in_dim3A_361 = arith.constant 0 : i32
    %broadcast_in_dim3A_362 = vector.broadcast %broadcast_in_dim3A_361 : i32 to vector<8x128xi32>
    %swap3A_363 = arith.constant 22 : index
    %swap3A_364 = arith.constant 0 : index
    %swap3A_365 = arith.constant 0 : index
    %swap3A_366 = vector.load %arg10[%swap3A_363, %swap3A_364, %swap3A_365] : memref<32x8x128xi32, #tpu.memory_space<vmem>>, vector<1x8x128xi32>
    %swap3A_367 = vector.shape_cast %swap3A_366 : vector<1x8x128xi32> to vector<8x128xi32>
    %swap3A_368 = vector.shape_cast %broadcast_in_dim3A_362 : vector<8x128xi32> to vector<1x8x128xi32>
    tpu.vector_store %arg10[%swap3A_363, %swap3A_364, %swap3A_365], %swap3A_368 {strides = array<i32>} : memref<32x8x128xi32, #tpu.memory_space<vmem>>, vector<1x8x128xi32>,
    %broadcast_in_dim3A_369 = arith.constant 0xFF800000 : f32
    %broadcast_in_dim3A_370 = vector.broadcast %broadcast_in_dim3A_369 : f32 to vector<8x128xf32>
    %swap3A_371 = arith.constant 23 : index
    %swap3A_372 = arith.constant 0 : index
    %swap3A_373 = arith.constant 0 : index
    %swap3A_374 = vector.load %arg9[%swap3A_371, %swap3A_372, %swap3A_373] : memref<32x8x128xf32, #tpu.memory_space<vmem>>, vector<1x8x128xf32>
    %swap3A_375 = vector.shape_cast %swap3A_374 : vector<1x8x128xf32> to vector<8x128xf32>
    %swap3A_376 = vector.shape_cast %broadcast_in_dim3A_370 : vector<8x128xf32> to vector<1x8x128xf32>
    tpu.vector_store %arg9[%swap3A_371, %swap3A_372, %swap3A_373], %swap3A_376 {strides = array<i32>} : memref<32x8x128xf32, #tpu.memory_space<vmem>>, vector<1x8x128xf32>,
    %broadcast_in_dim3A_377 = arith.constant 0 : i32
    %broadcast_in_dim3A_378 = vector.broadcast %broadcast_in_dim3A_377 : i32 to vector<8x128xi32>
    %swap3A_379 = arith.constant 23 : index
    %swap3A_380 = arith.constant 0 : index
    %swap3A_381 = arith.constant 0 : index
    %swap3A_382 = vector.load %arg10[%swap3A_379, %swap3A_380, %swap3A_381] : memref<32x8x128xi32, #tpu.memory_space<vmem>>, vector<1x8x128xi32>
    %swap3A_383 = vector.shape_cast %swap3A_382 : vector<1x8x128xi32> to vector<8x128xi32>
    %swap3A_384 = vector.shape_cast %broadcast_in_dim3A_378 : vector<8x128xi32> to vector<1x8x128xi32>
    tpu.vector_store %arg10[%swap3A_379, %swap3A_380, %swap3A_381], %swap3A_384 {strides = array<i32>} : memref<32x8x128xi32, #tpu.memory_space<vmem>>, vector<1x8x128xi32>,
    %broadcast_in_dim3A_385 = arith.constant 0xFF800000 : f32
    %broadcast_in_dim3A_386 = vector.broadcast %broadcast_in_dim3A_385 : f32 to vector<8x128xf32>
    %swap3A_387 = arith.constant 24 : index
    %swap3A_388 = arith.constant 0 : index
    %swap3A_389 = arith.constant 0 : index
    %swap3A_390 = vector.load %arg9[%swap3A_387, %swap3A_388, %swap3A_389] : memref<32x8x128xf32, #tpu.memory_space<vmem>>, vector<1x8x128xf32>
    %swap3A_391 = vector.shape_cast %swap3A_390 : vector<1x8x128xf32> to vector<8x128xf32>
    %swap3A_392 = vector.shape_cast %broadcast_in_dim3A_386 : vector<8x128xf32> to vector<1x8x128xf32>
    tpu.vector_store %arg9[%swap3A_387, %swap3A_388, %swap3A_389], %swap3A_392 {strides = array<i32>} : memref<32x8x128xf32, #tpu.memory_space<vmem>>, vector<1x8x128xf32>,
    %broadcast_in_dim3A_393 = arith.constant 0 : i32
    %broadcast_in_dim3A_394 = vector.broadcast %broadcast_in_dim3A_393 : i32 to vector<8x128xi32>
    %swap3A_395 = arith.constant 24 : index
    %swap3A_396 = arith.constant 0 : index
    %swap3A_397 = arith.constant 0 : index
    %swap3A_398 = vector.load %arg10[%swap3A_395, %swap3A_396, %swap3A_397] : memref<32x8x128xi32, #tpu.memory_space<vmem>>, vector<1x8x128xi32>
    %swap3A_399 = vector.shape_cast %swap3A_398 : vector<1x8x128xi32> to vector<8x128xi32>
    %swap3A_400 = vector.shape_cast %broadcast_in_dim3A_394 : vector<8x128xi32> to vector<1x8x128xi32>
    tpu.vector_store %arg10[%swap3A_395, %swap3A_396, %swap3A_397], %swap3A_400 {strides = array<i32>} : memref<32x8x128xi32, #tpu.memory_space<vmem>>, vector<1x8x128xi32>,
    %broadcast_in_dim3A_401 = arith.constant 0xFF800000 : f32
    %broadcast_in_dim3A_402 = vector.broadcast %broadcast_in_dim3A_401 : f32 to vector<8x128xf32>
    %swap3A_403 = arith.constant 25 : index
    %swap3A_404 = arith.constant 0 : index
    %swap3A_405 = arith.constant 0 : index
    %swap3A_406 = vector.load %arg9[%swap3A_403, %swap3A_404, %swap3A_405] : memref<32x8x128xf32, #tpu.memory_space<vmem>>, vector<1x8x128xf32>
    %swap3A_407 = vector.shape_cast %swap3A_406 : vector<1x8x128xf32> to vector<8x128xf32>
    %swap3A_408 = vector.shape_cast %broadcast_in_dim3A_402 : vector<8x128xf32> to vector<1x8x128xf32>
    tpu.vector_store %arg9[%swap3A_403, %swap3A_404, %swap3A_405], %swap3A_408 {strides = array<i32>} : memref<32x8x128xf32, #tpu.memory_space<vmem>>, vector<1x8x128xf32>,
    %broadcast_in_dim3A_409 = arith.constant 0 : i32
    %broadcast_in_dim3A_410 = vector.broadcast %broadcast_in_dim3A_409 : i32 to vector<8x128xi32>
    %swap3A_411 = arith.constant 25 : index
    %swap3A_412 = arith.constant 0 : index
    %swap3A_413 = arith.constant 0 : index
    %swap3A_414 = vector.load %arg10[%swap3A_411, %swap3A_412, %swap3A_413] : memref<32x8x128xi32, #tpu.memory_space<vmem>>, vector<1x8x128xi32>
    %swap3A_415 = vector.shape_cast %swap3A_414 : vector<1x8x128xi32> to vector<8x128xi32>
    %swap3A_416 = vector.shape_cast %broadcast_in_dim3A_410 : vector<8x128xi32> to vector<1x8x128xi32>
    tpu.vector_store %arg10[%swap3A_411, %swap3A_412, %swap3A_413], %swap3A_416 {strides = array<i32>} : memref<32x8x128xi32, #tpu.memory_space<vmem>>, vector<1x8x128xi32>,
    %broadcast_in_dim3A_417 = arith.constant 0xFF800000 : f32
    %broadcast_in_dim3A_418 = vector.broadcast %broadcast_in_dim3A_417 : f32 to vector<8x128xf32>
    %swap3A_419 = arith.constant 26 : index
    %swap3A_420 = arith.constant 0 : index
    %swap3A_421 = arith.constant 0 : index
    %swap3A_422 = vector.load %arg9[%swap3A_419, %swap3A_420, %swap3A_421] : memref<32x8x128xf32, #tpu.memory_space<vmem>>, vector<1x8x128xf32>
    %swap3A_423 = vector.shape_cast %swap3A_422 : vector<1x8x128xf32> to vector<8x128xf32>
    %swap3A_424 = vector.shape_cast %broadcast_in_dim3A_418 : vector<8x128xf32> to vector<1x8x128xf32>
    tpu.vector_store %arg9[%swap3A_419, %swap3A_420, %swap3A_421], %swap3A_424 {strides = array<i32>} : memref<32x8x128xf32, #tpu.memory_space<vmem>>, vector<1x8x128xf32>,
    %broadcast_in_dim3A_425 = arith.constant 0 : i32
    %broadcast_in_dim3A_426 = vector.broadcast %broadcast_in_dim3A_425 : i32 to vector<8x128xi32>
    %swap3A_427 = arith.constant 26 : index
    %swap3A_428 = arith.constant 0 : index
    %swap3A_429 = arith.constant 0 : index
    %swap3A_430 = vector.load %arg10[%swap3A_427, %swap3A_428, %swap3A_429] : memref<32x8x128xi32, #tpu.memory_space<vmem>>, vector<1x8x128xi32>
    %swap3A_431 = vector.shape_cast %swap3A_430 : vector<1x8x128xi32> to vector<8x128xi32>
    %swap3A_432 = vector.shape_cast %broadcast_in_dim3A_426 : vector<8x128xi32> to vector<1x8x128xi32>
    tpu.vector_store %arg10[%swap3A_427, %swap3A_428, %swap3A_429], %swap3A_432 {strides = array<i32>} : memref<32x8x128xi32, #tpu.memory_space<vmem>>, vector<1x8x128xi32>,
    %broadcast_in_dim3A_433 = arith.constant 0xFF800000 : f32
    %broadcast_in_dim3A_434 = vector.broadcast %broadcast_in_dim3A_433 : f32 to vector<8x128xf32>
    %swap3A_435 = arith.constant 27 : index
    %swap3A_436 = arith.constant 0 : index
    %swap3A_437 = arith.constant 0 : index
    %swap3A_438 = vector.load %arg9[%swap3A_435, %swap3A_436, %swap3A_437] : memref<32x8x128xf32, #tpu.memory_space<vmem>>, vector<1x8x128xf32>
    %swap3A_439 = vector.shape_cast %swap3A_438 : vector<1x8x128xf32> to vector<8x128xf32>
    %swap3A_440 = vector.shape_cast %broadcast_in_dim3A_434 : vector<8x128xf32> to vector<1x8x128xf32>
    tpu.vector_store %arg9[%swap3A_435, %swap3A_436, %swap3A_437], %swap3A_440 {strides = array<i32>} : memref<32x8x128xf32, #tpu.memory_space<vmem>>, vector<1x8x128xf32>,
    %broadcast_in_dim3A_441 = arith.constant 0 : i32
    %broadcast_in_dim3A_442 = vector.broadcast %broadcast_in_dim3A_441 : i32 to vector<8x128xi32>
    %swap3A_443 = arith.constant 27 : index
    %swap3A_444 = arith.constant 0 : index
    %swap3A_445 = arith.constant 0 : index
    %swap3A_446 = vector.load %arg10[%swap3A_443, %swap3A_444, %swap3A_445] : memref<32x8x128xi32, #tpu.memory_space<vmem>>, vector<1x8x128xi32>
    %swap3A_447 = vector.shape_cast %swap3A_446 : vector<1x8x128xi32> to vector<8x128xi32>
    %swap3A_448 = vector.shape_cast %broadcast_in_dim3A_442 : vector<8x128xi32> to vector<1x8x128xi32>
    tpu.vector_store %arg10[%swap3A_443, %swap3A_444, %swap3A_445], %swap3A_448 {strides = array<i32>} : memref<32x8x128xi32, #tpu.memory_space<vmem>>, vector<1x8x128xi32>,
    %broadcast_in_dim3A_449 = arith.constant 0xFF800000 : f32
    %broadcast_in_dim3A_450 = vector.broadcast %broadcast_in_dim3A_449 : f32 to vector<8x128xf32>
    %swap3A_451 = arith.constant 28 : index
    %swap3A_452 = arith.constant 0 : index
    %swap3A_453 = arith.constant 0 : index
    %swap3A_454 = vector.load %arg9[%swap3A_451, %swap3A_452, %swap3A_453] : memref<32x8x128xf32, #tpu.memory_space<vmem>>, vector<1x8x128xf32>
    %swap3A_455 = vector.shape_cast %swap3A_454 : vector<1x8x128xf32> to vector<8x128xf32>
    %swap3A_456 = vector.shape_cast %broadcast_in_dim3A_450 : vector<8x128xf32> to vector<1x8x128xf32>
    tpu.vector_store %arg9[%swap3A_451, %swap3A_452, %swap3A_453], %swap3A_456 {strides = array<i32>} : memref<32x8x128xf32, #tpu.memory_space<vmem>>, vector<1x8x128xf32>,
    %broadcast_in_dim3A_457 = arith.constant 0 : i32
    %broadcast_in_dim3A_458 = vector.broadcast %broadcast_in_dim3A_457 : i32 to vector<8x128xi32>
    %swap3A_459 = arith.constant 28 : index
    %swap3A_460 = arith.constant 0 : index
    %swap3A_461 = arith.constant 0 : index
    %swap3A_462 = vector.load %arg10[%swap3A_459, %swap3A_460, %swap3A_461] : memref<32x8x128xi32, #tpu.memory_space<vmem>>, vector<1x8x128xi32>
    %swap3A_463 = vector.shape_cast %swap3A_462 : vector<1x8x128xi32> to vector<8x128xi32>
    %swap3A_464 = vector.shape_cast %broadcast_in_dim3A_458 : vector<8x128xi32> to vector<1x8x128xi32>
    tpu.vector_store %arg10[%swap3A_459, %swap3A_460, %swap3A_461], %swap3A_464 {strides = array<i32>} : memref<32x8x128xi32, #tpu.memory_space<vmem>>, vector<1x8x128xi32>,
    %broadcast_in_dim3A_465 = arith.constant 0xFF800000 : f32
    %broadcast_in_dim3A_466 = vector.broadcast %broadcast_in_dim3A_465 : f32 to vector<8x128xf32>
    %swap3A_467 = arith.constant 29 : index
    %swap3A_468 = arith.constant 0 : index
    %swap3A_469 = arith.constant 0 : index
    %swap3A_470 = vector.load %arg9[%swap3A_467, %swap3A_468, %swap3A_469] : memref<32x8x128xf32, #tpu.memory_space<vmem>>, vector<1x8x128xf32>
    %swap3A_471 = vector.shape_cast %swap3A_470 : vector<1x8x128xf32> to vector<8x128xf32>
    %swap3A_472 = vector.shape_cast %broadcast_in_dim3A_466 : vector<8x128xf32> to vector<1x8x128xf32>
    tpu.vector_store %arg9[%swap3A_467, %swap3A_468, %swap3A_469], %swap3A_472 {strides = array<i32>} : memref<32x8x128xf32, #tpu.memory_space<vmem>>, vector<1x8x128xf32>,
    %broadcast_in_dim3A_473 = arith.constant 0 : i32
    %broadcast_in_dim3A_474 = vector.broadcast %broadcast_in_dim3A_473 : i32 to vector<8x128xi32>
    %swap3A_475 = arith.constant 29 : index
    %swap3A_476 = arith.constant 0 : index
    %swap3A_477 = arith.constant 0 : index
    %swap3A_478 = vector.load %arg10[%swap3A_475, %swap3A_476, %swap3A_477] : memref<32x8x128xi32, #tpu.memory_space<vmem>>, vector<1x8x128xi32>
    %swap3A_479 = vector.shape_cast %swap3A_478 : vector<1x8x128xi32> to vector<8x128xi32>
    %swap3A_480 = vector.shape_cast %broadcast_in_dim3A_474 : vector<8x128xi32> to vector<1x8x128xi32>
    tpu.vector_store %arg10[%swap3A_475, %swap3A_476, %swap3A_477], %swap3A_480 {strides = array<i32>} : memref<32x8x128xi32, #tpu.memory_space<vmem>>, vector<1x8x128xi32>,
    %broadcast_in_dim3A_481 = arith.constant 0xFF800000 : f32
    %broadcast_in_dim3A_482 = vector.broadcast %broadcast_in_dim3A_481 : f32 to vector<8x128xf32>
    %swap3A_483 = arith.constant 30 : index
    %swap3A_484 = arith.constant 0 : index
    %swap3A_485 = arith.constant 0 : index
    %swap3A_486 = vector.load %arg9[%swap3A_483, %swap3A_484, %swap3A_485] : memref<32x8x128xf32, #tpu.memory_space<vmem>>, vector<1x8x128xf32>
    %swap3A_487 = vector.shape_cast %swap3A_486 : vector<1x8x128xf32> to vector<8x128xf32>
    %swap3A_488 = vector.shape_cast %broadcast_in_dim3A_482 : vector<8x128xf32> to vector<1x8x128xf32>
    tpu.vector_store %arg9[%swap3A_483, %swap3A_484, %swap3A_485], %swap3A_488 {strides = array<i32>} : memref<32x8x128xf32, #tpu.memory_space<vmem>>, vector<1x8x128xf32>,
    %broadcast_in_dim3A_489 = arith.constant 0 : i32
    %broadcast_in_dim3A_490 = vector.broadcast %broadcast_in_dim3A_489 : i32 to vector<8x128xi32>
    %swap3A_491 = arith.constant 30 : index
    %swap3A_492 = arith.constant 0 : index
    %swap3A_493 = arith.constant 0 : index
    %swap3A_494 = vector.load %arg10[%swap3A_491, %swap3A_492, %swap3A_493] : memref<32x8x128xi32, #tpu.memory_space<vmem>>, vector<1x8x128xi32>
    %swap3A_495 = vector.shape_cast %swap3A_494 : vector<1x8x128xi32> to vector<8x128xi32>
    %swap3A_496 = vector.shape_cast %broadcast_in_dim3A_490 : vector<8x128xi32> to vector<1x8x128xi32>
    tpu.vector_store %arg10[%swap3A_491, %swap3A_492, %swap3A_493], %swap3A_496 {strides = array<i32>} : memref<32x8x128xi32, #tpu.memory_space<vmem>>, vector<1x8x128xi32>,
    %broadcast_in_dim3A_497 = arith.constant 0xFF800000 : f32
    %broadcast_in_dim3A_498 = vector.broadcast %broadcast_in_dim3A_497 : f32 to vector<8x128xf32>
    %swap3A_499 = arith.constant 31 : index
    %swap3A_500 = arith.constant 0 : index
    %swap3A_501 = arith.constant 0 : index
    %swap3A_502 = vector.load %arg9[%swap3A_499, %swap3A_500, %swap3A_501] : memref<32x8x128xf32, #tpu.memory_space<vmem>>, vector<1x8x128xf32>
    %swap3A_503 = vector.shape_cast %swap3A_502 : vector<1x8x128xf32> to vector<8x128xf32>
    %swap3A_504 = vector.shape_cast %broadcast_in_dim3A_498 : vector<8x128xf32> to vector<1x8x128xf32>
    tpu.vector_store %arg9[%swap3A_499, %swap3A_500, %swap3A_501], %swap3A_504 {strides = array<i32>} : memref<32x8x128xf32, #tpu.memory_space<vmem>>, vector<1x8x128xf32>,
    %broadcast_in_dim3A_505 = arith.constant 0 : i32
    %broadcast_in_dim3A_506 = vector.broadcast %broadcast_in_dim3A_505 : i32 to vector<8x128xi32>
    %swap3A_507 = arith.constant 31 : index
    %swap3A_508 = arith.constant 0 : index
    %swap3A_509 = arith.constant 0 : index
    %swap3A_510 = vector.load %arg10[%swap3A_507, %swap3A_508, %swap3A_509] : memref<32x8x128xi32, #tpu.memory_space<vmem>>, vector<1x8x128xi32>
    %swap3A_511 = vector.shape_cast %swap3A_510 : vector<1x8x128xi32> to vector<8x128xi32>
    %swap3A_512 = vector.shape_cast %broadcast_in_dim3A_506 : vector<8x128xi32> to vector<1x8x128xi32>
    tpu.vector_store %arg10[%swap3A_507, %swap3A_508, %swap3A_509], %swap3A_512 {strides = array<i32>} : memref<32x8x128xi32, #tpu.memory_space<vmem>>, vector<1x8x128xi32>,
    %scan3A = arith.constant 0 : i32
    %scan3A_513 = arith.constant 36 : i32
    %scan3A_514 = arith.addi %scan3A, %scan3A_513 : i32
    %scan3A_515 = arith.constant 1 : i32
    scf.for %scan3A_1718 = %scan3A to %scan3A_514 step %scan3A_515  : i32 {
      %mul3A_1719 = arith.constant 8 : i32
      %mul3A_1720 = arith.muli %scan3A_1718, %mul3A_1719 : i32
      %get3A_1721 = arith.constant 0 : index
      %get3A_1722 = arith.index_cast %mul3A_1720 : i32 to index
      %get3A_1723 = arith.constant 0 : index
      %get3A_1724 = vector.load %arg1[%get3A_1721, %get3A_1722, %get3A_1723] : memref<8x288x128xf32, #tpu.memory_space<vmem>>, vector<1x8x128xf32>
      %get3A_1725 = vector.shape_cast %get3A_1724 : vector<1x8x128xf32> to vector<8x128xf32>
      %get3A_1726 = arith.constant 1 : index
      %get3A_1727 = arith.index_cast %mul3A_1720 : i32 to index
      %get3A_1728 = arith.constant 0 : index
      %get3A_1729 = vector.load %arg1[%get3A_1726, %get3A_1727, %get3A_1728] : memref<8x288x128xf32, #tpu.memory_space<vmem>>, vector<1x8x128xf32>
      %get3A_1730 = vector.shape_cast %get3A_1729 : vector<1x8x128xf32> to vector<8x128xf32>
      %get3A_1731 = arith.constant 2 : index
      %get3A_1732 = arith.index_cast %mul3A_1720 : i32 to index
      %get3A_1733 = arith.constant 0 : index
      %get3A_1734 = vector.load %arg1[%get3A_1731, %get3A_1732, %get3A_1733] : memref<8x288x128xf32, #tpu.memory_space<vmem>>, vector<1x8x128xf32>
      %get3A_1735 = vector.shape_cast %get3A_1734 : vector<1x8x128xf32> to vector<8x128xf32>
      %get3A_1736 = arith.constant 3 : index
      %get3A_1737 = arith.index_cast %mul3A_1720 : i32 to index
      %get3A_1738 = arith.constant 0 : index
      %get3A_1739 = vector.load %arg1[%get3A_1736, %get3A_1737, %get3A_1738] : memref<8x288x128xf32, #tpu.memory_space<vmem>>, vector<1x8x128xf32>
      %get3A_1740 = vector.shape_cast %get3A_1739 : vector<1x8x128xf32> to vector<8x128xf32>
      %get3A_1741 = arith.constant 6 : index
      %get3A_1742 = arith.index_cast %mul3A_1720 : i32 to index
      %get3A_1743 = arith.constant 0 : index
      %get3A_1744 = vector.load %arg1[%get3A_1741, %get3A_1742, %get3A_1743] : memref<8x288x128xf32, #tpu.memory_space<vmem>>, vector<1x8x128xf32>
      %get3A_1745 = vector.shape_cast %get3A_1744 : vector<1x8x128xf32> to vector<8x128xf32>
      %get3A_1746 = arith.constant 7 : index
      %get3A_1747 = arith.index_cast %mul3A_1720 : i32 to index
      %get3A_1748 = arith.constant 0 : index
      %get3A_1749 = vector.load %arg1[%get3A_1746, %get3A_1747, %get3A_1748] : memref<8x288x128xf32, #tpu.memory_space<vmem>>, vector<1x8x128xf32>
      %get3A_1750 = vector.shape_cast %get3A_1749 : vector<1x8x128xf32> to vector<8x128xf32>
      %ne3A_1751 = arith.constant 0.000000e+00 : f32
      %ne3A_1752 = vector.broadcast %ne3A_1751 : f32 to vector<8x128xf32>
      %ne3A_1753 = arith.cmpf one, %get3A_1750, %ne3A_1752 : vector<8x128xf32>
      %mul3A_1754 = arith.constant 1024 : i32
      %mul3A_1755 = arith.muli %scan3A_1718, %mul3A_1754 : i32
      %add3A_1756 = vector.broadcast %mul3A_1755 : i32 to vector<8x128xi32>
      %add3A_1757 = arith.addi %add3A, %add3A_1756 : vector<8x128xi32>
      %get3A_1758 = arith.constant 0 : index
      %get3A_1759 = arith.constant 0 : index
      %get3A_1760 = memref.load %arg0[%get3A_1758, %get3A_1759] : memref<32x4xf32, #tpu.memory_space<smem>>
      %get3A_1761 = arith.constant 0 : index
      %get3A_1762 = arith.constant 1 : index
      %get3A_1763 = memref.load %arg0[%get3A_1761, %get3A_1762] : memref<32x4xf32, #tpu.memory_space<smem>>
      %get3A_1764 = arith.constant 0 : index
      %get3A_1765 = arith.constant 2 : index
      %get3A_1766 = memref.load %arg0[%get3A_1764, %get3A_1765] : memref<32x4xf32, #tpu.memory_space<smem>>
      %get3A_1767 = arith.constant 0 : index
      %get3A_1768 = arith.constant 3 : index
      %get3A_1769 = memref.load %arg0[%get3A_1767, %get3A_1768] : memref<32x4xf32, #tpu.memory_space<smem>>
      %add3A_1770 = arith.addf %get3A_1760, %get3A_1766 : f32
      %sub3A_1771 = arith.constant 1.000000e+00 : f32
      %sub3A_1772 = arith.subf %add3A_1770, %sub3A_1771 : f32
      %add3A_1773 = arith.addf %get3A_1763, %get3A_1769 : f32
      %sub3A_1774 = arith.constant 1.000000e+00 : f32
      %sub3A_1775 = arith.subf %add3A_1773, %sub3A_1774 : f32
      %mul3A_1776 = arith.mulf %get3A_1766, %get3A_1769 : f32
      %min3A = vector.broadcast %sub3A_1772 : f32 to vector<8x128xf32>
      %min3A_1777 = arith.minimumf %get3A_1735, %min3A : vector<8x128xf32>
      %max3A = vector.broadcast %get3A_1760 : f32 to vector<8x128xf32>
      %max3A_1778 = arith.maximumf %get3A_1725, %max3A : vector<8x128xf32>
      %sub3A_1779 = arith.subf %min3A_1777, %max3A_1778 : vector<8x128xf32>
      %add3A_1780 = arith.constant 1.000000e+00 : f32
      %add3A_1781 = vector.broadcast %add3A_1780 : f32 to vector<8x128xf32>
      %add3A_1782 = arith.addf %sub3A_1779, %add3A_1781 : vector<8x128xf32>
      %max3A_1783 = arith.constant 0.000000e+00 : f32
      %max3A_1784 = vector.broadcast %max3A_1783 : f32 to vector<8x128xf32>
      %max3A_1785 = arith.maximumf %max3A_1784, %add3A_1782 : vector<8x128xf32>
      %min3A_1786 = vector.broadcast %sub3A_1775 : f32 to vector<8x128xf32>
      %min3A_1787 = arith.minimumf %get3A_1740, %min3A_1786 : vector<8x128xf32>
      %max3A_1788 = vector.broadcast %get3A_1763 : f32 to vector<8x128xf32>
      %max3A_1789 = arith.maximumf %get3A_1730, %max3A_1788 : vector<8x128xf32>
      %sub3A_1790 = arith.subf %min3A_1787, %max3A_1789 : vector<8x128xf32>
      %add3A_1791 = arith.constant 1.000000e+00 : f32
      %add3A_1792 = vector.broadcast %add3A_1791 : f32 to vector<8x128xf32>
      %add3A_1793 = arith.addf %sub3A_1790, %add3A_1792 : vector<8x128xf32>
      %max3A_1794 = arith.constant 0.000000e+00 : f32
      %max3A_1795 = vector.broadcast %max3A_1794 : f32 to vector<8x128xf32>
      %max3A_1796 = arith.maximumf %max3A_1795, %add3A_1793 : vector<8x128xf32>
      %mul3A_1797 = arith.mulf %max3A_1785, %max3A_1796 : vector<8x128xf32>
      %add3A_1798 = vector.broadcast %mul3A_1776 : f32 to vector<8x128xf32>
      %add3A_1799 = arith.addf %get3A_1745, %add3A_1798 : vector<8x128xf32>
      %sub3A_1800 = arith.subf %add3A_1799, %mul3A_1797 : vector<8x128xf32>
      %div3A_1801 = arith.divf %mul3A_1797, %sub3A_1800 : vector<8x128xf32>
      %eq3A_1802 = arith.constant 0.000000e+00 : f32
      %eq3A_1803 = vector.broadcast %eq3A_1802 : f32 to vector<8x128xf32>
      %eq3A_1804 = arith.cmpf oeq, %div3A_1801, %eq3A_1803 : vector<8x128xf32>
      %jit3A_1805 = arith.constant 1.000000e-10 : f32
      %broadcast_in_dim3A_1806 = vector.broadcast %jit3A_1805 : f32 to vector<8x128xf32>
      %select_n3A_1807 = arith.select %eq3A_1804, %broadcast_in_dim3A_1806, %div3A_1801 : vector<8x128xi1>, vector<8x128xf32>
      %jit3A_1808 = arith.constant -1.000000e+00 : f32
      %broadcast_in_dim3A_1809 = vector.broadcast %jit3A_1808 : f32 to vector<8x128xf32>
      %select_n3A_1810 = arith.select %ne3A_1753, %select_n3A_1807, %broadcast_in_dim3A_1809 : vector<8x128xi1>, vector<8x128xf32>
      %broadcast_in_dim3A_1811 = vector.broadcast %get3A_1760 : f32 to vector<8x128xf32>
      %broadcast_in_dim3A_1812 = vector.broadcast %get3A_1763 : f32 to vector<8x128xf32>
      %broadcast_in_dim3A_1813 = vector.broadcast %get3A_1766 : f32 to vector<8x128xf32>
      %broadcast_in_dim3A_1814 = vector.broadcast %get3A_1769 : f32 to vector<8x128xf32>
      %get3A_1815 = arith.constant 0 : index
      %get3A_1816 = arith.constant 0 : index
      %get3A_1817 = arith.constant 0 : index
      %get3A_1818 = vector.load %arg9[%get3A_1815, %get3A_1816, %get3A_1817] : memref<32x8x128xf32, #tpu.memory_space<vmem>>, vector<1x8x128xf32>
      %get3A_1819 = vector.shape_cast %get3A_1818 : vector<1x8x128xf32> to vector<8x128xf32>
      %gt3A = arith.cmpf ogt, %select_n3A_1810, %get3A_1819 : vector<8x128xf32>
      %select_n3A_1820 = arith.select %gt3A, %select_n3A_1810, %get3A_1819 : vector<8x128xi1>, vector<8x128xf32>
      %swap3A_1821 = arith.constant 0 : index
      %swap3A_1822 = arith.constant 0 : index
      %swap3A_1823 = arith.constant 0 : index
      %swap3A_1824 = vector.load %arg9[%swap3A_1821, %swap3A_1822, %swap3A_1823] : memref<32x8x128xf32, #tpu.memory_space<vmem>>, vector<1x8x128xf32>
      %swap3A_1825 = vector.shape_cast %swap3A_1824 : vector<1x8x128xf32> to vector<8x128xf32>
      %swap3A_1826 = vector.shape_cast %select_n3A_1820 : vector<8x128xf32> to vector<1x8x128xf32>
      tpu.vector_store %arg9[%swap3A_1821, %swap3A_1822, %swap3A_1823], %swap3A_1826 {strides = array<i32>} : memref<32x8x128xf32, #tpu.memory_space<vmem>>, vector<1x8x128xf32>,
      %get3A_1827 = arith.constant 0 : index
      %get3A_1828 = arith.constant 0 : index
      %get3A_1829 = arith.constant 0 : index
      %get3A_1830 = vector.load %arg10[%get3A_1827, %get3A_1828, %get3A_1829] : memref<32x8x128xi32, #tpu.memory_space<vmem>>, vector<1x8x128xi32>
      %get3A_1831 = vector.shape_cast %get3A_1830 : vector<1x8x128xi32> to vector<8x128xi32>
      %select_n3A_1832 = arith.select %gt3A, %add3A_1757, %get3A_1831 : vector<8x128xi1>, vector<8x128xi32>
      %swap3A_1833 = arith.constant 0 : index
      %swap3A_1834 = arith.constant 0 : index
      %swap3A_1835 = arith.constant 0 : index
      %swap3A_1836 = vector.load %arg10[%swap3A_1833, %swap3A_1834, %swap3A_1835] : memref<32x8x128xi32, #tpu.memory_space<vmem>>, vector<1x8x128xi32>
      %swap3A_1837 = vector.shape_cast %swap3A_1836 : vector<1x8x128xi32> to vector<8x128xi32>
      %swap3A_1838 = vector.shape_cast %select_n3A_1832 : vector<8x128xi32> to vector<1x8x128xi32>
      tpu.vector_store %arg10[%swap3A_1833, %swap3A_1834, %swap3A_1835], %swap3A_1838 {strides = array<i32>} : memref<32x8x128xi32, #tpu.memory_space<vmem>>, vector<1x8x128xi32>,
      %get3A_1839 = arith.constant 1 : index
      %get3A_1840 = arith.constant 0 : index
      %get3A_1841 = memref.load %arg0[%get3A_1839, %get3A_1840] : memref<32x4xf32, #tpu.memory_space<smem>>
      %get3A_1842 = arith.constant 1 : index
      %get3A_1843 = arith.constant 1 : index
      %get3A_1844 = memref.load %arg0[%get3A_1842, %get3A_1843] : memref<32x4xf32, #tpu.memory_space<smem>>
      %get3A_1845 = arith.constant 1 : index
      %get3A_1846 = arith.constant 2 : index
      %get3A_1847 = memref.load %arg0[%get3A_1845, %get3A_1846] : memref<32x4xf32, #tpu.memory_space<smem>>
      %get3A_1848 = arith.constant 1 : index
      %get3A_1849 = arith.constant 3 : index
      %get3A_1850 = memref.load %arg0[%get3A_1848, %get3A_1849] : memref<32x4xf32, #tpu.memory_space<smem>>
      %add3A_1851 = arith.addf %get3A_1841, %get3A_1847 : f32
      %sub3A_1852 = arith.constant 1.000000e+00 : f32
      %sub3A_1853 = arith.subf %add3A_1851, %sub3A_1852 : f32
      %add3A_1854 = arith.addf %get3A_1844, %get3A_1850 : f32
      %sub3A_1855 = arith.constant 1.000000e+00 : f32
      %sub3A_1856 = arith.subf %add3A_1854, %sub3A_1855 : f32
      %mul3A_1857 = arith.mulf %get3A_1847, %get3A_1850 : f32
      %min3A_1858 = vector.broadcast %sub3A_1853 : f32 to vector<8x128xf32>
      %min3A_1859 = arith.minimumf %get3A_1735, %min3A_1858 : vector<8x128xf32>
      %max3A_1860 = vector.broadcast %get3A_1841 : f32 to vector<8x128xf32>
      %max3A_1861 = arith.maximumf %get3A_1725, %max3A_1860 : vector<8x128xf32>
      %sub3A_1862 = arith.subf %min3A_1859, %max3A_1861 : vector<8x128xf32>
      %add3A_1863 = arith.constant 1.000000e+00 : f32
      %add3A_1864 = vector.broadcast %add3A_1863 : f32 to vector<8x128xf32>
      %add3A_1865 = arith.addf %sub3A_1862, %add3A_1864 : vector<8x128xf32>
      %max3A_1866 = arith.constant 0.000000e+00 : f32
      %max3A_1867 = vector.broadcast %max3A_1866 : f32 to vector<8x128xf32>
      %max3A_1868 = arith.maximumf %max3A_1867, %add3A_1865 : vector<8x128xf32>
      %min3A_1869 = vector.broadcast %sub3A_1856 : f32 to vector<8x128xf32>
      %min3A_1870 = arith.minimumf %get3A_1740, %min3A_1869 : vector<8x128xf32>
      %max3A_1871 = vector.broadcast %get3A_1844 : f32 to vector<8x128xf32>
      %max3A_1872 = arith.maximumf %get3A_1730, %max3A_1871 : vector<8x128xf32>
      %sub3A_1873 = arith.subf %min3A_1870, %max3A_1872 : vector<8x128xf32>
      %add3A_1874 = arith.constant 1.000000e+00 : f32
      %add3A_1875 = vector.broadcast %add3A_1874 : f32 to vector<8x128xf32>
      %add3A_1876 = arith.addf %sub3A_1873, %add3A_1875 : vector<8x128xf32>
      %max3A_1877 = arith.constant 0.000000e+00 : f32
      %max3A_1878 = vector.broadcast %max3A_1877 : f32 to vector<8x128xf32>
      %max3A_1879 = arith.maximumf %max3A_1878, %add3A_1876 : vector<8x128xf32>
      %mul3A_1880 = arith.mulf %max3A_1868, %max3A_1879 : vector<8x128xf32>
      %add3A_1881 = vector.broadcast %mul3A_1857 : f32 to vector<8x128xf32>
      %add3A_1882 = arith.addf %get3A_1745, %add3A_1881 : vector<8x128xf32>
      %sub3A_1883 = arith.subf %add3A_1882, %mul3A_1880 : vector<8x128xf32>
      %div3A_1884 = arith.divf %mul3A_1880, %sub3A_1883 : vector<8x128xf32>
      %eq3A_1885 = arith.constant 0.000000e+00 : f32
      %eq3A_1886 = vector.broadcast %eq3A_1885 : f32 to vector<8x128xf32>
      %eq3A_1887 = arith.cmpf oeq, %div3A_1884, %eq3A_1886 : vector<8x128xf32>
      %jit3A_1888 = arith.constant 1.000000e-10 : f32
      %broadcast_in_dim3A_1889 = vector.broadcast %jit3A_1888 : f32 to vector<8x128xf32>
      %select_n3A_1890 = arith.select %eq3A_1887, %broadcast_in_dim3A_1889, %div3A_1884 : vector<8x128xi1>, vector<8x128xf32>
      %jit3A_1891 = arith.constant -1.000000e+00 : f32
      %broadcast_in_dim3A_1892 = vector.broadcast %jit3A_1891 : f32 to vector<8x128xf32>
      %select_n3A_1893 = arith.select %ne3A_1753, %select_n3A_1890, %broadcast_in_dim3A_1892 : vector<8x128xi1>, vector<8x128xf32>
      %gt3A_1894 = arith.cmpf ogt, %select_n3A_1890, %select_n3A_1807 : vector<8x128xf32>
      %select_n3A_1895 = arith.select %gt3A_1894, %select_n3A_1890, %select_n3A_1807 : vector<8x128xi1>, vector<8x128xf32>
      %broadcast_in_dim3A_1896 = vector.broadcast %get3A_1841 : f32 to vector<8x128xf32>
      %select_n3A_1897 = arith.select %gt3A_1894, %broadcast_in_dim3A_1896, %broadcast_in_dim3A_1811 : vector<8x128xi1>, vector<8x128xf32>
      %broadcast_in_dim3A_1898 = vector.broadcast %get3A_1844 : f32 to vector<8x128xf32>
      %select_n3A_1899 = arith.select %gt3A_1894, %broadcast_in_dim3A_1898, %broadcast_in_dim3A_1812 : vector<8x128xi1>, vector<8x128xf32>
      %broadcast_in_dim3A_1900 = vector.broadcast %get3A_1847 : f32 to vector<8x128xf32>
      %select_n3A_1901 = arith.select %gt3A_1894, %broadcast_in_dim3A_1900, %broadcast_in_dim3A_1813 : vector<8x128xi1>, vector<8x128xf32>
      %broadcast_in_dim3A_1902 = vector.broadcast %get3A_1850 : f32 to vector<8x128xf32>
      %select_n3A_1903 = arith.select %gt3A_1894, %broadcast_in_dim3A_1902, %broadcast_in_dim3A_1814 : vector<8x128xi1>, vector<8x128xf32>
      %get3A_1904 = arith.constant 1 : index
      %get3A_1905 = arith.constant 0 : index
      %get3A_1906 = arith.constant 0 : index
      %get3A_1907 = vector.load %arg9[%get3A_1904, %get3A_1905, %get3A_1906] : memref<32x8x128xf32, #tpu.memory_space<vmem>>, vector<1x8x128xf32>
      %get3A_1908 = vector.shape_cast %get3A_1907 : vector<1x8x128xf32> to vector<8x128xf32>
      %gt3A_1909 = arith.cmpf ogt, %select_n3A_1893, %get3A_1908 : vector<8x128xf32>
      %select_n3A_1910 = arith.select %gt3A_1909, %select_n3A_1893, %get3A_1908 : vector<8x128xi1>, vector<8x128xf32>
      %swap3A_1911 = arith.constant 1 : index
      %swap3A_1912 = arith.constant 0 : index
      %swap3A_1913 = arith.constant 0 : index
      %swap3A_1914 = vector.load %arg9[%swap3A_1911, %swap3A_1912, %swap3A_1913] : memref<32x8x128xf32, #tpu.memory_space<vmem>>, vector<1x8x128xf32>
      %swap3A_1915 = vector.shape_cast %swap3A_1914 : vector<1x8x128xf32> to vector<8x128xf32>
      %swap3A_1916 = vector.shape_cast %select_n3A_1910 : vector<8x128xf32> to vector<1x8x128xf32>
      tpu.vector_store %arg9[%swap3A_1911, %swap3A_1912, %swap3A_1913], %swap3A_1916 {strides = array<i32>} : memref<32x8x128xf32, #tpu.memory_space<vmem>>, vector<1x8x128xf32>,
      %get3A_1917 = arith.constant 1 : index
      %get3A_1918 = arith.constant 0 : index
      %get3A_1919 = arith.constant 0 : index
      %get3A_1920 = vector.load %arg10[%get3A_1917, %get3A_1918, %get3A_1919] : memref<32x8x128xi32, #tpu.memory_space<vmem>>, vector<1x8x128xi32>
      %get3A_1921 = vector.shape_cast %get3A_1920 : vector<1x8x128xi32> to vector<8x128xi32>
      %select_n3A_1922 = arith.select %gt3A_1909, %add3A_1757, %get3A_1921 : vector<8x128xi1>, vector<8x128xi32>
      %swap3A_1923 = arith.constant 1 : index
      %swap3A_1924 = arith.constant 0 : index
      %swap3A_1925 = arith.constant 0 : index
      %swap3A_1926 = vector.load %arg10[%swap3A_1923, %swap3A_1924, %swap3A_1925] : memref<32x8x128xi32, #tpu.memory_space<vmem>>, vector<1x8x128xi32>
      %swap3A_1927 = vector.shape_cast %swap3A_1926 : vector<1x8x128xi32> to vector<8x128xi32>
      %swap3A_1928 = vector.shape_cast %select_n3A_1922 : vector<8x128xi32> to vector<1x8x128xi32>
      tpu.vector_store %arg10[%swap3A_1923, %swap3A_1924, %swap3A_1925], %swap3A_1928 {strides = array<i32>} : memref<32x8x128xi32, #tpu.memory_space<vmem>>, vector<1x8x128xi32>,
      %get3A_1929 = arith.constant 2 : index
      %get3A_1930 = arith.constant 0 : index
      %get3A_1931 = memref.load %arg0[%get3A_1929, %get3A_1930] : memref<32x4xf32, #tpu.memory_space<smem>>
      %get3A_1932 = arith.constant 2 : index
      %get3A_1933 = arith.constant 1 : index
      %get3A_1934 = memref.load %arg0[%get3A_1932, %get3A_1933] : memref<32x4xf32, #tpu.memory_space<smem>>
      %get3A_1935 = arith.constant 2 : index
      %get3A_1936 = arith.constant 2 : index
      %get3A_1937 = memref.load %arg0[%get3A_1935, %get3A_1936] : memref<32x4xf32, #tpu.memory_space<smem>>
      %get3A_1938 = arith.constant 2 : index
      %get3A_1939 = arith.constant 3 : index
      %get3A_1940 = memref.load %arg0[%get3A_1938, %get3A_1939] : memref<32x4xf32, #tpu.memory_space<smem>>
      %add3A_1941 = arith.addf %get3A_1931, %get3A_1937 : f32
      %sub3A_1942 = arith.constant 1.000000e+00 : f32
      %sub3A_1943 = arith.subf %add3A_1941, %sub3A_1942 : f32
      %add3A_1944 = arith.addf %get3A_1934, %get3A_1940 : f32
      %sub3A_1945 = arith.constant 1.000000e+00 : f32
      %sub3A_1946 = arith.subf %add3A_1944, %sub3A_1945 : f32
      %mul3A_1947 = arith.mulf %get3A_1937, %get3A_1940 : f32
      %min3A_1948 = vector.broadcast %sub3A_1943 : f32 to vector<8x128xf32>
      %min3A_1949 = arith.minimumf %get3A_1735, %min3A_1948 : vector<8x128xf32>
      %max3A_1950 = vector.broadcast %get3A_1931 : f32 to vector<8x128xf32>
      %max3A_1951 = arith.maximumf %get3A_1725, %max3A_1950 : vector<8x128xf32>
      %sub3A_1952 = arith.subf %min3A_1949, %max3A_1951 : vector<8x128xf32>
      %add3A_1953 = arith.constant 1.000000e+00 : f32
      %add3A_1954 = vector.broadcast %add3A_1953 : f32 to vector<8x128xf32>
      %add3A_1955 = arith.addf %sub3A_1952, %add3A_1954 : vector<8x128xf32>
      %max3A_1956 = arith.constant 0.000000e+00 : f32
      %max3A_1957 = vector.broadcast %max3A_1956 : f32 to vector<8x128xf32>
      %max3A_1958 = arith.maximumf %max3A_1957, %add3A_1955 : vector<8x128xf32>
      %min3A_1959 = vector.broadcast %sub3A_1946 : f32 to vector<8x128xf32>
      %min3A_1960 = arith.minimumf %get3A_1740, %min3A_1959 : vector<8x128xf32>
      %max3A_1961 = vector.broadcast %get3A_1934 : f32 to vector<8x128xf32>
      %max3A_1962 = arith.maximumf %get3A_1730, %max3A_1961 : vector<8x128xf32>
      %sub3A_1963 = arith.subf %min3A_1960, %max3A_1962 : vector<8x128xf32>
      %add3A_1964 = arith.constant 1.000000e+00 : f32
      %add3A_1965 = vector.broadcast %add3A_1964 : f32 to vector<8x128xf32>
      %add3A_1966 = arith.addf %sub3A_1963, %add3A_1965 : vector<8x128xf32>
      %max3A_1967 = arith.constant 0.000000e+00 : f32
      %max3A_1968 = vector.broadcast %max3A_1967 : f32 to vector<8x128xf32>
      %max3A_1969 = arith.maximumf %max3A_1968, %add3A_1966 : vector<8x128xf32>
      %mul3A_1970 = arith.mulf %max3A_1958, %max3A_1969 : vector<8x128xf32>
      %add3A_1971 = vector.broadcast %mul3A_1947 : f32 to vector<8x128xf32>
      %add3A_1972 = arith.addf %get3A_1745, %add3A_1971 : vector<8x128xf32>
      %sub3A_1973 = arith.subf %add3A_1972, %mul3A_1970 : vector<8x128xf32>
      %div3A_1974 = arith.divf %mul3A_1970, %sub3A_1973 : vector<8x128xf32>
      %eq3A_1975 = arith.constant 0.000000e+00 : f32
      %eq3A_1976 = vector.broadcast %eq3A_1975 : f32 to vector<8x128xf32>
      %eq3A_1977 = arith.cmpf oeq, %div3A_1974, %eq3A_1976 : vector<8x128xf32>
      %jit3A_1978 = arith.constant 1.000000e-10 : f32
      %broadcast_in_dim3A_1979 = vector.broadcast %jit3A_1978 : f32 to vector<8x128xf32>
      %select_n3A_1980 = arith.select %eq3A_1977, %broadcast_in_dim3A_1979, %div3A_1974 : vector<8x128xi1>, vector<8x128xf32>
      %jit3A_1981 = arith.constant -1.000000e+00 : f32
      %broadcast_in_dim3A_1982 = vector.broadcast %jit3A_1981 : f32 to vector<8x128xf32>
      %select_n3A_1983 = arith.select %ne3A_1753, %select_n3A_1980, %broadcast_in_dim3A_1982 : vector<8x128xi1>, vector<8x128xf32>
      %gt3A_1984 = arith.cmpf ogt, %select_n3A_1980, %select_n3A_1895 : vector<8x128xf32>
      %select_n3A_1985 = arith.select %gt3A_1984, %select_n3A_1980, %select_n3A_1895 : vector<8x128xi1>, vector<8x128xf32>
      %broadcast_in_dim3A_1986 = vector.broadcast %get3A_1931 : f32 to vector<8x128xf32>
      %select_n3A_1987 = arith.select %gt3A_1984, %broadcast_in_dim3A_1986, %select_n3A_1897 : vector<8x128xi1>, vector<8x128xf32>
      %broadcast_in_dim3A_1988 = vector.broadcast %get3A_1934 : f32 to vector<8x128xf32>
      %select_n3A_1989 = arith.select %gt3A_1984, %broadcast_in_dim3A_1988, %select_n3A_1899 : vector<8x128xi1>, vector<8x128xf32>
      %broadcast_in_dim3A_1990 = vector.broadcast %get3A_1937 : f32 to vector<8x128xf32>
      %select_n3A_1991 = arith.select %gt3A_1984, %broadcast_in_dim3A_1990, %select_n3A_1901 : vector<8x128xi1>, vector<8x128xf32>
      %broadcast_in_dim3A_1992 = vector.broadcast %get3A_1940 : f32 to vector<8x128xf32>
      %select_n3A_1993 = arith.select %gt3A_1984, %broadcast_in_dim3A_1992, %select_n3A_1903 : vector<8x128xi1>, vector<8x128xf32>
      %get3A_1994 = arith.constant 2 : index
      %get3A_1995 = arith.constant 0 : index
      %get3A_1996 = arith.constant 0 : index
      %get3A_1997 = vector.load %arg9[%get3A_1994, %get3A_1995, %get3A_1996] : memref<32x8x128xf32, #tpu.memory_space<vmem>>, vector<1x8x128xf32>
      %get3A_1998 = vector.shape_cast %get3A_1997 : vector<1x8x128xf32> to vector<8x128xf32>
      %gt3A_1999 = arith.cmpf ogt, %select_n3A_1983, %get3A_1998 : vector<8x128xf32>
      %select_n3A_2000 = arith.select %gt3A_1999, %select_n3A_1983, %get3A_1998 : vector<8x128xi1>, vector<8x128xf32>
      %swap3A_2001 = arith.constant 2 : index
      %swap3A_2002 = arith.constant 0 : index
      %swap3A_2003 = arith.constant 0 : index
      %swap3A_2004 = vector.load %arg9[%swap3A_2001, %swap3A_2002, %swap3A_2003] : memref<32x8x128xf32, #tpu.memory_space<vmem>>, vector<1x8x128xf32>
      %swap3A_2005 = vector.shape_cast %swap3A_2004 : vector<1x8x128xf32> to vector<8x128xf32>
      %swap3A_2006 = vector.shape_cast %select_n3A_2000 : vector<8x128xf32> to vector<1x8x128xf32>
      tpu.vector_store %arg9[%swap3A_2001, %swap3A_2002, %swap3A_2003], %swap3A_2006 {strides = array<i32>} : memref<32x8x128xf32, #tpu.memory_space<vmem>>, vector<1x8x128xf32>,
      %get3A_2007 = arith.constant 2 : index
      %get3A_2008 = arith.constant 0 : index
      %get3A_2009 = arith.constant 0 : index
      %get3A_2010 = vector.load %arg10[%get3A_2007, %get3A_2008, %get3A_2009] : memref<32x8x128xi32, #tpu.memory_space<vmem>>, vector<1x8x128xi32>
      %get3A_2011 = vector.shape_cast %get3A_2010 : vector<1x8x128xi32> to vector<8x128xi32>
      %select_n3A_2012 = arith.select %gt3A_1999, %add3A_1757, %get3A_2011 : vector<8x128xi1>, vector<8x128xi32>
      %swap3A_2013 = arith.constant 2 : index
      %swap3A_2014 = arith.constant 0 : index
      %swap3A_2015 = arith.constant 0 : index
      %swap3A_2016 = vector.load %arg10[%swap3A_2013, %swap3A_2014, %swap3A_2015] : memref<32x8x128xi32, #tpu.memory_space<vmem>>, vector<1x8x128xi32>
      %swap3A_2017 = vector.shape_cast %swap3A_2016 : vector<1x8x128xi32> to vector<8x128xi32>
      %swap3A_2018 = vector.shape_cast %select_n3A_2012 : vector<8x128xi32> to vector<1x8x128xi32>
      tpu.vector_store %arg10[%swap3A_2013, %swap3A_2014, %swap3A_2015], %swap3A_2018 {strides = array<i32>} : memref<32x8x128xi32, #tpu.memory_space<vmem>>, vector<1x8x128xi32>,
      %get3A_2019 = arith.constant 3 : index
      %get3A_2020 = arith.constant 0 : index
      %get3A_2021 = memref.load %arg0[%get3A_2019, %get3A_2020] : memref<32x4xf32, #tpu.memory_space<smem>>
      %get3A_2022 = arith.constant 3 : index
      %get3A_2023 = arith.constant 1 : index
      %get3A_2024 = memref.load %arg0[%get3A_2022, %get3A_2023] : memref<32x4xf32, #tpu.memory_space<smem>>
      %get3A_2025 = arith.constant 3 : index
      %get3A_2026 = arith.constant 2 : index
      %get3A_2027 = memref.load %arg0[%get3A_2025, %get3A_2026] : memref<32x4xf32, #tpu.memory_space<smem>>
      %get3A_2028 = arith.constant 3 : index
      %get3A_2029 = arith.constant 3 : index
      %get3A_2030 = memref.load %arg0[%get3A_2028, %get3A_2029] : memref<32x4xf32, #tpu.memory_space<smem>>
      %add3A_2031 = arith.addf %get3A_2021, %get3A_2027 : f32
      %sub3A_2032 = arith.constant 1.000000e+00 : f32
      %sub3A_2033 = arith.subf %add3A_2031, %sub3A_2032 : f32
      %add3A_2034 = arith.addf %get3A_2024, %get3A_2030 : f32
      %sub3A_2035 = arith.constant 1.000000e+00 : f32
      %sub3A_2036 = arith.subf %add3A_2034, %sub3A_2035 : f32
      %mul3A_2037 = arith.mulf %get3A_2027, %get3A_2030 : f32
      %min3A_2038 = vector.broadcast %sub3A_2033 : f32 to vector<8x128xf32>
      %min3A_2039 = arith.minimumf %get3A_1735, %min3A_2038 : vector<8x128xf32>
      %max3A_2040 = vector.broadcast %get3A_2021 : f32 to vector<8x128xf32>
      %max3A_2041 = arith.maximumf %get3A_1725, %max3A_2040 : vector<8x128xf32>
      %sub3A_2042 = arith.subf %min3A_2039, %max3A_2041 : vector<8x128xf32>
      %add3A_2043 = arith.constant 1.000000e+00 : f32
      %add3A_2044 = vector.broadcast %add3A_2043 : f32 to vector<8x128xf32>
      %add3A_2045 = arith.addf %sub3A_2042, %add3A_2044 : vector<8x128xf32>
      %max3A_2046 = arith.constant 0.000000e+00 : f32
      %max3A_2047 = vector.broadcast %max3A_2046 : f32 to vector<8x128xf32>
      %max3A_2048 = arith.maximumf %max3A_2047, %add3A_2045 : vector<8x128xf32>
      %min3A_2049 = vector.broadcast %sub3A_2036 : f32 to vector<8x128xf32>
      %min3A_2050 = arith.minimumf %get3A_1740, %min3A_2049 : vector<8x128xf32>
      %max3A_2051 = vector.broadcast %get3A_2024 : f32 to vector<8x128xf32>
      %max3A_2052 = arith.maximumf %get3A_1730, %max3A_2051 : vector<8x128xf32>
      %sub3A_2053 = arith.subf %min3A_2050, %max3A_2052 : vector<8x128xf32>
      %add3A_2054 = arith.constant 1.000000e+00 : f32
      %add3A_2055 = vector.broadcast %add3A_2054 : f32 to vector<8x128xf32>
      %add3A_2056 = arith.addf %sub3A_2053, %add3A_2055 : vector<8x128xf32>
      %max3A_2057 = arith.constant 0.000000e+00 : f32
      %max3A_2058 = vector.broadcast %max3A_2057 : f32 to vector<8x128xf32>
      %max3A_2059 = arith.maximumf %max3A_2058, %add3A_2056 : vector<8x128xf32>
      %mul3A_2060 = arith.mulf %max3A_2048, %max3A_2059 : vector<8x128xf32>
      %add3A_2061 = vector.broadcast %mul3A_2037 : f32 to vector<8x128xf32>
      %add3A_2062 = arith.addf %get3A_1745, %add3A_2061 : vector<8x128xf32>
      %sub3A_2063 = arith.subf %add3A_2062, %mul3A_2060 : vector<8x128xf32>
      %div3A_2064 = arith.divf %mul3A_2060, %sub3A_2063 : vector<8x128xf32>
      %eq3A_2065 = arith.constant 0.000000e+00 : f32
      %eq3A_2066 = vector.broadcast %eq3A_2065 : f32 to vector<8x128xf32>
      %eq3A_2067 = arith.cmpf oeq, %div3A_2064, %eq3A_2066 : vector<8x128xf32>
      %jit3A_2068 = arith.constant 1.000000e-10 : f32
      %broadcast_in_dim3A_2069 = vector.broadcast %jit3A_2068 : f32 to vector<8x128xf32>
      %select_n3A_2070 = arith.select %eq3A_2067, %broadcast_in_dim3A_2069, %div3A_2064 : vector<8x128xi1>, vector<8x128xf32>
      %jit3A_2071 = arith.constant -1.000000e+00 : f32
      %broadcast_in_dim3A_2072 = vector.broadcast %jit3A_2071 : f32 to vector<8x128xf32>
      %select_n3A_2073 = arith.select %ne3A_1753, %select_n3A_2070, %broadcast_in_dim3A_2072 : vector<8x128xi1>, vector<8x128xf32>
      %gt3A_2074 = arith.cmpf ogt, %select_n3A_2070, %select_n3A_1985 : vector<8x128xf32>
      %select_n3A_2075 = arith.select %gt3A_2074, %select_n3A_2070, %select_n3A_1985 : vector<8x128xi1>, vector<8x128xf32>
      %broadcast_in_dim3A_2076 = vector.broadcast %get3A_2021 : f32 to vector<8x128xf32>
      %select_n3A_2077 = arith.select %gt3A_2074, %broadcast_in_dim3A_2076, %select_n3A_1987 : vector<8x128xi1>, vector<8x128xf32>
      %broadcast_in_dim3A_2078 = vector.broadcast %get3A_2024 : f32 to vector<8x128xf32>
      %select_n3A_2079 = arith.select %gt3A_2074, %broadcast_in_dim3A_2078, %select_n3A_1989 : vector<8x128xi1>, vector<8x128xf32>
      %broadcast_in_dim3A_2080 = vector.broadcast %get3A_2027 : f32 to vector<8x128xf32>
      %select_n3A_2081 = arith.select %gt3A_2074, %broadcast_in_dim3A_2080, %select_n3A_1991 : vector<8x128xi1>, vector<8x128xf32>
      %broadcast_in_dim3A_2082 = vector.broadcast %get3A_2030 : f32 to vector<8x128xf32>
      %select_n3A_2083 = arith.select %gt3A_2074, %broadcast_in_dim3A_2082, %select_n3A_1993 : vector<8x128xi1>, vector<8x128xf32>
      %get3A_2084 = arith.constant 3 : index
      %get3A_2085 = arith.constant 0 : index
      %get3A_2086 = arith.constant 0 : index
      %get3A_2087 = vector.load %arg9[%get3A_2084, %get3A_2085, %get3A_2086] : memref<32x8x128xf32, #tpu.memory_space<vmem>>, vector<1x8x128xf32>
      %get3A_2088 = vector.shape_cast %get3A_2087 : vector<1x8x128xf32> to vector<8x128xf32>
      %gt3A_2089 = arith.cmpf ogt, %select_n3A_2073, %get3A_2088 : vector<8x128xf32>
      %select_n3A_2090 = arith.select %gt3A_2089, %select_n3A_2073, %get3A_2088 : vector<8x128xi1>, vector<8x128xf32>
      %swap3A_2091 = arith.constant 3 : index
      %swap3A_2092 = arith.constant 0 : index
      %swap3A_2093 = arith.constant 0 : index
      %swap3A_2094 = vector.load %arg9[%swap3A_2091, %swap3A_2092, %swap3A_2093] : memref<32x8x128xf32, #tpu.memory_space<vmem>>, vector<1x8x128xf32>
      %swap3A_2095 = vector.shape_cast %swap3A_2094 : vector<1x8x128xf32> to vector<8x128xf32>
      %swap3A_2096 = vector.shape_cast %select_n3A_2090 : vector<8x128xf32> to vector<1x8x128xf32>
      tpu.vector_store %arg9[%swap3A_2091, %swap3A_2092, %swap3A_2093], %swap3A_2096 {strides = array<i32>} : memref<32x8x128xf32, #tpu.memory_space<vmem>>, vector<1x8x128xf32>,
      %get3A_2097 = arith.constant 3 : index
      %get3A_2098 = arith.constant 0 : index
      %get3A_2099 = arith.constant 0 : index
      %get3A_2100 = vector.load %arg10[%get3A_2097, %get3A_2098, %get3A_2099] : memref<32x8x128xi32, #tpu.memory_space<vmem>>, vector<1x8x128xi32>
      %get3A_2101 = vector.shape_cast %get3A_2100 : vector<1x8x128xi32> to vector<8x128xi32>
      %select_n3A_2102 = arith.select %gt3A_2089, %add3A_1757, %get3A_2101 : vector<8x128xi1>, vector<8x128xi32>
      %swap3A_2103 = arith.constant 3 : index
      %swap3A_2104 = arith.constant 0 : index
      %swap3A_2105 = arith.constant 0 : index
      %swap3A_2106 = vector.load %arg10[%swap3A_2103, %swap3A_2104, %swap3A_2105] : memref<32x8x128xi32, #tpu.memory_space<vmem>>, vector<1x8x128xi32>
      %swap3A_2107 = vector.shape_cast %swap3A_2106 : vector<1x8x128xi32> to vector<8x128xi32>
      %swap3A_2108 = vector.shape_cast %select_n3A_2102 : vector<8x128xi32> to vector<1x8x128xi32>
      tpu.vector_store %arg10[%swap3A_2103, %swap3A_2104, %swap3A_2105], %swap3A_2108 {strides = array<i32>} : memref<32x8x128xi32, #tpu.memory_space<vmem>>, vector<1x8x128xi32>,
      %get3A_2109 = arith.constant 4 : index
      %get3A_2110 = arith.constant 0 : index
      %get3A_2111 = memref.load %arg0[%get3A_2109, %get3A_2110] : memref<32x4xf32, #tpu.memory_space<smem>>
      %get3A_2112 = arith.constant 4 : index
      %get3A_2113 = arith.constant 1 : index
      %get3A_2114 = memref.load %arg0[%get3A_2112, %get3A_2113] : memref<32x4xf32, #tpu.memory_space<smem>>
      %get3A_2115 = arith.constant 4 : index
      %get3A_2116 = arith.constant 2 : index
      %get3A_2117 = memref.load %arg0[%get3A_2115, %get3A_2116] : memref<32x4xf32, #tpu.memory_space<smem>>
      %get3A_2118 = arith.constant 4 : index
      %get3A_2119 = arith.constant 3 : index
      %get3A_2120 = memref.load %arg0[%get3A_2118, %get3A_2119] : memref<32x4xf32, #tpu.memory_space<smem>>
      %add3A_2121 = arith.addf %get3A_2111, %get3A_2117 : f32
      %sub3A_2122 = arith.constant 1.000000e+00 : f32
      %sub3A_2123 = arith.subf %add3A_2121, %sub3A_2122 : f32
      %add3A_2124 = arith.addf %get3A_2114, %get3A_2120 : f32
      %sub3A_2125 = arith.constant 1.000000e+00 : f32
      %sub3A_2126 = arith.subf %add3A_2124, %sub3A_2125 : f32
      %mul3A_2127 = arith.mulf %get3A_2117, %get3A_2120 : f32
      %min3A_2128 = vector.broadcast %sub3A_2123 : f32 to vector<8x128xf32>
      %min3A_2129 = arith.minimumf %get3A_1735, %min3A_2128 : vector<8x128xf32>
      %max3A_2130 = vector.broadcast %get3A_2111 : f32 to vector<8x128xf32>
      %max3A_2131 = arith.maximumf %get3A_1725, %max3A_2130 : vector<8x128xf32>
      %sub3A_2132 = arith.subf %min3A_2129, %max3A_2131 : vector<8x128xf32>
      %add3A_2133 = arith.constant 1.000000e+00 : f32
      %add3A_2134 = vector.broadcast %add3A_2133 : f32 to vector<8x128xf32>
      %add3A_2135 = arith.addf %sub3A_2132, %add3A_2134 : vector<8x128xf32>
      %max3A_2136 = arith.constant 0.000000e+00 : f32
      %max3A_2137 = vector.broadcast %max3A_2136 : f32 to vector<8x128xf32>
      %max3A_2138 = arith.maximumf %max3A_2137, %add3A_2135 : vector<8x128xf32>
      %min3A_2139 = vector.broadcast %sub3A_2126 : f32 to vector<8x128xf32>
      %min3A_2140 = arith.minimumf %get3A_1740, %min3A_2139 : vector<8x128xf32>
      %max3A_2141 = vector.broadcast %get3A_2114 : f32 to vector<8x128xf32>
      %max3A_2142 = arith.maximumf %get3A_1730, %max3A_2141 : vector<8x128xf32>
      %sub3A_2143 = arith.subf %min3A_2140, %max3A_2142 : vector<8x128xf32>
      %add3A_2144 = arith.constant 1.000000e+00 : f32
      %add3A_2145 = vector.broadcast %add3A_2144 : f32 to vector<8x128xf32>
      %add3A_2146 = arith.addf %sub3A_2143, %add3A_2145 : vector<8x128xf32>
      %max3A_2147 = arith.constant 0.000000e+00 : f32
      %max3A_2148 = vector.broadcast %max3A_2147 : f32 to vector<8x128xf32>
      %max3A_2149 = arith.maximumf %max3A_2148, %add3A_2146 : vector<8x128xf32>
      %mul3A_2150 = arith.mulf %max3A_2138, %max3A_2149 : vector<8x128xf32>
      %add3A_2151 = vector.broadcast %mul3A_2127 : f32 to vector<8x128xf32>
      %add3A_2152 = arith.addf %get3A_1745, %add3A_2151 : vector<8x128xf32>
      %sub3A_2153 = arith.subf %add3A_2152, %mul3A_2150 : vector<8x128xf32>
      %div3A_2154 = arith.divf %mul3A_2150, %sub3A_2153 : vector<8x128xf32>
      %eq3A_2155 = arith.constant 0.000000e+00 : f32
      %eq3A_2156 = vector.broadcast %eq3A_2155 : f32 to vector<8x128xf32>
      %eq3A_2157 = arith.cmpf oeq, %div3A_2154, %eq3A_2156 : vector<8x128xf32>
      %jit3A_2158 = arith.constant 1.000000e-10 : f32
      %broadcast_in_dim3A_2159 = vector.broadcast %jit3A_2158 : f32 to vector<8x128xf32>
      %select_n3A_2160 = arith.select %eq3A_2157, %broadcast_in_dim3A_2159, %div3A_2154 : vector<8x128xi1>, vector<8x128xf32>
      %jit3A_2161 = arith.constant -1.000000e+00 : f32
      %broadcast_in_dim3A_2162 = vector.broadcast %jit3A_2161 : f32 to vector<8x128xf32>
      %select_n3A_2163 = arith.select %ne3A_1753, %select_n3A_2160, %broadcast_in_dim3A_2162 : vector<8x128xi1>, vector<8x128xf32>
      %gt3A_2164 = arith.cmpf ogt, %select_n3A_2160, %select_n3A_2075 : vector<8x128xf32>
      %select_n3A_2165 = arith.select %gt3A_2164, %select_n3A_2160, %select_n3A_2075 : vector<8x128xi1>, vector<8x128xf32>
      %broadcast_in_dim3A_2166 = vector.broadcast %get3A_2111 : f32 to vector<8x128xf32>
      %select_n3A_2167 = arith.select %gt3A_2164, %broadcast_in_dim3A_2166, %select_n3A_2077 : vector<8x128xi1>, vector<8x128xf32>
      %broadcast_in_dim3A_2168 = vector.broadcast %get3A_2114 : f32 to vector<8x128xf32>
      %select_n3A_2169 = arith.select %gt3A_2164, %broadcast_in_dim3A_2168, %select_n3A_2079 : vector<8x128xi1>, vector<8x128xf32>
      %broadcast_in_dim3A_2170 = vector.broadcast %get3A_2117 : f32 to vector<8x128xf32>
      %select_n3A_2171 = arith.select %gt3A_2164, %broadcast_in_dim3A_2170, %select_n3A_2081 : vector<8x128xi1>, vector<8x128xf32>
      %broadcast_in_dim3A_2172 = vector.broadcast %get3A_2120 : f32 to vector<8x128xf32>
      %select_n3A_2173 = arith.select %gt3A_2164, %broadcast_in_dim3A_2172, %select_n3A_2083 : vector<8x128xi1>, vector<8x128xf32>
      %get3A_2174 = arith.constant 4 : index
      %get3A_2175 = arith.constant 0 : index
      %get3A_2176 = arith.constant 0 : index
      %get3A_2177 = vector.load %arg9[%get3A_2174, %get3A_2175, %get3A_2176] : memref<32x8x128xf32, #tpu.memory_space<vmem>>, vector<1x8x128xf32>
      %get3A_2178 = vector.shape_cast %get3A_2177 : vector<1x8x128xf32> to vector<8x128xf32>
      %gt3A_2179 = arith.cmpf ogt, %select_n3A_2163, %get3A_2178 : vector<8x128xf32>
      %select_n3A_2180 = arith.select %gt3A_2179, %select_n3A_2163, %get3A_2178 : vector<8x128xi1>, vector<8x128xf32>
      %swap3A_2181 = arith.constant 4 : index
      %swap3A_2182 = arith.constant 0 : index
      %swap3A_2183 = arith.constant 0 : index
      %swap3A_2184 = vector.load %arg9[%swap3A_2181, %swap3A_2182, %swap3A_2183] : memref<32x8x128xf32, #tpu.memory_space<vmem>>, vector<1x8x128xf32>
      %swap3A_2185 = vector.shape_cast %swap3A_2184 : vector<1x8x128xf32> to vector<8x128xf32>
      %swap3A_2186 = vector.shape_cast %select_n3A_2180 : vector<8x128xf32> to vector<1x8x128xf32>
      tpu.vector_store %arg9[%swap3A_2181, %swap3A_2182, %swap3A_2183], %swap3A_2186 {strides = array<i32>} : memref<32x8x128xf32, #tpu.memory_space<vmem>>, vector<1x8x128xf32>,
      %get3A_2187 = arith.constant 4 : index
      %get3A_2188 = arith.constant 0 : index
      %get3A_2189 = arith.constant 0 : index
      %get3A_2190 = vector.load %arg10[%get3A_2187, %get3A_2188, %get3A_2189] : memref<32x8x128xi32, #tpu.memory_space<vmem>>, vector<1x8x128xi32>
      %get3A_2191 = vector.shape_cast %get3A_2190 : vector<1x8x128xi32> to vector<8x128xi32>
      %select_n3A_2192 = arith.select %gt3A_2179, %add3A_1757, %get3A_2191 : vector<8x128xi1>, vector<8x128xi32>
      %swap3A_2193 = arith.constant 4 : index
      %swap3A_2194 = arith.constant 0 : index
      %swap3A_2195 = arith.constant 0 : index
      %swap3A_2196 = vector.load %arg10[%swap3A_2193, %swap3A_2194, %swap3A_2195] : memref<32x8x128xi32, #tpu.memory_space<vmem>>, vector<1x8x128xi32>
      %swap3A_2197 = vector.shape_cast %swap3A_2196 : vector<1x8x128xi32> to vector<8x128xi32>
      %swap3A_2198 = vector.shape_cast %select_n3A_2192 : vector<8x128xi32> to vector<1x8x128xi32>
      tpu.vector_store %arg10[%swap3A_2193, %swap3A_2194, %swap3A_2195], %swap3A_2198 {strides = array<i32>} : memref<32x8x128xi32, #tpu.memory_space<vmem>>, vector<1x8x128xi32>,
      %get3A_2199 = arith.constant 5 : index
      %get3A_2200 = arith.constant 0 : index
      %get3A_2201 = memref.load %arg0[%get3A_2199, %get3A_2200] : memref<32x4xf32, #tpu.memory_space<smem>>
      %get3A_2202 = arith.constant 5 : index
      %get3A_2203 = arith.constant 1 : index
      %get3A_2204 = memref.load %arg0[%get3A_2202, %get3A_2203] : memref<32x4xf32, #tpu.memory_space<smem>>
      %get3A_2205 = arith.constant 5 : index
      %get3A_2206 = arith.constant 2 : index
      %get3A_2207 = memref.load %arg0[%get3A_2205, %get3A_2206] : memref<32x4xf32, #tpu.memory_space<smem>>
      %get3A_2208 = arith.constant 5 : index
      %get3A_2209 = arith.constant 3 : index
      %get3A_2210 = memref.load %arg0[%get3A_2208, %get3A_2209] : memref<32x4xf32, #tpu.memory_space<smem>>
      %add3A_2211 = arith.addf %get3A_2201, %get3A_2207 : f32
      %sub3A_2212 = arith.constant 1.000000e+00 : f32
      %sub3A_2213 = arith.subf %add3A_2211, %sub3A_2212 : f32
      %add3A_2214 = arith.addf %get3A_2204, %get3A_2210 : f32
      %sub3A_2215 = arith.constant 1.000000e+00 : f32
      %sub3A_2216 = arith.subf %add3A_2214, %sub3A_2215 : f32
      %mul3A_2217 = arith.mulf %get3A_2207, %get3A_2210 : f32
      %min3A_2218 = vector.broadcast %sub3A_2213 : f32 to vector<8x128xf32>
      %min3A_2219 = arith.minimumf %get3A_1735, %min3A_2218 : vector<8x128xf32>
      %max3A_2220 = vector.broadcast %get3A_2201 : f32 to vector<8x128xf32>
      %max3A_2221 = arith.maximumf %get3A_1725, %max3A_2220 : vector<8x128xf32>
      %sub3A_2222 = arith.subf %min3A_2219, %max3A_2221 : vector<8x128xf32>
      %add3A_2223 = arith.constant 1.000000e+00 : f32
      %add3A_2224 = vector.broadcast %add3A_2223 : f32 to vector<8x128xf32>
      %add3A_2225 = arith.addf %sub3A_2222, %add3A_2224 : vector<8x128xf32>
      %max3A_2226 = arith.constant 0.000000e+00 : f32
      %max3A_2227 = vector.broadcast %max3A_2226 : f32 to vector<8x128xf32>
      %max3A_2228 = arith.maximumf %max3A_2227, %add3A_2225 : vector<8x128xf32>
      %min3A_2229 = vector.broadcast %sub3A_2216 : f32 to vector<8x128xf32>
      %min3A_2230 = arith.minimumf %get3A_1740, %min3A_2229 : vector<8x128xf32>
      %max3A_2231 = vector.broadcast %get3A_2204 : f32 to vector<8x128xf32>
      %max3A_2232 = arith.maximumf %get3A_1730, %max3A_2231 : vector<8x128xf32>
      %sub3A_2233 = arith.subf %min3A_2230, %max3A_2232 : vector<8x128xf32>
      %add3A_2234 = arith.constant 1.000000e+00 : f32
      %add3A_2235 = vector.broadcast %add3A_2234 : f32 to vector<8x128xf32>
      %add3A_2236 = arith.addf %sub3A_2233, %add3A_2235 : vector<8x128xf32>
      %max3A_2237 = arith.constant 0.000000e+00 : f32
      %max3A_2238 = vector.broadcast %max3A_2237 : f32 to vector<8x128xf32>
      %max3A_2239 = arith.maximumf %max3A_2238, %add3A_2236 : vector<8x128xf32>
      %mul3A_2240 = arith.mulf %max3A_2228, %max3A_2239 : vector<8x128xf32>
      %add3A_2241 = vector.broadcast %mul3A_2217 : f32 to vector<8x128xf32>
      %add3A_2242 = arith.addf %get3A_1745, %add3A_2241 : vector<8x128xf32>
      %sub3A_2243 = arith.subf %add3A_2242, %mul3A_2240 : vector<8x128xf32>
      %div3A_2244 = arith.divf %mul3A_2240, %sub3A_2243 : vector<8x128xf32>
      %eq3A_2245 = arith.constant 0.000000e+00 : f32
      %eq3A_2246 = vector.broadcast %eq3A_2245 : f32 to vector<8x128xf32>
      %eq3A_2247 = arith.cmpf oeq, %div3A_2244, %eq3A_2246 : vector<8x128xf32>
      %jit3A_2248 = arith.constant 1.000000e-10 : f32
      %broadcast_in_dim3A_2249 = vector.broadcast %jit3A_2248 : f32 to vector<8x128xf32>
      %select_n3A_2250 = arith.select %eq3A_2247, %broadcast_in_dim3A_2249, %div3A_2244 : vector<8x128xi1>, vector<8x128xf32>
      %jit3A_2251 = arith.constant -1.000000e+00 : f32
      %broadcast_in_dim3A_2252 = vector.broadcast %jit3A_2251 : f32 to vector<8x128xf32>
      %select_n3A_2253 = arith.select %ne3A_1753, %select_n3A_2250, %broadcast_in_dim3A_2252 : vector<8x128xi1>, vector<8x128xf32>
      %gt3A_2254 = arith.cmpf ogt, %select_n3A_2250, %select_n3A_2165 : vector<8x128xf32>
      %select_n3A_2255 = arith.select %gt3A_2254, %select_n3A_2250, %select_n3A_2165 : vector<8x128xi1>, vector<8x128xf32>
      %broadcast_in_dim3A_2256 = vector.broadcast %get3A_2201 : f32 to vector<8x128xf32>
      %select_n3A_2257 = arith.select %gt3A_2254, %broadcast_in_dim3A_2256, %select_n3A_2167 : vector<8x128xi1>, vector<8x128xf32>
      %broadcast_in_dim3A_2258 = vector.broadcast %get3A_2204 : f32 to vector<8x128xf32>
      %select_n3A_2259 = arith.select %gt3A_2254, %broadcast_in_dim3A_2258, %select_n3A_2169 : vector<8x128xi1>, vector<8x128xf32>
      %broadcast_in_dim3A_2260 = vector.broadcast %get3A_2207 : f32 to vector<8x128xf32>
      %select_n3A_2261 = arith.select %gt3A_2254, %broadcast_in_dim3A_2260, %select_n3A_2171 : vector<8x128xi1>, vector<8x128xf32>
      %broadcast_in_dim3A_2262 = vector.broadcast %get3A_2210 : f32 to vector<8x128xf32>
      %select_n3A_2263 = arith.select %gt3A_2254, %broadcast_in_dim3A_2262, %select_n3A_2173 : vector<8x128xi1>, vector<8x128xf32>
      %get3A_2264 = arith.constant 5 : index
      %get3A_2265 = arith.constant 0 : index
      %get3A_2266 = arith.constant 0 : index
      %get3A_2267 = vector.load %arg9[%get3A_2264, %get3A_2265, %get3A_2266] : memref<32x8x128xf32, #tpu.memory_space<vmem>>, vector<1x8x128xf32>
      %get3A_2268 = vector.shape_cast %get3A_2267 : vector<1x8x128xf32> to vector<8x128xf32>
      %gt3A_2269 = arith.cmpf ogt, %select_n3A_2253, %get3A_2268 : vector<8x128xf32>
      %select_n3A_2270 = arith.select %gt3A_2269, %select_n3A_2253, %get3A_2268 : vector<8x128xi1>, vector<8x128xf32>
      %swap3A_2271 = arith.constant 5 : index
      %swap3A_2272 = arith.constant 0 : index
      %swap3A_2273 = arith.constant 0 : index
      %swap3A_2274 = vector.load %arg9[%swap3A_2271, %swap3A_2272, %swap3A_2273] : memref<32x8x128xf32, #tpu.memory_space<vmem>>, vector<1x8x128xf32>
      %swap3A_2275 = vector.shape_cast %swap3A_2274 : vector<1x8x128xf32> to vector<8x128xf32>
      %swap3A_2276 = vector.shape_cast %select_n3A_2270 : vector<8x128xf32> to vector<1x8x128xf32>
      tpu.vector_store %arg9[%swap3A_2271, %swap3A_2272, %swap3A_2273], %swap3A_2276 {strides = array<i32>} : memref<32x8x128xf32, #tpu.memory_space<vmem>>, vector<1x8x128xf32>,
      %get3A_2277 = arith.constant 5 : index
      %get3A_2278 = arith.constant 0 : index
      %get3A_2279 = arith.constant 0 : index
      %get3A_2280 = vector.load %arg10[%get3A_2277, %get3A_2278, %get3A_2279] : memref<32x8x128xi32, #tpu.memory_space<vmem>>, vector<1x8x128xi32>
      %get3A_2281 = vector.shape_cast %get3A_2280 : vector<1x8x128xi32> to vector<8x128xi32>
      %select_n3A_2282 = arith.select %gt3A_2269, %add3A_1757, %get3A_2281 : vector<8x128xi1>, vector<8x128xi32>
      %swap3A_2283 = arith.constant 5 : index
      %swap3A_2284 = arith.constant 0 : index
      %swap3A_2285 = arith.constant 0 : index
      %swap3A_2286 = vector.load %arg10[%swap3A_2283, %swap3A_2284, %swap3A_2285] : memref<32x8x128xi32, #tpu.memory_space<vmem>>, vector<1x8x128xi32>
      %swap3A_2287 = vector.shape_cast %swap3A_2286 : vector<1x8x128xi32> to vector<8x128xi32>
      %swap3A_2288 = vector.shape_cast %select_n3A_2282 : vector<8x128xi32> to vector<1x8x128xi32>
      tpu.vector_store %arg10[%swap3A_2283, %swap3A_2284, %swap3A_2285], %swap3A_2288 {strides = array<i32>} : memref<32x8x128xi32, #tpu.memory_space<vmem>>, vector<1x8x128xi32>,
      %get3A_2289 = arith.constant 6 : index
      %get3A_2290 = arith.constant 0 : index
      %get3A_2291 = memref.load %arg0[%get3A_2289, %get3A_2290] : memref<32x4xf32, #tpu.memory_space<smem>>
      %get3A_2292 = arith.constant 6 : index
      %get3A_2293 = arith.constant 1 : index
      %get3A_2294 = memref.load %arg0[%get3A_2292, %get3A_2293] : memref<32x4xf32, #tpu.memory_space<smem>>
      %get3A_2295 = arith.constant 6 : index
      %get3A_2296 = arith.constant 2 : index
      %get3A_2297 = memref.load %arg0[%get3A_2295, %get3A_2296] : memref<32x4xf32, #tpu.memory_space<smem>>
      %get3A_2298 = arith.constant 6 : index
      %get3A_2299 = arith.constant 3 : index
      %get3A_2300 = memref.load %arg0[%get3A_2298, %get3A_2299] : memref<32x4xf32, #tpu.memory_space<smem>>
      %add3A_2301 = arith.addf %get3A_2291, %get3A_2297 : f32
      %sub3A_2302 = arith.constant 1.000000e+00 : f32
      %sub3A_2303 = arith.subf %add3A_2301, %sub3A_2302 : f32
      %add3A_2304 = arith.addf %get3A_2294, %get3A_2300 : f32
      %sub3A_2305 = arith.constant 1.000000e+00 : f32
      %sub3A_2306 = arith.subf %add3A_2304, %sub3A_2305 : f32
      %mul3A_2307 = arith.mulf %get3A_2297, %get3A_2300 : f32
      %min3A_2308 = vector.broadcast %sub3A_2303 : f32 to vector<8x128xf32>
      %min3A_2309 = arith.minimumf %get3A_1735, %min3A_2308 : vector<8x128xf32>
      %max3A_2310 = vector.broadcast %get3A_2291 : f32 to vector<8x128xf32>
      %max3A_2311 = arith.maximumf %get3A_1725, %max3A_2310 : vector<8x128xf32>
      %sub3A_2312 = arith.subf %min3A_2309, %max3A_2311 : vector<8x128xf32>
      %add3A_2313 = arith.constant 1.000000e+00 : f32
      %add3A_2314 = vector.broadcast %add3A_2313 : f32 to vector<8x128xf32>
      %add3A_2315 = arith.addf %sub3A_2312, %add3A_2314 : vector<8x128xf32>
      %max3A_2316 = arith.constant 0.000000e+00 : f32
      %max3A_2317 = vector.broadcast %max3A_2316 : f32 to vector<8x128xf32>
      %max3A_2318 = arith.maximumf %max3A_2317, %add3A_2315 : vector<8x128xf32>
      %min3A_2319 = vector.broadcast %sub3A_2306 : f32 to vector<8x128xf32>
      %min3A_2320 = arith.minimumf %get3A_1740, %min3A_2319 : vector<8x128xf32>
      %max3A_2321 = vector.broadcast %get3A_2294 : f32 to vector<8x128xf32>
      %max3A_2322 = arith.maximumf %get3A_1730, %max3A_2321 : vector<8x128xf32>
      %sub3A_2323 = arith.subf %min3A_2320, %max3A_2322 : vector<8x128xf32>
      %add3A_2324 = arith.constant 1.000000e+00 : f32
      %add3A_2325 = vector.broadcast %add3A_2324 : f32 to vector<8x128xf32>
      %add3A_2326 = arith.addf %sub3A_2323, %add3A_2325 : vector<8x128xf32>
      %max3A_2327 = arith.constant 0.000000e+00 : f32
      %max3A_2328 = vector.broadcast %max3A_2327 : f32 to vector<8x128xf32>
      %max3A_2329 = arith.maximumf %max3A_2328, %add3A_2326 : vector<8x128xf32>
      %mul3A_2330 = arith.mulf %max3A_2318, %max3A_2329 : vector<8x128xf32>
      %add3A_2331 = vector.broadcast %mul3A_2307 : f32 to vector<8x128xf32>
      %add3A_2332 = arith.addf %get3A_1745, %add3A_2331 : vector<8x128xf32>
      %sub3A_2333 = arith.subf %add3A_2332, %mul3A_2330 : vector<8x128xf32>
      %div3A_2334 = arith.divf %mul3A_2330, %sub3A_2333 : vector<8x128xf32>
      %eq3A_2335 = arith.constant 0.000000e+00 : f32
      %eq3A_2336 = vector.broadcast %eq3A_2335 : f32 to vector<8x128xf32>
      %eq3A_2337 = arith.cmpf oeq, %div3A_2334, %eq3A_2336 : vector<8x128xf32>
      %jit3A_2338 = arith.constant 1.000000e-10 : f32
      %broadcast_in_dim3A_2339 = vector.broadcast %jit3A_2338 : f32 to vector<8x128xf32>
      %select_n3A_2340 = arith.select %eq3A_2337, %broadcast_in_dim3A_2339, %div3A_2334 : vector<8x128xi1>, vector<8x128xf32>
      %jit3A_2341 = arith.constant -1.000000e+00 : f32
      %broadcast_in_dim3A_2342 = vector.broadcast %jit3A_2341 : f32 to vector<8x128xf32>
      %select_n3A_2343 = arith.select %ne3A_1753, %select_n3A_2340, %broadcast_in_dim3A_2342 : vector<8x128xi1>, vector<8x128xf32>
      %gt3A_2344 = arith.cmpf ogt, %select_n3A_2340, %select_n3A_2255 : vector<8x128xf32>
      %select_n3A_2345 = arith.select %gt3A_2344, %select_n3A_2340, %select_n3A_2255 : vector<8x128xi1>, vector<8x128xf32>
      %broadcast_in_dim3A_2346 = vector.broadcast %get3A_2291 : f32 to vector<8x128xf32>
      %select_n3A_2347 = arith.select %gt3A_2344, %broadcast_in_dim3A_2346, %select_n3A_2257 : vector<8x128xi1>, vector<8x128xf32>
      %broadcast_in_dim3A_2348 = vector.broadcast %get3A_2294 : f32 to vector<8x128xf32>
      %select_n3A_2349 = arith.select %gt3A_2344, %broadcast_in_dim3A_2348, %select_n3A_2259 : vector<8x128xi1>, vector<8x128xf32>
      %broadcast_in_dim3A_2350 = vector.broadcast %get3A_2297 : f32 to vector<8x128xf32>
      %select_n3A_2351 = arith.select %gt3A_2344, %broadcast_in_dim3A_2350, %select_n3A_2261 : vector<8x128xi1>, vector<8x128xf32>
      %broadcast_in_dim3A_2352 = vector.broadcast %get3A_2300 : f32 to vector<8x128xf32>
      %select_n3A_2353 = arith.select %gt3A_2344, %broadcast_in_dim3A_2352, %select_n3A_2263 : vector<8x128xi1>, vector<8x128xf32>
      %get3A_2354 = arith.constant 6 : index
      %get3A_2355 = arith.constant 0 : index
      %get3A_2356 = arith.constant 0 : index
      %get3A_2357 = vector.load %arg9[%get3A_2354, %get3A_2355, %get3A_2356] : memref<32x8x128xf32, #tpu.memory_space<vmem>>, vector<1x8x128xf32>
      %get3A_2358 = vector.shape_cast %get3A_2357 : vector<1x8x128xf32> to vector<8x128xf32>
      %gt3A_2359 = arith.cmpf ogt, %select_n3A_2343, %get3A_2358 : vector<8x128xf32>
      %select_n3A_2360 = arith.select %gt3A_2359, %select_n3A_2343, %get3A_2358 : vector<8x128xi1>, vector<8x128xf32>
      %swap3A_2361 = arith.constant 6 : index
      %swap3A_2362 = arith.constant 0 : index
      %swap3A_2363 = arith.constant 0 : index
      %swap3A_2364 = vector.load %arg9[%swap3A_2361, %swap3A_2362, %swap3A_2363] : memref<32x8x128xf32, #tpu.memory_space<vmem>>, vector<1x8x128xf32>
      %swap3A_2365 = vector.shape_cast %swap3A_2364 : vector<1x8x128xf32> to vector<8x128xf32>
      %swap3A_2366 = vector.shape_cast %select_n3A_2360 : vector<8x128xf32> to vector<1x8x128xf32>
      tpu.vector_store %arg9[%swap3A_2361, %swap3A_2362, %swap3A_2363], %swap3A_2366 {strides = array<i32>} : memref<32x8x128xf32, #tpu.memory_space<vmem>>, vector<1x8x128xf32>,
      %get3A_2367 = arith.constant 6 : index
      %get3A_2368 = arith.constant 0 : index
      %get3A_2369 = arith.constant 0 : index
      %get3A_2370 = vector.load %arg10[%get3A_2367, %get3A_2368, %get3A_2369] : memref<32x8x128xi32, #tpu.memory_space<vmem>>, vector<1x8x128xi32>
      %get3A_2371 = vector.shape_cast %get3A_2370 : vector<1x8x128xi32> to vector<8x128xi32>
      %select_n3A_2372 = arith.select %gt3A_2359, %add3A_1757, %get3A_2371 : vector<8x128xi1>, vector<8x128xi32>
      %swap3A_2373 = arith.constant 6 : index
      %swap3A_2374 = arith.constant 0 : index
      %swap3A_2375 = arith.constant 0 : index
      %swap3A_2376 = vector.load %arg10[%swap3A_2373, %swap3A_2374, %swap3A_2375] : memref<32x8x128xi32, #tpu.memory_space<vmem>>, vector<1x8x128xi32>
      %swap3A_2377 = vector.shape_cast %swap3A_2376 : vector<1x8x128xi32> to vector<8x128xi32>
      %swap3A_2378 = vector.shape_cast %select_n3A_2372 : vector<8x128xi32> to vector<1x8x128xi32>
      tpu.vector_store %arg10[%swap3A_2373, %swap3A_2374, %swap3A_2375], %swap3A_2378 {strides = array<i32>} : memref<32x8x128xi32, #tpu.memory_space<vmem>>, vector<1x8x128xi32>,
      %get3A_2379 = arith.constant 7 : index
      %get3A_2380 = arith.constant 0 : index
      %get3A_2381 = memref.load %arg0[%get3A_2379, %get3A_2380] : memref<32x4xf32, #tpu.memory_space<smem>>
      %get3A_2382 = arith.constant 7 : index
      %get3A_2383 = arith.constant 1 : index
      %get3A_2384 = memref.load %arg0[%get3A_2382, %get3A_2383] : memref<32x4xf32, #tpu.memory_space<smem>>
      %get3A_2385 = arith.constant 7 : index
      %get3A_2386 = arith.constant 2 : index
      %get3A_2387 = memref.load %arg0[%get3A_2385, %get3A_2386] : memref<32x4xf32, #tpu.memory_space<smem>>
      %get3A_2388 = arith.constant 7 : index
      %get3A_2389 = arith.constant 3 : index
      %get3A_2390 = memref.load %arg0[%get3A_2388, %get3A_2389] : memref<32x4xf32, #tpu.memory_space<smem>>
      %add3A_2391 = arith.addf %get3A_2381, %get3A_2387 : f32
      %sub3A_2392 = arith.constant 1.000000e+00 : f32
      %sub3A_2393 = arith.subf %add3A_2391, %sub3A_2392 : f32
      %add3A_2394 = arith.addf %get3A_2384, %get3A_2390 : f32
      %sub3A_2395 = arith.constant 1.000000e+00 : f32
      %sub3A_2396 = arith.subf %add3A_2394, %sub3A_2395 : f32
      %mul3A_2397 = arith.mulf %get3A_2387, %get3A_2390 : f32
      %min3A_2398 = vector.broadcast %sub3A_2393 : f32 to vector<8x128xf32>
      %min3A_2399 = arith.minimumf %get3A_1735, %min3A_2398 : vector<8x128xf32>
      %max3A_2400 = vector.broadcast %get3A_2381 : f32 to vector<8x128xf32>
      %max3A_2401 = arith.maximumf %get3A_1725, %max3A_2400 : vector<8x128xf32>
      %sub3A_2402 = arith.subf %min3A_2399, %max3A_2401 : vector<8x128xf32>
      %add3A_2403 = arith.constant 1.000000e+00 : f32
      %add3A_2404 = vector.broadcast %add3A_2403 : f32 to vector<8x128xf32>
      %add3A_2405 = arith.addf %sub3A_2402, %add3A_2404 : vector<8x128xf32>
      %max3A_2406 = arith.constant 0.000000e+00 : f32
      %max3A_2407 = vector.broadcast %max3A_2406 : f32 to vector<8x128xf32>
      %max3A_2408 = arith.maximumf %max3A_2407, %add3A_2405 : vector<8x128xf32>
      %min3A_2409 = vector.broadcast %sub3A_2396 : f32 to vector<8x128xf32>
      %min3A_2410 = arith.minimumf %get3A_1740, %min3A_2409 : vector<8x128xf32>
      %max3A_2411 = vector.broadcast %get3A_2384 : f32 to vector<8x128xf32>
      %max3A_2412 = arith.maximumf %get3A_1730, %max3A_2411 : vector<8x128xf32>
      %sub3A_2413 = arith.subf %min3A_2410, %max3A_2412 : vector<8x128xf32>
      %add3A_2414 = arith.constant 1.000000e+00 : f32
      %add3A_2415 = vector.broadcast %add3A_2414 : f32 to vector<8x128xf32>
      %add3A_2416 = arith.addf %sub3A_2413, %add3A_2415 : vector<8x128xf32>
      %max3A_2417 = arith.constant 0.000000e+00 : f32
      %max3A_2418 = vector.broadcast %max3A_2417 : f32 to vector<8x128xf32>
      %max3A_2419 = arith.maximumf %max3A_2418, %add3A_2416 : vector<8x128xf32>
      %mul3A_2420 = arith.mulf %max3A_2408, %max3A_2419 : vector<8x128xf32>
      %add3A_2421 = vector.broadcast %mul3A_2397 : f32 to vector<8x128xf32>
      %add3A_2422 = arith.addf %get3A_1745, %add3A_2421 : vector<8x128xf32>
      %sub3A_2423 = arith.subf %add3A_2422, %mul3A_2420 : vector<8x128xf32>
      %div3A_2424 = arith.divf %mul3A_2420, %sub3A_2423 : vector<8x128xf32>
      %eq3A_2425 = arith.constant 0.000000e+00 : f32
      %eq3A_2426 = vector.broadcast %eq3A_2425 : f32 to vector<8x128xf32>
      %eq3A_2427 = arith.cmpf oeq, %div3A_2424, %eq3A_2426 : vector<8x128xf32>
      %jit3A_2428 = arith.constant 1.000000e-10 : f32
      %broadcast_in_dim3A_2429 = vector.broadcast %jit3A_2428 : f32 to vector<8x128xf32>
      %select_n3A_2430 = arith.select %eq3A_2427, %broadcast_in_dim3A_2429, %div3A_2424 : vector<8x128xi1>, vector<8x128xf32>
      %jit3A_2431 = arith.constant -1.000000e+00 : f32
      %broadcast_in_dim3A_2432 = vector.broadcast %jit3A_2431 : f32 to vector<8x128xf32>
      %select_n3A_2433 = arith.select %ne3A_1753, %select_n3A_2430, %broadcast_in_dim3A_2432 : vector<8x128xi1>, vector<8x128xf32>
      %gt3A_2434 = arith.cmpf ogt, %select_n3A_2430, %select_n3A_2345 : vector<8x128xf32>
      %select_n3A_2435 = arith.select %gt3A_2434, %select_n3A_2430, %select_n3A_2345 : vector<8x128xi1>, vector<8x128xf32>
      %broadcast_in_dim3A_2436 = vector.broadcast %get3A_2381 : f32 to vector<8x128xf32>
      %select_n3A_2437 = arith.select %gt3A_2434, %broadcast_in_dim3A_2436, %select_n3A_2347 : vector<8x128xi1>, vector<8x128xf32>
      %broadcast_in_dim3A_2438 = vector.broadcast %get3A_2384 : f32 to vector<8x128xf32>
      %select_n3A_2439 = arith.select %gt3A_2434, %broadcast_in_dim3A_2438, %select_n3A_2349 : vector<8x128xi1>, vector<8x128xf32>
      %broadcast_in_dim3A_2440 = vector.broadcast %get3A_2387 : f32 to vector<8x128xf32>
      %select_n3A_2441 = arith.select %gt3A_2434, %broadcast_in_dim3A_2440, %select_n3A_2351 : vector<8x128xi1>, vector<8x128xf32>
      %broadcast_in_dim3A_2442 = vector.broadcast %get3A_2390 : f32 to vector<8x128xf32>
      %select_n3A_2443 = arith.select %gt3A_2434, %broadcast_in_dim3A_2442, %select_n3A_2353 : vector<8x128xi1>, vector<8x128xf32>
      %get3A_2444 = arith.constant 7 : index
      %get3A_2445 = arith.constant 0 : index
      %get3A_2446 = arith.constant 0 : index
      %get3A_2447 = vector.load %arg9[%get3A_2444, %get3A_2445, %get3A_2446] : memref<32x8x128xf32, #tpu.memory_space<vmem>>, vector<1x8x128xf32>
      %get3A_2448 = vector.shape_cast %get3A_2447 : vector<1x8x128xf32> to vector<8x128xf32>
      %gt3A_2449 = arith.cmpf ogt, %select_n3A_2433, %get3A_2448 : vector<8x128xf32>
      %select_n3A_2450 = arith.select %gt3A_2449, %select_n3A_2433, %get3A_2448 : vector<8x128xi1>, vector<8x128xf32>
      %swap3A_2451 = arith.constant 7 : index
      %swap3A_2452 = arith.constant 0 : index
      %swap3A_2453 = arith.constant 0 : index
      %swap3A_2454 = vector.load %arg9[%swap3A_2451, %swap3A_2452, %swap3A_2453] : memref<32x8x128xf32, #tpu.memory_space<vmem>>, vector<1x8x128xf32>
      %swap3A_2455 = vector.shape_cast %swap3A_2454 : vector<1x8x128xf32> to vector<8x128xf32>
      %swap3A_2456 = vector.shape_cast %select_n3A_2450 : vector<8x128xf32> to vector<1x8x128xf32>
      tpu.vector_store %arg9[%swap3A_2451, %swap3A_2452, %swap3A_2453], %swap3A_2456 {strides = array<i32>} : memref<32x8x128xf32, #tpu.memory_space<vmem>>, vector<1x8x128xf32>,
      %get3A_2457 = arith.constant 7 : index
      %get3A_2458 = arith.constant 0 : index
      %get3A_2459 = arith.constant 0 : index
      %get3A_2460 = vector.load %arg10[%get3A_2457, %get3A_2458, %get3A_2459] : memref<32x8x128xi32, #tpu.memory_space<vmem>>, vector<1x8x128xi32>
      %get3A_2461 = vector.shape_cast %get3A_2460 : vector<1x8x128xi32> to vector<8x128xi32>
      %select_n3A_2462 = arith.select %gt3A_2449, %add3A_1757, %get3A_2461 : vector<8x128xi1>, vector<8x128xi32>
      %swap3A_2463 = arith.constant 7 : index
      %swap3A_2464 = arith.constant 0 : index
      %swap3A_2465 = arith.constant 0 : index
      %swap3A_2466 = vector.load %arg10[%swap3A_2463, %swap3A_2464, %swap3A_2465] : memref<32x8x128xi32, #tpu.memory_space<vmem>>, vector<1x8x128xi32>
      %swap3A_2467 = vector.shape_cast %swap3A_2466 : vector<1x8x128xi32> to vector<8x128xi32>
      %swap3A_2468 = vector.shape_cast %select_n3A_2462 : vector<8x128xi32> to vector<1x8x128xi32>
      tpu.vector_store %arg10[%swap3A_2463, %swap3A_2464, %swap3A_2465], %swap3A_2468 {strides = array<i32>} : memref<32x8x128xi32, #tpu.memory_space<vmem>>, vector<1x8x128xi32>,
      %get3A_2469 = arith.constant 8 : index
      %get3A_2470 = arith.constant 0 : index
      %get3A_2471 = memref.load %arg0[%get3A_2469, %get3A_2470] : memref<32x4xf32, #tpu.memory_space<smem>>
      %get3A_2472 = arith.constant 8 : index
      %get3A_2473 = arith.constant 1 : index
      %get3A_2474 = memref.load %arg0[%get3A_2472, %get3A_2473] : memref<32x4xf32, #tpu.memory_space<smem>>
      %get3A_2475 = arith.constant 8 : index
      %get3A_2476 = arith.constant 2 : index
      %get3A_2477 = memref.load %arg0[%get3A_2475, %get3A_2476] : memref<32x4xf32, #tpu.memory_space<smem>>
      %get3A_2478 = arith.constant 8 : index
      %get3A_2479 = arith.constant 3 : index
      %get3A_2480 = memref.load %arg0[%get3A_2478, %get3A_2479] : memref<32x4xf32, #tpu.memory_space<smem>>
      %add3A_2481 = arith.addf %get3A_2471, %get3A_2477 : f32
      %sub3A_2482 = arith.constant 1.000000e+00 : f32
      %sub3A_2483 = arith.subf %add3A_2481, %sub3A_2482 : f32
      %add3A_2484 = arith.addf %get3A_2474, %get3A_2480 : f32
      %sub3A_2485 = arith.constant 1.000000e+00 : f32
      %sub3A_2486 = arith.subf %add3A_2484, %sub3A_2485 : f32
      %mul3A_2487 = arith.mulf %get3A_2477, %get3A_2480 : f32
      %min3A_2488 = vector.broadcast %sub3A_2483 : f32 to vector<8x128xf32>
      %min3A_2489 = arith.minimumf %get3A_1735, %min3A_2488 : vector<8x128xf32>
      %max3A_2490 = vector.broadcast %get3A_2471 : f32 to vector<8x128xf32>
      %max3A_2491 = arith.maximumf %get3A_1725, %max3A_2490 : vector<8x128xf32>
      %sub3A_2492 = arith.subf %min3A_2489, %max3A_2491 : vector<8x128xf32>
      %add3A_2493 = arith.constant 1.000000e+00 : f32
      %add3A_2494 = vector.broadcast %add3A_2493 : f32 to vector<8x128xf32>
      %add3A_2495 = arith.addf %sub3A_2492, %add3A_2494 : vector<8x128xf32>
      %max3A_2496 = arith.constant 0.000000e+00 : f32
      %max3A_2497 = vector.broadcast %max3A_2496 : f32 to vector<8x128xf32>
      %max3A_2498 = arith.maximumf %max3A_2497, %add3A_2495 : vector<8x128xf32>
      %min3A_2499 = vector.broadcast %sub3A_2486 : f32 to vector<8x128xf32>
      %min3A_2500 = arith.minimumf %get3A_1740, %min3A_2499 : vector<8x128xf32>
      %max3A_2501 = vector.broadcast %get3A_2474 : f32 to vector<8x128xf32>
      %max3A_2502 = arith.maximumf %get3A_1730, %max3A_2501 : vector<8x128xf32>
      %sub3A_2503 = arith.subf %min3A_2500, %max3A_2502 : vector<8x128xf32>
      %add3A_2504 = arith.constant 1.000000e+00 : f32
      %add3A_2505 = vector.broadcast %add3A_2504 : f32 to vector<8x128xf32>
      %add3A_2506 = arith.addf %sub3A_2503, %add3A_2505 : vector<8x128xf32>
      %max3A_2507 = arith.constant 0.000000e+00 : f32
      %max3A_2508 = vector.broadcast %max3A_2507 : f32 to vector<8x128xf32>
      %max3A_2509 = arith.maximumf %max3A_2508, %add3A_2506 : vector<8x128xf32>
      %mul3A_2510 = arith.mulf %max3A_2498, %max3A_2509 : vector<8x128xf32>
      %add3A_2511 = vector.broadcast %mul3A_2487 : f32 to vector<8x128xf32>
      %add3A_2512 = arith.addf %get3A_1745, %add3A_2511 : vector<8x128xf32>
      %sub3A_2513 = arith.subf %add3A_2512, %mul3A_2510 : vector<8x128xf32>
      %div3A_2514 = arith.divf %mul3A_2510, %sub3A_2513 : vector<8x128xf32>
      %eq3A_2515 = arith.constant 0.000000e+00 : f32
      %eq3A_2516 = vector.broadcast %eq3A_2515 : f32 to vector<8x128xf32>
      %eq3A_2517 = arith.cmpf oeq, %div3A_2514, %eq3A_2516 : vector<8x128xf32>
      %jit3A_2518 = arith.constant 1.000000e-10 : f32
      %broadcast_in_dim3A_2519 = vector.broadcast %jit3A_2518 : f32 to vector<8x128xf32>
      %select_n3A_2520 = arith.select %eq3A_2517, %broadcast_in_dim3A_2519, %div3A_2514 : vector<8x128xi1>, vector<8x128xf32>
      %jit3A_2521 = arith.constant -1.000000e+00 : f32
      %broadcast_in_dim3A_2522 = vector.broadcast %jit3A_2521 : f32 to vector<8x128xf32>
      %select_n3A_2523 = arith.select %ne3A_1753, %select_n3A_2520, %broadcast_in_dim3A_2522 : vector<8x128xi1>, vector<8x128xf32>
      %broadcast_in_dim3A_2524 = vector.broadcast %get3A_2471 : f32 to vector<8x128xf32>
      %broadcast_in_dim3A_2525 = vector.broadcast %get3A_2474 : f32 to vector<8x128xf32>
      %broadcast_in_dim3A_2526 = vector.broadcast %get3A_2477 : f32 to vector<8x128xf32>
      %broadcast_in_dim3A_2527 = vector.broadcast %get3A_2480 : f32 to vector<8x128xf32>
      %get3A_2528 = arith.constant 8 : index
      %get3A_2529 = arith.constant 0 : index
      %get3A_2530 = arith.constant 0 : index
      %get3A_2531 = vector.load %arg9[%get3A_2528, %get3A_2529, %get3A_2530] : memref<32x8x128xf32, #tpu.memory_space<vmem>>, vector<1x8x128xf32>
      %get3A_2532 = vector.shape_cast %get3A_2531 : vector<1x8x128xf32> to vector<8x128xf32>
      %gt3A_2533 = arith.cmpf ogt, %select_n3A_2523, %get3A_2532 : vector<8x128xf32>
      %select_n3A_2534 = arith.select %gt3A_2533, %select_n3A_2523, %get3A_2532 : vector<8x128xi1>, vector<8x128xf32>
      %swap3A_2535 = arith.constant 8 : index
      %swap3A_2536 = arith.constant 0 : index
      %swap3A_2537 = arith.constant 0 : index
      %swap3A_2538 = vector.load %arg9[%swap3A_2535, %swap3A_2536, %swap3A_2537] : memref<32x8x128xf32, #tpu.memory_space<vmem>>, vector<1x8x128xf32>
      %swap3A_2539 = vector.shape_cast %swap3A_2538 : vector<1x8x128xf32> to vector<8x128xf32>
      %swap3A_2540 = vector.shape_cast %select_n3A_2534 : vector<8x128xf32> to vector<1x8x128xf32>
      tpu.vector_store %arg9[%swap3A_2535, %swap3A_2536, %swap3A_2537], %swap3A_2540 {strides = array<i32>} : memref<32x8x128xf32, #tpu.memory_space<vmem>>, vector<1x8x128xf32>,
      %get3A_2541 = arith.constant 8 : index
      %get3A_2542 = arith.constant 0 : index
      %get3A_2543 = arith.constant 0 : index
      %get3A_2544 = vector.load %arg10[%get3A_2541, %get3A_2542, %get3A_2543] : memref<32x8x128xi32, #tpu.memory_space<vmem>>, vector<1x8x128xi32>
      %get3A_2545 = vector.shape_cast %get3A_2544 : vector<1x8x128xi32> to vector<8x128xi32>
      %select_n3A_2546 = arith.select %gt3A_2533, %add3A_1757, %get3A_2545 : vector<8x128xi1>, vector<8x128xi32>
      %swap3A_2547 = arith.constant 8 : index
      %swap3A_2548 = arith.constant 0 : index
      %swap3A_2549 = arith.constant 0 : index
      %swap3A_2550 = vector.load %arg10[%swap3A_2547, %swap3A_2548, %swap3A_2549] : memref<32x8x128xi32, #tpu.memory_space<vmem>>, vector<1x8x128xi32>
      %swap3A_2551 = vector.shape_cast %swap3A_2550 : vector<1x8x128xi32> to vector<8x128xi32>
      %swap3A_2552 = vector.shape_cast %select_n3A_2546 : vector<8x128xi32> to vector<1x8x128xi32>
      tpu.vector_store %arg10[%swap3A_2547, %swap3A_2548, %swap3A_2549], %swap3A_2552 {strides = array<i32>} : memref<32x8x128xi32, #tpu.memory_space<vmem>>, vector<1x8x128xi32>,
      %get3A_2553 = arith.constant 9 : index
      %get3A_2554 = arith.constant 0 : index
      %get3A_2555 = memref.load %arg0[%get3A_2553, %get3A_2554] : memref<32x4xf32, #tpu.memory_space<smem>>
      %get3A_2556 = arith.constant 9 : index
      %get3A_2557 = arith.constant 1 : index
      %get3A_2558 = memref.load %arg0[%get3A_2556, %get3A_2557] : memref<32x4xf32, #tpu.memory_space<smem>>
      %get3A_2559 = arith.constant 9 : index
      %get3A_2560 = arith.constant 2 : index
      %get3A_2561 = memref.load %arg0[%get3A_2559, %get3A_2560] : memref<32x4xf32, #tpu.memory_space<smem>>
      %get3A_2562 = arith.constant 9 : index
      %get3A_2563 = arith.constant 3 : index
      %get3A_2564 = memref.load %arg0[%get3A_2562, %get3A_2563] : memref<32x4xf32, #tpu.memory_space<smem>>
      %add3A_2565 = arith.addf %get3A_2555, %get3A_2561 : f32
      %sub3A_2566 = arith.constant 1.000000e+00 : f32
      %sub3A_2567 = arith.subf %add3A_2565, %sub3A_2566 : f32
      %add3A_2568 = arith.addf %get3A_2558, %get3A_2564 : f32
      %sub3A_2569 = arith.constant 1.000000e+00 : f32
      %sub3A_2570 = arith.subf %add3A_2568, %sub3A_2569 : f32
      %mul3A_2571 = arith.mulf %get3A_2561, %get3A_2564 : f32
      %min3A_2572 = vector.broadcast %sub3A_2567 : f32 to vector<8x128xf32>
      %min3A_2573 = arith.minimumf %get3A_1735, %min3A_2572 : vector<8x128xf32>
      %max3A_2574 = vector.broadcast %get3A_2555 : f32 to vector<8x128xf32>
      %max3A_2575 = arith.maximumf %get3A_1725, %max3A_2574 : vector<8x128xf32>
      %sub3A_2576 = arith.subf %min3A_2573, %max3A_2575 : vector<8x128xf32>
      %add3A_2577 = arith.constant 1.000000e+00 : f32
      %add3A_2578 = vector.broadcast %add3A_2577 : f32 to vector<8x128xf32>
      %add3A_2579 = arith.addf %sub3A_2576, %add3A_2578 : vector<8x128xf32>
      %max3A_2580 = arith.constant 0.000000e+00 : f32
      %max3A_2581 = vector.broadcast %max3A_2580 : f32 to vector<8x128xf32>
      %max3A_2582 = arith.maximumf %max3A_2581, %add3A_2579 : vector<8x128xf32>
      %min3A_2583 = vector.broadcast %sub3A_2570 : f32 to vector<8x128xf32>
      %min3A_2584 = arith.minimumf %get3A_1740, %min3A_2583 : vector<8x128xf32>
      %max3A_2585 = vector.broadcast %get3A_2558 : f32 to vector<8x128xf32>
      %max3A_2586 = arith.maximumf %get3A_1730, %max3A_2585 : vector<8x128xf32>
      %sub3A_2587 = arith.subf %min3A_2584, %max3A_2586 : vector<8x128xf32>
      %add3A_2588 = arith.constant 1.000000e+00 : f32
      %add3A_2589 = vector.broadcast %add3A_2588 : f32 to vector<8x128xf32>
      %add3A_2590 = arith.addf %sub3A_2587, %add3A_2589 : vector<8x128xf32>
      %max3A_2591 = arith.constant 0.000000e+00 : f32
      %max3A_2592 = vector.broadcast %max3A_2591 : f32 to vector<8x128xf32>
      %max3A_2593 = arith.maximumf %max3A_2592, %add3A_2590 : vector<8x128xf32>
      %mul3A_2594 = arith.mulf %max3A_2582, %max3A_2593 : vector<8x128xf32>
      %add3A_2595 = vector.broadcast %mul3A_2571 : f32 to vector<8x128xf32>
      %add3A_2596 = arith.addf %get3A_1745, %add3A_2595 : vector<8x128xf32>
      %sub3A_2597 = arith.subf %add3A_2596, %mul3A_2594 : vector<8x128xf32>
      %div3A_2598 = arith.divf %mul3A_2594, %sub3A_2597 : vector<8x128xf32>
      %eq3A_2599 = arith.constant 0.000000e+00 : f32
      %eq3A_2600 = vector.broadcast %eq3A_2599 : f32 to vector<8x128xf32>
      %eq3A_2601 = arith.cmpf oeq, %div3A_2598, %eq3A_2600 : vector<8x128xf32>
      %jit3A_2602 = arith.constant 1.000000e-10 : f32
      %broadcast_in_dim3A_2603 = vector.broadcast %jit3A_2602 : f32 to vector<8x128xf32>
      %select_n3A_2604 = arith.select %eq3A_2601, %broadcast_in_dim3A_2603, %div3A_2598 : vector<8x128xi1>, vector<8x128xf32>
      %jit3A_2605 = arith.constant -1.000000e+00 : f32
      %broadcast_in_dim3A_2606 = vector.broadcast %jit3A_2605 : f32 to vector<8x128xf32>
      %select_n3A_2607 = arith.select %ne3A_1753, %select_n3A_2604, %broadcast_in_dim3A_2606 : vector<8x128xi1>, vector<8x128xf32>
      %gt3A_2608 = arith.cmpf ogt, %select_n3A_2604, %select_n3A_2520 : vector<8x128xf32>
      %select_n3A_2609 = arith.select %gt3A_2608, %select_n3A_2604, %select_n3A_2520 : vector<8x128xi1>, vector<8x128xf32>
      %broadcast_in_dim3A_2610 = vector.broadcast %get3A_2555 : f32 to vector<8x128xf32>
      %select_n3A_2611 = arith.select %gt3A_2608, %broadcast_in_dim3A_2610, %broadcast_in_dim3A_2524 : vector<8x128xi1>, vector<8x128xf32>
      %broadcast_in_dim3A_2612 = vector.broadcast %get3A_2558 : f32 to vector<8x128xf32>
      %select_n3A_2613 = arith.select %gt3A_2608, %broadcast_in_dim3A_2612, %broadcast_in_dim3A_2525 : vector<8x128xi1>, vector<8x128xf32>
      %broadcast_in_dim3A_2614 = vector.broadcast %get3A_2561 : f32 to vector<8x128xf32>
      %select_n3A_2615 = arith.select %gt3A_2608, %broadcast_in_dim3A_2614, %broadcast_in_dim3A_2526 : vector<8x128xi1>, vector<8x128xf32>
      %broadcast_in_dim3A_2616 = vector.broadcast %get3A_2564 : f32 to vector<8x128xf32>
      %select_n3A_2617 = arith.select %gt3A_2608, %broadcast_in_dim3A_2616, %broadcast_in_dim3A_2527 : vector<8x128xi1>, vector<8x128xf32>
      %get3A_2618 = arith.constant 9 : index
      %get3A_2619 = arith.constant 0 : index
      %get3A_2620 = arith.constant 0 : index
      %get3A_2621 = vector.load %arg9[%get3A_2618, %get3A_2619, %get3A_2620] : memref<32x8x128xf32, #tpu.memory_space<vmem>>, vector<1x8x128xf32>
      %get3A_2622 = vector.shape_cast %get3A_2621 : vector<1x8x128xf32> to vector<8x128xf32>
      %gt3A_2623 = arith.cmpf ogt, %select_n3A_2607, %get3A_2622 : vector<8x128xf32>
      %select_n3A_2624 = arith.select %gt3A_2623, %select_n3A_2607, %get3A_2622 : vector<8x128xi1>, vector<8x128xf32>
      %swap3A_2625 = arith.constant 9 : index
      %swap3A_2626 = arith.constant 0 : index
      %swap3A_2627 = arith.constant 0 : index
      %swap3A_2628 = vector.load %arg9[%swap3A_2625, %swap3A_2626, %swap3A_2627] : memref<32x8x128xf32, #tpu.memory_space<vmem>>, vector<1x8x128xf32>
      %swap3A_2629 = vector.shape_cast %swap3A_2628 : vector<1x8x128xf32> to vector<8x128xf32>
      %swap3A_2630 = vector.shape_cast %select_n3A_2624 : vector<8x128xf32> to vector<1x8x128xf32>
      tpu.vector_store %arg9[%swap3A_2625, %swap3A_2626, %swap3A_2627], %swap3A_2630 {strides = array<i32>} : memref<32x8x128xf32, #tpu.memory_space<vmem>>, vector<1x8x128xf32>,
      %get3A_2631 = arith.constant 9 : index
      %get3A_2632 = arith.constant 0 : index
      %get3A_2633 = arith.constant 0 : index
      %get3A_2634 = vector.load %arg10[%get3A_2631, %get3A_2632, %get3A_2633] : memref<32x8x128xi32, #tpu.memory_space<vmem>>, vector<1x8x128xi32>
      %get3A_2635 = vector.shape_cast %get3A_2634 : vector<1x8x128xi32> to vector<8x128xi32>
      %select_n3A_2636 = arith.select %gt3A_2623, %add3A_1757, %get3A_2635 : vector<8x128xi1>, vector<8x128xi32>
      %swap3A_2637 = arith.constant 9 : index
      %swap3A_2638 = arith.constant 0 : index
      %swap3A_2639 = arith.constant 0 : index
      %swap3A_2640 = vector.load %arg10[%swap3A_2637, %swap3A_2638, %swap3A_2639] : memref<32x8x128xi32, #tpu.memory_space<vmem>>, vector<1x8x128xi32>
      %swap3A_2641 = vector.shape_cast %swap3A_2640 : vector<1x8x128xi32> to vector<8x128xi32>
      %swap3A_2642 = vector.shape_cast %select_n3A_2636 : vector<8x128xi32> to vector<1x8x128xi32>
      tpu.vector_store %arg10[%swap3A_2637, %swap3A_2638, %swap3A_2639], %swap3A_2642 {strides = array<i32>} : memref<32x8x128xi32, #tpu.memory_space<vmem>>, vector<1x8x128xi32>,
      %get3A_2643 = arith.constant 10 : index
      %get3A_2644 = arith.constant 0 : index
      %get3A_2645 = memref.load %arg0[%get3A_2643, %get3A_2644] : memref<32x4xf32, #tpu.memory_space<smem>>
      %get3A_2646 = arith.constant 10 : index
      %get3A_2647 = arith.constant 1 : index
      %get3A_2648 = memref.load %arg0[%get3A_2646, %get3A_2647] : memref<32x4xf32, #tpu.memory_space<smem>>
      %get3A_2649 = arith.constant 10 : index
      %get3A_2650 = arith.constant 2 : index
      %get3A_2651 = memref.load %arg0[%get3A_2649, %get3A_2650] : memref<32x4xf32, #tpu.memory_space<smem>>
      %get3A_2652 = arith.constant 10 : index
      %get3A_2653 = arith.constant 3 : index
      %get3A_2654 = memref.load %arg0[%get3A_2652, %get3A_2653] : memref<32x4xf32, #tpu.memory_space<smem>>
      %add3A_2655 = arith.addf %get3A_2645, %get3A_2651 : f32
      %sub3A_2656 = arith.constant 1.000000e+00 : f32
      %sub3A_2657 = arith.subf %add3A_2655, %sub3A_2656 : f32
      %add3A_2658 = arith.addf %get3A_2648, %get3A_2654 : f32
      %sub3A_2659 = arith.constant 1.000000e+00 : f32
      %sub3A_2660 = arith.subf %add3A_2658, %sub3A_2659 : f32
      %mul3A_2661 = arith.mulf %get3A_2651, %get3A_2654 : f32
      %min3A_2662 = vector.broadcast %sub3A_2657 : f32 to vector<8x128xf32>
      %min3A_2663 = arith.minimumf %get3A_1735, %min3A_2662 : vector<8x128xf32>
      %max3A_2664 = vector.broadcast %get3A_2645 : f32 to vector<8x128xf32>
      %max3A_2665 = arith.maximumf %get3A_1725, %max3A_2664 : vector<8x128xf32>
      %sub3A_2666 = arith.subf %min3A_2663, %max3A_2665 : vector<8x128xf32>
      %add3A_2667 = arith.constant 1.000000e+00 : f32
      %add3A_2668 = vector.broadcast %add3A_2667 : f32 to vector<8x128xf32>
      %add3A_2669 = arith.addf %sub3A_2666, %add3A_2668 : vector<8x128xf32>
      %max3A_2670 = arith.constant 0.000000e+00 : f32
      %max3A_2671 = vector.broadcast %max3A_2670 : f32 to vector<8x128xf32>
      %max3A_2672 = arith.maximumf %max3A_2671, %add3A_2669 : vector<8x128xf32>
      %min3A_2673 = vector.broadcast %sub3A_2660 : f32 to vector<8x128xf32>
      %min3A_2674 = arith.minimumf %get3A_1740, %min3A_2673 : vector<8x128xf32>
      %max3A_2675 = vector.broadcast %get3A_2648 : f32 to vector<8x128xf32>
      %max3A_2676 = arith.maximumf %get3A_1730, %max3A_2675 : vector<8x128xf32>
      %sub3A_2677 = arith.subf %min3A_2674, %max3A_2676 : vector<8x128xf32>
      %add3A_2678 = arith.constant 1.000000e+00 : f32
      %add3A_2679 = vector.broadcast %add3A_2678 : f32 to vector<8x128xf32>
      %add3A_2680 = arith.addf %sub3A_2677, %add3A_2679 : vector<8x128xf32>
      %max3A_2681 = arith.constant 0.000000e+00 : f32
      %max3A_2682 = vector.broadcast %max3A_2681 : f32 to vector<8x128xf32>
      %max3A_2683 = arith.maximumf %max3A_2682, %add3A_2680 : vector<8x128xf32>
      %mul3A_2684 = arith.mulf %max3A_2672, %max3A_2683 : vector<8x128xf32>
      %add3A_2685 = vector.broadcast %mul3A_2661 : f32 to vector<8x128xf32>
      %add3A_2686 = arith.addf %get3A_1745, %add3A_2685 : vector<8x128xf32>
      %sub3A_2687 = arith.subf %add3A_2686, %mul3A_2684 : vector<8x128xf32>
      %div3A_2688 = arith.divf %mul3A_2684, %sub3A_2687 : vector<8x128xf32>
      %eq3A_2689 = arith.constant 0.000000e+00 : f32
      %eq3A_2690 = vector.broadcast %eq3A_2689 : f32 to vector<8x128xf32>
      %eq3A_2691 = arith.cmpf oeq, %div3A_2688, %eq3A_2690 : vector<8x128xf32>
      %jit3A_2692 = arith.constant 1.000000e-10 : f32
      %broadcast_in_dim3A_2693 = vector.broadcast %jit3A_2692 : f32 to vector<8x128xf32>
      %select_n3A_2694 = arith.select %eq3A_2691, %broadcast_in_dim3A_2693, %div3A_2688 : vector<8x128xi1>, vector<8x128xf32>
      %jit3A_2695 = arith.constant -1.000000e+00 : f32
      %broadcast_in_dim3A_2696 = vector.broadcast %jit3A_2695 : f32 to vector<8x128xf32>
      %select_n3A_2697 = arith.select %ne3A_1753, %select_n3A_2694, %broadcast_in_dim3A_2696 : vector<8x128xi1>, vector<8x128xf32>
      %gt3A_2698 = arith.cmpf ogt, %select_n3A_2694, %select_n3A_2609 : vector<8x128xf32>
      %select_n3A_2699 = arith.select %gt3A_2698, %select_n3A_2694, %select_n3A_2609 : vector<8x128xi1>, vector<8x128xf32>
      %broadcast_in_dim3A_2700 = vector.broadcast %get3A_2645 : f32 to vector<8x128xf32>
      %select_n3A_2701 = arith.select %gt3A_2698, %broadcast_in_dim3A_2700, %select_n3A_2611 : vector<8x128xi1>, vector<8x128xf32>
      %broadcast_in_dim3A_2702 = vector.broadcast %get3A_2648 : f32 to vector<8x128xf32>
      %select_n3A_2703 = arith.select %gt3A_2698, %broadcast_in_dim3A_2702, %select_n3A_2613 : vector<8x128xi1>, vector<8x128xf32>
      %broadcast_in_dim3A_2704 = vector.broadcast %get3A_2651 : f32 to vector<8x128xf32>
      %select_n3A_2705 = arith.select %gt3A_2698, %broadcast_in_dim3A_2704, %select_n3A_2615 : vector<8x128xi1>, vector<8x128xf32>
      %broadcast_in_dim3A_2706 = vector.broadcast %get3A_2654 : f32 to vector<8x128xf32>
      %select_n3A_2707 = arith.select %gt3A_2698, %broadcast_in_dim3A_2706, %select_n3A_2617 : vector<8x128xi1>, vector<8x128xf32>
      %get3A_2708 = arith.constant 10 : index
      %get3A_2709 = arith.constant 0 : index
      %get3A_2710 = arith.constant 0 : index
      %get3A_2711 = vector.load %arg9[%get3A_2708, %get3A_2709, %get3A_2710] : memref<32x8x128xf32, #tpu.memory_space<vmem>>, vector<1x8x128xf32>
      %get3A_2712 = vector.shape_cast %get3A_2711 : vector<1x8x128xf32> to vector<8x128xf32>
      %gt3A_2713 = arith.cmpf ogt, %select_n3A_2697, %get3A_2712 : vector<8x128xf32>
      %select_n3A_2714 = arith.select %gt3A_2713, %select_n3A_2697, %get3A_2712 : vector<8x128xi1>, vector<8x128xf32>
      %swap3A_2715 = arith.constant 10 : index
      %swap3A_2716 = arith.constant 0 : index
      %swap3A_2717 = arith.constant 0 : index
      %swap3A_2718 = vector.load %arg9[%swap3A_2715, %swap3A_2716, %swap3A_2717] : memref<32x8x128xf32, #tpu.memory_space<vmem>>, vector<1x8x128xf32>
      %swap3A_2719 = vector.shape_cast %swap3A_2718 : vector<1x8x128xf32> to vector<8x128xf32>
      %swap3A_2720 = vector.shape_cast %select_n3A_2714 : vector<8x128xf32> to vector<1x8x128xf32>
      tpu.vector_store %arg9[%swap3A_2715, %swap3A_2716, %swap3A_2717], %swap3A_2720 {strides = array<i32>} : memref<32x8x128xf32, #tpu.memory_space<vmem>>, vector<1x8x128xf32>,
      %get3A_2721 = arith.constant 10 : index
      %get3A_2722 = arith.constant 0 : index
      %get3A_2723 = arith.constant 0 : index
      %get3A_2724 = vector.load %arg10[%get3A_2721, %get3A_2722, %get3A_2723] : memref<32x8x128xi32, #tpu.memory_space<vmem>>, vector<1x8x128xi32>
      %get3A_2725 = vector.shape_cast %get3A_2724 : vector<1x8x128xi32> to vector<8x128xi32>
      %select_n3A_2726 = arith.select %gt3A_2713, %add3A_1757, %get3A_2725 : vector<8x128xi1>, vector<8x128xi32>
      %swap3A_2727 = arith.constant 10 : index
      %swap3A_2728 = arith.constant 0 : index
      %swap3A_2729 = arith.constant 0 : index
      %swap3A_2730 = vector.load %arg10[%swap3A_2727, %swap3A_2728, %swap3A_2729] : memref<32x8x128xi32, #tpu.memory_space<vmem>>, vector<1x8x128xi32>
      %swap3A_2731 = vector.shape_cast %swap3A_2730 : vector<1x8x128xi32> to vector<8x128xi32>
      %swap3A_2732 = vector.shape_cast %select_n3A_2726 : vector<8x128xi32> to vector<1x8x128xi32>
      tpu.vector_store %arg10[%swap3A_2727, %swap3A_2728, %swap3A_2729], %swap3A_2732 {strides = array<i32>} : memref<32x8x128xi32, #tpu.memory_space<vmem>>, vector<1x8x128xi32>,
      %get3A_2733 = arith.constant 11 : index
      %get3A_2734 = arith.constant 0 : index
      %get3A_2735 = memref.load %arg0[%get3A_2733, %get3A_2734] : memref<32x4xf32, #tpu.memory_space<smem>>
      %get3A_2736 = arith.constant 11 : index
      %get3A_2737 = arith.constant 1 : index
      %get3A_2738 = memref.load %arg0[%get3A_2736, %get3A_2737] : memref<32x4xf32, #tpu.memory_space<smem>>
      %get3A_2739 = arith.constant 11 : index
      %get3A_2740 = arith.constant 2 : index
      %get3A_2741 = memref.load %arg0[%get3A_2739, %get3A_2740] : memref<32x4xf32, #tpu.memory_space<smem>>
      %get3A_2742 = arith.constant 11 : index
      %get3A_2743 = arith.constant 3 : index
      %get3A_2744 = memref.load %arg0[%get3A_2742, %get3A_2743] : memref<32x4xf32, #tpu.memory_space<smem>>
      %add3A_2745 = arith.addf %get3A_2735, %get3A_2741 : f32
      %sub3A_2746 = arith.constant 1.000000e+00 : f32
      %sub3A_2747 = arith.subf %add3A_2745, %sub3A_2746 : f32
      %add3A_2748 = arith.addf %get3A_2738, %get3A_2744 : f32
      %sub3A_2749 = arith.constant 1.000000e+00 : f32
      %sub3A_2750 = arith.subf %add3A_2748, %sub3A_2749 : f32
      %mul3A_2751 = arith.mulf %get3A_2741, %get3A_2744 : f32
      %min3A_2752 = vector.broadcast %sub3A_2747 : f32 to vector<8x128xf32>
      %min3A_2753 = arith.minimumf %get3A_1735, %min3A_2752 : vector<8x128xf32>
      %max3A_2754 = vector.broadcast %get3A_2735 : f32 to vector<8x128xf32>
      %max3A_2755 = arith.maximumf %get3A_1725, %max3A_2754 : vector<8x128xf32>
      %sub3A_2756 = arith.subf %min3A_2753, %max3A_2755 : vector<8x128xf32>
      %add3A_2757 = arith.constant 1.000000e+00 : f32
      %add3A_2758 = vector.broadcast %add3A_2757 : f32 to vector<8x128xf32>
      %add3A_2759 = arith.addf %sub3A_2756, %add3A_2758 : vector<8x128xf32>
      %max3A_2760 = arith.constant 0.000000e+00 : f32
      %max3A_2761 = vector.broadcast %max3A_2760 : f32 to vector<8x128xf32>
      %max3A_2762 = arith.maximumf %max3A_2761, %add3A_2759 : vector<8x128xf32>
      %min3A_2763 = vector.broadcast %sub3A_2750 : f32 to vector<8x128xf32>
      %min3A_2764 = arith.minimumf %get3A_1740, %min3A_2763 : vector<8x128xf32>
      %max3A_2765 = vector.broadcast %get3A_2738 : f32 to vector<8x128xf32>
      %max3A_2766 = arith.maximumf %get3A_1730, %max3A_2765 : vector<8x128xf32>
      %sub3A_2767 = arith.subf %min3A_2764, %max3A_2766 : vector<8x128xf32>
      %add3A_2768 = arith.constant 1.000000e+00 : f32
      %add3A_2769 = vector.broadcast %add3A_2768 : f32 to vector<8x128xf32>
      %add3A_2770 = arith.addf %sub3A_2767, %add3A_2769 : vector<8x128xf32>
      %max3A_2771 = arith.constant 0.000000e+00 : f32
      %max3A_2772 = vector.broadcast %max3A_2771 : f32 to vector<8x128xf32>
      %max3A_2773 = arith.maximumf %max3A_2772, %add3A_2770 : vector<8x128xf32>
      %mul3A_2774 = arith.mulf %max3A_2762, %max3A_2773 : vector<8x128xf32>
      %add3A_2775 = vector.broadcast %mul3A_2751 : f32 to vector<8x128xf32>
      %add3A_2776 = arith.addf %get3A_1745, %add3A_2775 : vector<8x128xf32>
      %sub3A_2777 = arith.subf %add3A_2776, %mul3A_2774 : vector<8x128xf32>
      %div3A_2778 = arith.divf %mul3A_2774, %sub3A_2777 : vector<8x128xf32>
      %eq3A_2779 = arith.constant 0.000000e+00 : f32
      %eq3A_2780 = vector.broadcast %eq3A_2779 : f32 to vector<8x128xf32>
      %eq3A_2781 = arith.cmpf oeq, %div3A_2778, %eq3A_2780 : vector<8x128xf32>
      %jit3A_2782 = arith.constant 1.000000e-10 : f32
      %broadcast_in_dim3A_2783 = vector.broadcast %jit3A_2782 : f32 to vector<8x128xf32>
      %select_n3A_2784 = arith.select %eq3A_2781, %broadcast_in_dim3A_2783, %div3A_2778 : vector<8x128xi1>, vector<8x128xf32>
      %jit3A_2785 = arith.constant -1.000000e+00 : f32
      %broadcast_in_dim3A_2786 = vector.broadcast %jit3A_2785 : f32 to vector<8x128xf32>
      %select_n3A_2787 = arith.select %ne3A_1753, %select_n3A_2784, %broadcast_in_dim3A_2786 : vector<8x128xi1>, vector<8x128xf32>
      %gt3A_2788 = arith.cmpf ogt, %select_n3A_2784, %select_n3A_2699 : vector<8x128xf32>
      %select_n3A_2789 = arith.select %gt3A_2788, %select_n3A_2784, %select_n3A_2699 : vector<8x128xi1>, vector<8x128xf32>
      %broadcast_in_dim3A_2790 = vector.broadcast %get3A_2735 : f32 to vector<8x128xf32>
      %select_n3A_2791 = arith.select %gt3A_2788, %broadcast_in_dim3A_2790, %select_n3A_2701 : vector<8x128xi1>, vector<8x128xf32>
      %broadcast_in_dim3A_2792 = vector.broadcast %get3A_2738 : f32 to vector<8x128xf32>
      %select_n3A_2793 = arith.select %gt3A_2788, %broadcast_in_dim3A_2792, %select_n3A_2703 : vector<8x128xi1>, vector<8x128xf32>
      %broadcast_in_dim3A_2794 = vector.broadcast %get3A_2741 : f32 to vector<8x128xf32>
      %select_n3A_2795 = arith.select %gt3A_2788, %broadcast_in_dim3A_2794, %select_n3A_2705 : vector<8x128xi1>, vector<8x128xf32>
      %broadcast_in_dim3A_2796 = vector.broadcast %get3A_2744 : f32 to vector<8x128xf32>
      %select_n3A_2797 = arith.select %gt3A_2788, %broadcast_in_dim3A_2796, %select_n3A_2707 : vector<8x128xi1>, vector<8x128xf32>
      %get3A_2798 = arith.constant 11 : index
      %get3A_2799 = arith.constant 0 : index
      %get3A_2800 = arith.constant 0 : index
      %get3A_2801 = vector.load %arg9[%get3A_2798, %get3A_2799, %get3A_2800] : memref<32x8x128xf32, #tpu.memory_space<vmem>>, vector<1x8x128xf32>
      %get3A_2802 = vector.shape_cast %get3A_2801 : vector<1x8x128xf32> to vector<8x128xf32>
      %gt3A_2803 = arith.cmpf ogt, %select_n3A_2787, %get3A_2802 : vector<8x128xf32>
      %select_n3A_2804 = arith.select %gt3A_2803, %select_n3A_2787, %get3A_2802 : vector<8x128xi1>, vector<8x128xf32>
      %swap3A_2805 = arith.constant 11 : index
      %swap3A_2806 = arith.constant 0 : index
      %swap3A_2807 = arith.constant 0 : index
      %swap3A_2808 = vector.load %arg9[%swap3A_2805, %swap3A_2806, %swap3A_2807] : memref<32x8x128xf32, #tpu.memory_space<vmem>>, vector<1x8x128xf32>
      %swap3A_2809 = vector.shape_cast %swap3A_2808 : vector<1x8x128xf32> to vector<8x128xf32>
      %swap3A_2810 = vector.shape_cast %select_n3A_2804 : vector<8x128xf32> to vector<1x8x128xf32>
      tpu.vector_store %arg9[%swap3A_2805, %swap3A_2806, %swap3A_2807], %swap3A_2810 {strides = array<i32>} : memref<32x8x128xf32, #tpu.memory_space<vmem>>, vector<1x8x128xf32>,
      %get3A_2811 = arith.constant 11 : index
      %get3A_2812 = arith.constant 0 : index
      %get3A_2813 = arith.constant 0 : index
      %get3A_2814 = vector.load %arg10[%get3A_2811, %get3A_2812, %get3A_2813] : memref<32x8x128xi32, #tpu.memory_space<vmem>>, vector<1x8x128xi32>
      %get3A_2815 = vector.shape_cast %get3A_2814 : vector<1x8x128xi32> to vector<8x128xi32>
      %select_n3A_2816 = arith.select %gt3A_2803, %add3A_1757, %get3A_2815 : vector<8x128xi1>, vector<8x128xi32>
      %swap3A_2817 = arith.constant 11 : index
      %swap3A_2818 = arith.constant 0 : index
      %swap3A_2819 = arith.constant 0 : index
      %swap3A_2820 = vector.load %arg10[%swap3A_2817, %swap3A_2818, %swap3A_2819] : memref<32x8x128xi32, #tpu.memory_space<vmem>>, vector<1x8x128xi32>
      %swap3A_2821 = vector.shape_cast %swap3A_2820 : vector<1x8x128xi32> to vector<8x128xi32>
      %swap3A_2822 = vector.shape_cast %select_n3A_2816 : vector<8x128xi32> to vector<1x8x128xi32>
      tpu.vector_store %arg10[%swap3A_2817, %swap3A_2818, %swap3A_2819], %swap3A_2822 {strides = array<i32>} : memref<32x8x128xi32, #tpu.memory_space<vmem>>, vector<1x8x128xi32>,
      %get3A_2823 = arith.constant 12 : index
      %get3A_2824 = arith.constant 0 : index
      %get3A_2825 = memref.load %arg0[%get3A_2823, %get3A_2824] : memref<32x4xf32, #tpu.memory_space<smem>>
      %get3A_2826 = arith.constant 12 : index
      %get3A_2827 = arith.constant 1 : index
      %get3A_2828 = memref.load %arg0[%get3A_2826, %get3A_2827] : memref<32x4xf32, #tpu.memory_space<smem>>
      %get3A_2829 = arith.constant 12 : index
      %get3A_2830 = arith.constant 2 : index
      %get3A_2831 = memref.load %arg0[%get3A_2829, %get3A_2830] : memref<32x4xf32, #tpu.memory_space<smem>>
      %get3A_2832 = arith.constant 12 : index
      %get3A_2833 = arith.constant 3 : index
      %get3A_2834 = memref.load %arg0[%get3A_2832, %get3A_2833] : memref<32x4xf32, #tpu.memory_space<smem>>
      %add3A_2835 = arith.addf %get3A_2825, %get3A_2831 : f32
      %sub3A_2836 = arith.constant 1.000000e+00 : f32
      %sub3A_2837 = arith.subf %add3A_2835, %sub3A_2836 : f32
      %add3A_2838 = arith.addf %get3A_2828, %get3A_2834 : f32
      %sub3A_2839 = arith.constant 1.000000e+00 : f32
      %sub3A_2840 = arith.subf %add3A_2838, %sub3A_2839 : f32
      %mul3A_2841 = arith.mulf %get3A_2831, %get3A_2834 : f32
      %min3A_2842 = vector.broadcast %sub3A_2837 : f32 to vector<8x128xf32>
      %min3A_2843 = arith.minimumf %get3A_1735, %min3A_2842 : vector<8x128xf32>
      %max3A_2844 = vector.broadcast %get3A_2825 : f32 to vector<8x128xf32>
      %max3A_2845 = arith.maximumf %get3A_1725, %max3A_2844 : vector<8x128xf32>
      %sub3A_2846 = arith.subf %min3A_2843, %max3A_2845 : vector<8x128xf32>
      %add3A_2847 = arith.constant 1.000000e+00 : f32
      %add3A_2848 = vector.broadcast %add3A_2847 : f32 to vector<8x128xf32>
      %add3A_2849 = arith.addf %sub3A_2846, %add3A_2848 : vector<8x128xf32>
      %max3A_2850 = arith.constant 0.000000e+00 : f32
      %max3A_2851 = vector.broadcast %max3A_2850 : f32 to vector<8x128xf32>
      %max3A_2852 = arith.maximumf %max3A_2851, %add3A_2849 : vector<8x128xf32>
      %min3A_2853 = vector.broadcast %sub3A_2840 : f32 to vector<8x128xf32>
      %min3A_2854 = arith.minimumf %get3A_1740, %min3A_2853 : vector<8x128xf32>
      %max3A_2855 = vector.broadcast %get3A_2828 : f32 to vector<8x128xf32>
      %max3A_2856 = arith.maximumf %get3A_1730, %max3A_2855 : vector<8x128xf32>
      %sub3A_2857 = arith.subf %min3A_2854, %max3A_2856 : vector<8x128xf32>
      %add3A_2858 = arith.constant 1.000000e+00 : f32
      %add3A_2859 = vector.broadcast %add3A_2858 : f32 to vector<8x128xf32>
      %add3A_2860 = arith.addf %sub3A_2857, %add3A_2859 : vector<8x128xf32>
      %max3A_2861 = arith.constant 0.000000e+00 : f32
      %max3A_2862 = vector.broadcast %max3A_2861 : f32 to vector<8x128xf32>
      %max3A_2863 = arith.maximumf %max3A_2862, %add3A_2860 : vector<8x128xf32>
      %mul3A_2864 = arith.mulf %max3A_2852, %max3A_2863 : vector<8x128xf32>
      %add3A_2865 = vector.broadcast %mul3A_2841 : f32 to vector<8x128xf32>
      %add3A_2866 = arith.addf %get3A_1745, %add3A_2865 : vector<8x128xf32>
      %sub3A_2867 = arith.subf %add3A_2866, %mul3A_2864 : vector<8x128xf32>
      %div3A_2868 = arith.divf %mul3A_2864, %sub3A_2867 : vector<8x128xf32>
      %eq3A_2869 = arith.constant 0.000000e+00 : f32
      %eq3A_2870 = vector.broadcast %eq3A_2869 : f32 to vector<8x128xf32>
      %eq3A_2871 = arith.cmpf oeq, %div3A_2868, %eq3A_2870 : vector<8x128xf32>
      %jit3A_2872 = arith.constant 1.000000e-10 : f32
      %broadcast_in_dim3A_2873 = vector.broadcast %jit3A_2872 : f32 to vector<8x128xf32>
      %select_n3A_2874 = arith.select %eq3A_2871, %broadcast_in_dim3A_2873, %div3A_2868 : vector<8x128xi1>, vector<8x128xf32>
      %jit3A_2875 = arith.constant -1.000000e+00 : f32
      %broadcast_in_dim3A_2876 = vector.broadcast %jit3A_2875 : f32 to vector<8x128xf32>
      %select_n3A_2877 = arith.select %ne3A_1753, %select_n3A_2874, %broadcast_in_dim3A_2876 : vector<8x128xi1>, vector<8x128xf32>
      %gt3A_2878 = arith.cmpf ogt, %select_n3A_2874, %select_n3A_2789 : vector<8x128xf32>
      %select_n3A_2879 = arith.select %gt3A_2878, %select_n3A_2874, %select_n3A_2789 : vector<8x128xi1>, vector<8x128xf32>
      %broadcast_in_dim3A_2880 = vector.broadcast %get3A_2825 : f32 to vector<8x128xf32>
      %select_n3A_2881 = arith.select %gt3A_2878, %broadcast_in_dim3A_2880, %select_n3A_2791 : vector<8x128xi1>, vector<8x128xf32>
      %broadcast_in_dim3A_2882 = vector.broadcast %get3A_2828 : f32 to vector<8x128xf32>
      %select_n3A_2883 = arith.select %gt3A_2878, %broadcast_in_dim3A_2882, %select_n3A_2793 : vector<8x128xi1>, vector<8x128xf32>
      %broadcast_in_dim3A_2884 = vector.broadcast %get3A_2831 : f32 to vector<8x128xf32>
      %select_n3A_2885 = arith.select %gt3A_2878, %broadcast_in_dim3A_2884, %select_n3A_2795 : vector<8x128xi1>, vector<8x128xf32>
      %broadcast_in_dim3A_2886 = vector.broadcast %get3A_2834 : f32 to vector<8x128xf32>
      %select_n3A_2887 = arith.select %gt3A_2878, %broadcast_in_dim3A_2886, %select_n3A_2797 : vector<8x128xi1>, vector<8x128xf32>
      %get3A_2888 = arith.constant 12 : index
      %get3A_2889 = arith.constant 0 : index
      %get3A_2890 = arith.constant 0 : index
      %get3A_2891 = vector.load %arg9[%get3A_2888, %get3A_2889, %get3A_2890] : memref<32x8x128xf32, #tpu.memory_space<vmem>>, vector<1x8x128xf32>
      %get3A_2892 = vector.shape_cast %get3A_2891 : vector<1x8x128xf32> to vector<8x128xf32>
      %gt3A_2893 = arith.cmpf ogt, %select_n3A_2877, %get3A_2892 : vector<8x128xf32>
      %select_n3A_2894 = arith.select %gt3A_2893, %select_n3A_2877, %get3A_2892 : vector<8x128xi1>, vector<8x128xf32>
      %swap3A_2895 = arith.constant 12 : index
      %swap3A_2896 = arith.constant 0 : index
      %swap3A_2897 = arith.constant 0 : index
      %swap3A_2898 = vector.load %arg9[%swap3A_2895, %swap3A_2896, %swap3A_2897] : memref<32x8x128xf32, #tpu.memory_space<vmem>>, vector<1x8x128xf32>
      %swap3A_2899 = vector.shape_cast %swap3A_2898 : vector<1x8x128xf32> to vector<8x128xf32>
      %swap3A_2900 = vector.shape_cast %select_n3A_2894 : vector<8x128xf32> to vector<1x8x128xf32>
      tpu.vector_store %arg9[%swap3A_2895, %swap3A_2896, %swap3A_2897], %swap3A_2900 {strides = array<i32>} : memref<32x8x128xf32, #tpu.memory_space<vmem>>, vector<1x8x128xf32>,
      %get3A_2901 = arith.constant 12 : index
      %get3A_2902 = arith.constant 0 : index
      %get3A_2903 = arith.constant 0 : index
      %get3A_2904 = vector.load %arg10[%get3A_2901, %get3A_2902, %get3A_2903] : memref<32x8x128xi32, #tpu.memory_space<vmem>>, vector<1x8x128xi32>
      %get3A_2905 = vector.shape_cast %get3A_2904 : vector<1x8x128xi32> to vector<8x128xi32>
      %select_n3A_2906 = arith.select %gt3A_2893, %add3A_1757, %get3A_2905 : vector<8x128xi1>, vector<8x128xi32>
      %swap3A_2907 = arith.constant 12 : index
      %swap3A_2908 = arith.constant 0 : index
      %swap3A_2909 = arith.constant 0 : index
      %swap3A_2910 = vector.load %arg10[%swap3A_2907, %swap3A_2908, %swap3A_2909] : memref<32x8x128xi32, #tpu.memory_space<vmem>>, vector<1x8x128xi32>
      %swap3A_2911 = vector.shape_cast %swap3A_2910 : vector<1x8x128xi32> to vector<8x128xi32>
      %swap3A_2912 = vector.shape_cast %select_n3A_2906 : vector<8x128xi32> to vector<1x8x128xi32>
      tpu.vector_store %arg10[%swap3A_2907, %swap3A_2908, %swap3A_2909], %swap3A_2912 {strides = array<i32>} : memref<32x8x128xi32, #tpu.memory_space<vmem>>, vector<1x8x128xi32>,
      %get3A_2913 = arith.constant 13 : index
      %get3A_2914 = arith.constant 0 : index
      %get3A_2915 = memref.load %arg0[%get3A_2913, %get3A_2914] : memref<32x4xf32, #tpu.memory_space<smem>>
      %get3A_2916 = arith.constant 13 : index
      %get3A_2917 = arith.constant 1 : index
      %get3A_2918 = memref.load %arg0[%get3A_2916, %get3A_2917] : memref<32x4xf32, #tpu.memory_space<smem>>
      %get3A_2919 = arith.constant 13 : index
      %get3A_2920 = arith.constant 2 : index
      %get3A_2921 = memref.load %arg0[%get3A_2919, %get3A_2920] : memref<32x4xf32, #tpu.memory_space<smem>>
      %get3A_2922 = arith.constant 13 : index
      %get3A_2923 = arith.constant 3 : index
      %get3A_2924 = memref.load %arg0[%get3A_2922, %get3A_2923] : memref<32x4xf32, #tpu.memory_space<smem>>
      %add3A_2925 = arith.addf %get3A_2915, %get3A_2921 : f32
      %sub3A_2926 = arith.constant 1.000000e+00 : f32
      %sub3A_2927 = arith.subf %add3A_2925, %sub3A_2926 : f32
      %add3A_2928 = arith.addf %get3A_2918, %get3A_2924 : f32
      %sub3A_2929 = arith.constant 1.000000e+00 : f32
      %sub3A_2930 = arith.subf %add3A_2928, %sub3A_2929 : f32
      %mul3A_2931 = arith.mulf %get3A_2921, %get3A_2924 : f32
      %min3A_2932 = vector.broadcast %sub3A_2927 : f32 to vector<8x128xf32>
      %min3A_2933 = arith.minimumf %get3A_1735, %min3A_2932 : vector<8x128xf32>
      %max3A_2934 = vector.broadcast %get3A_2915 : f32 to vector<8x128xf32>
      %max3A_2935 = arith.maximumf %get3A_1725, %max3A_2934 : vector<8x128xf32>
      %sub3A_2936 = arith.subf %min3A_2933, %max3A_2935 : vector<8x128xf32>
      %add3A_2937 = arith.constant 1.000000e+00 : f32
      %add3A_2938 = vector.broadcast %add3A_2937 : f32 to vector<8x128xf32>
      %add3A_2939 = arith.addf %sub3A_2936, %add3A_2938 : vector<8x128xf32>
      %max3A_2940 = arith.constant 0.000000e+00 : f32
      %max3A_2941 = vector.broadcast %max3A_2940 : f32 to vector<8x128xf32>
      %max3A_2942 = arith.maximumf %max3A_2941, %add3A_2939 : vector<8x128xf32>
      %min3A_2943 = vector.broadcast %sub3A_2930 : f32 to vector<8x128xf32>
      %min3A_2944 = arith.minimumf %get3A_1740, %min3A_2943 : vector<8x128xf32>
      %max3A_2945 = vector.broadcast %get3A_2918 : f32 to vector<8x128xf32>
      %max3A_2946 = arith.maximumf %get3A_1730, %max3A_2945 : vector<8x128xf32>
      %sub3A_2947 = arith.subf %min3A_2944, %max3A_2946 : vector<8x128xf32>
      %add3A_2948 = arith.constant 1.000000e+00 : f32
      %add3A_2949 = vector.broadcast %add3A_2948 : f32 to vector<8x128xf32>
      %add3A_2950 = arith.addf %sub3A_2947, %add3A_2949 : vector<8x128xf32>
      %max3A_2951 = arith.constant 0.000000e+00 : f32
      %max3A_2952 = vector.broadcast %max3A_2951 : f32 to vector<8x128xf32>
      %max3A_2953 = arith.maximumf %max3A_2952, %add3A_2950 : vector<8x128xf32>
      %mul3A_2954 = arith.mulf %max3A_2942, %max3A_2953 : vector<8x128xf32>
      %add3A_2955 = vector.broadcast %mul3A_2931 : f32 to vector<8x128xf32>
      %add3A_2956 = arith.addf %get3A_1745, %add3A_2955 : vector<8x128xf32>
      %sub3A_2957 = arith.subf %add3A_2956, %mul3A_2954 : vector<8x128xf32>
      %div3A_2958 = arith.divf %mul3A_2954, %sub3A_2957 : vector<8x128xf32>
      %eq3A_2959 = arith.constant 0.000000e+00 : f32
      %eq3A_2960 = vector.broadcast %eq3A_2959 : f32 to vector<8x128xf32>
      %eq3A_2961 = arith.cmpf oeq, %div3A_2958, %eq3A_2960 : vector<8x128xf32>
      %jit3A_2962 = arith.constant 1.000000e-10 : f32
      %broadcast_in_dim3A_2963 = vector.broadcast %jit3A_2962 : f32 to vector<8x128xf32>
      %select_n3A_2964 = arith.select %eq3A_2961, %broadcast_in_dim3A_2963, %div3A_2958 : vector<8x128xi1>, vector<8x128xf32>
      %jit3A_2965 = arith.constant -1.000000e+00 : f32
      %broadcast_in_dim3A_2966 = vector.broadcast %jit3A_2965 : f32 to vector<8x128xf32>
      %select_n3A_2967 = arith.select %ne3A_1753, %select_n3A_2964, %broadcast_in_dim3A_2966 : vector<8x128xi1>, vector<8x128xf32>
      %gt3A_2968 = arith.cmpf ogt, %select_n3A_2964, %select_n3A_2879 : vector<8x128xf32>
      %select_n3A_2969 = arith.select %gt3A_2968, %select_n3A_2964, %select_n3A_2879 : vector<8x128xi1>, vector<8x128xf32>
      %broadcast_in_dim3A_2970 = vector.broadcast %get3A_2915 : f32 to vector<8x128xf32>
      %select_n3A_2971 = arith.select %gt3A_2968, %broadcast_in_dim3A_2970, %select_n3A_2881 : vector<8x128xi1>, vector<8x128xf32>
      %broadcast_in_dim3A_2972 = vector.broadcast %get3A_2918 : f32 to vector<8x128xf32>
      %select_n3A_2973 = arith.select %gt3A_2968, %broadcast_in_dim3A_2972, %select_n3A_2883 : vector<8x128xi1>, vector<8x128xf32>
      %broadcast_in_dim3A_2974 = vector.broadcast %get3A_2921 : f32 to vector<8x128xf32>
      %select_n3A_2975 = arith.select %gt3A_2968, %broadcast_in_dim3A_2974, %select_n3A_2885 : vector<8x128xi1>, vector<8x128xf32>
      %broadcast_in_dim3A_2976 = vector.broadcast %get3A_2924 : f32 to vector<8x128xf32>
      %select_n3A_2977 = arith.select %gt3A_2968, %broadcast_in_dim3A_2976, %select_n3A_2887 : vector<8x128xi1>, vector<8x128xf32>
      %get3A_2978 = arith.constant 13 : index
      %get3A_2979 = arith.constant 0 : index
      %get3A_2980 = arith.constant 0 : index
      %get3A_2981 = vector.load %arg9[%get3A_2978, %get3A_2979, %get3A_2980] : memref<32x8x128xf32, #tpu.memory_space<vmem>>, vector<1x8x128xf32>
      %get3A_2982 = vector.shape_cast %get3A_2981 : vector<1x8x128xf32> to vector<8x128xf32>
      %gt3A_2983 = arith.cmpf ogt, %select_n3A_2967, %get3A_2982 : vector<8x128xf32>
      %select_n3A_2984 = arith.select %gt3A_2983, %select_n3A_2967, %get3A_2982 : vector<8x128xi1>, vector<8x128xf32>
      %swap3A_2985 = arith.constant 13 : index
      %swap3A_2986 = arith.constant 0 : index
      %swap3A_2987 = arith.constant 0 : index
      %swap3A_2988 = vector.load %arg9[%swap3A_2985, %swap3A_2986, %swap3A_2987] : memref<32x8x128xf32, #tpu.memory_space<vmem>>, vector<1x8x128xf32>
      %swap3A_2989 = vector.shape_cast %swap3A_2988 : vector<1x8x128xf32> to vector<8x128xf32>
      %swap3A_2990 = vector.shape_cast %select_n3A_2984 : vector<8x128xf32> to vector<1x8x128xf32>
      tpu.vector_store %arg9[%swap3A_2985, %swap3A_2986, %swap3A_2987], %swap3A_2990 {strides = array<i32>} : memref<32x8x128xf32, #tpu.memory_space<vmem>>, vector<1x8x128xf32>,
      %get3A_2991 = arith.constant 13 : index
      %get3A_2992 = arith.constant 0 : index
      %get3A_2993 = arith.constant 0 : index
      %get3A_2994 = vector.load %arg10[%get3A_2991, %get3A_2992, %get3A_2993] : memref<32x8x128xi32, #tpu.memory_space<vmem>>, vector<1x8x128xi32>
      %get3A_2995 = vector.shape_cast %get3A_2994 : vector<1x8x128xi32> to vector<8x128xi32>
      %select_n3A_2996 = arith.select %gt3A_2983, %add3A_1757, %get3A_2995 : vector<8x128xi1>, vector<8x128xi32>
      %swap3A_2997 = arith.constant 13 : index
      %swap3A_2998 = arith.constant 0 : index
      %swap3A_2999 = arith.constant 0 : index
      %swap3A_3000 = vector.load %arg10[%swap3A_2997, %swap3A_2998, %swap3A_2999] : memref<32x8x128xi32, #tpu.memory_space<vmem>>, vector<1x8x128xi32>
      %swap3A_3001 = vector.shape_cast %swap3A_3000 : vector<1x8x128xi32> to vector<8x128xi32>
      %swap3A_3002 = vector.shape_cast %select_n3A_2996 : vector<8x128xi32> to vector<1x8x128xi32>
      tpu.vector_store %arg10[%swap3A_2997, %swap3A_2998, %swap3A_2999], %swap3A_3002 {strides = array<i32>} : memref<32x8x128xi32, #tpu.memory_space<vmem>>, vector<1x8x128xi32>,
      %get3A_3003 = arith.constant 14 : index
      %get3A_3004 = arith.constant 0 : index
      %get3A_3005 = memref.load %arg0[%get3A_3003, %get3A_3004] : memref<32x4xf32, #tpu.memory_space<smem>>
      %get3A_3006 = arith.constant 14 : index
      %get3A_3007 = arith.constant 1 : index
      %get3A_3008 = memref.load %arg0[%get3A_3006, %get3A_3007] : memref<32x4xf32, #tpu.memory_space<smem>>
      %get3A_3009 = arith.constant 14 : index
      %get3A_3010 = arith.constant 2 : index
      %get3A_3011 = memref.load %arg0[%get3A_3009, %get3A_3010] : memref<32x4xf32, #tpu.memory_space<smem>>
      %get3A_3012 = arith.constant 14 : index
      %get3A_3013 = arith.constant 3 : index
      %get3A_3014 = memref.load %arg0[%get3A_3012, %get3A_3013] : memref<32x4xf32, #tpu.memory_space<smem>>
      %add3A_3015 = arith.addf %get3A_3005, %get3A_3011 : f32
      %sub3A_3016 = arith.constant 1.000000e+00 : f32
      %sub3A_3017 = arith.subf %add3A_3015, %sub3A_3016 : f32
      %add3A_3018 = arith.addf %get3A_3008, %get3A_3014 : f32
      %sub3A_3019 = arith.constant 1.000000e+00 : f32
      %sub3A_3020 = arith.subf %add3A_3018, %sub3A_3019 : f32
      %mul3A_3021 = arith.mulf %get3A_3011, %get3A_3014 : f32
      %min3A_3022 = vector.broadcast %sub3A_3017 : f32 to vector<8x128xf32>
      %min3A_3023 = arith.minimumf %get3A_1735, %min3A_3022 : vector<8x128xf32>
      %max3A_3024 = vector.broadcast %get3A_3005 : f32 to vector<8x128xf32>
      %max3A_3025 = arith.maximumf %get3A_1725, %max3A_3024 : vector<8x128xf32>
      %sub3A_3026 = arith.subf %min3A_3023, %max3A_3025 : vector<8x128xf32>
      %add3A_3027 = arith.constant 1.000000e+00 : f32
      %add3A_3028 = vector.broadcast %add3A_3027 : f32 to vector<8x128xf32>
      %add3A_3029 = arith.addf %sub3A_3026, %add3A_3028 : vector<8x128xf32>
      %max3A_3030 = arith.constant 0.000000e+00 : f32
      %max3A_3031 = vector.broadcast %max3A_3030 : f32 to vector<8x128xf32>
      %max3A_3032 = arith.maximumf %max3A_3031, %add3A_3029 : vector<8x128xf32>
      %min3A_3033 = vector.broadcast %sub3A_3020 : f32 to vector<8x128xf32>
      %min3A_3034 = arith.minimumf %get3A_1740, %min3A_3033 : vector<8x128xf32>
      %max3A_3035 = vector.broadcast %get3A_3008 : f32 to vector<8x128xf32>
      %max3A_3036 = arith.maximumf %get3A_1730, %max3A_3035 : vector<8x128xf32>
      %sub3A_3037 = arith.subf %min3A_3034, %max3A_3036 : vector<8x128xf32>
      %add3A_3038 = arith.constant 1.000000e+00 : f32
      %add3A_3039 = vector.broadcast %add3A_3038 : f32 to vector<8x128xf32>
      %add3A_3040 = arith.addf %sub3A_3037, %add3A_3039 : vector<8x128xf32>
      %max3A_3041 = arith.constant 0.000000e+00 : f32
      %max3A_3042 = vector.broadcast %max3A_3041 : f32 to vector<8x128xf32>
      %max3A_3043 = arith.maximumf %max3A_3042, %add3A_3040 : vector<8x128xf32>
      %mul3A_3044 = arith.mulf %max3A_3032, %max3A_3043 : vector<8x128xf32>
      %add3A_3045 = vector.broadcast %mul3A_3021 : f32 to vector<8x128xf32>
      %add3A_3046 = arith.addf %get3A_1745, %add3A_3045 : vector<8x128xf32>
      %sub3A_3047 = arith.subf %add3A_3046, %mul3A_3044 : vector<8x128xf32>
      %div3A_3048 = arith.divf %mul3A_3044, %sub3A_3047 : vector<8x128xf32>
      %eq3A_3049 = arith.constant 0.000000e+00 : f32
      %eq3A_3050 = vector.broadcast %eq3A_3049 : f32 to vector<8x128xf32>
      %eq3A_3051 = arith.cmpf oeq, %div3A_3048, %eq3A_3050 : vector<8x128xf32>
      %jit3A_3052 = arith.constant 1.000000e-10 : f32
      %broadcast_in_dim3A_3053 = vector.broadcast %jit3A_3052 : f32 to vector<8x128xf32>
      %select_n3A_3054 = arith.select %eq3A_3051, %broadcast_in_dim3A_3053, %div3A_3048 : vector<8x128xi1>, vector<8x128xf32>
      %jit3A_3055 = arith.constant -1.000000e+00 : f32
      %broadcast_in_dim3A_3056 = vector.broadcast %jit3A_3055 : f32 to vector<8x128xf32>
      %select_n3A_3057 = arith.select %ne3A_1753, %select_n3A_3054, %broadcast_in_dim3A_3056 : vector<8x128xi1>, vector<8x128xf32>
      %gt3A_3058 = arith.cmpf ogt, %select_n3A_3054, %select_n3A_2969 : vector<8x128xf32>
      %select_n3A_3059 = arith.select %gt3A_3058, %select_n3A_3054, %select_n3A_2969 : vector<8x128xi1>, vector<8x128xf32>
      %broadcast_in_dim3A_3060 = vector.broadcast %get3A_3005 : f32 to vector<8x128xf32>
      %select_n3A_3061 = arith.select %gt3A_3058, %broadcast_in_dim3A_3060, %select_n3A_2971 : vector<8x128xi1>, vector<8x128xf32>
      %broadcast_in_dim3A_3062 = vector.broadcast %get3A_3008 : f32 to vector<8x128xf32>
      %select_n3A_3063 = arith.select %gt3A_3058, %broadcast_in_dim3A_3062, %select_n3A_2973 : vector<8x128xi1>, vector<8x128xf32>
      %broadcast_in_dim3A_3064 = vector.broadcast %get3A_3011 : f32 to vector<8x128xf32>
      %select_n3A_3065 = arith.select %gt3A_3058, %broadcast_in_dim3A_3064, %select_n3A_2975 : vector<8x128xi1>, vector<8x128xf32>
      %broadcast_in_dim3A_3066 = vector.broadcast %get3A_3014 : f32 to vector<8x128xf32>
      %select_n3A_3067 = arith.select %gt3A_3058, %broadcast_in_dim3A_3066, %select_n3A_2977 : vector<8x128xi1>, vector<8x128xf32>
      %get3A_3068 = arith.constant 14 : index
      %get3A_3069 = arith.constant 0 : index
      %get3A_3070 = arith.constant 0 : index
      %get3A_3071 = vector.load %arg9[%get3A_3068, %get3A_3069, %get3A_3070] : memref<32x8x128xf32, #tpu.memory_space<vmem>>, vector<1x8x128xf32>
      %get3A_3072 = vector.shape_cast %get3A_3071 : vector<1x8x128xf32> to vector<8x128xf32>
      %gt3A_3073 = arith.cmpf ogt, %select_n3A_3057, %get3A_3072 : vector<8x128xf32>
      %select_n3A_3074 = arith.select %gt3A_3073, %select_n3A_3057, %get3A_3072 : vector<8x128xi1>, vector<8x128xf32>
      %swap3A_3075 = arith.constant 14 : index
      %swap3A_3076 = arith.constant 0 : index
      %swap3A_3077 = arith.constant 0 : index
      %swap3A_3078 = vector.load %arg9[%swap3A_3075, %swap3A_3076, %swap3A_3077] : memref<32x8x128xf32, #tpu.memory_space<vmem>>, vector<1x8x128xf32>
      %swap3A_3079 = vector.shape_cast %swap3A_3078 : vector<1x8x128xf32> to vector<8x128xf32>
      %swap3A_3080 = vector.shape_cast %select_n3A_3074 : vector<8x128xf32> to vector<1x8x128xf32>
      tpu.vector_store %arg9[%swap3A_3075, %swap3A_3076, %swap3A_3077], %swap3A_3080 {strides = array<i32>} : memref<32x8x128xf32, #tpu.memory_space<vmem>>, vector<1x8x128xf32>,
      %get3A_3081 = arith.constant 14 : index
      %get3A_3082 = arith.constant 0 : index
      %get3A_3083 = arith.constant 0 : index
      %get3A_3084 = vector.load %arg10[%get3A_3081, %get3A_3082, %get3A_3083] : memref<32x8x128xi32, #tpu.memory_space<vmem>>, vector<1x8x128xi32>
      %get3A_3085 = vector.shape_cast %get3A_3084 : vector<1x8x128xi32> to vector<8x128xi32>
      %select_n3A_3086 = arith.select %gt3A_3073, %add3A_1757, %get3A_3085 : vector<8x128xi1>, vector<8x128xi32>
      %swap3A_3087 = arith.constant 14 : index
      %swap3A_3088 = arith.constant 0 : index
      %swap3A_3089 = arith.constant 0 : index
      %swap3A_3090 = vector.load %arg10[%swap3A_3087, %swap3A_3088, %swap3A_3089] : memref<32x8x128xi32, #tpu.memory_space<vmem>>, vector<1x8x128xi32>
      %swap3A_3091 = vector.shape_cast %swap3A_3090 : vector<1x8x128xi32> to vector<8x128xi32>
      %swap3A_3092 = vector.shape_cast %select_n3A_3086 : vector<8x128xi32> to vector<1x8x128xi32>
      tpu.vector_store %arg10[%swap3A_3087, %swap3A_3088, %swap3A_3089], %swap3A_3092 {strides = array<i32>} : memref<32x8x128xi32, #tpu.memory_space<vmem>>, vector<1x8x128xi32>,
      %get3A_3093 = arith.constant 15 : index
      %get3A_3094 = arith.constant 0 : index
      %get3A_3095 = memref.load %arg0[%get3A_3093, %get3A_3094] : memref<32x4xf32, #tpu.memory_space<smem>>
      %get3A_3096 = arith.constant 15 : index
      %get3A_3097 = arith.constant 1 : index
      %get3A_3098 = memref.load %arg0[%get3A_3096, %get3A_3097] : memref<32x4xf32, #tpu.memory_space<smem>>
      %get3A_3099 = arith.constant 15 : index
      %get3A_3100 = arith.constant 2 : index
      %get3A_3101 = memref.load %arg0[%get3A_3099, %get3A_3100] : memref<32x4xf32, #tpu.memory_space<smem>>
      %get3A_3102 = arith.constant 15 : index
      %get3A_3103 = arith.constant 3 : index
      %get3A_3104 = memref.load %arg0[%get3A_3102, %get3A_3103] : memref<32x4xf32, #tpu.memory_space<smem>>
      %add3A_3105 = arith.addf %get3A_3095, %get3A_3101 : f32
      %sub3A_3106 = arith.constant 1.000000e+00 : f32
      %sub3A_3107 = arith.subf %add3A_3105, %sub3A_3106 : f32
      %add3A_3108 = arith.addf %get3A_3098, %get3A_3104 : f32
      %sub3A_3109 = arith.constant 1.000000e+00 : f32
      %sub3A_3110 = arith.subf %add3A_3108, %sub3A_3109 : f32
      %mul3A_3111 = arith.mulf %get3A_3101, %get3A_3104 : f32
      %min3A_3112 = vector.broadcast %sub3A_3107 : f32 to vector<8x128xf32>
      %min3A_3113 = arith.minimumf %get3A_1735, %min3A_3112 : vector<8x128xf32>
      %max3A_3114 = vector.broadcast %get3A_3095 : f32 to vector<8x128xf32>
      %max3A_3115 = arith.maximumf %get3A_1725, %max3A_3114 : vector<8x128xf32>
      %sub3A_3116 = arith.subf %min3A_3113, %max3A_3115 : vector<8x128xf32>
      %add3A_3117 = arith.constant 1.000000e+00 : f32
      %add3A_3118 = vector.broadcast %add3A_3117 : f32 to vector<8x128xf32>
      %add3A_3119 = arith.addf %sub3A_3116, %add3A_3118 : vector<8x128xf32>
      %max3A_3120 = arith.constant 0.000000e+00 : f32
      %max3A_3121 = vector.broadcast %max3A_3120 : f32 to vector<8x128xf32>
      %max3A_3122 = arith.maximumf %max3A_3121, %add3A_3119 : vector<8x128xf32>
      %min3A_3123 = vector.broadcast %sub3A_3110 : f32 to vector<8x128xf32>
      %min3A_3124 = arith.minimumf %get3A_1740, %min3A_3123 : vector<8x128xf32>
      %max3A_3125 = vector.broadcast %get3A_3098 : f32 to vector<8x128xf32>
      %max3A_3126 = arith.maximumf %get3A_1730, %max3A_3125 : vector<8x128xf32>
      %sub3A_3127 = arith.subf %min3A_3124, %max3A_3126 : vector<8x128xf32>
      %add3A_3128 = arith.constant 1.000000e+00 : f32
      %add3A_3129 = vector.broadcast %add3A_3128 : f32 to vector<8x128xf32>
      %add3A_3130 = arith.addf %sub3A_3127, %add3A_3129 : vector<8x128xf32>
      %max3A_3131 = arith.constant 0.000000e+00 : f32
      %max3A_3132 = vector.broadcast %max3A_3131 : f32 to vector<8x128xf32>
      %max3A_3133 = arith.maximumf %max3A_3132, %add3A_3130 : vector<8x128xf32>
      %mul3A_3134 = arith.mulf %max3A_3122, %max3A_3133 : vector<8x128xf32>
      %add3A_3135 = vector.broadcast %mul3A_3111 : f32 to vector<8x128xf32>
      %add3A_3136 = arith.addf %get3A_1745, %add3A_3135 : vector<8x128xf32>
      %sub3A_3137 = arith.subf %add3A_3136, %mul3A_3134 : vector<8x128xf32>
      %div3A_3138 = arith.divf %mul3A_3134, %sub3A_3137 : vector<8x128xf32>
      %eq3A_3139 = arith.constant 0.000000e+00 : f32
      %eq3A_3140 = vector.broadcast %eq3A_3139 : f32 to vector<8x128xf32>
      %eq3A_3141 = arith.cmpf oeq, %div3A_3138, %eq3A_3140 : vector<8x128xf32>
      %jit3A_3142 = arith.constant 1.000000e-10 : f32
      %broadcast_in_dim3A_3143 = vector.broadcast %jit3A_3142 : f32 to vector<8x128xf32>
      %select_n3A_3144 = arith.select %eq3A_3141, %broadcast_in_dim3A_3143, %div3A_3138 : vector<8x128xi1>, vector<8x128xf32>
      %jit3A_3145 = arith.constant -1.000000e+00 : f32
      %broadcast_in_dim3A_3146 = vector.broadcast %jit3A_3145 : f32 to vector<8x128xf32>
      %select_n3A_3147 = arith.select %ne3A_1753, %select_n3A_3144, %broadcast_in_dim3A_3146 : vector<8x128xi1>, vector<8x128xf32>
      %gt3A_3148 = arith.cmpf ogt, %select_n3A_3144, %select_n3A_3059 : vector<8x128xf32>
      %select_n3A_3149 = arith.select %gt3A_3148, %select_n3A_3144, %select_n3A_3059 : vector<8x128xi1>, vector<8x128xf32>
      %broadcast_in_dim3A_3150 = vector.broadcast %get3A_3095 : f32 to vector<8x128xf32>
      %select_n3A_3151 = arith.select %gt3A_3148, %broadcast_in_dim3A_3150, %select_n3A_3061 : vector<8x128xi1>, vector<8x128xf32>
      %broadcast_in_dim3A_3152 = vector.broadcast %get3A_3098 : f32 to vector<8x128xf32>
      %select_n3A_3153 = arith.select %gt3A_3148, %broadcast_in_dim3A_3152, %select_n3A_3063 : vector<8x128xi1>, vector<8x128xf32>
      %broadcast_in_dim3A_3154 = vector.broadcast %get3A_3101 : f32 to vector<8x128xf32>
      %select_n3A_3155 = arith.select %gt3A_3148, %broadcast_in_dim3A_3154, %select_n3A_3065 : vector<8x128xi1>, vector<8x128xf32>
      %broadcast_in_dim3A_3156 = vector.broadcast %get3A_3104 : f32 to vector<8x128xf32>
      %select_n3A_3157 = arith.select %gt3A_3148, %broadcast_in_dim3A_3156, %select_n3A_3067 : vector<8x128xi1>, vector<8x128xf32>
      %get3A_3158 = arith.constant 15 : index
      %get3A_3159 = arith.constant 0 : index
      %get3A_3160 = arith.constant 0 : index
      %get3A_3161 = vector.load %arg9[%get3A_3158, %get3A_3159, %get3A_3160] : memref<32x8x128xf32, #tpu.memory_space<vmem>>, vector<1x8x128xf32>
      %get3A_3162 = vector.shape_cast %get3A_3161 : vector<1x8x128xf32> to vector<8x128xf32>
      %gt3A_3163 = arith.cmpf ogt, %select_n3A_3147, %get3A_3162 : vector<8x128xf32>
      %select_n3A_3164 = arith.select %gt3A_3163, %select_n3A_3147, %get3A_3162 : vector<8x128xi1>, vector<8x128xf32>
      %swap3A_3165 = arith.constant 15 : index
      %swap3A_3166 = arith.constant 0 : index
      %swap3A_3167 = arith.constant 0 : index
      %swap3A_3168 = vector.load %arg9[%swap3A_3165, %swap3A_3166, %swap3A_3167] : memref<32x8x128xf32, #tpu.memory_space<vmem>>, vector<1x8x128xf32>
      %swap3A_3169 = vector.shape_cast %swap3A_3168 : vector<1x8x128xf32> to vector<8x128xf32>
      %swap3A_3170 = vector.shape_cast %select_n3A_3164 : vector<8x128xf32> to vector<1x8x128xf32>
      tpu.vector_store %arg9[%swap3A_3165, %swap3A_3166, %swap3A_3167], %swap3A_3170 {strides = array<i32>} : memref<32x8x128xf32, #tpu.memory_space<vmem>>, vector<1x8x128xf32>,
      %get3A_3171 = arith.constant 15 : index
      %get3A_3172 = arith.constant 0 : index
      %get3A_3173 = arith.constant 0 : index
      %get3A_3174 = vector.load %arg10[%get3A_3171, %get3A_3172, %get3A_3173] : memref<32x8x128xi32, #tpu.memory_space<vmem>>, vector<1x8x128xi32>
      %get3A_3175 = vector.shape_cast %get3A_3174 : vector<1x8x128xi32> to vector<8x128xi32>
      %select_n3A_3176 = arith.select %gt3A_3163, %add3A_1757, %get3A_3175 : vector<8x128xi1>, vector<8x128xi32>
      %swap3A_3177 = arith.constant 15 : index
      %swap3A_3178 = arith.constant 0 : index
      %swap3A_3179 = arith.constant 0 : index
      %swap3A_3180 = vector.load %arg10[%swap3A_3177, %swap3A_3178, %swap3A_3179] : memref<32x8x128xi32, #tpu.memory_space<vmem>>, vector<1x8x128xi32>
      %swap3A_3181 = vector.shape_cast %swap3A_3180 : vector<1x8x128xi32> to vector<8x128xi32>
      %swap3A_3182 = vector.shape_cast %select_n3A_3176 : vector<8x128xi32> to vector<1x8x128xi32>
      tpu.vector_store %arg10[%swap3A_3177, %swap3A_3178, %swap3A_3179], %swap3A_3182 {strides = array<i32>} : memref<32x8x128xi32, #tpu.memory_space<vmem>>, vector<1x8x128xi32>,
      %get3A_3183 = arith.constant 16 : index
      %get3A_3184 = arith.constant 0 : index
      %get3A_3185 = memref.load %arg0[%get3A_3183, %get3A_3184] : memref<32x4xf32, #tpu.memory_space<smem>>
      %get3A_3186 = arith.constant 16 : index
      %get3A_3187 = arith.constant 1 : index
      %get3A_3188 = memref.load %arg0[%get3A_3186, %get3A_3187] : memref<32x4xf32, #tpu.memory_space<smem>>
      %get3A_3189 = arith.constant 16 : index
      %get3A_3190 = arith.constant 2 : index
      %get3A_3191 = memref.load %arg0[%get3A_3189, %get3A_3190] : memref<32x4xf32, #tpu.memory_space<smem>>
      %get3A_3192 = arith.constant 16 : index
      %get3A_3193 = arith.constant 3 : index
      %get3A_3194 = memref.load %arg0[%get3A_3192, %get3A_3193] : memref<32x4xf32, #tpu.memory_space<smem>>
      %add3A_3195 = arith.addf %get3A_3185, %get3A_3191 : f32
      %sub3A_3196 = arith.constant 1.000000e+00 : f32
      %sub3A_3197 = arith.subf %add3A_3195, %sub3A_3196 : f32
      %add3A_3198 = arith.addf %get3A_3188, %get3A_3194 : f32
      %sub3A_3199 = arith.constant 1.000000e+00 : f32
      %sub3A_3200 = arith.subf %add3A_3198, %sub3A_3199 : f32
      %mul3A_3201 = arith.mulf %get3A_3191, %get3A_3194 : f32
      %min3A_3202 = vector.broadcast %sub3A_3197 : f32 to vector<8x128xf32>
      %min3A_3203 = arith.minimumf %get3A_1735, %min3A_3202 : vector<8x128xf32>
      %max3A_3204 = vector.broadcast %get3A_3185 : f32 to vector<8x128xf32>
      %max3A_3205 = arith.maximumf %get3A_1725, %max3A_3204 : vector<8x128xf32>
      %sub3A_3206 = arith.subf %min3A_3203, %max3A_3205 : vector<8x128xf32>
      %add3A_3207 = arith.constant 1.000000e+00 : f32
      %add3A_3208 = vector.broadcast %add3A_3207 : f32 to vector<8x128xf32>
      %add3A_3209 = arith.addf %sub3A_3206, %add3A_3208 : vector<8x128xf32>
      %max3A_3210 = arith.constant 0.000000e+00 : f32
      %max3A_3211 = vector.broadcast %max3A_3210 : f32 to vector<8x128xf32>
      %max3A_3212 = arith.maximumf %max3A_3211, %add3A_3209 : vector<8x128xf32>
      %min3A_3213 = vector.broadcast %sub3A_3200 : f32 to vector<8x128xf32>
      %min3A_3214 = arith.minimumf %get3A_1740, %min3A_3213 : vector<8x128xf32>
      %max3A_3215 = vector.broadcast %get3A_3188 : f32 to vector<8x128xf32>
      %max3A_3216 = arith.maximumf %get3A_1730, %max3A_3215 : vector<8x128xf32>
      %sub3A_3217 = arith.subf %min3A_3214, %max3A_3216 : vector<8x128xf32>
      %add3A_3218 = arith.constant 1.000000e+00 : f32
      %add3A_3219 = vector.broadcast %add3A_3218 : f32 to vector<8x128xf32>
      %add3A_3220 = arith.addf %sub3A_3217, %add3A_3219 : vector<8x128xf32>
      %max3A_3221 = arith.constant 0.000000e+00 : f32
      %max3A_3222 = vector.broadcast %max3A_3221 : f32 to vector<8x128xf32>
      %max3A_3223 = arith.maximumf %max3A_3222, %add3A_3220 : vector<8x128xf32>
      %mul3A_3224 = arith.mulf %max3A_3212, %max3A_3223 : vector<8x128xf32>
      %add3A_3225 = vector.broadcast %mul3A_3201 : f32 to vector<8x128xf32>
      %add3A_3226 = arith.addf %get3A_1745, %add3A_3225 : vector<8x128xf32>
      %sub3A_3227 = arith.subf %add3A_3226, %mul3A_3224 : vector<8x128xf32>
      %div3A_3228 = arith.divf %mul3A_3224, %sub3A_3227 : vector<8x128xf32>
      %eq3A_3229 = arith.constant 0.000000e+00 : f32
      %eq3A_3230 = vector.broadcast %eq3A_3229 : f32 to vector<8x128xf32>
      %eq3A_3231 = arith.cmpf oeq, %div3A_3228, %eq3A_3230 : vector<8x128xf32>
      %jit3A_3232 = arith.constant 1.000000e-10 : f32
      %broadcast_in_dim3A_3233 = vector.broadcast %jit3A_3232 : f32 to vector<8x128xf32>
      %select_n3A_3234 = arith.select %eq3A_3231, %broadcast_in_dim3A_3233, %div3A_3228 : vector<8x128xi1>, vector<8x128xf32>
      %jit3A_3235 = arith.constant -1.000000e+00 : f32
      %broadcast_in_dim3A_3236 = vector.broadcast %jit3A_3235 : f32 to vector<8x128xf32>
      %select_n3A_3237 = arith.select %ne3A_1753, %select_n3A_3234, %broadcast_in_dim3A_3236 : vector<8x128xi1>, vector<8x128xf32>
      %broadcast_in_dim3A_3238 = vector.broadcast %get3A_3185 : f32 to vector<8x128xf32>
      %broadcast_in_dim3A_3239 = vector.broadcast %get3A_3188 : f32 to vector<8x128xf32>
      %broadcast_in_dim3A_3240 = vector.broadcast %get3A_3191 : f32 to vector<8x128xf32>
      %broadcast_in_dim3A_3241 = vector.broadcast %get3A_3194 : f32 to vector<8x128xf32>
      %get3A_3242 = arith.constant 16 : index
      %get3A_3243 = arith.constant 0 : index
      %get3A_3244 = arith.constant 0 : index
      %get3A_3245 = vector.load %arg9[%get3A_3242, %get3A_3243, %get3A_3244] : memref<32x8x128xf32, #tpu.memory_space<vmem>>, vector<1x8x128xf32>
      %get3A_3246 = vector.shape_cast %get3A_3245 : vector<1x8x128xf32> to vector<8x128xf32>
      %gt3A_3247 = arith.cmpf ogt, %select_n3A_3237, %get3A_3246 : vector<8x128xf32>
      %select_n3A_3248 = arith.select %gt3A_3247, %select_n3A_3237, %get3A_3246 : vector<8x128xi1>, vector<8x128xf32>
      %swap3A_3249 = arith.constant 16 : index
      %swap3A_3250 = arith.constant 0 : index
      %swap3A_3251 = arith.constant 0 : index
      %swap3A_3252 = vector.load %arg9[%swap3A_3249, %swap3A_3250, %swap3A_3251] : memref<32x8x128xf32, #tpu.memory_space<vmem>>, vector<1x8x128xf32>
      %swap3A_3253 = vector.shape_cast %swap3A_3252 : vector<1x8x128xf32> to vector<8x128xf32>
      %swap3A_3254 = vector.shape_cast %select_n3A_3248 : vector<8x128xf32> to vector<1x8x128xf32>
      tpu.vector_store %arg9[%swap3A_3249, %swap3A_3250, %swap3A_3251], %swap3A_3254 {strides = array<i32>} : memref<32x8x128xf32, #tpu.memory_space<vmem>>, vector<1x8x128xf32>,
      %get3A_3255 = arith.constant 16 : index
      %get3A_3256 = arith.constant 0 : index
      %get3A_3257 = arith.constant 0 : index
      %get3A_3258 = vector.load %arg10[%get3A_3255, %get3A_3256, %get3A_3257] : memref<32x8x128xi32, #tpu.memory_space<vmem>>, vector<1x8x128xi32>
      %get3A_3259 = vector.shape_cast %get3A_3258 : vector<1x8x128xi32> to vector<8x128xi32>
      %select_n3A_3260 = arith.select %gt3A_3247, %add3A_1757, %get3A_3259 : vector<8x128xi1>, vector<8x128xi32>
      %swap3A_3261 = arith.constant 16 : index
      %swap3A_3262 = arith.constant 0 : index
      %swap3A_3263 = arith.constant 0 : index
      %swap3A_3264 = vector.load %arg10[%swap3A_3261, %swap3A_3262, %swap3A_3263] : memref<32x8x128xi32, #tpu.memory_space<vmem>>, vector<1x8x128xi32>
      %swap3A_3265 = vector.shape_cast %swap3A_3264 : vector<1x8x128xi32> to vector<8x128xi32>
      %swap3A_3266 = vector.shape_cast %select_n3A_3260 : vector<8x128xi32> to vector<1x8x128xi32>
      tpu.vector_store %arg10[%swap3A_3261, %swap3A_3262, %swap3A_3263], %swap3A_3266 {strides = array<i32>} : memref<32x8x128xi32, #tpu.memory_space<vmem>>, vector<1x8x128xi32>,
      %get3A_3267 = arith.constant 17 : index
      %get3A_3268 = arith.constant 0 : index
      %get3A_3269 = memref.load %arg0[%get3A_3267, %get3A_3268] : memref<32x4xf32, #tpu.memory_space<smem>>
      %get3A_3270 = arith.constant 17 : index
      %get3A_3271 = arith.constant 1 : index
      %get3A_3272 = memref.load %arg0[%get3A_3270, %get3A_3271] : memref<32x4xf32, #tpu.memory_space<smem>>
      %get3A_3273 = arith.constant 17 : index
      %get3A_3274 = arith.constant 2 : index
      %get3A_3275 = memref.load %arg0[%get3A_3273, %get3A_3274] : memref<32x4xf32, #tpu.memory_space<smem>>
      %get3A_3276 = arith.constant 17 : index
      %get3A_3277 = arith.constant 3 : index
      %get3A_3278 = memref.load %arg0[%get3A_3276, %get3A_3277] : memref<32x4xf32, #tpu.memory_space<smem>>
      %add3A_3279 = arith.addf %get3A_3269, %get3A_3275 : f32
      %sub3A_3280 = arith.constant 1.000000e+00 : f32
      %sub3A_3281 = arith.subf %add3A_3279, %sub3A_3280 : f32
      %add3A_3282 = arith.addf %get3A_3272, %get3A_3278 : f32
      %sub3A_3283 = arith.constant 1.000000e+00 : f32
      %sub3A_3284 = arith.subf %add3A_3282, %sub3A_3283 : f32
      %mul3A_3285 = arith.mulf %get3A_3275, %get3A_3278 : f32
      %min3A_3286 = vector.broadcast %sub3A_3281 : f32 to vector<8x128xf32>
      %min3A_3287 = arith.minimumf %get3A_1735, %min3A_3286 : vector<8x128xf32>
      %max3A_3288 = vector.broadcast %get3A_3269 : f32 to vector<8x128xf32>
      %max3A_3289 = arith.maximumf %get3A_1725, %max3A_3288 : vector<8x128xf32>
      %sub3A_3290 = arith.subf %min3A_3287, %max3A_3289 : vector<8x128xf32>
      %add3A_3291 = arith.constant 1.000000e+00 : f32
      %add3A_3292 = vector.broadcast %add3A_3291 : f32 to vector<8x128xf32>
      %add3A_3293 = arith.addf %sub3A_3290, %add3A_3292 : vector<8x128xf32>
      %max3A_3294 = arith.constant 0.000000e+00 : f32
      %max3A_3295 = vector.broadcast %max3A_3294 : f32 to vector<8x128xf32>
      %max3A_3296 = arith.maximumf %max3A_3295, %add3A_3293 : vector<8x128xf32>
      %min3A_3297 = vector.broadcast %sub3A_3284 : f32 to vector<8x128xf32>
      %min3A_3298 = arith.minimumf %get3A_1740, %min3A_3297 : vector<8x128xf32>
      %max3A_3299 = vector.broadcast %get3A_3272 : f32 to vector<8x128xf32>
      %max3A_3300 = arith.maximumf %get3A_1730, %max3A_3299 : vector<8x128xf32>
      %sub3A_3301 = arith.subf %min3A_3298, %max3A_3300 : vector<8x128xf32>
      %add3A_3302 = arith.constant 1.000000e+00 : f32
      %add3A_3303 = vector.broadcast %add3A_3302 : f32 to vector<8x128xf32>
      %add3A_3304 = arith.addf %sub3A_3301, %add3A_3303 : vector<8x128xf32>
      %max3A_3305 = arith.constant 0.000000e+00 : f32
      %max3A_3306 = vector.broadcast %max3A_3305 : f32 to vector<8x128xf32>
      %max3A_3307 = arith.maximumf %max3A_3306, %add3A_3304 : vector<8x128xf32>
      %mul3A_3308 = arith.mulf %max3A_3296, %max3A_3307 : vector<8x128xf32>
      %add3A_3309 = vector.broadcast %mul3A_3285 : f32 to vector<8x128xf32>
      %add3A_3310 = arith.addf %get3A_1745, %add3A_3309 : vector<8x128xf32>
      %sub3A_3311 = arith.subf %add3A_3310, %mul3A_3308 : vector<8x128xf32>
      %div3A_3312 = arith.divf %mul3A_3308, %sub3A_3311 : vector<8x128xf32>
      %eq3A_3313 = arith.constant 0.000000e+00 : f32
      %eq3A_3314 = vector.broadcast %eq3A_3313 : f32 to vector<8x128xf32>
      %eq3A_3315 = arith.cmpf oeq, %div3A_3312, %eq3A_3314 : vector<8x128xf32>
      %jit3A_3316 = arith.constant 1.000000e-10 : f32
      %broadcast_in_dim3A_3317 = vector.broadcast %jit3A_3316 : f32 to vector<8x128xf32>
      %select_n3A_3318 = arith.select %eq3A_3315, %broadcast_in_dim3A_3317, %div3A_3312 : vector<8x128xi1>, vector<8x128xf32>
      %jit3A_3319 = arith.constant -1.000000e+00 : f32
      %broadcast_in_dim3A_3320 = vector.broadcast %jit3A_3319 : f32 to vector<8x128xf32>
      %select_n3A_3321 = arith.select %ne3A_1753, %select_n3A_3318, %broadcast_in_dim3A_3320 : vector<8x128xi1>, vector<8x128xf32>
      %gt3A_3322 = arith.cmpf ogt, %select_n3A_3318, %select_n3A_3234 : vector<8x128xf32>
      %select_n3A_3323 = arith.select %gt3A_3322, %select_n3A_3318, %select_n3A_3234 : vector<8x128xi1>, vector<8x128xf32>
      %broadcast_in_dim3A_3324 = vector.broadcast %get3A_3269 : f32 to vector<8x128xf32>
      %select_n3A_3325 = arith.select %gt3A_3322, %broadcast_in_dim3A_3324, %broadcast_in_dim3A_3238 : vector<8x128xi1>, vector<8x128xf32>
      %broadcast_in_dim3A_3326 = vector.broadcast %get3A_3272 : f32 to vector<8x128xf32>
      %select_n3A_3327 = arith.select %gt3A_3322, %broadcast_in_dim3A_3326, %broadcast_in_dim3A_3239 : vector<8x128xi1>, vector<8x128xf32>
      %broadcast_in_dim3A_3328 = vector.broadcast %get3A_3275 : f32 to vector<8x128xf32>
      %select_n3A_3329 = arith.select %gt3A_3322, %broadcast_in_dim3A_3328, %broadcast_in_dim3A_3240 : vector<8x128xi1>, vector<8x128xf32>
      %broadcast_in_dim3A_3330 = vector.broadcast %get3A_3278 : f32 to vector<8x128xf32>
      %select_n3A_3331 = arith.select %gt3A_3322, %broadcast_in_dim3A_3330, %broadcast_in_dim3A_3241 : vector<8x128xi1>, vector<8x128xf32>
      %get3A_3332 = arith.constant 17 : index
      %get3A_3333 = arith.constant 0 : index
      %get3A_3334 = arith.constant 0 : index
      %get3A_3335 = vector.load %arg9[%get3A_3332, %get3A_3333, %get3A_3334] : memref<32x8x128xf32, #tpu.memory_space<vmem>>, vector<1x8x128xf32>
      %get3A_3336 = vector.shape_cast %get3A_3335 : vector<1x8x128xf32> to vector<8x128xf32>
      %gt3A_3337 = arith.cmpf ogt, %select_n3A_3321, %get3A_3336 : vector<8x128xf32>
      %select_n3A_3338 = arith.select %gt3A_3337, %select_n3A_3321, %get3A_3336 : vector<8x128xi1>, vector<8x128xf32>
      %swap3A_3339 = arith.constant 17 : index
      %swap3A_3340 = arith.constant 0 : index
      %swap3A_3341 = arith.constant 0 : index
      %swap3A_3342 = vector.load %arg9[%swap3A_3339, %swap3A_3340, %swap3A_3341] : memref<32x8x128xf32, #tpu.memory_space<vmem>>, vector<1x8x128xf32>
      %swap3A_3343 = vector.shape_cast %swap3A_3342 : vector<1x8x128xf32> to vector<8x128xf32>
      %swap3A_3344 = vector.shape_cast %select_n3A_3338 : vector<8x128xf32> to vector<1x8x128xf32>
      tpu.vector_store %arg9[%swap3A_3339, %swap3A_3340, %swap3A_3341], %swap3A_3344 {strides = array<i32>} : memref<32x8x128xf32, #tpu.memory_space<vmem>>, vector<1x8x128xf32>,
      %get3A_3345 = arith.constant 17 : index
      %get3A_3346 = arith.constant 0 : index
      %get3A_3347 = arith.constant 0 : index
      %get3A_3348 = vector.load %arg10[%get3A_3345, %get3A_3346, %get3A_3347] : memref<32x8x128xi32, #tpu.memory_space<vmem>>, vector<1x8x128xi32>
      %get3A_3349 = vector.shape_cast %get3A_3348 : vector<1x8x128xi32> to vector<8x128xi32>
      %select_n3A_3350 = arith.select %gt3A_3337, %add3A_1757, %get3A_3349 : vector<8x128xi1>, vector<8x128xi32>
      %swap3A_3351 = arith.constant 17 : index
      %swap3A_3352 = arith.constant 0 : index
      %swap3A_3353 = arith.constant 0 : index
      %swap3A_3354 = vector.load %arg10[%swap3A_3351, %swap3A_3352, %swap3A_3353] : memref<32x8x128xi32, #tpu.memory_space<vmem>>, vector<1x8x128xi32>
      %swap3A_3355 = vector.shape_cast %swap3A_3354 : vector<1x8x128xi32> to vector<8x128xi32>
      %swap3A_3356 = vector.shape_cast %select_n3A_3350 : vector<8x128xi32> to vector<1x8x128xi32>
      tpu.vector_store %arg10[%swap3A_3351, %swap3A_3352, %swap3A_3353], %swap3A_3356 {strides = array<i32>} : memref<32x8x128xi32, #tpu.memory_space<vmem>>, vector<1x8x128xi32>,
      %get3A_3357 = arith.constant 18 : index
      %get3A_3358 = arith.constant 0 : index
      %get3A_3359 = memref.load %arg0[%get3A_3357, %get3A_3358] : memref<32x4xf32, #tpu.memory_space<smem>>
      %get3A_3360 = arith.constant 18 : index
      %get3A_3361 = arith.constant 1 : index
      %get3A_3362 = memref.load %arg0[%get3A_3360, %get3A_3361] : memref<32x4xf32, #tpu.memory_space<smem>>
      %get3A_3363 = arith.constant 18 : index
      %get3A_3364 = arith.constant 2 : index
      %get3A_3365 = memref.load %arg0[%get3A_3363, %get3A_3364] : memref<32x4xf32, #tpu.memory_space<smem>>
      %get3A_3366 = arith.constant 18 : index
      %get3A_3367 = arith.constant 3 : index
      %get3A_3368 = memref.load %arg0[%get3A_3366, %get3A_3367] : memref<32x4xf32, #tpu.memory_space<smem>>
      %add3A_3369 = arith.addf %get3A_3359, %get3A_3365 : f32
      %sub3A_3370 = arith.constant 1.000000e+00 : f32
      %sub3A_3371 = arith.subf %add3A_3369, %sub3A_3370 : f32
      %add3A_3372 = arith.addf %get3A_3362, %get3A_3368 : f32
      %sub3A_3373 = arith.constant 1.000000e+00 : f32
      %sub3A_3374 = arith.subf %add3A_3372, %sub3A_3373 : f32
      %mul3A_3375 = arith.mulf %get3A_3365, %get3A_3368 : f32
      %min3A_3376 = vector.broadcast %sub3A_3371 : f32 to vector<8x128xf32>
      %min3A_3377 = arith.minimumf %get3A_1735, %min3A_3376 : vector<8x128xf32>
      %max3A_3378 = vector.broadcast %get3A_3359 : f32 to vector<8x128xf32>
      %max3A_3379 = arith.maximumf %get3A_1725, %max3A_3378 : vector<8x128xf32>
      %sub3A_3380 = arith.subf %min3A_3377, %max3A_3379 : vector<8x128xf32>
      %add3A_3381 = arith.constant 1.000000e+00 : f32
      %add3A_3382 = vector.broadcast %add3A_3381 : f32 to vector<8x128xf32>
      %add3A_3383 = arith.addf %sub3A_3380, %add3A_3382 : vector<8x128xf32>
      %max3A_3384 = arith.constant 0.000000e+00 : f32
      %max3A_3385 = vector.broadcast %max3A_3384 : f32 to vector<8x128xf32>
      %max3A_3386 = arith.maximumf %max3A_3385, %add3A_3383 : vector<8x128xf32>
      %min3A_3387 = vector.broadcast %sub3A_3374 : f32 to vector<8x128xf32>
      %min3A_3388 = arith.minimumf %get3A_1740, %min3A_3387 : vector<8x128xf32>
      %max3A_3389 = vector.broadcast %get3A_3362 : f32 to vector<8x128xf32>
      %max3A_3390 = arith.maximumf %get3A_1730, %max3A_3389 : vector<8x128xf32>
      %sub3A_3391 = arith.subf %min3A_3388, %max3A_3390 : vector<8x128xf32>
      %add3A_3392 = arith.constant 1.000000e+00 : f32
      %add3A_3393 = vector.broadcast %add3A_3392 : f32 to vector<8x128xf32>
      %add3A_3394 = arith.addf %sub3A_3391, %add3A_3393 : vector<8x128xf32>
      %max3A_3395 = arith.constant 0.000000e+00 : f32
      %max3A_3396 = vector.broadcast %max3A_3395 : f32 to vector<8x128xf32>
      %max3A_3397 = arith.maximumf %max3A_3396, %add3A_3394 : vector<8x128xf32>
      %mul3A_3398 = arith.mulf %max3A_3386, %max3A_3397 : vector<8x128xf32>
      %add3A_3399 = vector.broadcast %mul3A_3375 : f32 to vector<8x128xf32>
      %add3A_3400 = arith.addf %get3A_1745, %add3A_3399 : vector<8x128xf32>
      %sub3A_3401 = arith.subf %add3A_3400, %mul3A_3398 : vector<8x128xf32>
      %div3A_3402 = arith.divf %mul3A_3398, %sub3A_3401 : vector<8x128xf32>
      %eq3A_3403 = arith.constant 0.000000e+00 : f32
      %eq3A_3404 = vector.broadcast %eq3A_3403 : f32 to vector<8x128xf32>
      %eq3A_3405 = arith.cmpf oeq, %div3A_3402, %eq3A_3404 : vector<8x128xf32>
      %jit3A_3406 = arith.constant 1.000000e-10 : f32
      %broadcast_in_dim3A_3407 = vector.broadcast %jit3A_3406 : f32 to vector<8x128xf32>
      %select_n3A_3408 = arith.select %eq3A_3405, %broadcast_in_dim3A_3407, %div3A_3402 : vector<8x128xi1>, vector<8x128xf32>
      %jit3A_3409 = arith.constant -1.000000e+00 : f32
      %broadcast_in_dim3A_3410 = vector.broadcast %jit3A_3409 : f32 to vector<8x128xf32>
      %select_n3A_3411 = arith.select %ne3A_1753, %select_n3A_3408, %broadcast_in_dim3A_3410 : vector<8x128xi1>, vector<8x128xf32>
      %gt3A_3412 = arith.cmpf ogt, %select_n3A_3408, %select_n3A_3323 : vector<8x128xf32>
      %select_n3A_3413 = arith.select %gt3A_3412, %select_n3A_3408, %select_n3A_3323 : vector<8x128xi1>, vector<8x128xf32>
      %broadcast_in_dim3A_3414 = vector.broadcast %get3A_3359 : f32 to vector<8x128xf32>
      %select_n3A_3415 = arith.select %gt3A_3412, %broadcast_in_dim3A_3414, %select_n3A_3325 : vector<8x128xi1>, vector<8x128xf32>
      %broadcast_in_dim3A_3416 = vector.broadcast %get3A_3362 : f32 to vector<8x128xf32>
      %select_n3A_3417 = arith.select %gt3A_3412, %broadcast_in_dim3A_3416, %select_n3A_3327 : vector<8x128xi1>, vector<8x128xf32>
      %broadcast_in_dim3A_3418 = vector.broadcast %get3A_3365 : f32 to vector<8x128xf32>
      %select_n3A_3419 = arith.select %gt3A_3412, %broadcast_in_dim3A_3418, %select_n3A_3329 : vector<8x128xi1>, vector<8x128xf32>
      %broadcast_in_dim3A_3420 = vector.broadcast %get3A_3368 : f32 to vector<8x128xf32>
      %select_n3A_3421 = arith.select %gt3A_3412, %broadcast_in_dim3A_3420, %select_n3A_3331 : vector<8x128xi1>, vector<8x128xf32>
      %get3A_3422 = arith.constant 18 : index
      %get3A_3423 = arith.constant 0 : index
      %get3A_3424 = arith.constant 0 : index
      %get3A_3425 = vector.load %arg9[%get3A_3422, %get3A_3423, %get3A_3424] : memref<32x8x128xf32, #tpu.memory_space<vmem>>, vector<1x8x128xf32>
      %get3A_3426 = vector.shape_cast %get3A_3425 : vector<1x8x128xf32> to vector<8x128xf32>
      %gt3A_3427 = arith.cmpf ogt, %select_n3A_3411, %get3A_3426 : vector<8x128xf32>
      %select_n3A_3428 = arith.select %gt3A_3427, %select_n3A_3411, %get3A_3426 : vector<8x128xi1>, vector<8x128xf32>
      %swap3A_3429 = arith.constant 18 : index
      %swap3A_3430 = arith.constant 0 : index
      %swap3A_3431 = arith.constant 0 : index
      %swap3A_3432 = vector.load %arg9[%swap3A_3429, %swap3A_3430, %swap3A_3431] : memref<32x8x128xf32, #tpu.memory_space<vmem>>, vector<1x8x128xf32>
      %swap3A_3433 = vector.shape_cast %swap3A_3432 : vector<1x8x128xf32> to vector<8x128xf32>
      %swap3A_3434 = vector.shape_cast %select_n3A_3428 : vector<8x128xf32> to vector<1x8x128xf32>
      tpu.vector_store %arg9[%swap3A_3429, %swap3A_3430, %swap3A_3431], %swap3A_3434 {strides = array<i32>} : memref<32x8x128xf32, #tpu.memory_space<vmem>>, vector<1x8x128xf32>,
      %get3A_3435 = arith.constant 18 : index
      %get3A_3436 = arith.constant 0 : index
      %get3A_3437 = arith.constant 0 : index
      %get3A_3438 = vector.load %arg10[%get3A_3435, %get3A_3436, %get3A_3437] : memref<32x8x128xi32, #tpu.memory_space<vmem>>, vector<1x8x128xi32>
      %get3A_3439 = vector.shape_cast %get3A_3438 : vector<1x8x128xi32> to vector<8x128xi32>
      %select_n3A_3440 = arith.select %gt3A_3427, %add3A_1757, %get3A_3439 : vector<8x128xi1>, vector<8x128xi32>
      %swap3A_3441 = arith.constant 18 : index
      %swap3A_3442 = arith.constant 0 : index
      %swap3A_3443 = arith.constant 0 : index
      %swap3A_3444 = vector.load %arg10[%swap3A_3441, %swap3A_3442, %swap3A_3443] : memref<32x8x128xi32, #tpu.memory_space<vmem>>, vector<1x8x128xi32>
      %swap3A_3445 = vector.shape_cast %swap3A_3444 : vector<1x8x128xi32> to vector<8x128xi32>
      %swap3A_3446 = vector.shape_cast %select_n3A_3440 : vector<8x128xi32> to vector<1x8x128xi32>
      tpu.vector_store %arg10[%swap3A_3441, %swap3A_3442, %swap3A_3443], %swap3A_3446 {strides = array<i32>} : memref<32x8x128xi32, #tpu.memory_space<vmem>>, vector<1x8x128xi32>,
      %get3A_3447 = arith.constant 19 : index
      %get3A_3448 = arith.constant 0 : index
      %get3A_3449 = memref.load %arg0[%get3A_3447, %get3A_3448] : memref<32x4xf32, #tpu.memory_space<smem>>
      %get3A_3450 = arith.constant 19 : index
      %get3A_3451 = arith.constant 1 : index
      %get3A_3452 = memref.load %arg0[%get3A_3450, %get3A_3451] : memref<32x4xf32, #tpu.memory_space<smem>>
      %get3A_3453 = arith.constant 19 : index
      %get3A_3454 = arith.constant 2 : index
      %get3A_3455 = memref.load %arg0[%get3A_3453, %get3A_3454] : memref<32x4xf32, #tpu.memory_space<smem>>
      %get3A_3456 = arith.constant 19 : index
      %get3A_3457 = arith.constant 3 : index
      %get3A_3458 = memref.load %arg0[%get3A_3456, %get3A_3457] : memref<32x4xf32, #tpu.memory_space<smem>>
      %add3A_3459 = arith.addf %get3A_3449, %get3A_3455 : f32
      %sub3A_3460 = arith.constant 1.000000e+00 : f32
      %sub3A_3461 = arith.subf %add3A_3459, %sub3A_3460 : f32
      %add3A_3462 = arith.addf %get3A_3452, %get3A_3458 : f32
      %sub3A_3463 = arith.constant 1.000000e+00 : f32
      %sub3A_3464 = arith.subf %add3A_3462, %sub3A_3463 : f32
      %mul3A_3465 = arith.mulf %get3A_3455, %get3A_3458 : f32
      %min3A_3466 = vector.broadcast %sub3A_3461 : f32 to vector<8x128xf32>
      %min3A_3467 = arith.minimumf %get3A_1735, %min3A_3466 : vector<8x128xf32>
      %max3A_3468 = vector.broadcast %get3A_3449 : f32 to vector<8x128xf32>
      %max3A_3469 = arith.maximumf %get3A_1725, %max3A_3468 : vector<8x128xf32>
      %sub3A_3470 = arith.subf %min3A_3467, %max3A_3469 : vector<8x128xf32>
      %add3A_3471 = arith.constant 1.000000e+00 : f32
      %add3A_3472 = vector.broadcast %add3A_3471 : f32 to vector<8x128xf32>
      %add3A_3473 = arith.addf %sub3A_3470, %add3A_3472 : vector<8x128xf32>
      %max3A_3474 = arith.constant 0.000000e+00 : f32
      %max3A_3475 = vector.broadcast %max3A_3474 : f32 to vector<8x128xf32>
      %max3A_3476 = arith.maximumf %max3A_3475, %add3A_3473 : vector<8x128xf32>
      %min3A_3477 = vector.broadcast %sub3A_3464 : f32 to vector<8x128xf32>
      %min3A_3478 = arith.minimumf %get3A_1740, %min3A_3477 : vector<8x128xf32>
      %max3A_3479 = vector.broadcast %get3A_3452 : f32 to vector<8x128xf32>
      %max3A_3480 = arith.maximumf %get3A_1730, %max3A_3479 : vector<8x128xf32>
      %sub3A_3481 = arith.subf %min3A_3478, %max3A_3480 : vector<8x128xf32>
      %add3A_3482 = arith.constant 1.000000e+00 : f32
      %add3A_3483 = vector.broadcast %add3A_3482 : f32 to vector<8x128xf32>
      %add3A_3484 = arith.addf %sub3A_3481, %add3A_3483 : vector<8x128xf32>
      %max3A_3485 = arith.constant 0.000000e+00 : f32
      %max3A_3486 = vector.broadcast %max3A_3485 : f32 to vector<8x128xf32>
      %max3A_3487 = arith.maximumf %max3A_3486, %add3A_3484 : vector<8x128xf32>
      %mul3A_3488 = arith.mulf %max3A_3476, %max3A_3487 : vector<8x128xf32>
      %add3A_3489 = vector.broadcast %mul3A_3465 : f32 to vector<8x128xf32>
      %add3A_3490 = arith.addf %get3A_1745, %add3A_3489 : vector<8x128xf32>
      %sub3A_3491 = arith.subf %add3A_3490, %mul3A_3488 : vector<8x128xf32>
      %div3A_3492 = arith.divf %mul3A_3488, %sub3A_3491 : vector<8x128xf32>
      %eq3A_3493 = arith.constant 0.000000e+00 : f32
      %eq3A_3494 = vector.broadcast %eq3A_3493 : f32 to vector<8x128xf32>
      %eq3A_3495 = arith.cmpf oeq, %div3A_3492, %eq3A_3494 : vector<8x128xf32>
      %jit3A_3496 = arith.constant 1.000000e-10 : f32
      %broadcast_in_dim3A_3497 = vector.broadcast %jit3A_3496 : f32 to vector<8x128xf32>
      %select_n3A_3498 = arith.select %eq3A_3495, %broadcast_in_dim3A_3497, %div3A_3492 : vector<8x128xi1>, vector<8x128xf32>
      %jit3A_3499 = arith.constant -1.000000e+00 : f32
      %broadcast_in_dim3A_3500 = vector.broadcast %jit3A_3499 : f32 to vector<8x128xf32>
      %select_n3A_3501 = arith.select %ne3A_1753, %select_n3A_3498, %broadcast_in_dim3A_3500 : vector<8x128xi1>, vector<8x128xf32>
      %gt3A_3502 = arith.cmpf ogt, %select_n3A_3498, %select_n3A_3413 : vector<8x128xf32>
      %select_n3A_3503 = arith.select %gt3A_3502, %select_n3A_3498, %select_n3A_3413 : vector<8x128xi1>, vector<8x128xf32>
      %broadcast_in_dim3A_3504 = vector.broadcast %get3A_3449 : f32 to vector<8x128xf32>
      %select_n3A_3505 = arith.select %gt3A_3502, %broadcast_in_dim3A_3504, %select_n3A_3415 : vector<8x128xi1>, vector<8x128xf32>
      %broadcast_in_dim3A_3506 = vector.broadcast %get3A_3452 : f32 to vector<8x128xf32>
      %select_n3A_3507 = arith.select %gt3A_3502, %broadcast_in_dim3A_3506, %select_n3A_3417 : vector<8x128xi1>, vector<8x128xf32>
      %broadcast_in_dim3A_3508 = vector.broadcast %get3A_3455 : f32 to vector<8x128xf32>
      %select_n3A_3509 = arith.select %gt3A_3502, %broadcast_in_dim3A_3508, %select_n3A_3419 : vector<8x128xi1>, vector<8x128xf32>
      %broadcast_in_dim3A_3510 = vector.broadcast %get3A_3458 : f32 to vector<8x128xf32>
      %select_n3A_3511 = arith.select %gt3A_3502, %broadcast_in_dim3A_3510, %select_n3A_3421 : vector<8x128xi1>, vector<8x128xf32>
      %get3A_3512 = arith.constant 19 : index
      %get3A_3513 = arith.constant 0 : index
      %get3A_3514 = arith.constant 0 : index
      %get3A_3515 = vector.load %arg9[%get3A_3512, %get3A_3513, %get3A_3514] : memref<32x8x128xf32, #tpu.memory_space<vmem>>, vector<1x8x128xf32>
      %get3A_3516 = vector.shape_cast %get3A_3515 : vector<1x8x128xf32> to vector<8x128xf32>
      %gt3A_3517 = arith.cmpf ogt, %select_n3A_3501, %get3A_3516 : vector<8x128xf32>
      %select_n3A_3518 = arith.select %gt3A_3517, %select_n3A_3501, %get3A_3516 : vector<8x128xi1>, vector<8x128xf32>
      %swap3A_3519 = arith.constant 19 : index
      %swap3A_3520 = arith.constant 0 : index
      %swap3A_3521 = arith.constant 0 : index
      %swap3A_3522 = vector.load %arg9[%swap3A_3519, %swap3A_3520, %swap3A_3521] : memref<32x8x128xf32, #tpu.memory_space<vmem>>, vector<1x8x128xf32>
      %swap3A_3523 = vector.shape_cast %swap3A_3522 : vector<1x8x128xf32> to vector<8x128xf32>
      %swap3A_3524 = vector.shape_cast %select_n3A_3518 : vector<8x128xf32> to vector<1x8x128xf32>
      tpu.vector_store %arg9[%swap3A_3519, %swap3A_3520, %swap3A_3521], %swap3A_3524 {strides = array<i32>} : memref<32x8x128xf32, #tpu.memory_space<vmem>>, vector<1x8x128xf32>,
      %get3A_3525 = arith.constant 19 : index
      %get3A_3526 = arith.constant 0 : index
      %get3A_3527 = arith.constant 0 : index
      %get3A_3528 = vector.load %arg10[%get3A_3525, %get3A_3526, %get3A_3527] : memref<32x8x128xi32, #tpu.memory_space<vmem>>, vector<1x8x128xi32>
      %get3A_3529 = vector.shape_cast %get3A_3528 : vector<1x8x128xi32> to vector<8x128xi32>
      %select_n3A_3530 = arith.select %gt3A_3517, %add3A_1757, %get3A_3529 : vector<8x128xi1>, vector<8x128xi32>
      %swap3A_3531 = arith.constant 19 : index
      %swap3A_3532 = arith.constant 0 : index
      %swap3A_3533 = arith.constant 0 : index
      %swap3A_3534 = vector.load %arg10[%swap3A_3531, %swap3A_3532, %swap3A_3533] : memref<32x8x128xi32, #tpu.memory_space<vmem>>, vector<1x8x128xi32>
      %swap3A_3535 = vector.shape_cast %swap3A_3534 : vector<1x8x128xi32> to vector<8x128xi32>
      %swap3A_3536 = vector.shape_cast %select_n3A_3530 : vector<8x128xi32> to vector<1x8x128xi32>
      tpu.vector_store %arg10[%swap3A_3531, %swap3A_3532, %swap3A_3533], %swap3A_3536 {strides = array<i32>} : memref<32x8x128xi32, #tpu.memory_space<vmem>>, vector<1x8x128xi32>,
      %get3A_3537 = arith.constant 20 : index
      %get3A_3538 = arith.constant 0 : index
      %get3A_3539 = memref.load %arg0[%get3A_3537, %get3A_3538] : memref<32x4xf32, #tpu.memory_space<smem>>
      %get3A_3540 = arith.constant 20 : index
      %get3A_3541 = arith.constant 1 : index
      %get3A_3542 = memref.load %arg0[%get3A_3540, %get3A_3541] : memref<32x4xf32, #tpu.memory_space<smem>>
      %get3A_3543 = arith.constant 20 : index
      %get3A_3544 = arith.constant 2 : index
      %get3A_3545 = memref.load %arg0[%get3A_3543, %get3A_3544] : memref<32x4xf32, #tpu.memory_space<smem>>
      %get3A_3546 = arith.constant 20 : index
      %get3A_3547 = arith.constant 3 : index
      %get3A_3548 = memref.load %arg0[%get3A_3546, %get3A_3547] : memref<32x4xf32, #tpu.memory_space<smem>>
      %add3A_3549 = arith.addf %get3A_3539, %get3A_3545 : f32
      %sub3A_3550 = arith.constant 1.000000e+00 : f32
      %sub3A_3551 = arith.subf %add3A_3549, %sub3A_3550 : f32
      %add3A_3552 = arith.addf %get3A_3542, %get3A_3548 : f32
      %sub3A_3553 = arith.constant 1.000000e+00 : f32
      %sub3A_3554 = arith.subf %add3A_3552, %sub3A_3553 : f32
      %mul3A_3555 = arith.mulf %get3A_3545, %get3A_3548 : f32
      %min3A_3556 = vector.broadcast %sub3A_3551 : f32 to vector<8x128xf32>
      %min3A_3557 = arith.minimumf %get3A_1735, %min3A_3556 : vector<8x128xf32>
      %max3A_3558 = vector.broadcast %get3A_3539 : f32 to vector<8x128xf32>
      %max3A_3559 = arith.maximumf %get3A_1725, %max3A_3558 : vector<8x128xf32>
      %sub3A_3560 = arith.subf %min3A_3557, %max3A_3559 : vector<8x128xf32>
      %add3A_3561 = arith.constant 1.000000e+00 : f32
      %add3A_3562 = vector.broadcast %add3A_3561 : f32 to vector<8x128xf32>
      %add3A_3563 = arith.addf %sub3A_3560, %add3A_3562 : vector<8x128xf32>
      %max3A_3564 = arith.constant 0.000000e+00 : f32
      %max3A_3565 = vector.broadcast %max3A_3564 : f32 to vector<8x128xf32>
      %max3A_3566 = arith.maximumf %max3A_3565, %add3A_3563 : vector<8x128xf32>
      %min3A_3567 = vector.broadcast %sub3A_3554 : f32 to vector<8x128xf32>
      %min3A_3568 = arith.minimumf %get3A_1740, %min3A_3567 : vector<8x128xf32>
      %max3A_3569 = vector.broadcast %get3A_3542 : f32 to vector<8x128xf32>
      %max3A_3570 = arith.maximumf %get3A_1730, %max3A_3569 : vector<8x128xf32>
      %sub3A_3571 = arith.subf %min3A_3568, %max3A_3570 : vector<8x128xf32>
      %add3A_3572 = arith.constant 1.000000e+00 : f32
      %add3A_3573 = vector.broadcast %add3A_3572 : f32 to vector<8x128xf32>
      %add3A_3574 = arith.addf %sub3A_3571, %add3A_3573 : vector<8x128xf32>
      %max3A_3575 = arith.constant 0.000000e+00 : f32
      %max3A_3576 = vector.broadcast %max3A_3575 : f32 to vector<8x128xf32>
      %max3A_3577 = arith.maximumf %max3A_3576, %add3A_3574 : vector<8x128xf32>
      %mul3A_3578 = arith.mulf %max3A_3566, %max3A_3577 : vector<8x128xf32>
      %add3A_3579 = vector.broadcast %mul3A_3555 : f32 to vector<8x128xf32>
      %add3A_3580 = arith.addf %get3A_1745, %add3A_3579 : vector<8x128xf32>
      %sub3A_3581 = arith.subf %add3A_3580, %mul3A_3578 : vector<8x128xf32>
      %div3A_3582 = arith.divf %mul3A_3578, %sub3A_3581 : vector<8x128xf32>
      %eq3A_3583 = arith.constant 0.000000e+00 : f32
      %eq3A_3584 = vector.broadcast %eq3A_3583 : f32 to vector<8x128xf32>
      %eq3A_3585 = arith.cmpf oeq, %div3A_3582, %eq3A_3584 : vector<8x128xf32>
      %jit3A_3586 = arith.constant 1.000000e-10 : f32
      %broadcast_in_dim3A_3587 = vector.broadcast %jit3A_3586 : f32 to vector<8x128xf32>
      %select_n3A_3588 = arith.select %eq3A_3585, %broadcast_in_dim3A_3587, %div3A_3582 : vector<8x128xi1>, vector<8x128xf32>
      %jit3A_3589 = arith.constant -1.000000e+00 : f32
      %broadcast_in_dim3A_3590 = vector.broadcast %jit3A_3589 : f32 to vector<8x128xf32>
      %select_n3A_3591 = arith.select %ne3A_1753, %select_n3A_3588, %broadcast_in_dim3A_3590 : vector<8x128xi1>, vector<8x128xf32>
      %gt3A_3592 = arith.cmpf ogt, %select_n3A_3588, %select_n3A_3503 : vector<8x128xf32>
      %select_n3A_3593 = arith.select %gt3A_3592, %select_n3A_3588, %select_n3A_3503 : vector<8x128xi1>, vector<8x128xf32>
      %broadcast_in_dim3A_3594 = vector.broadcast %get3A_3539 : f32 to vector<8x128xf32>
      %select_n3A_3595 = arith.select %gt3A_3592, %broadcast_in_dim3A_3594, %select_n3A_3505 : vector<8x128xi1>, vector<8x128xf32>
      %broadcast_in_dim3A_3596 = vector.broadcast %get3A_3542 : f32 to vector<8x128xf32>
      %select_n3A_3597 = arith.select %gt3A_3592, %broadcast_in_dim3A_3596, %select_n3A_3507 : vector<8x128xi1>, vector<8x128xf32>
      %broadcast_in_dim3A_3598 = vector.broadcast %get3A_3545 : f32 to vector<8x128xf32>
      %select_n3A_3599 = arith.select %gt3A_3592, %broadcast_in_dim3A_3598, %select_n3A_3509 : vector<8x128xi1>, vector<8x128xf32>
      %broadcast_in_dim3A_3600 = vector.broadcast %get3A_3548 : f32 to vector<8x128xf32>
      %select_n3A_3601 = arith.select %gt3A_3592, %broadcast_in_dim3A_3600, %select_n3A_3511 : vector<8x128xi1>, vector<8x128xf32>
      %get3A_3602 = arith.constant 20 : index
      %get3A_3603 = arith.constant 0 : index
      %get3A_3604 = arith.constant 0 : index
      %get3A_3605 = vector.load %arg9[%get3A_3602, %get3A_3603, %get3A_3604] : memref<32x8x128xf32, #tpu.memory_space<vmem>>, vector<1x8x128xf32>
      %get3A_3606 = vector.shape_cast %get3A_3605 : vector<1x8x128xf32> to vector<8x128xf32>
      %gt3A_3607 = arith.cmpf ogt, %select_n3A_3591, %get3A_3606 : vector<8x128xf32>
      %select_n3A_3608 = arith.select %gt3A_3607, %select_n3A_3591, %get3A_3606 : vector<8x128xi1>, vector<8x128xf32>
      %swap3A_3609 = arith.constant 20 : index
      %swap3A_3610 = arith.constant 0 : index
      %swap3A_3611 = arith.constant 0 : index
      %swap3A_3612 = vector.load %arg9[%swap3A_3609, %swap3A_3610, %swap3A_3611] : memref<32x8x128xf32, #tpu.memory_space<vmem>>, vector<1x8x128xf32>
      %swap3A_3613 = vector.shape_cast %swap3A_3612 : vector<1x8x128xf32> to vector<8x128xf32>
      %swap3A_3614 = vector.shape_cast %select_n3A_3608 : vector<8x128xf32> to vector<1x8x128xf32>
      tpu.vector_store %arg9[%swap3A_3609, %swap3A_3610, %swap3A_3611], %swap3A_3614 {strides = array<i32>} : memref<32x8x128xf32, #tpu.memory_space<vmem>>, vector<1x8x128xf32>,
      %get3A_3615 = arith.constant 20 : index
      %get3A_3616 = arith.constant 0 : index
      %get3A_3617 = arith.constant 0 : index
      %get3A_3618 = vector.load %arg10[%get3A_3615, %get3A_3616, %get3A_3617] : memref<32x8x128xi32, #tpu.memory_space<vmem>>, vector<1x8x128xi32>
      %get3A_3619 = vector.shape_cast %get3A_3618 : vector<1x8x128xi32> to vector<8x128xi32>
      %select_n3A_3620 = arith.select %gt3A_3607, %add3A_1757, %get3A_3619 : vector<8x128xi1>, vector<8x128xi32>
      %swap3A_3621 = arith.constant 20 : index
      %swap3A_3622 = arith.constant 0 : index
      %swap3A_3623 = arith.constant 0 : index
      %swap3A_3624 = vector.load %arg10[%swap3A_3621, %swap3A_3622, %swap3A_3623] : memref<32x8x128xi32, #tpu.memory_space<vmem>>, vector<1x8x128xi32>
      %swap3A_3625 = vector.shape_cast %swap3A_3624 : vector<1x8x128xi32> to vector<8x128xi32>
      %swap3A_3626 = vector.shape_cast %select_n3A_3620 : vector<8x128xi32> to vector<1x8x128xi32>
      tpu.vector_store %arg10[%swap3A_3621, %swap3A_3622, %swap3A_3623], %swap3A_3626 {strides = array<i32>} : memref<32x8x128xi32, #tpu.memory_space<vmem>>, vector<1x8x128xi32>,
      %get3A_3627 = arith.constant 21 : index
      %get3A_3628 = arith.constant 0 : index
      %get3A_3629 = memref.load %arg0[%get3A_3627, %get3A_3628] : memref<32x4xf32, #tpu.memory_space<smem>>
      %get3A_3630 = arith.constant 21 : index
      %get3A_3631 = arith.constant 1 : index
      %get3A_3632 = memref.load %arg0[%get3A_3630, %get3A_3631] : memref<32x4xf32, #tpu.memory_space<smem>>
      %get3A_3633 = arith.constant 21 : index
      %get3A_3634 = arith.constant 2 : index
      %get3A_3635 = memref.load %arg0[%get3A_3633, %get3A_3634] : memref<32x4xf32, #tpu.memory_space<smem>>
      %get3A_3636 = arith.constant 21 : index
      %get3A_3637 = arith.constant 3 : index
      %get3A_3638 = memref.load %arg0[%get3A_3636, %get3A_3637] : memref<32x4xf32, #tpu.memory_space<smem>>
      %add3A_3639 = arith.addf %get3A_3629, %get3A_3635 : f32
      %sub3A_3640 = arith.constant 1.000000e+00 : f32
      %sub3A_3641 = arith.subf %add3A_3639, %sub3A_3640 : f32
      %add3A_3642 = arith.addf %get3A_3632, %get3A_3638 : f32
      %sub3A_3643 = arith.constant 1.000000e+00 : f32
      %sub3A_3644 = arith.subf %add3A_3642, %sub3A_3643 : f32
      %mul3A_3645 = arith.mulf %get3A_3635, %get3A_3638 : f32
      %min3A_3646 = vector.broadcast %sub3A_3641 : f32 to vector<8x128xf32>
      %min3A_3647 = arith.minimumf %get3A_1735, %min3A_3646 : vector<8x128xf32>
      %max3A_3648 = vector.broadcast %get3A_3629 : f32 to vector<8x128xf32>
      %max3A_3649 = arith.maximumf %get3A_1725, %max3A_3648 : vector<8x128xf32>
      %sub3A_3650 = arith.subf %min3A_3647, %max3A_3649 : vector<8x128xf32>
      %add3A_3651 = arith.constant 1.000000e+00 : f32
      %add3A_3652 = vector.broadcast %add3A_3651 : f32 to vector<8x128xf32>
      %add3A_3653 = arith.addf %sub3A_3650, %add3A_3652 : vector<8x128xf32>
      %max3A_3654 = arith.constant 0.000000e+00 : f32
      %max3A_3655 = vector.broadcast %max3A_3654 : f32 to vector<8x128xf32>
      %max3A_3656 = arith.maximumf %max3A_3655, %add3A_3653 : vector<8x128xf32>
      %min3A_3657 = vector.broadcast %sub3A_3644 : f32 to vector<8x128xf32>
      %min3A_3658 = arith.minimumf %get3A_1740, %min3A_3657 : vector<8x128xf32>
      %max3A_3659 = vector.broadcast %get3A_3632 : f32 to vector<8x128xf32>
      %max3A_3660 = arith.maximumf %get3A_1730, %max3A_3659 : vector<8x128xf32>
      %sub3A_3661 = arith.subf %min3A_3658, %max3A_3660 : vector<8x128xf32>
      %add3A_3662 = arith.constant 1.000000e+00 : f32
      %add3A_3663 = vector.broadcast %add3A_3662 : f32 to vector<8x128xf32>
      %add3A_3664 = arith.addf %sub3A_3661, %add3A_3663 : vector<8x128xf32>
      %max3A_3665 = arith.constant 0.000000e+00 : f32
      %max3A_3666 = vector.broadcast %max3A_3665 : f32 to vector<8x128xf32>
      %max3A_3667 = arith.maximumf %max3A_3666, %add3A_3664 : vector<8x128xf32>
      %mul3A_3668 = arith.mulf %max3A_3656, %max3A_3667 : vector<8x128xf32>
      %add3A_3669 = vector.broadcast %mul3A_3645 : f32 to vector<8x128xf32>
      %add3A_3670 = arith.addf %get3A_1745, %add3A_3669 : vector<8x128xf32>
      %sub3A_3671 = arith.subf %add3A_3670, %mul3A_3668 : vector<8x128xf32>
      %div3A_3672 = arith.divf %mul3A_3668, %sub3A_3671 : vector<8x128xf32>
      %eq3A_3673 = arith.constant 0.000000e+00 : f32
      %eq3A_3674 = vector.broadcast %eq3A_3673 : f32 to vector<8x128xf32>
      %eq3A_3675 = arith.cmpf oeq, %div3A_3672, %eq3A_3674 : vector<8x128xf32>
      %jit3A_3676 = arith.constant 1.000000e-10 : f32
      %broadcast_in_dim3A_3677 = vector.broadcast %jit3A_3676 : f32 to vector<8x128xf32>
      %select_n3A_3678 = arith.select %eq3A_3675, %broadcast_in_dim3A_3677, %div3A_3672 : vector<8x128xi1>, vector<8x128xf32>
      %jit3A_3679 = arith.constant -1.000000e+00 : f32
      %broadcast_in_dim3A_3680 = vector.broadcast %jit3A_3679 : f32 to vector<8x128xf32>
      %select_n3A_3681 = arith.select %ne3A_1753, %select_n3A_3678, %broadcast_in_dim3A_3680 : vector<8x128xi1>, vector<8x128xf32>
      %gt3A_3682 = arith.cmpf ogt, %select_n3A_3678, %select_n3A_3593 : vector<8x128xf32>
      %select_n3A_3683 = arith.select %gt3A_3682, %select_n3A_3678, %select_n3A_3593 : vector<8x128xi1>, vector<8x128xf32>
      %broadcast_in_dim3A_3684 = vector.broadcast %get3A_3629 : f32 to vector<8x128xf32>
      %select_n3A_3685 = arith.select %gt3A_3682, %broadcast_in_dim3A_3684, %select_n3A_3595 : vector<8x128xi1>, vector<8x128xf32>
      %broadcast_in_dim3A_3686 = vector.broadcast %get3A_3632 : f32 to vector<8x128xf32>
      %select_n3A_3687 = arith.select %gt3A_3682, %broadcast_in_dim3A_3686, %select_n3A_3597 : vector<8x128xi1>, vector<8x128xf32>
      %broadcast_in_dim3A_3688 = vector.broadcast %get3A_3635 : f32 to vector<8x128xf32>
      %select_n3A_3689 = arith.select %gt3A_3682, %broadcast_in_dim3A_3688, %select_n3A_3599 : vector<8x128xi1>, vector<8x128xf32>
      %broadcast_in_dim3A_3690 = vector.broadcast %get3A_3638 : f32 to vector<8x128xf32>
      %select_n3A_3691 = arith.select %gt3A_3682, %broadcast_in_dim3A_3690, %select_n3A_3601 : vector<8x128xi1>, vector<8x128xf32>
      %get3A_3692 = arith.constant 21 : index
      %get3A_3693 = arith.constant 0 : index
      %get3A_3694 = arith.constant 0 : index
      %get3A_3695 = vector.load %arg9[%get3A_3692, %get3A_3693, %get3A_3694] : memref<32x8x128xf32, #tpu.memory_space<vmem>>, vector<1x8x128xf32>
      %get3A_3696 = vector.shape_cast %get3A_3695 : vector<1x8x128xf32> to vector<8x128xf32>
      %gt3A_3697 = arith.cmpf ogt, %select_n3A_3681, %get3A_3696 : vector<8x128xf32>
      %select_n3A_3698 = arith.select %gt3A_3697, %select_n3A_3681, %get3A_3696 : vector<8x128xi1>, vector<8x128xf32>
      %swap3A_3699 = arith.constant 21 : index
      %swap3A_3700 = arith.constant 0 : index
      %swap3A_3701 = arith.constant 0 : index
      %swap3A_3702 = vector.load %arg9[%swap3A_3699, %swap3A_3700, %swap3A_3701] : memref<32x8x128xf32, #tpu.memory_space<vmem>>, vector<1x8x128xf32>
      %swap3A_3703 = vector.shape_cast %swap3A_3702 : vector<1x8x128xf32> to vector<8x128xf32>
      %swap3A_3704 = vector.shape_cast %select_n3A_3698 : vector<8x128xf32> to vector<1x8x128xf32>
      tpu.vector_store %arg9[%swap3A_3699, %swap3A_3700, %swap3A_3701], %swap3A_3704 {strides = array<i32>} : memref<32x8x128xf32, #tpu.memory_space<vmem>>, vector<1x8x128xf32>,
      %get3A_3705 = arith.constant 21 : index
      %get3A_3706 = arith.constant 0 : index
      %get3A_3707 = arith.constant 0 : index
      %get3A_3708 = vector.load %arg10[%get3A_3705, %get3A_3706, %get3A_3707] : memref<32x8x128xi32, #tpu.memory_space<vmem>>, vector<1x8x128xi32>
      %get3A_3709 = vector.shape_cast %get3A_3708 : vector<1x8x128xi32> to vector<8x128xi32>
      %select_n3A_3710 = arith.select %gt3A_3697, %add3A_1757, %get3A_3709 : vector<8x128xi1>, vector<8x128xi32>
      %swap3A_3711 = arith.constant 21 : index
      %swap3A_3712 = arith.constant 0 : index
      %swap3A_3713 = arith.constant 0 : index
      %swap3A_3714 = vector.load %arg10[%swap3A_3711, %swap3A_3712, %swap3A_3713] : memref<32x8x128xi32, #tpu.memory_space<vmem>>, vector<1x8x128xi32>
      %swap3A_3715 = vector.shape_cast %swap3A_3714 : vector<1x8x128xi32> to vector<8x128xi32>
      %swap3A_3716 = vector.shape_cast %select_n3A_3710 : vector<8x128xi32> to vector<1x8x128xi32>
      tpu.vector_store %arg10[%swap3A_3711, %swap3A_3712, %swap3A_3713], %swap3A_3716 {strides = array<i32>} : memref<32x8x128xi32, #tpu.memory_space<vmem>>, vector<1x8x128xi32>,
      %get3A_3717 = arith.constant 22 : index
      %get3A_3718 = arith.constant 0 : index
      %get3A_3719 = memref.load %arg0[%get3A_3717, %get3A_3718] : memref<32x4xf32, #tpu.memory_space<smem>>
      %get3A_3720 = arith.constant 22 : index
      %get3A_3721 = arith.constant 1 : index
      %get3A_3722 = memref.load %arg0[%get3A_3720, %get3A_3721] : memref<32x4xf32, #tpu.memory_space<smem>>
      %get3A_3723 = arith.constant 22 : index
      %get3A_3724 = arith.constant 2 : index
      %get3A_3725 = memref.load %arg0[%get3A_3723, %get3A_3724] : memref<32x4xf32, #tpu.memory_space<smem>>
      %get3A_3726 = arith.constant 22 : index
      %get3A_3727 = arith.constant 3 : index
      %get3A_3728 = memref.load %arg0[%get3A_3726, %get3A_3727] : memref<32x4xf32, #tpu.memory_space<smem>>
      %add3A_3729 = arith.addf %get3A_3719, %get3A_3725 : f32
      %sub3A_3730 = arith.constant 1.000000e+00 : f32
      %sub3A_3731 = arith.subf %add3A_3729, %sub3A_3730 : f32
      %add3A_3732 = arith.addf %get3A_3722, %get3A_3728 : f32
      %sub3A_3733 = arith.constant 1.000000e+00 : f32
      %sub3A_3734 = arith.subf %add3A_3732, %sub3A_3733 : f32
      %mul3A_3735 = arith.mulf %get3A_3725, %get3A_3728 : f32
      %min3A_3736 = vector.broadcast %sub3A_3731 : f32 to vector<8x128xf32>
      %min3A_3737 = arith.minimumf %get3A_1735, %min3A_3736 : vector<8x128xf32>
      %max3A_3738 = vector.broadcast %get3A_3719 : f32 to vector<8x128xf32>
      %max3A_3739 = arith.maximumf %get3A_1725, %max3A_3738 : vector<8x128xf32>
      %sub3A_3740 = arith.subf %min3A_3737, %max3A_3739 : vector<8x128xf32>
      %add3A_3741 = arith.constant 1.000000e+00 : f32
      %add3A_3742 = vector.broadcast %add3A_3741 : f32 to vector<8x128xf32>
      %add3A_3743 = arith.addf %sub3A_3740, %add3A_3742 : vector<8x128xf32>
      %max3A_3744 = arith.constant 0.000000e+00 : f32
      %max3A_3745 = vector.broadcast %max3A_3744 : f32 to vector<8x128xf32>
      %max3A_3746 = arith.maximumf %max3A_3745, %add3A_3743 : vector<8x128xf32>
      %min3A_3747 = vector.broadcast %sub3A_3734 : f32 to vector<8x128xf32>
      %min3A_3748 = arith.minimumf %get3A_1740, %min3A_3747 : vector<8x128xf32>
      %max3A_3749 = vector.broadcast %get3A_3722 : f32 to vector<8x128xf32>
      %max3A_3750 = arith.maximumf %get3A_1730, %max3A_3749 : vector<8x128xf32>
      %sub3A_3751 = arith.subf %min3A_3748, %max3A_3750 : vector<8x128xf32>
      %add3A_3752 = arith.constant 1.000000e+00 : f32
      %add3A_3753 = vector.broadcast %add3A_3752 : f32 to vector<8x128xf32>
      %add3A_3754 = arith.addf %sub3A_3751, %add3A_3753 : vector<8x128xf32>
      %max3A_3755 = arith.constant 0.000000e+00 : f32
      %max3A_3756 = vector.broadcast %max3A_3755 : f32 to vector<8x128xf32>
      %max3A_3757 = arith.maximumf %max3A_3756, %add3A_3754 : vector<8x128xf32>
      %mul3A_3758 = arith.mulf %max3A_3746, %max3A_3757 : vector<8x128xf32>
      %add3A_3759 = vector.broadcast %mul3A_3735 : f32 to vector<8x128xf32>
      %add3A_3760 = arith.addf %get3A_1745, %add3A_3759 : vector<8x128xf32>
      %sub3A_3761 = arith.subf %add3A_3760, %mul3A_3758 : vector<8x128xf32>
      %div3A_3762 = arith.divf %mul3A_3758, %sub3A_3761 : vector<8x128xf32>
      %eq3A_3763 = arith.constant 0.000000e+00 : f32
      %eq3A_3764 = vector.broadcast %eq3A_3763 : f32 to vector<8x128xf32>
      %eq3A_3765 = arith.cmpf oeq, %div3A_3762, %eq3A_3764 : vector<8x128xf32>
      %jit3A_3766 = arith.constant 1.000000e-10 : f32
      %broadcast_in_dim3A_3767 = vector.broadcast %jit3A_3766 : f32 to vector<8x128xf32>
      %select_n3A_3768 = arith.select %eq3A_3765, %broadcast_in_dim3A_3767, %div3A_3762 : vector<8x128xi1>, vector<8x128xf32>
      %jit3A_3769 = arith.constant -1.000000e+00 : f32
      %broadcast_in_dim3A_3770 = vector.broadcast %jit3A_3769 : f32 to vector<8x128xf32>
      %select_n3A_3771 = arith.select %ne3A_1753, %select_n3A_3768, %broadcast_in_dim3A_3770 : vector<8x128xi1>, vector<8x128xf32>
      %gt3A_3772 = arith.cmpf ogt, %select_n3A_3768, %select_n3A_3683 : vector<8x128xf32>
      %select_n3A_3773 = arith.select %gt3A_3772, %select_n3A_3768, %select_n3A_3683 : vector<8x128xi1>, vector<8x128xf32>
      %broadcast_in_dim3A_3774 = vector.broadcast %get3A_3719 : f32 to vector<8x128xf32>
      %select_n3A_3775 = arith.select %gt3A_3772, %broadcast_in_dim3A_3774, %select_n3A_3685 : vector<8x128xi1>, vector<8x128xf32>
      %broadcast_in_dim3A_3776 = vector.broadcast %get3A_3722 : f32 to vector<8x128xf32>
      %select_n3A_3777 = arith.select %gt3A_3772, %broadcast_in_dim3A_3776, %select_n3A_3687 : vector<8x128xi1>, vector<8x128xf32>
      %broadcast_in_dim3A_3778 = vector.broadcast %get3A_3725 : f32 to vector<8x128xf32>
      %select_n3A_3779 = arith.select %gt3A_3772, %broadcast_in_dim3A_3778, %select_n3A_3689 : vector<8x128xi1>, vector<8x128xf32>
      %broadcast_in_dim3A_3780 = vector.broadcast %get3A_3728 : f32 to vector<8x128xf32>
      %select_n3A_3781 = arith.select %gt3A_3772, %broadcast_in_dim3A_3780, %select_n3A_3691 : vector<8x128xi1>, vector<8x128xf32>
      %get3A_3782 = arith.constant 22 : index
      %get3A_3783 = arith.constant 0 : index
      %get3A_3784 = arith.constant 0 : index
      %get3A_3785 = vector.load %arg9[%get3A_3782, %get3A_3783, %get3A_3784] : memref<32x8x128xf32, #tpu.memory_space<vmem>>, vector<1x8x128xf32>
      %get3A_3786 = vector.shape_cast %get3A_3785 : vector<1x8x128xf32> to vector<8x128xf32>
      %gt3A_3787 = arith.cmpf ogt, %select_n3A_3771, %get3A_3786 : vector<8x128xf32>
      %select_n3A_3788 = arith.select %gt3A_3787, %select_n3A_3771, %get3A_3786 : vector<8x128xi1>, vector<8x128xf32>
      %swap3A_3789 = arith.constant 22 : index
      %swap3A_3790 = arith.constant 0 : index
      %swap3A_3791 = arith.constant 0 : index
      %swap3A_3792 = vector.load %arg9[%swap3A_3789, %swap3A_3790, %swap3A_3791] : memref<32x8x128xf32, #tpu.memory_space<vmem>>, vector<1x8x128xf32>
      %swap3A_3793 = vector.shape_cast %swap3A_3792 : vector<1x8x128xf32> to vector<8x128xf32>
      %swap3A_3794 = vector.shape_cast %select_n3A_3788 : vector<8x128xf32> to vector<1x8x128xf32>
      tpu.vector_store %arg9[%swap3A_3789, %swap3A_3790, %swap3A_3791], %swap3A_3794 {strides = array<i32>} : memref<32x8x128xf32, #tpu.memory_space<vmem>>, vector<1x8x128xf32>,
      %get3A_3795 = arith.constant 22 : index
      %get3A_3796 = arith.constant 0 : index
      %get3A_3797 = arith.constant 0 : index
      %get3A_3798 = vector.load %arg10[%get3A_3795, %get3A_3796, %get3A_3797] : memref<32x8x128xi32, #tpu.memory_space<vmem>>, vector<1x8x128xi32>
      %get3A_3799 = vector.shape_cast %get3A_3798 : vector<1x8x128xi32> to vector<8x128xi32>
      %select_n3A_3800 = arith.select %gt3A_3787, %add3A_1757, %get3A_3799 : vector<8x128xi1>, vector<8x128xi32>
      %swap3A_3801 = arith.constant 22 : index
      %swap3A_3802 = arith.constant 0 : index
      %swap3A_3803 = arith.constant 0 : index
      %swap3A_3804 = vector.load %arg10[%swap3A_3801, %swap3A_3802, %swap3A_3803] : memref<32x8x128xi32, #tpu.memory_space<vmem>>, vector<1x8x128xi32>
      %swap3A_3805 = vector.shape_cast %swap3A_3804 : vector<1x8x128xi32> to vector<8x128xi32>
      %swap3A_3806 = vector.shape_cast %select_n3A_3800 : vector<8x128xi32> to vector<1x8x128xi32>
      tpu.vector_store %arg10[%swap3A_3801, %swap3A_3802, %swap3A_3803], %swap3A_3806 {strides = array<i32>} : memref<32x8x128xi32, #tpu.memory_space<vmem>>, vector<1x8x128xi32>,
      %get3A_3807 = arith.constant 23 : index
      %get3A_3808 = arith.constant 0 : index
      %get3A_3809 = memref.load %arg0[%get3A_3807, %get3A_3808] : memref<32x4xf32, #tpu.memory_space<smem>>
      %get3A_3810 = arith.constant 23 : index
      %get3A_3811 = arith.constant 1 : index
      %get3A_3812 = memref.load %arg0[%get3A_3810, %get3A_3811] : memref<32x4xf32, #tpu.memory_space<smem>>
      %get3A_3813 = arith.constant 23 : index
      %get3A_3814 = arith.constant 2 : index
      %get3A_3815 = memref.load %arg0[%get3A_3813, %get3A_3814] : memref<32x4xf32, #tpu.memory_space<smem>>
      %get3A_3816 = arith.constant 23 : index
      %get3A_3817 = arith.constant 3 : index
      %get3A_3818 = memref.load %arg0[%get3A_3816, %get3A_3817] : memref<32x4xf32, #tpu.memory_space<smem>>
      %add3A_3819 = arith.addf %get3A_3809, %get3A_3815 : f32
      %sub3A_3820 = arith.constant 1.000000e+00 : f32
      %sub3A_3821 = arith.subf %add3A_3819, %sub3A_3820 : f32
      %add3A_3822 = arith.addf %get3A_3812, %get3A_3818 : f32
      %sub3A_3823 = arith.constant 1.000000e+00 : f32
      %sub3A_3824 = arith.subf %add3A_3822, %sub3A_3823 : f32
      %mul3A_3825 = arith.mulf %get3A_3815, %get3A_3818 : f32
      %min3A_3826 = vector.broadcast %sub3A_3821 : f32 to vector<8x128xf32>
      %min3A_3827 = arith.minimumf %get3A_1735, %min3A_3826 : vector<8x128xf32>
      %max3A_3828 = vector.broadcast %get3A_3809 : f32 to vector<8x128xf32>
      %max3A_3829 = arith.maximumf %get3A_1725, %max3A_3828 : vector<8x128xf32>
      %sub3A_3830 = arith.subf %min3A_3827, %max3A_3829 : vector<8x128xf32>
      %add3A_3831 = arith.constant 1.000000e+00 : f32
      %add3A_3832 = vector.broadcast %add3A_3831 : f32 to vector<8x128xf32>
      %add3A_3833 = arith.addf %sub3A_3830, %add3A_3832 : vector<8x128xf32>
      %max3A_3834 = arith.constant 0.000000e+00 : f32
      %max3A_3835 = vector.broadcast %max3A_3834 : f32 to vector<8x128xf32>
      %max3A_3836 = arith.maximumf %max3A_3835, %add3A_3833 : vector<8x128xf32>
      %min3A_3837 = vector.broadcast %sub3A_3824 : f32 to vector<8x128xf32>
      %min3A_3838 = arith.minimumf %get3A_1740, %min3A_3837 : vector<8x128xf32>
      %max3A_3839 = vector.broadcast %get3A_3812 : f32 to vector<8x128xf32>
      %max3A_3840 = arith.maximumf %get3A_1730, %max3A_3839 : vector<8x128xf32>
      %sub3A_3841 = arith.subf %min3A_3838, %max3A_3840 : vector<8x128xf32>
      %add3A_3842 = arith.constant 1.000000e+00 : f32
      %add3A_3843 = vector.broadcast %add3A_3842 : f32 to vector<8x128xf32>
      %add3A_3844 = arith.addf %sub3A_3841, %add3A_3843 : vector<8x128xf32>
      %max3A_3845 = arith.constant 0.000000e+00 : f32
      %max3A_3846 = vector.broadcast %max3A_3845 : f32 to vector<8x128xf32>
      %max3A_3847 = arith.maximumf %max3A_3846, %add3A_3844 : vector<8x128xf32>
      %mul3A_3848 = arith.mulf %max3A_3836, %max3A_3847 : vector<8x128xf32>
      %add3A_3849 = vector.broadcast %mul3A_3825 : f32 to vector<8x128xf32>
      %add3A_3850 = arith.addf %get3A_1745, %add3A_3849 : vector<8x128xf32>
      %sub3A_3851 = arith.subf %add3A_3850, %mul3A_3848 : vector<8x128xf32>
      %div3A_3852 = arith.divf %mul3A_3848, %sub3A_3851 : vector<8x128xf32>
      %eq3A_3853 = arith.constant 0.000000e+00 : f32
      %eq3A_3854 = vector.broadcast %eq3A_3853 : f32 to vector<8x128xf32>
      %eq3A_3855 = arith.cmpf oeq, %div3A_3852, %eq3A_3854 : vector<8x128xf32>
      %jit3A_3856 = arith.constant 1.000000e-10 : f32
      %broadcast_in_dim3A_3857 = vector.broadcast %jit3A_3856 : f32 to vector<8x128xf32>
      %select_n3A_3858 = arith.select %eq3A_3855, %broadcast_in_dim3A_3857, %div3A_3852 : vector<8x128xi1>, vector<8x128xf32>
      %jit3A_3859 = arith.constant -1.000000e+00 : f32
      %broadcast_in_dim3A_3860 = vector.broadcast %jit3A_3859 : f32 to vector<8x128xf32>
      %select_n3A_3861 = arith.select %ne3A_1753, %select_n3A_3858, %broadcast_in_dim3A_3860 : vector<8x128xi1>, vector<8x128xf32>
      %gt3A_3862 = arith.cmpf ogt, %select_n3A_3858, %select_n3A_3773 : vector<8x128xf32>
      %select_n3A_3863 = arith.select %gt3A_3862, %select_n3A_3858, %select_n3A_3773 : vector<8x128xi1>, vector<8x128xf32>
      %broadcast_in_dim3A_3864 = vector.broadcast %get3A_3809 : f32 to vector<8x128xf32>
      %select_n3A_3865 = arith.select %gt3A_3862, %broadcast_in_dim3A_3864, %select_n3A_3775 : vector<8x128xi1>, vector<8x128xf32>
      %broadcast_in_dim3A_3866 = vector.broadcast %get3A_3812 : f32 to vector<8x128xf32>
      %select_n3A_3867 = arith.select %gt3A_3862, %broadcast_in_dim3A_3866, %select_n3A_3777 : vector<8x128xi1>, vector<8x128xf32>
      %broadcast_in_dim3A_3868 = vector.broadcast %get3A_3815 : f32 to vector<8x128xf32>
      %select_n3A_3869 = arith.select %gt3A_3862, %broadcast_in_dim3A_3868, %select_n3A_3779 : vector<8x128xi1>, vector<8x128xf32>
      %broadcast_in_dim3A_3870 = vector.broadcast %get3A_3818 : f32 to vector<8x128xf32>
      %select_n3A_3871 = arith.select %gt3A_3862, %broadcast_in_dim3A_3870, %select_n3A_3781 : vector<8x128xi1>, vector<8x128xf32>
      %get3A_3872 = arith.constant 23 : index
      %get3A_3873 = arith.constant 0 : index
      %get3A_3874 = arith.constant 0 : index
      %get3A_3875 = vector.load %arg9[%get3A_3872, %get3A_3873, %get3A_3874] : memref<32x8x128xf32, #tpu.memory_space<vmem>>, vector<1x8x128xf32>
      %get3A_3876 = vector.shape_cast %get3A_3875 : vector<1x8x128xf32> to vector<8x128xf32>
      %gt3A_3877 = arith.cmpf ogt, %select_n3A_3861, %get3A_3876 : vector<8x128xf32>
      %select_n3A_3878 = arith.select %gt3A_3877, %select_n3A_3861, %get3A_3876 : vector<8x128xi1>, vector<8x128xf32>
      %swap3A_3879 = arith.constant 23 : index
      %swap3A_3880 = arith.constant 0 : index
      %swap3A_3881 = arith.constant 0 : index
      %swap3A_3882 = vector.load %arg9[%swap3A_3879, %swap3A_3880, %swap3A_3881] : memref<32x8x128xf32, #tpu.memory_space<vmem>>, vector<1x8x128xf32>
      %swap3A_3883 = vector.shape_cast %swap3A_3882 : vector<1x8x128xf32> to vector<8x128xf32>
      %swap3A_3884 = vector.shape_cast %select_n3A_3878 : vector<8x128xf32> to vector<1x8x128xf32>
      tpu.vector_store %arg9[%swap3A_3879, %swap3A_3880, %swap3A_3881], %swap3A_3884 {strides = array<i32>} : memref<32x8x128xf32, #tpu.memory_space<vmem>>, vector<1x8x128xf32>,
      %get3A_3885 = arith.constant 23 : index
      %get3A_3886 = arith.constant 0 : index
      %get3A_3887 = arith.constant 0 : index
      %get3A_3888 = vector.load %arg10[%get3A_3885, %get3A_3886, %get3A_3887] : memref<32x8x128xi32, #tpu.memory_space<vmem>>, vector<1x8x128xi32>
      %get3A_3889 = vector.shape_cast %get3A_3888 : vector<1x8x128xi32> to vector<8x128xi32>
      %select_n3A_3890 = arith.select %gt3A_3877, %add3A_1757, %get3A_3889 : vector<8x128xi1>, vector<8x128xi32>
      %swap3A_3891 = arith.constant 23 : index
      %swap3A_3892 = arith.constant 0 : index
      %swap3A_3893 = arith.constant 0 : index
      %swap3A_3894 = vector.load %arg10[%swap3A_3891, %swap3A_3892, %swap3A_3893] : memref<32x8x128xi32, #tpu.memory_space<vmem>>, vector<1x8x128xi32>
      %swap3A_3895 = vector.shape_cast %swap3A_3894 : vector<1x8x128xi32> to vector<8x128xi32>
      %swap3A_3896 = vector.shape_cast %select_n3A_3890 : vector<8x128xi32> to vector<1x8x128xi32>
      tpu.vector_store %arg10[%swap3A_3891, %swap3A_3892, %swap3A_3893], %swap3A_3896 {strides = array<i32>} : memref<32x8x128xi32, #tpu.memory_space<vmem>>, vector<1x8x128xi32>,
      %get3A_3897 = arith.constant 24 : index
      %get3A_3898 = arith.constant 0 : index
      %get3A_3899 = memref.load %arg0[%get3A_3897, %get3A_3898] : memref<32x4xf32, #tpu.memory_space<smem>>
      %get3A_3900 = arith.constant 24 : index
      %get3A_3901 = arith.constant 1 : index
      %get3A_3902 = memref.load %arg0[%get3A_3900, %get3A_3901] : memref<32x4xf32, #tpu.memory_space<smem>>
      %get3A_3903 = arith.constant 24 : index
      %get3A_3904 = arith.constant 2 : index
      %get3A_3905 = memref.load %arg0[%get3A_3903, %get3A_3904] : memref<32x4xf32, #tpu.memory_space<smem>>
      %get3A_3906 = arith.constant 24 : index
      %get3A_3907 = arith.constant 3 : index
      %get3A_3908 = memref.load %arg0[%get3A_3906, %get3A_3907] : memref<32x4xf32, #tpu.memory_space<smem>>
      %add3A_3909 = arith.addf %get3A_3899, %get3A_3905 : f32
      %sub3A_3910 = arith.constant 1.000000e+00 : f32
      %sub3A_3911 = arith.subf %add3A_3909, %sub3A_3910 : f32
      %add3A_3912 = arith.addf %get3A_3902, %get3A_3908 : f32
      %sub3A_3913 = arith.constant 1.000000e+00 : f32
      %sub3A_3914 = arith.subf %add3A_3912, %sub3A_3913 : f32
      %mul3A_3915 = arith.mulf %get3A_3905, %get3A_3908 : f32
      %min3A_3916 = vector.broadcast %sub3A_3911 : f32 to vector<8x128xf32>
      %min3A_3917 = arith.minimumf %get3A_1735, %min3A_3916 : vector<8x128xf32>
      %max3A_3918 = vector.broadcast %get3A_3899 : f32 to vector<8x128xf32>
      %max3A_3919 = arith.maximumf %get3A_1725, %max3A_3918 : vector<8x128xf32>
      %sub3A_3920 = arith.subf %min3A_3917, %max3A_3919 : vector<8x128xf32>
      %add3A_3921 = arith.constant 1.000000e+00 : f32
      %add3A_3922 = vector.broadcast %add3A_3921 : f32 to vector<8x128xf32>
      %add3A_3923 = arith.addf %sub3A_3920, %add3A_3922 : vector<8x128xf32>
      %max3A_3924 = arith.constant 0.000000e+00 : f32
      %max3A_3925 = vector.broadcast %max3A_3924 : f32 to vector<8x128xf32>
      %max3A_3926 = arith.maximumf %max3A_3925, %add3A_3923 : vector<8x128xf32>
      %min3A_3927 = vector.broadcast %sub3A_3914 : f32 to vector<8x128xf32>
      %min3A_3928 = arith.minimumf %get3A_1740, %min3A_3927 : vector<8x128xf32>
      %max3A_3929 = vector.broadcast %get3A_3902 : f32 to vector<8x128xf32>
      %max3A_3930 = arith.maximumf %get3A_1730, %max3A_3929 : vector<8x128xf32>
      %sub3A_3931 = arith.subf %min3A_3928, %max3A_3930 : vector<8x128xf32>
      %add3A_3932 = arith.constant 1.000000e+00 : f32
      %add3A_3933 = vector.broadcast %add3A_3932 : f32 to vector<8x128xf32>
      %add3A_3934 = arith.addf %sub3A_3931, %add3A_3933 : vector<8x128xf32>
      %max3A_3935 = arith.constant 0.000000e+00 : f32
      %max3A_3936 = vector.broadcast %max3A_3935 : f32 to vector<8x128xf32>
      %max3A_3937 = arith.maximumf %max3A_3936, %add3A_3934 : vector<8x128xf32>
      %mul3A_3938 = arith.mulf %max3A_3926, %max3A_3937 : vector<8x128xf32>
      %add3A_3939 = vector.broadcast %mul3A_3915 : f32 to vector<8x128xf32>
      %add3A_3940 = arith.addf %get3A_1745, %add3A_3939 : vector<8x128xf32>
      %sub3A_3941 = arith.subf %add3A_3940, %mul3A_3938 : vector<8x128xf32>
      %div3A_3942 = arith.divf %mul3A_3938, %sub3A_3941 : vector<8x128xf32>
      %eq3A_3943 = arith.constant 0.000000e+00 : f32
      %eq3A_3944 = vector.broadcast %eq3A_3943 : f32 to vector<8x128xf32>
      %eq3A_3945 = arith.cmpf oeq, %div3A_3942, %eq3A_3944 : vector<8x128xf32>
      %jit3A_3946 = arith.constant 1.000000e-10 : f32
      %broadcast_in_dim3A_3947 = vector.broadcast %jit3A_3946 : f32 to vector<8x128xf32>
      %select_n3A_3948 = arith.select %eq3A_3945, %broadcast_in_dim3A_3947, %div3A_3942 : vector<8x128xi1>, vector<8x128xf32>
      %jit3A_3949 = arith.constant -1.000000e+00 : f32
      %broadcast_in_dim3A_3950 = vector.broadcast %jit3A_3949 : f32 to vector<8x128xf32>
      %select_n3A_3951 = arith.select %ne3A_1753, %select_n3A_3948, %broadcast_in_dim3A_3950 : vector<8x128xi1>, vector<8x128xf32>
      %broadcast_in_dim3A_3952 = vector.broadcast %get3A_3899 : f32 to vector<8x128xf32>
      %broadcast_in_dim3A_3953 = vector.broadcast %get3A_3902 : f32 to vector<8x128xf32>
      %broadcast_in_dim3A_3954 = vector.broadcast %get3A_3905 : f32 to vector<8x128xf32>
      %broadcast_in_dim3A_3955 = vector.broadcast %get3A_3908 : f32 to vector<8x128xf32>
      %get3A_3956 = arith.constant 24 : index
      %get3A_3957 = arith.constant 0 : index
      %get3A_3958 = arith.constant 0 : index
      %get3A_3959 = vector.load %arg9[%get3A_3956, %get3A_3957, %get3A_3958] : memref<32x8x128xf32, #tpu.memory_space<vmem>>, vector<1x8x128xf32>
      %get3A_3960 = vector.shape_cast %get3A_3959 : vector<1x8x128xf32> to vector<8x128xf32>
      %gt3A_3961 = arith.cmpf ogt, %select_n3A_3951, %get3A_3960 : vector<8x128xf32>
      %select_n3A_3962 = arith.select %gt3A_3961, %select_n3A_3951, %get3A_3960 : vector<8x128xi1>, vector<8x128xf32>
      %swap3A_3963 = arith.constant 24 : index
      %swap3A_3964 = arith.constant 0 : index
      %swap3A_3965 = arith.constant 0 : index
      %swap3A_3966 = vector.load %arg9[%swap3A_3963, %swap3A_3964, %swap3A_3965] : memref<32x8x128xf32, #tpu.memory_space<vmem>>, vector<1x8x128xf32>
      %swap3A_3967 = vector.shape_cast %swap3A_3966 : vector<1x8x128xf32> to vector<8x128xf32>
      %swap3A_3968 = vector.shape_cast %select_n3A_3962 : vector<8x128xf32> to vector<1x8x128xf32>
      tpu.vector_store %arg9[%swap3A_3963, %swap3A_3964, %swap3A_3965], %swap3A_3968 {strides = array<i32>} : memref<32x8x128xf32, #tpu.memory_space<vmem>>, vector<1x8x128xf32>,
      %get3A_3969 = arith.constant 24 : index
      %get3A_3970 = arith.constant 0 : index
      %get3A_3971 = arith.constant 0 : index
      %get3A_3972 = vector.load %arg10[%get3A_3969, %get3A_3970, %get3A_3971] : memref<32x8x128xi32, #tpu.memory_space<vmem>>, vector<1x8x128xi32>
      %get3A_3973 = vector.shape_cast %get3A_3972 : vector<1x8x128xi32> to vector<8x128xi32>
      %select_n3A_3974 = arith.select %gt3A_3961, %add3A_1757, %get3A_3973 : vector<8x128xi1>, vector<8x128xi32>
      %swap3A_3975 = arith.constant 24 : index
      %swap3A_3976 = arith.constant 0 : index
      %swap3A_3977 = arith.constant 0 : index
      %swap3A_3978 = vector.load %arg10[%swap3A_3975, %swap3A_3976, %swap3A_3977] : memref<32x8x128xi32, #tpu.memory_space<vmem>>, vector<1x8x128xi32>
      %swap3A_3979 = vector.shape_cast %swap3A_3978 : vector<1x8x128xi32> to vector<8x128xi32>
      %swap3A_3980 = vector.shape_cast %select_n3A_3974 : vector<8x128xi32> to vector<1x8x128xi32>
      tpu.vector_store %arg10[%swap3A_3975, %swap3A_3976, %swap3A_3977], %swap3A_3980 {strides = array<i32>} : memref<32x8x128xi32, #tpu.memory_space<vmem>>, vector<1x8x128xi32>,
      %get3A_3981 = arith.constant 25 : index
      %get3A_3982 = arith.constant 0 : index
      %get3A_3983 = memref.load %arg0[%get3A_3981, %get3A_3982] : memref<32x4xf32, #tpu.memory_space<smem>>
      %get3A_3984 = arith.constant 25 : index
      %get3A_3985 = arith.constant 1 : index
      %get3A_3986 = memref.load %arg0[%get3A_3984, %get3A_3985] : memref<32x4xf32, #tpu.memory_space<smem>>
      %get3A_3987 = arith.constant 25 : index
      %get3A_3988 = arith.constant 2 : index
      %get3A_3989 = memref.load %arg0[%get3A_3987, %get3A_3988] : memref<32x4xf32, #tpu.memory_space<smem>>
      %get3A_3990 = arith.constant 25 : index
      %get3A_3991 = arith.constant 3 : index
      %get3A_3992 = memref.load %arg0[%get3A_3990, %get3A_3991] : memref<32x4xf32, #tpu.memory_space<smem>>
      %add3A_3993 = arith.addf %get3A_3983, %get3A_3989 : f32
      %sub3A_3994 = arith.constant 1.000000e+00 : f32
      %sub3A_3995 = arith.subf %add3A_3993, %sub3A_3994 : f32
      %add3A_3996 = arith.addf %get3A_3986, %get3A_3992 : f32
      %sub3A_3997 = arith.constant 1.000000e+00 : f32
      %sub3A_3998 = arith.subf %add3A_3996, %sub3A_3997 : f32
      %mul3A_3999 = arith.mulf %get3A_3989, %get3A_3992 : f32
      %min3A_4000 = vector.broadcast %sub3A_3995 : f32 to vector<8x128xf32>
      %min3A_4001 = arith.minimumf %get3A_1735, %min3A_4000 : vector<8x128xf32>
      %max3A_4002 = vector.broadcast %get3A_3983 : f32 to vector<8x128xf32>
      %max3A_4003 = arith.maximumf %get3A_1725, %max3A_4002 : vector<8x128xf32>
      %sub3A_4004 = arith.subf %min3A_4001, %max3A_4003 : vector<8x128xf32>
      %add3A_4005 = arith.constant 1.000000e+00 : f32
      %add3A_4006 = vector.broadcast %add3A_4005 : f32 to vector<8x128xf32>
      %add3A_4007 = arith.addf %sub3A_4004, %add3A_4006 : vector<8x128xf32>
      %max3A_4008 = arith.constant 0.000000e+00 : f32
      %max3A_4009 = vector.broadcast %max3A_4008 : f32 to vector<8x128xf32>
      %max3A_4010 = arith.maximumf %max3A_4009, %add3A_4007 : vector<8x128xf32>
      %min3A_4011 = vector.broadcast %sub3A_3998 : f32 to vector<8x128xf32>
      %min3A_4012 = arith.minimumf %get3A_1740, %min3A_4011 : vector<8x128xf32>
      %max3A_4013 = vector.broadcast %get3A_3986 : f32 to vector<8x128xf32>
      %max3A_4014 = arith.maximumf %get3A_1730, %max3A_4013 : vector<8x128xf32>
      %sub3A_4015 = arith.subf %min3A_4012, %max3A_4014 : vector<8x128xf32>
      %add3A_4016 = arith.constant 1.000000e+00 : f32
      %add3A_4017 = vector.broadcast %add3A_4016 : f32 to vector<8x128xf32>
      %add3A_4018 = arith.addf %sub3A_4015, %add3A_4017 : vector<8x128xf32>
      %max3A_4019 = arith.constant 0.000000e+00 : f32
      %max3A_4020 = vector.broadcast %max3A_4019 : f32 to vector<8x128xf32>
      %max3A_4021 = arith.maximumf %max3A_4020, %add3A_4018 : vector<8x128xf32>
      %mul3A_4022 = arith.mulf %max3A_4010, %max3A_4021 : vector<8x128xf32>
      %add3A_4023 = vector.broadcast %mul3A_3999 : f32 to vector<8x128xf32>
      %add3A_4024 = arith.addf %get3A_1745, %add3A_4023 : vector<8x128xf32>
      %sub3A_4025 = arith.subf %add3A_4024, %mul3A_4022 : vector<8x128xf32>
      %div3A_4026 = arith.divf %mul3A_4022, %sub3A_4025 : vector<8x128xf32>
      %eq3A_4027 = arith.constant 0.000000e+00 : f32
      %eq3A_4028 = vector.broadcast %eq3A_4027 : f32 to vector<8x128xf32>
      %eq3A_4029 = arith.cmpf oeq, %div3A_4026, %eq3A_4028 : vector<8x128xf32>
      %jit3A_4030 = arith.constant 1.000000e-10 : f32
      %broadcast_in_dim3A_4031 = vector.broadcast %jit3A_4030 : f32 to vector<8x128xf32>
      %select_n3A_4032 = arith.select %eq3A_4029, %broadcast_in_dim3A_4031, %div3A_4026 : vector<8x128xi1>, vector<8x128xf32>
      %jit3A_4033 = arith.constant -1.000000e+00 : f32
      %broadcast_in_dim3A_4034 = vector.broadcast %jit3A_4033 : f32 to vector<8x128xf32>
      %select_n3A_4035 = arith.select %ne3A_1753, %select_n3A_4032, %broadcast_in_dim3A_4034 : vector<8x128xi1>, vector<8x128xf32>
      %gt3A_4036 = arith.cmpf ogt, %select_n3A_4032, %select_n3A_3948 : vector<8x128xf32>
      %select_n3A_4037 = arith.select %gt3A_4036, %select_n3A_4032, %select_n3A_3948 : vector<8x128xi1>, vector<8x128xf32>
      %broadcast_in_dim3A_4038 = vector.broadcast %get3A_3983 : f32 to vector<8x128xf32>
      %select_n3A_4039 = arith.select %gt3A_4036, %broadcast_in_dim3A_4038, %broadcast_in_dim3A_3952 : vector<8x128xi1>, vector<8x128xf32>
      %broadcast_in_dim3A_4040 = vector.broadcast %get3A_3986 : f32 to vector<8x128xf32>
      %select_n3A_4041 = arith.select %gt3A_4036, %broadcast_in_dim3A_4040, %broadcast_in_dim3A_3953 : vector<8x128xi1>, vector<8x128xf32>
      %broadcast_in_dim3A_4042 = vector.broadcast %get3A_3989 : f32 to vector<8x128xf32>
      %select_n3A_4043 = arith.select %gt3A_4036, %broadcast_in_dim3A_4042, %broadcast_in_dim3A_3954 : vector<8x128xi1>, vector<8x128xf32>
      %broadcast_in_dim3A_4044 = vector.broadcast %get3A_3992 : f32 to vector<8x128xf32>
      %select_n3A_4045 = arith.select %gt3A_4036, %broadcast_in_dim3A_4044, %broadcast_in_dim3A_3955 : vector<8x128xi1>, vector<8x128xf32>
      %get3A_4046 = arith.constant 25 : index
      %get3A_4047 = arith.constant 0 : index
      %get3A_4048 = arith.constant 0 : index
      %get3A_4049 = vector.load %arg9[%get3A_4046, %get3A_4047, %get3A_4048] : memref<32x8x128xf32, #tpu.memory_space<vmem>>, vector<1x8x128xf32>
      %get3A_4050 = vector.shape_cast %get3A_4049 : vector<1x8x128xf32> to vector<8x128xf32>
      %gt3A_4051 = arith.cmpf ogt, %select_n3A_4035, %get3A_4050 : vector<8x128xf32>
      %select_n3A_4052 = arith.select %gt3A_4051, %select_n3A_4035, %get3A_4050 : vector<8x128xi1>, vector<8x128xf32>
      %swap3A_4053 = arith.constant 25 : index
      %swap3A_4054 = arith.constant 0 : index
      %swap3A_4055 = arith.constant 0 : index
      %swap3A_4056 = vector.load %arg9[%swap3A_4053, %swap3A_4054, %swap3A_4055] : memref<32x8x128xf32, #tpu.memory_space<vmem>>, vector<1x8x128xf32>
      %swap3A_4057 = vector.shape_cast %swap3A_4056 : vector<1x8x128xf32> to vector<8x128xf32>
      %swap3A_4058 = vector.shape_cast %select_n3A_4052 : vector<8x128xf32> to vector<1x8x128xf32>
      tpu.vector_store %arg9[%swap3A_4053, %swap3A_4054, %swap3A_4055], %swap3A_4058 {strides = array<i32>} : memref<32x8x128xf32, #tpu.memory_space<vmem>>, vector<1x8x128xf32>,
      %get3A_4059 = arith.constant 25 : index
      %get3A_4060 = arith.constant 0 : index
      %get3A_4061 = arith.constant 0 : index
      %get3A_4062 = vector.load %arg10[%get3A_4059, %get3A_4060, %get3A_4061] : memref<32x8x128xi32, #tpu.memory_space<vmem>>, vector<1x8x128xi32>
      %get3A_4063 = vector.shape_cast %get3A_4062 : vector<1x8x128xi32> to vector<8x128xi32>
      %select_n3A_4064 = arith.select %gt3A_4051, %add3A_1757, %get3A_4063 : vector<8x128xi1>, vector<8x128xi32>
      %swap3A_4065 = arith.constant 25 : index
      %swap3A_4066 = arith.constant 0 : index
      %swap3A_4067 = arith.constant 0 : index
      %swap3A_4068 = vector.load %arg10[%swap3A_4065, %swap3A_4066, %swap3A_4067] : memref<32x8x128xi32, #tpu.memory_space<vmem>>, vector<1x8x128xi32>
      %swap3A_4069 = vector.shape_cast %swap3A_4068 : vector<1x8x128xi32> to vector<8x128xi32>
      %swap3A_4070 = vector.shape_cast %select_n3A_4064 : vector<8x128xi32> to vector<1x8x128xi32>
      tpu.vector_store %arg10[%swap3A_4065, %swap3A_4066, %swap3A_4067], %swap3A_4070 {strides = array<i32>} : memref<32x8x128xi32, #tpu.memory_space<vmem>>, vector<1x8x128xi32>,
      %get3A_4071 = arith.constant 26 : index
      %get3A_4072 = arith.constant 0 : index
      %get3A_4073 = memref.load %arg0[%get3A_4071, %get3A_4072] : memref<32x4xf32, #tpu.memory_space<smem>>
      %get3A_4074 = arith.constant 26 : index
      %get3A_4075 = arith.constant 1 : index
      %get3A_4076 = memref.load %arg0[%get3A_4074, %get3A_4075] : memref<32x4xf32, #tpu.memory_space<smem>>
      %get3A_4077 = arith.constant 26 : index
      %get3A_4078 = arith.constant 2 : index
      %get3A_4079 = memref.load %arg0[%get3A_4077, %get3A_4078] : memref<32x4xf32, #tpu.memory_space<smem>>
      %get3A_4080 = arith.constant 26 : index
      %get3A_4081 = arith.constant 3 : index
      %get3A_4082 = memref.load %arg0[%get3A_4080, %get3A_4081] : memref<32x4xf32, #tpu.memory_space<smem>>
      %add3A_4083 = arith.addf %get3A_4073, %get3A_4079 : f32
      %sub3A_4084 = arith.constant 1.000000e+00 : f32
      %sub3A_4085 = arith.subf %add3A_4083, %sub3A_4084 : f32
      %add3A_4086 = arith.addf %get3A_4076, %get3A_4082 : f32
      %sub3A_4087 = arith.constant 1.000000e+00 : f32
      %sub3A_4088 = arith.subf %add3A_4086, %sub3A_4087 : f32
      %mul3A_4089 = arith.mulf %get3A_4079, %get3A_4082 : f32
      %min3A_4090 = vector.broadcast %sub3A_4085 : f32 to vector<8x128xf32>
      %min3A_4091 = arith.minimumf %get3A_1735, %min3A_4090 : vector<8x128xf32>
      %max3A_4092 = vector.broadcast %get3A_4073 : f32 to vector<8x128xf32>
      %max3A_4093 = arith.maximumf %get3A_1725, %max3A_4092 : vector<8x128xf32>
      %sub3A_4094 = arith.subf %min3A_4091, %max3A_4093 : vector<8x128xf32>
      %add3A_4095 = arith.constant 1.000000e+00 : f32
      %add3A_4096 = vector.broadcast %add3A_4095 : f32 to vector<8x128xf32>
      %add3A_4097 = arith.addf %sub3A_4094, %add3A_4096 : vector<8x128xf32>
      %max3A_4098 = arith.constant 0.000000e+00 : f32
      %max3A_4099 = vector.broadcast %max3A_4098 : f32 to vector<8x128xf32>
      %max3A_4100 = arith.maximumf %max3A_4099, %add3A_4097 : vector<8x128xf32>
      %min3A_4101 = vector.broadcast %sub3A_4088 : f32 to vector<8x128xf32>
      %min3A_4102 = arith.minimumf %get3A_1740, %min3A_4101 : vector<8x128xf32>
      %max3A_4103 = vector.broadcast %get3A_4076 : f32 to vector<8x128xf32>
      %max3A_4104 = arith.maximumf %get3A_1730, %max3A_4103 : vector<8x128xf32>
      %sub3A_4105 = arith.subf %min3A_4102, %max3A_4104 : vector<8x128xf32>
      %add3A_4106 = arith.constant 1.000000e+00 : f32
      %add3A_4107 = vector.broadcast %add3A_4106 : f32 to vector<8x128xf32>
      %add3A_4108 = arith.addf %sub3A_4105, %add3A_4107 : vector<8x128xf32>
      %max3A_4109 = arith.constant 0.000000e+00 : f32
      %max3A_4110 = vector.broadcast %max3A_4109 : f32 to vector<8x128xf32>
      %max3A_4111 = arith.maximumf %max3A_4110, %add3A_4108 : vector<8x128xf32>
      %mul3A_4112 = arith.mulf %max3A_4100, %max3A_4111 : vector<8x128xf32>
      %add3A_4113 = vector.broadcast %mul3A_4089 : f32 to vector<8x128xf32>
      %add3A_4114 = arith.addf %get3A_1745, %add3A_4113 : vector<8x128xf32>
      %sub3A_4115 = arith.subf %add3A_4114, %mul3A_4112 : vector<8x128xf32>
      %div3A_4116 = arith.divf %mul3A_4112, %sub3A_4115 : vector<8x128xf32>
      %eq3A_4117 = arith.constant 0.000000e+00 : f32
      %eq3A_4118 = vector.broadcast %eq3A_4117 : f32 to vector<8x128xf32>
      %eq3A_4119 = arith.cmpf oeq, %div3A_4116, %eq3A_4118 : vector<8x128xf32>
      %jit3A_4120 = arith.constant 1.000000e-10 : f32
      %broadcast_in_dim3A_4121 = vector.broadcast %jit3A_4120 : f32 to vector<8x128xf32>
      %select_n3A_4122 = arith.select %eq3A_4119, %broadcast_in_dim3A_4121, %div3A_4116 : vector<8x128xi1>, vector<8x128xf32>
      %jit3A_4123 = arith.constant -1.000000e+00 : f32
      %broadcast_in_dim3A_4124 = vector.broadcast %jit3A_4123 : f32 to vector<8x128xf32>
      %select_n3A_4125 = arith.select %ne3A_1753, %select_n3A_4122, %broadcast_in_dim3A_4124 : vector<8x128xi1>, vector<8x128xf32>
      %gt3A_4126 = arith.cmpf ogt, %select_n3A_4122, %select_n3A_4037 : vector<8x128xf32>
      %select_n3A_4127 = arith.select %gt3A_4126, %select_n3A_4122, %select_n3A_4037 : vector<8x128xi1>, vector<8x128xf32>
      %broadcast_in_dim3A_4128 = vector.broadcast %get3A_4073 : f32 to vector<8x128xf32>
      %select_n3A_4129 = arith.select %gt3A_4126, %broadcast_in_dim3A_4128, %select_n3A_4039 : vector<8x128xi1>, vector<8x128xf32>
      %broadcast_in_dim3A_4130 = vector.broadcast %get3A_4076 : f32 to vector<8x128xf32>
      %select_n3A_4131 = arith.select %gt3A_4126, %broadcast_in_dim3A_4130, %select_n3A_4041 : vector<8x128xi1>, vector<8x128xf32>
      %broadcast_in_dim3A_4132 = vector.broadcast %get3A_4079 : f32 to vector<8x128xf32>
      %select_n3A_4133 = arith.select %gt3A_4126, %broadcast_in_dim3A_4132, %select_n3A_4043 : vector<8x128xi1>, vector<8x128xf32>
      %broadcast_in_dim3A_4134 = vector.broadcast %get3A_4082 : f32 to vector<8x128xf32>
      %select_n3A_4135 = arith.select %gt3A_4126, %broadcast_in_dim3A_4134, %select_n3A_4045 : vector<8x128xi1>, vector<8x128xf32>
      %get3A_4136 = arith.constant 26 : index
      %get3A_4137 = arith.constant 0 : index
      %get3A_4138 = arith.constant 0 : index
      %get3A_4139 = vector.load %arg9[%get3A_4136, %get3A_4137, %get3A_4138] : memref<32x8x128xf32, #tpu.memory_space<vmem>>, vector<1x8x128xf32>
      %get3A_4140 = vector.shape_cast %get3A_4139 : vector<1x8x128xf32> to vector<8x128xf32>
      %gt3A_4141 = arith.cmpf ogt, %select_n3A_4125, %get3A_4140 : vector<8x128xf32>
      %select_n3A_4142 = arith.select %gt3A_4141, %select_n3A_4125, %get3A_4140 : vector<8x128xi1>, vector<8x128xf32>
      %swap3A_4143 = arith.constant 26 : index
      %swap3A_4144 = arith.constant 0 : index
      %swap3A_4145 = arith.constant 0 : index
      %swap3A_4146 = vector.load %arg9[%swap3A_4143, %swap3A_4144, %swap3A_4145] : memref<32x8x128xf32, #tpu.memory_space<vmem>>, vector<1x8x128xf32>
      %swap3A_4147 = vector.shape_cast %swap3A_4146 : vector<1x8x128xf32> to vector<8x128xf32>
      %swap3A_4148 = vector.shape_cast %select_n3A_4142 : vector<8x128xf32> to vector<1x8x128xf32>
      tpu.vector_store %arg9[%swap3A_4143, %swap3A_4144, %swap3A_4145], %swap3A_4148 {strides = array<i32>} : memref<32x8x128xf32, #tpu.memory_space<vmem>>, vector<1x8x128xf32>,
      %get3A_4149 = arith.constant 26 : index
      %get3A_4150 = arith.constant 0 : index
      %get3A_4151 = arith.constant 0 : index
      %get3A_4152 = vector.load %arg10[%get3A_4149, %get3A_4150, %get3A_4151] : memref<32x8x128xi32, #tpu.memory_space<vmem>>, vector<1x8x128xi32>
      %get3A_4153 = vector.shape_cast %get3A_4152 : vector<1x8x128xi32> to vector<8x128xi32>
      %select_n3A_4154 = arith.select %gt3A_4141, %add3A_1757, %get3A_4153 : vector<8x128xi1>, vector<8x128xi32>
      %swap3A_4155 = arith.constant 26 : index
      %swap3A_4156 = arith.constant 0 : index
      %swap3A_4157 = arith.constant 0 : index
      %swap3A_4158 = vector.load %arg10[%swap3A_4155, %swap3A_4156, %swap3A_4157] : memref<32x8x128xi32, #tpu.memory_space<vmem>>, vector<1x8x128xi32>
      %swap3A_4159 = vector.shape_cast %swap3A_4158 : vector<1x8x128xi32> to vector<8x128xi32>
      %swap3A_4160 = vector.shape_cast %select_n3A_4154 : vector<8x128xi32> to vector<1x8x128xi32>
      tpu.vector_store %arg10[%swap3A_4155, %swap3A_4156, %swap3A_4157], %swap3A_4160 {strides = array<i32>} : memref<32x8x128xi32, #tpu.memory_space<vmem>>, vector<1x8x128xi32>,
      %get3A_4161 = arith.constant 27 : index
      %get3A_4162 = arith.constant 0 : index
      %get3A_4163 = memref.load %arg0[%get3A_4161, %get3A_4162] : memref<32x4xf32, #tpu.memory_space<smem>>
      %get3A_4164 = arith.constant 27 : index
      %get3A_4165 = arith.constant 1 : index
      %get3A_4166 = memref.load %arg0[%get3A_4164, %get3A_4165] : memref<32x4xf32, #tpu.memory_space<smem>>
      %get3A_4167 = arith.constant 27 : index
      %get3A_4168 = arith.constant 2 : index
      %get3A_4169 = memref.load %arg0[%get3A_4167, %get3A_4168] : memref<32x4xf32, #tpu.memory_space<smem>>
      %get3A_4170 = arith.constant 27 : index
      %get3A_4171 = arith.constant 3 : index
      %get3A_4172 = memref.load %arg0[%get3A_4170, %get3A_4171] : memref<32x4xf32, #tpu.memory_space<smem>>
      %add3A_4173 = arith.addf %get3A_4163, %get3A_4169 : f32
      %sub3A_4174 = arith.constant 1.000000e+00 : f32
      %sub3A_4175 = arith.subf %add3A_4173, %sub3A_4174 : f32
      %add3A_4176 = arith.addf %get3A_4166, %get3A_4172 : f32
      %sub3A_4177 = arith.constant 1.000000e+00 : f32
      %sub3A_4178 = arith.subf %add3A_4176, %sub3A_4177 : f32
      %mul3A_4179 = arith.mulf %get3A_4169, %get3A_4172 : f32
      %min3A_4180 = vector.broadcast %sub3A_4175 : f32 to vector<8x128xf32>
      %min3A_4181 = arith.minimumf %get3A_1735, %min3A_4180 : vector<8x128xf32>
      %max3A_4182 = vector.broadcast %get3A_4163 : f32 to vector<8x128xf32>
      %max3A_4183 = arith.maximumf %get3A_1725, %max3A_4182 : vector<8x128xf32>
      %sub3A_4184 = arith.subf %min3A_4181, %max3A_4183 : vector<8x128xf32>
      %add3A_4185 = arith.constant 1.000000e+00 : f32
      %add3A_4186 = vector.broadcast %add3A_4185 : f32 to vector<8x128xf32>
      %add3A_4187 = arith.addf %sub3A_4184, %add3A_4186 : vector<8x128xf32>
      %max3A_4188 = arith.constant 0.000000e+00 : f32
      %max3A_4189 = vector.broadcast %max3A_4188 : f32 to vector<8x128xf32>
      %max3A_4190 = arith.maximumf %max3A_4189, %add3A_4187 : vector<8x128xf32>
      %min3A_4191 = vector.broadcast %sub3A_4178 : f32 to vector<8x128xf32>
      %min3A_4192 = arith.minimumf %get3A_1740, %min3A_4191 : vector<8x128xf32>
      %max3A_4193 = vector.broadcast %get3A_4166 : f32 to vector<8x128xf32>
      %max3A_4194 = arith.maximumf %get3A_1730, %max3A_4193 : vector<8x128xf32>
      %sub3A_4195 = arith.subf %min3A_4192, %max3A_4194 : vector<8x128xf32>
      %add3A_4196 = arith.constant 1.000000e+00 : f32
      %add3A_4197 = vector.broadcast %add3A_4196 : f32 to vector<8x128xf32>
      %add3A_4198 = arith.addf %sub3A_4195, %add3A_4197 : vector<8x128xf32>
      %max3A_4199 = arith.constant 0.000000e+00 : f32
      %max3A_4200 = vector.broadcast %max3A_4199 : f32 to vector<8x128xf32>
      %max3A_4201 = arith.maximumf %max3A_4200, %add3A_4198 : vector<8x128xf32>
      %mul3A_4202 = arith.mulf %max3A_4190, %max3A_4201 : vector<8x128xf32>
      %add3A_4203 = vector.broadcast %mul3A_4179 : f32 to vector<8x128xf32>
      %add3A_4204 = arith.addf %get3A_1745, %add3A_4203 : vector<8x128xf32>
      %sub3A_4205 = arith.subf %add3A_4204, %mul3A_4202 : vector<8x128xf32>
      %div3A_4206 = arith.divf %mul3A_4202, %sub3A_4205 : vector<8x128xf32>
      %eq3A_4207 = arith.constant 0.000000e+00 : f32
      %eq3A_4208 = vector.broadcast %eq3A_4207 : f32 to vector<8x128xf32>
      %eq3A_4209 = arith.cmpf oeq, %div3A_4206, %eq3A_4208 : vector<8x128xf32>
      %jit3A_4210 = arith.constant 1.000000e-10 : f32
      %broadcast_in_dim3A_4211 = vector.broadcast %jit3A_4210 : f32 to vector<8x128xf32>
      %select_n3A_4212 = arith.select %eq3A_4209, %broadcast_in_dim3A_4211, %div3A_4206 : vector<8x128xi1>, vector<8x128xf32>
      %jit3A_4213 = arith.constant -1.000000e+00 : f32
      %broadcast_in_dim3A_4214 = vector.broadcast %jit3A_4213 : f32 to vector<8x128xf32>
      %select_n3A_4215 = arith.select %ne3A_1753, %select_n3A_4212, %broadcast_in_dim3A_4214 : vector<8x128xi1>, vector<8x128xf32>
      %gt3A_4216 = arith.cmpf ogt, %select_n3A_4212, %select_n3A_4127 : vector<8x128xf32>
      %select_n3A_4217 = arith.select %gt3A_4216, %select_n3A_4212, %select_n3A_4127 : vector<8x128xi1>, vector<8x128xf32>
      %broadcast_in_dim3A_4218 = vector.broadcast %get3A_4163 : f32 to vector<8x128xf32>
      %select_n3A_4219 = arith.select %gt3A_4216, %broadcast_in_dim3A_4218, %select_n3A_4129 : vector<8x128xi1>, vector<8x128xf32>
      %broadcast_in_dim3A_4220 = vector.broadcast %get3A_4166 : f32 to vector<8x128xf32>
      %select_n3A_4221 = arith.select %gt3A_4216, %broadcast_in_dim3A_4220, %select_n3A_4131 : vector<8x128xi1>, vector<8x128xf32>
      %broadcast_in_dim3A_4222 = vector.broadcast %get3A_4169 : f32 to vector<8x128xf32>
      %select_n3A_4223 = arith.select %gt3A_4216, %broadcast_in_dim3A_4222, %select_n3A_4133 : vector<8x128xi1>, vector<8x128xf32>
      %broadcast_in_dim3A_4224 = vector.broadcast %get3A_4172 : f32 to vector<8x128xf32>
      %select_n3A_4225 = arith.select %gt3A_4216, %broadcast_in_dim3A_4224, %select_n3A_4135 : vector<8x128xi1>, vector<8x128xf32>
      %get3A_4226 = arith.constant 27 : index
      %get3A_4227 = arith.constant 0 : index
      %get3A_4228 = arith.constant 0 : index
      %get3A_4229 = vector.load %arg9[%get3A_4226, %get3A_4227, %get3A_4228] : memref<32x8x128xf32, #tpu.memory_space<vmem>>, vector<1x8x128xf32>
      %get3A_4230 = vector.shape_cast %get3A_4229 : vector<1x8x128xf32> to vector<8x128xf32>
      %gt3A_4231 = arith.cmpf ogt, %select_n3A_4215, %get3A_4230 : vector<8x128xf32>
      %select_n3A_4232 = arith.select %gt3A_4231, %select_n3A_4215, %get3A_4230 : vector<8x128xi1>, vector<8x128xf32>
      %swap3A_4233 = arith.constant 27 : index
      %swap3A_4234 = arith.constant 0 : index
      %swap3A_4235 = arith.constant 0 : index
      %swap3A_4236 = vector.load %arg9[%swap3A_4233, %swap3A_4234, %swap3A_4235] : memref<32x8x128xf32, #tpu.memory_space<vmem>>, vector<1x8x128xf32>
      %swap3A_4237 = vector.shape_cast %swap3A_4236 : vector<1x8x128xf32> to vector<8x128xf32>
      %swap3A_4238 = vector.shape_cast %select_n3A_4232 : vector<8x128xf32> to vector<1x8x128xf32>
      tpu.vector_store %arg9[%swap3A_4233, %swap3A_4234, %swap3A_4235], %swap3A_4238 {strides = array<i32>} : memref<32x8x128xf32, #tpu.memory_space<vmem>>, vector<1x8x128xf32>,
      %get3A_4239 = arith.constant 27 : index
      %get3A_4240 = arith.constant 0 : index
      %get3A_4241 = arith.constant 0 : index
      %get3A_4242 = vector.load %arg10[%get3A_4239, %get3A_4240, %get3A_4241] : memref<32x8x128xi32, #tpu.memory_space<vmem>>, vector<1x8x128xi32>
      %get3A_4243 = vector.shape_cast %get3A_4242 : vector<1x8x128xi32> to vector<8x128xi32>
      %select_n3A_4244 = arith.select %gt3A_4231, %add3A_1757, %get3A_4243 : vector<8x128xi1>, vector<8x128xi32>
      %swap3A_4245 = arith.constant 27 : index
      %swap3A_4246 = arith.constant 0 : index
      %swap3A_4247 = arith.constant 0 : index
      %swap3A_4248 = vector.load %arg10[%swap3A_4245, %swap3A_4246, %swap3A_4247] : memref<32x8x128xi32, #tpu.memory_space<vmem>>, vector<1x8x128xi32>
      %swap3A_4249 = vector.shape_cast %swap3A_4248 : vector<1x8x128xi32> to vector<8x128xi32>
      %swap3A_4250 = vector.shape_cast %select_n3A_4244 : vector<8x128xi32> to vector<1x8x128xi32>
      tpu.vector_store %arg10[%swap3A_4245, %swap3A_4246, %swap3A_4247], %swap3A_4250 {strides = array<i32>} : memref<32x8x128xi32, #tpu.memory_space<vmem>>, vector<1x8x128xi32>,
      %get3A_4251 = arith.constant 28 : index
      %get3A_4252 = arith.constant 0 : index
      %get3A_4253 = memref.load %arg0[%get3A_4251, %get3A_4252] : memref<32x4xf32, #tpu.memory_space<smem>>
      %get3A_4254 = arith.constant 28 : index
      %get3A_4255 = arith.constant 1 : index
      %get3A_4256 = memref.load %arg0[%get3A_4254, %get3A_4255] : memref<32x4xf32, #tpu.memory_space<smem>>
      %get3A_4257 = arith.constant 28 : index
      %get3A_4258 = arith.constant 2 : index
      %get3A_4259 = memref.load %arg0[%get3A_4257, %get3A_4258] : memref<32x4xf32, #tpu.memory_space<smem>>
      %get3A_4260 = arith.constant 28 : index
      %get3A_4261 = arith.constant 3 : index
      %get3A_4262 = memref.load %arg0[%get3A_4260, %get3A_4261] : memref<32x4xf32, #tpu.memory_space<smem>>
      %add3A_4263 = arith.addf %get3A_4253, %get3A_4259 : f32
      %sub3A_4264 = arith.constant 1.000000e+00 : f32
      %sub3A_4265 = arith.subf %add3A_4263, %sub3A_4264 : f32
      %add3A_4266 = arith.addf %get3A_4256, %get3A_4262 : f32
      %sub3A_4267 = arith.constant 1.000000e+00 : f32
      %sub3A_4268 = arith.subf %add3A_4266, %sub3A_4267 : f32
      %mul3A_4269 = arith.mulf %get3A_4259, %get3A_4262 : f32
      %min3A_4270 = vector.broadcast %sub3A_4265 : f32 to vector<8x128xf32>
      %min3A_4271 = arith.minimumf %get3A_1735, %min3A_4270 : vector<8x128xf32>
      %max3A_4272 = vector.broadcast %get3A_4253 : f32 to vector<8x128xf32>
      %max3A_4273 = arith.maximumf %get3A_1725, %max3A_4272 : vector<8x128xf32>
      %sub3A_4274 = arith.subf %min3A_4271, %max3A_4273 : vector<8x128xf32>
      %add3A_4275 = arith.constant 1.000000e+00 : f32
      %add3A_4276 = vector.broadcast %add3A_4275 : f32 to vector<8x128xf32>
      %add3A_4277 = arith.addf %sub3A_4274, %add3A_4276 : vector<8x128xf32>
      %max3A_4278 = arith.constant 0.000000e+00 : f32
      %max3A_4279 = vector.broadcast %max3A_4278 : f32 to vector<8x128xf32>
      %max3A_4280 = arith.maximumf %max3A_4279, %add3A_4277 : vector<8x128xf32>
      %min3A_4281 = vector.broadcast %sub3A_4268 : f32 to vector<8x128xf32>
      %min3A_4282 = arith.minimumf %get3A_1740, %min3A_4281 : vector<8x128xf32>
      %max3A_4283 = vector.broadcast %get3A_4256 : f32 to vector<8x128xf32>
      %max3A_4284 = arith.maximumf %get3A_1730, %max3A_4283 : vector<8x128xf32>
      %sub3A_4285 = arith.subf %min3A_4282, %max3A_4284 : vector<8x128xf32>
      %add3A_4286 = arith.constant 1.000000e+00 : f32
      %add3A_4287 = vector.broadcast %add3A_4286 : f32 to vector<8x128xf32>
      %add3A_4288 = arith.addf %sub3A_4285, %add3A_4287 : vector<8x128xf32>
      %max3A_4289 = arith.constant 0.000000e+00 : f32
      %max3A_4290 = vector.broadcast %max3A_4289 : f32 to vector<8x128xf32>
      %max3A_4291 = arith.maximumf %max3A_4290, %add3A_4288 : vector<8x128xf32>
      %mul3A_4292 = arith.mulf %max3A_4280, %max3A_4291 : vector<8x128xf32>
      %add3A_4293 = vector.broadcast %mul3A_4269 : f32 to vector<8x128xf32>
      %add3A_4294 = arith.addf %get3A_1745, %add3A_4293 : vector<8x128xf32>
      %sub3A_4295 = arith.subf %add3A_4294, %mul3A_4292 : vector<8x128xf32>
      %div3A_4296 = arith.divf %mul3A_4292, %sub3A_4295 : vector<8x128xf32>
      %eq3A_4297 = arith.constant 0.000000e+00 : f32
      %eq3A_4298 = vector.broadcast %eq3A_4297 : f32 to vector<8x128xf32>
      %eq3A_4299 = arith.cmpf oeq, %div3A_4296, %eq3A_4298 : vector<8x128xf32>
      %jit3A_4300 = arith.constant 1.000000e-10 : f32
      %broadcast_in_dim3A_4301 = vector.broadcast %jit3A_4300 : f32 to vector<8x128xf32>
      %select_n3A_4302 = arith.select %eq3A_4299, %broadcast_in_dim3A_4301, %div3A_4296 : vector<8x128xi1>, vector<8x128xf32>
      %jit3A_4303 = arith.constant -1.000000e+00 : f32
      %broadcast_in_dim3A_4304 = vector.broadcast %jit3A_4303 : f32 to vector<8x128xf32>
      %select_n3A_4305 = arith.select %ne3A_1753, %select_n3A_4302, %broadcast_in_dim3A_4304 : vector<8x128xi1>, vector<8x128xf32>
      %gt3A_4306 = arith.cmpf ogt, %select_n3A_4302, %select_n3A_4217 : vector<8x128xf32>
      %select_n3A_4307 = arith.select %gt3A_4306, %select_n3A_4302, %select_n3A_4217 : vector<8x128xi1>, vector<8x128xf32>
      %broadcast_in_dim3A_4308 = vector.broadcast %get3A_4253 : f32 to vector<8x128xf32>
      %select_n3A_4309 = arith.select %gt3A_4306, %broadcast_in_dim3A_4308, %select_n3A_4219 : vector<8x128xi1>, vector<8x128xf32>
      %broadcast_in_dim3A_4310 = vector.broadcast %get3A_4256 : f32 to vector<8x128xf32>
      %select_n3A_4311 = arith.select %gt3A_4306, %broadcast_in_dim3A_4310, %select_n3A_4221 : vector<8x128xi1>, vector<8x128xf32>
      %broadcast_in_dim3A_4312 = vector.broadcast %get3A_4259 : f32 to vector<8x128xf32>
      %select_n3A_4313 = arith.select %gt3A_4306, %broadcast_in_dim3A_4312, %select_n3A_4223 : vector<8x128xi1>, vector<8x128xf32>
      %broadcast_in_dim3A_4314 = vector.broadcast %get3A_4262 : f32 to vector<8x128xf32>
      %select_n3A_4315 = arith.select %gt3A_4306, %broadcast_in_dim3A_4314, %select_n3A_4225 : vector<8x128xi1>, vector<8x128xf32>
      %get3A_4316 = arith.constant 28 : index
      %get3A_4317 = arith.constant 0 : index
      %get3A_4318 = arith.constant 0 : index
      %get3A_4319 = vector.load %arg9[%get3A_4316, %get3A_4317, %get3A_4318] : memref<32x8x128xf32, #tpu.memory_space<vmem>>, vector<1x8x128xf32>
      %get3A_4320 = vector.shape_cast %get3A_4319 : vector<1x8x128xf32> to vector<8x128xf32>
      %gt3A_4321 = arith.cmpf ogt, %select_n3A_4305, %get3A_4320 : vector<8x128xf32>
      %select_n3A_4322 = arith.select %gt3A_4321, %select_n3A_4305, %get3A_4320 : vector<8x128xi1>, vector<8x128xf32>
      %swap3A_4323 = arith.constant 28 : index
      %swap3A_4324 = arith.constant 0 : index
      %swap3A_4325 = arith.constant 0 : index
      %swap3A_4326 = vector.load %arg9[%swap3A_4323, %swap3A_4324, %swap3A_4325] : memref<32x8x128xf32, #tpu.memory_space<vmem>>, vector<1x8x128xf32>
      %swap3A_4327 = vector.shape_cast %swap3A_4326 : vector<1x8x128xf32> to vector<8x128xf32>
      %swap3A_4328 = vector.shape_cast %select_n3A_4322 : vector<8x128xf32> to vector<1x8x128xf32>
      tpu.vector_store %arg9[%swap3A_4323, %swap3A_4324, %swap3A_4325], %swap3A_4328 {strides = array<i32>} : memref<32x8x128xf32, #tpu.memory_space<vmem>>, vector<1x8x128xf32>,
      %get3A_4329 = arith.constant 28 : index
      %get3A_4330 = arith.constant 0 : index
      %get3A_4331 = arith.constant 0 : index
      %get3A_4332 = vector.load %arg10[%get3A_4329, %get3A_4330, %get3A_4331] : memref<32x8x128xi32, #tpu.memory_space<vmem>>, vector<1x8x128xi32>
      %get3A_4333 = vector.shape_cast %get3A_4332 : vector<1x8x128xi32> to vector<8x128xi32>
      %select_n3A_4334 = arith.select %gt3A_4321, %add3A_1757, %get3A_4333 : vector<8x128xi1>, vector<8x128xi32>
      %swap3A_4335 = arith.constant 28 : index
      %swap3A_4336 = arith.constant 0 : index
      %swap3A_4337 = arith.constant 0 : index
      %swap3A_4338 = vector.load %arg10[%swap3A_4335, %swap3A_4336, %swap3A_4337] : memref<32x8x128xi32, #tpu.memory_space<vmem>>, vector<1x8x128xi32>
      %swap3A_4339 = vector.shape_cast %swap3A_4338 : vector<1x8x128xi32> to vector<8x128xi32>
      %swap3A_4340 = vector.shape_cast %select_n3A_4334 : vector<8x128xi32> to vector<1x8x128xi32>
      tpu.vector_store %arg10[%swap3A_4335, %swap3A_4336, %swap3A_4337], %swap3A_4340 {strides = array<i32>} : memref<32x8x128xi32, #tpu.memory_space<vmem>>, vector<1x8x128xi32>,
      %get3A_4341 = arith.constant 29 : index
      %get3A_4342 = arith.constant 0 : index
      %get3A_4343 = memref.load %arg0[%get3A_4341, %get3A_4342] : memref<32x4xf32, #tpu.memory_space<smem>>
      %get3A_4344 = arith.constant 29 : index
      %get3A_4345 = arith.constant 1 : index
      %get3A_4346 = memref.load %arg0[%get3A_4344, %get3A_4345] : memref<32x4xf32, #tpu.memory_space<smem>>
      %get3A_4347 = arith.constant 29 : index
      %get3A_4348 = arith.constant 2 : index
      %get3A_4349 = memref.load %arg0[%get3A_4347, %get3A_4348] : memref<32x4xf32, #tpu.memory_space<smem>>
      %get3A_4350 = arith.constant 29 : index
      %get3A_4351 = arith.constant 3 : index
      %get3A_4352 = memref.load %arg0[%get3A_4350, %get3A_4351] : memref<32x4xf32, #tpu.memory_space<smem>>
      %add3A_4353 = arith.addf %get3A_4343, %get3A_4349 : f32
      %sub3A_4354 = arith.constant 1.000000e+00 : f32
      %sub3A_4355 = arith.subf %add3A_4353, %sub3A_4354 : f32
      %add3A_4356 = arith.addf %get3A_4346, %get3A_4352 : f32
      %sub3A_4357 = arith.constant 1.000000e+00 : f32
      %sub3A_4358 = arith.subf %add3A_4356, %sub3A_4357 : f32
      %mul3A_4359 = arith.mulf %get3A_4349, %get3A_4352 : f32
      %min3A_4360 = vector.broadcast %sub3A_4355 : f32 to vector<8x128xf32>
      %min3A_4361 = arith.minimumf %get3A_1735, %min3A_4360 : vector<8x128xf32>
      %max3A_4362 = vector.broadcast %get3A_4343 : f32 to vector<8x128xf32>
      %max3A_4363 = arith.maximumf %get3A_1725, %max3A_4362 : vector<8x128xf32>
      %sub3A_4364 = arith.subf %min3A_4361, %max3A_4363 : vector<8x128xf32>
      %add3A_4365 = arith.constant 1.000000e+00 : f32
      %add3A_4366 = vector.broadcast %add3A_4365 : f32 to vector<8x128xf32>
      %add3A_4367 = arith.addf %sub3A_4364, %add3A_4366 : vector<8x128xf32>
      %max3A_4368 = arith.constant 0.000000e+00 : f32
      %max3A_4369 = vector.broadcast %max3A_4368 : f32 to vector<8x128xf32>
      %max3A_4370 = arith.maximumf %max3A_4369, %add3A_4367 : vector<8x128xf32>
      %min3A_4371 = vector.broadcast %sub3A_4358 : f32 to vector<8x128xf32>
      %min3A_4372 = arith.minimumf %get3A_1740, %min3A_4371 : vector<8x128xf32>
      %max3A_4373 = vector.broadcast %get3A_4346 : f32 to vector<8x128xf32>
      %max3A_4374 = arith.maximumf %get3A_1730, %max3A_4373 : vector<8x128xf32>
      %sub3A_4375 = arith.subf %min3A_4372, %max3A_4374 : vector<8x128xf32>
      %add3A_4376 = arith.constant 1.000000e+00 : f32
      %add3A_4377 = vector.broadcast %add3A_4376 : f32 to vector<8x128xf32>
      %add3A_4378 = arith.addf %sub3A_4375, %add3A_4377 : vector<8x128xf32>
      %max3A_4379 = arith.constant 0.000000e+00 : f32
      %max3A_4380 = vector.broadcast %max3A_4379 : f32 to vector<8x128xf32>
      %max3A_4381 = arith.maximumf %max3A_4380, %add3A_4378 : vector<8x128xf32>
      %mul3A_4382 = arith.mulf %max3A_4370, %max3A_4381 : vector<8x128xf32>
      %add3A_4383 = vector.broadcast %mul3A_4359 : f32 to vector<8x128xf32>
      %add3A_4384 = arith.addf %get3A_1745, %add3A_4383 : vector<8x128xf32>
      %sub3A_4385 = arith.subf %add3A_4384, %mul3A_4382 : vector<8x128xf32>
      %div3A_4386 = arith.divf %mul3A_4382, %sub3A_4385 : vector<8x128xf32>
      %eq3A_4387 = arith.constant 0.000000e+00 : f32
      %eq3A_4388 = vector.broadcast %eq3A_4387 : f32 to vector<8x128xf32>
      %eq3A_4389 = arith.cmpf oeq, %div3A_4386, %eq3A_4388 : vector<8x128xf32>
      %jit3A_4390 = arith.constant 1.000000e-10 : f32
      %broadcast_in_dim3A_4391 = vector.broadcast %jit3A_4390 : f32 to vector<8x128xf32>
      %select_n3A_4392 = arith.select %eq3A_4389, %broadcast_in_dim3A_4391, %div3A_4386 : vector<8x128xi1>, vector<8x128xf32>
      %jit3A_4393 = arith.constant -1.000000e+00 : f32
      %broadcast_in_dim3A_4394 = vector.broadcast %jit3A_4393 : f32 to vector<8x128xf32>
      %select_n3A_4395 = arith.select %ne3A_1753, %select_n3A_4392, %broadcast_in_dim3A_4394 : vector<8x128xi1>, vector<8x128xf32>
      %gt3A_4396 = arith.cmpf ogt, %select_n3A_4392, %select_n3A_4307 : vector<8x128xf32>
      %select_n3A_4397 = arith.select %gt3A_4396, %select_n3A_4392, %select_n3A_4307 : vector<8x128xi1>, vector<8x128xf32>
      %broadcast_in_dim3A_4398 = vector.broadcast %get3A_4343 : f32 to vector<8x128xf32>
      %select_n3A_4399 = arith.select %gt3A_4396, %broadcast_in_dim3A_4398, %select_n3A_4309 : vector<8x128xi1>, vector<8x128xf32>
      %broadcast_in_dim3A_4400 = vector.broadcast %get3A_4346 : f32 to vector<8x128xf32>
      %select_n3A_4401 = arith.select %gt3A_4396, %broadcast_in_dim3A_4400, %select_n3A_4311 : vector<8x128xi1>, vector<8x128xf32>
      %broadcast_in_dim3A_4402 = vector.broadcast %get3A_4349 : f32 to vector<8x128xf32>
      %select_n3A_4403 = arith.select %gt3A_4396, %broadcast_in_dim3A_4402, %select_n3A_4313 : vector<8x128xi1>, vector<8x128xf32>
      %broadcast_in_dim3A_4404 = vector.broadcast %get3A_4352 : f32 to vector<8x128xf32>
      %select_n3A_4405 = arith.select %gt3A_4396, %broadcast_in_dim3A_4404, %select_n3A_4315 : vector<8x128xi1>, vector<8x128xf32>
      %get3A_4406 = arith.constant 29 : index
      %get3A_4407 = arith.constant 0 : index
      %get3A_4408 = arith.constant 0 : index
      %get3A_4409 = vector.load %arg9[%get3A_4406, %get3A_4407, %get3A_4408] : memref<32x8x128xf32, #tpu.memory_space<vmem>>, vector<1x8x128xf32>
      %get3A_4410 = vector.shape_cast %get3A_4409 : vector<1x8x128xf32> to vector<8x128xf32>
      %gt3A_4411 = arith.cmpf ogt, %select_n3A_4395, %get3A_4410 : vector<8x128xf32>
      %select_n3A_4412 = arith.select %gt3A_4411, %select_n3A_4395, %get3A_4410 : vector<8x128xi1>, vector<8x128xf32>
      %swap3A_4413 = arith.constant 29 : index
      %swap3A_4414 = arith.constant 0 : index
      %swap3A_4415 = arith.constant 0 : index
      %swap3A_4416 = vector.load %arg9[%swap3A_4413, %swap3A_4414, %swap3A_4415] : memref<32x8x128xf32, #tpu.memory_space<vmem>>, vector<1x8x128xf32>
      %swap3A_4417 = vector.shape_cast %swap3A_4416 : vector<1x8x128xf32> to vector<8x128xf32>
      %swap3A_4418 = vector.shape_cast %select_n3A_4412 : vector<8x128xf32> to vector<1x8x128xf32>
      tpu.vector_store %arg9[%swap3A_4413, %swap3A_4414, %swap3A_4415], %swap3A_4418 {strides = array<i32>} : memref<32x8x128xf32, #tpu.memory_space<vmem>>, vector<1x8x128xf32>,
      %get3A_4419 = arith.constant 29 : index
      %get3A_4420 = arith.constant 0 : index
      %get3A_4421 = arith.constant 0 : index
      %get3A_4422 = vector.load %arg10[%get3A_4419, %get3A_4420, %get3A_4421] : memref<32x8x128xi32, #tpu.memory_space<vmem>>, vector<1x8x128xi32>
      %get3A_4423 = vector.shape_cast %get3A_4422 : vector<1x8x128xi32> to vector<8x128xi32>
      %select_n3A_4424 = arith.select %gt3A_4411, %add3A_1757, %get3A_4423 : vector<8x128xi1>, vector<8x128xi32>
      %swap3A_4425 = arith.constant 29 : index
      %swap3A_4426 = arith.constant 0 : index
      %swap3A_4427 = arith.constant 0 : index
      %swap3A_4428 = vector.load %arg10[%swap3A_4425, %swap3A_4426, %swap3A_4427] : memref<32x8x128xi32, #tpu.memory_space<vmem>>, vector<1x8x128xi32>
      %swap3A_4429 = vector.shape_cast %swap3A_4428 : vector<1x8x128xi32> to vector<8x128xi32>
      %swap3A_4430 = vector.shape_cast %select_n3A_4424 : vector<8x128xi32> to vector<1x8x128xi32>
      tpu.vector_store %arg10[%swap3A_4425, %swap3A_4426, %swap3A_4427], %swap3A_4430 {strides = array<i32>} : memref<32x8x128xi32, #tpu.memory_space<vmem>>, vector<1x8x128xi32>,
      %get3A_4431 = arith.constant 30 : index
      %get3A_4432 = arith.constant 0 : index
      %get3A_4433 = memref.load %arg0[%get3A_4431, %get3A_4432] : memref<32x4xf32, #tpu.memory_space<smem>>
      %get3A_4434 = arith.constant 30 : index
      %get3A_4435 = arith.constant 1 : index
      %get3A_4436 = memref.load %arg0[%get3A_4434, %get3A_4435] : memref<32x4xf32, #tpu.memory_space<smem>>
      %get3A_4437 = arith.constant 30 : index
      %get3A_4438 = arith.constant 2 : index
      %get3A_4439 = memref.load %arg0[%get3A_4437, %get3A_4438] : memref<32x4xf32, #tpu.memory_space<smem>>
      %get3A_4440 = arith.constant 30 : index
      %get3A_4441 = arith.constant 3 : index
      %get3A_4442 = memref.load %arg0[%get3A_4440, %get3A_4441] : memref<32x4xf32, #tpu.memory_space<smem>>
      %add3A_4443 = arith.addf %get3A_4433, %get3A_4439 : f32
      %sub3A_4444 = arith.constant 1.000000e+00 : f32
      %sub3A_4445 = arith.subf %add3A_4443, %sub3A_4444 : f32
      %add3A_4446 = arith.addf %get3A_4436, %get3A_4442 : f32
      %sub3A_4447 = arith.constant 1.000000e+00 : f32
      %sub3A_4448 = arith.subf %add3A_4446, %sub3A_4447 : f32
      %mul3A_4449 = arith.mulf %get3A_4439, %get3A_4442 : f32
      %min3A_4450 = vector.broadcast %sub3A_4445 : f32 to vector<8x128xf32>
      %min3A_4451 = arith.minimumf %get3A_1735, %min3A_4450 : vector<8x128xf32>
      %max3A_4452 = vector.broadcast %get3A_4433 : f32 to vector<8x128xf32>
      %max3A_4453 = arith.maximumf %get3A_1725, %max3A_4452 : vector<8x128xf32>
      %sub3A_4454 = arith.subf %min3A_4451, %max3A_4453 : vector<8x128xf32>
      %add3A_4455 = arith.constant 1.000000e+00 : f32
      %add3A_4456 = vector.broadcast %add3A_4455 : f32 to vector<8x128xf32>
      %add3A_4457 = arith.addf %sub3A_4454, %add3A_4456 : vector<8x128xf32>
      %max3A_4458 = arith.constant 0.000000e+00 : f32
      %max3A_4459 = vector.broadcast %max3A_4458 : f32 to vector<8x128xf32>
      %max3A_4460 = arith.maximumf %max3A_4459, %add3A_4457 : vector<8x128xf32>
      %min3A_4461 = vector.broadcast %sub3A_4448 : f32 to vector<8x128xf32>
      %min3A_4462 = arith.minimumf %get3A_1740, %min3A_4461 : vector<8x128xf32>
      %max3A_4463 = vector.broadcast %get3A_4436 : f32 to vector<8x128xf32>
      %max3A_4464 = arith.maximumf %get3A_1730, %max3A_4463 : vector<8x128xf32>
      %sub3A_4465 = arith.subf %min3A_4462, %max3A_4464 : vector<8x128xf32>
      %add3A_4466 = arith.constant 1.000000e+00 : f32
      %add3A_4467 = vector.broadcast %add3A_4466 : f32 to vector<8x128xf32>
      %add3A_4468 = arith.addf %sub3A_4465, %add3A_4467 : vector<8x128xf32>
      %max3A_4469 = arith.constant 0.000000e+00 : f32
      %max3A_4470 = vector.broadcast %max3A_4469 : f32 to vector<8x128xf32>
      %max3A_4471 = arith.maximumf %max3A_4470, %add3A_4468 : vector<8x128xf32>
      %mul3A_4472 = arith.mulf %max3A_4460, %max3A_4471 : vector<8x128xf32>
      %add3A_4473 = vector.broadcast %mul3A_4449 : f32 to vector<8x128xf32>
      %add3A_4474 = arith.addf %get3A_1745, %add3A_4473 : vector<8x128xf32>
      %sub3A_4475 = arith.subf %add3A_4474, %mul3A_4472 : vector<8x128xf32>
      %div3A_4476 = arith.divf %mul3A_4472, %sub3A_4475 : vector<8x128xf32>
      %eq3A_4477 = arith.constant 0.000000e+00 : f32
      %eq3A_4478 = vector.broadcast %eq3A_4477 : f32 to vector<8x128xf32>
      %eq3A_4479 = arith.cmpf oeq, %div3A_4476, %eq3A_4478 : vector<8x128xf32>
      %jit3A_4480 = arith.constant 1.000000e-10 : f32
      %broadcast_in_dim3A_4481 = vector.broadcast %jit3A_4480 : f32 to vector<8x128xf32>
      %select_n3A_4482 = arith.select %eq3A_4479, %broadcast_in_dim3A_4481, %div3A_4476 : vector<8x128xi1>, vector<8x128xf32>
      %jit3A_4483 = arith.constant -1.000000e+00 : f32
      %broadcast_in_dim3A_4484 = vector.broadcast %jit3A_4483 : f32 to vector<8x128xf32>
      %select_n3A_4485 = arith.select %ne3A_1753, %select_n3A_4482, %broadcast_in_dim3A_4484 : vector<8x128xi1>, vector<8x128xf32>
      %gt3A_4486 = arith.cmpf ogt, %select_n3A_4482, %select_n3A_4397 : vector<8x128xf32>
      %select_n3A_4487 = arith.select %gt3A_4486, %select_n3A_4482, %select_n3A_4397 : vector<8x128xi1>, vector<8x128xf32>
      %broadcast_in_dim3A_4488 = vector.broadcast %get3A_4433 : f32 to vector<8x128xf32>
      %select_n3A_4489 = arith.select %gt3A_4486, %broadcast_in_dim3A_4488, %select_n3A_4399 : vector<8x128xi1>, vector<8x128xf32>
      %broadcast_in_dim3A_4490 = vector.broadcast %get3A_4436 : f32 to vector<8x128xf32>
      %select_n3A_4491 = arith.select %gt3A_4486, %broadcast_in_dim3A_4490, %select_n3A_4401 : vector<8x128xi1>, vector<8x128xf32>
      %broadcast_in_dim3A_4492 = vector.broadcast %get3A_4439 : f32 to vector<8x128xf32>
      %select_n3A_4493 = arith.select %gt3A_4486, %broadcast_in_dim3A_4492, %select_n3A_4403 : vector<8x128xi1>, vector<8x128xf32>
      %broadcast_in_dim3A_4494 = vector.broadcast %get3A_4442 : f32 to vector<8x128xf32>
      %select_n3A_4495 = arith.select %gt3A_4486, %broadcast_in_dim3A_4494, %select_n3A_4405 : vector<8x128xi1>, vector<8x128xf32>
      %get3A_4496 = arith.constant 30 : index
      %get3A_4497 = arith.constant 0 : index
      %get3A_4498 = arith.constant 0 : index
      %get3A_4499 = vector.load %arg9[%get3A_4496, %get3A_4497, %get3A_4498] : memref<32x8x128xf32, #tpu.memory_space<vmem>>, vector<1x8x128xf32>
      %get3A_4500 = vector.shape_cast %get3A_4499 : vector<1x8x128xf32> to vector<8x128xf32>
      %gt3A_4501 = arith.cmpf ogt, %select_n3A_4485, %get3A_4500 : vector<8x128xf32>
      %select_n3A_4502 = arith.select %gt3A_4501, %select_n3A_4485, %get3A_4500 : vector<8x128xi1>, vector<8x128xf32>
      %swap3A_4503 = arith.constant 30 : index
      %swap3A_4504 = arith.constant 0 : index
      %swap3A_4505 = arith.constant 0 : index
      %swap3A_4506 = vector.load %arg9[%swap3A_4503, %swap3A_4504, %swap3A_4505] : memref<32x8x128xf32, #tpu.memory_space<vmem>>, vector<1x8x128xf32>
      %swap3A_4507 = vector.shape_cast %swap3A_4506 : vector<1x8x128xf32> to vector<8x128xf32>
      %swap3A_4508 = vector.shape_cast %select_n3A_4502 : vector<8x128xf32> to vector<1x8x128xf32>
      tpu.vector_store %arg9[%swap3A_4503, %swap3A_4504, %swap3A_4505], %swap3A_4508 {strides = array<i32>} : memref<32x8x128xf32, #tpu.memory_space<vmem>>, vector<1x8x128xf32>,
      %get3A_4509 = arith.constant 30 : index
      %get3A_4510 = arith.constant 0 : index
      %get3A_4511 = arith.constant 0 : index
      %get3A_4512 = vector.load %arg10[%get3A_4509, %get3A_4510, %get3A_4511] : memref<32x8x128xi32, #tpu.memory_space<vmem>>, vector<1x8x128xi32>
      %get3A_4513 = vector.shape_cast %get3A_4512 : vector<1x8x128xi32> to vector<8x128xi32>
      %select_n3A_4514 = arith.select %gt3A_4501, %add3A_1757, %get3A_4513 : vector<8x128xi1>, vector<8x128xi32>
      %swap3A_4515 = arith.constant 30 : index
      %swap3A_4516 = arith.constant 0 : index
      %swap3A_4517 = arith.constant 0 : index
      %swap3A_4518 = vector.load %arg10[%swap3A_4515, %swap3A_4516, %swap3A_4517] : memref<32x8x128xi32, #tpu.memory_space<vmem>>, vector<1x8x128xi32>
      %swap3A_4519 = vector.shape_cast %swap3A_4518 : vector<1x8x128xi32> to vector<8x128xi32>
      %swap3A_4520 = vector.shape_cast %select_n3A_4514 : vector<8x128xi32> to vector<1x8x128xi32>
      tpu.vector_store %arg10[%swap3A_4515, %swap3A_4516, %swap3A_4517], %swap3A_4520 {strides = array<i32>} : memref<32x8x128xi32, #tpu.memory_space<vmem>>, vector<1x8x128xi32>,
      %get3A_4521 = arith.constant 31 : index
      %get3A_4522 = arith.constant 0 : index
      %get3A_4523 = memref.load %arg0[%get3A_4521, %get3A_4522] : memref<32x4xf32, #tpu.memory_space<smem>>
      %get3A_4524 = arith.constant 31 : index
      %get3A_4525 = arith.constant 1 : index
      %get3A_4526 = memref.load %arg0[%get3A_4524, %get3A_4525] : memref<32x4xf32, #tpu.memory_space<smem>>
      %get3A_4527 = arith.constant 31 : index
      %get3A_4528 = arith.constant 2 : index
      %get3A_4529 = memref.load %arg0[%get3A_4527, %get3A_4528] : memref<32x4xf32, #tpu.memory_space<smem>>
      %get3A_4530 = arith.constant 31 : index
      %get3A_4531 = arith.constant 3 : index
      %get3A_4532 = memref.load %arg0[%get3A_4530, %get3A_4531] : memref<32x4xf32, #tpu.memory_space<smem>>
      %add3A_4533 = arith.addf %get3A_4523, %get3A_4529 : f32
      %sub3A_4534 = arith.constant 1.000000e+00 : f32
      %sub3A_4535 = arith.subf %add3A_4533, %sub3A_4534 : f32
      %add3A_4536 = arith.addf %get3A_4526, %get3A_4532 : f32
      %sub3A_4537 = arith.constant 1.000000e+00 : f32
      %sub3A_4538 = arith.subf %add3A_4536, %sub3A_4537 : f32
      %mul3A_4539 = arith.mulf %get3A_4529, %get3A_4532 : f32
      %min3A_4540 = vector.broadcast %sub3A_4535 : f32 to vector<8x128xf32>
      %min3A_4541 = arith.minimumf %get3A_1735, %min3A_4540 : vector<8x128xf32>
      %max3A_4542 = vector.broadcast %get3A_4523 : f32 to vector<8x128xf32>
      %max3A_4543 = arith.maximumf %get3A_1725, %max3A_4542 : vector<8x128xf32>
      %sub3A_4544 = arith.subf %min3A_4541, %max3A_4543 : vector<8x128xf32>
      %add3A_4545 = arith.constant 1.000000e+00 : f32
      %add3A_4546 = vector.broadcast %add3A_4545 : f32 to vector<8x128xf32>
      %add3A_4547 = arith.addf %sub3A_4544, %add3A_4546 : vector<8x128xf32>
      %max3A_4548 = arith.constant 0.000000e+00 : f32
      %max3A_4549 = vector.broadcast %max3A_4548 : f32 to vector<8x128xf32>
      %max3A_4550 = arith.maximumf %max3A_4549, %add3A_4547 : vector<8x128xf32>
      %min3A_4551 = vector.broadcast %sub3A_4538 : f32 to vector<8x128xf32>
      %min3A_4552 = arith.minimumf %get3A_1740, %min3A_4551 : vector<8x128xf32>
      %max3A_4553 = vector.broadcast %get3A_4526 : f32 to vector<8x128xf32>
      %max3A_4554 = arith.maximumf %get3A_1730, %max3A_4553 : vector<8x128xf32>
      %sub3A_4555 = arith.subf %min3A_4552, %max3A_4554 : vector<8x128xf32>
      %add3A_4556 = arith.constant 1.000000e+00 : f32
      %add3A_4557 = vector.broadcast %add3A_4556 : f32 to vector<8x128xf32>
      %add3A_4558 = arith.addf %sub3A_4555, %add3A_4557 : vector<8x128xf32>
      %max3A_4559 = arith.constant 0.000000e+00 : f32
      %max3A_4560 = vector.broadcast %max3A_4559 : f32 to vector<8x128xf32>
      %max3A_4561 = arith.maximumf %max3A_4560, %add3A_4558 : vector<8x128xf32>
      %mul3A_4562 = arith.mulf %max3A_4550, %max3A_4561 : vector<8x128xf32>
      %add3A_4563 = vector.broadcast %mul3A_4539 : f32 to vector<8x128xf32>
      %add3A_4564 = arith.addf %get3A_1745, %add3A_4563 : vector<8x128xf32>
      %sub3A_4565 = arith.subf %add3A_4564, %mul3A_4562 : vector<8x128xf32>
      %div3A_4566 = arith.divf %mul3A_4562, %sub3A_4565 : vector<8x128xf32>
      %eq3A_4567 = arith.constant 0.000000e+00 : f32
      %eq3A_4568 = vector.broadcast %eq3A_4567 : f32 to vector<8x128xf32>
      %eq3A_4569 = arith.cmpf oeq, %div3A_4566, %eq3A_4568 : vector<8x128xf32>
      %jit3A_4570 = arith.constant 1.000000e-10 : f32
      %broadcast_in_dim3A_4571 = vector.broadcast %jit3A_4570 : f32 to vector<8x128xf32>
      %select_n3A_4572 = arith.select %eq3A_4569, %broadcast_in_dim3A_4571, %div3A_4566 : vector<8x128xi1>, vector<8x128xf32>
      %jit3A_4573 = arith.constant -1.000000e+00 : f32
      %broadcast_in_dim3A_4574 = vector.broadcast %jit3A_4573 : f32 to vector<8x128xf32>
      %select_n3A_4575 = arith.select %ne3A_1753, %select_n3A_4572, %broadcast_in_dim3A_4574 : vector<8x128xi1>, vector<8x128xf32>
      %gt3A_4576 = arith.cmpf ogt, %select_n3A_4572, %select_n3A_4487 : vector<8x128xf32>
      %select_n3A_4577 = arith.select %gt3A_4576, %select_n3A_4572, %select_n3A_4487 : vector<8x128xi1>, vector<8x128xf32>
      %broadcast_in_dim3A_4578 = vector.broadcast %get3A_4523 : f32 to vector<8x128xf32>
      %select_n3A_4579 = arith.select %gt3A_4576, %broadcast_in_dim3A_4578, %select_n3A_4489 : vector<8x128xi1>, vector<8x128xf32>
      %broadcast_in_dim3A_4580 = vector.broadcast %get3A_4526 : f32 to vector<8x128xf32>
      %select_n3A_4581 = arith.select %gt3A_4576, %broadcast_in_dim3A_4580, %select_n3A_4491 : vector<8x128xi1>, vector<8x128xf32>
      %broadcast_in_dim3A_4582 = vector.broadcast %get3A_4529 : f32 to vector<8x128xf32>
      %select_n3A_4583 = arith.select %gt3A_4576, %broadcast_in_dim3A_4582, %select_n3A_4493 : vector<8x128xi1>, vector<8x128xf32>
      %broadcast_in_dim3A_4584 = vector.broadcast %get3A_4532 : f32 to vector<8x128xf32>
      %select_n3A_4585 = arith.select %gt3A_4576, %broadcast_in_dim3A_4584, %select_n3A_4495 : vector<8x128xi1>, vector<8x128xf32>
      %get3A_4586 = arith.constant 31 : index
      %get3A_4587 = arith.constant 0 : index
      %get3A_4588 = arith.constant 0 : index
      %get3A_4589 = vector.load %arg9[%get3A_4586, %get3A_4587, %get3A_4588] : memref<32x8x128xf32, #tpu.memory_space<vmem>>, vector<1x8x128xf32>
      %get3A_4590 = vector.shape_cast %get3A_4589 : vector<1x8x128xf32> to vector<8x128xf32>
      %gt3A_4591 = arith.cmpf ogt, %select_n3A_4575, %get3A_4590 : vector<8x128xf32>
      %select_n3A_4592 = arith.select %gt3A_4591, %select_n3A_4575, %get3A_4590 : vector<8x128xi1>, vector<8x128xf32>
      %swap3A_4593 = arith.constant 31 : index
      %swap3A_4594 = arith.constant 0 : index
      %swap3A_4595 = arith.constant 0 : index
      %swap3A_4596 = vector.load %arg9[%swap3A_4593, %swap3A_4594, %swap3A_4595] : memref<32x8x128xf32, #tpu.memory_space<vmem>>, vector<1x8x128xf32>
      %swap3A_4597 = vector.shape_cast %swap3A_4596 : vector<1x8x128xf32> to vector<8x128xf32>
      %swap3A_4598 = vector.shape_cast %select_n3A_4592 : vector<8x128xf32> to vector<1x8x128xf32>
      tpu.vector_store %arg9[%swap3A_4593, %swap3A_4594, %swap3A_4595], %swap3A_4598 {strides = array<i32>} : memref<32x8x128xf32, #tpu.memory_space<vmem>>, vector<1x8x128xf32>,
      %get3A_4599 = arith.constant 31 : index
      %get3A_4600 = arith.constant 0 : index
      %get3A_4601 = arith.constant 0 : index
      %get3A_4602 = vector.load %arg10[%get3A_4599, %get3A_4600, %get3A_4601] : memref<32x8x128xi32, #tpu.memory_space<vmem>>, vector<1x8x128xi32>
      %get3A_4603 = vector.shape_cast %get3A_4602 : vector<1x8x128xi32> to vector<8x128xi32>
      %select_n3A_4604 = arith.select %gt3A_4591, %add3A_1757, %get3A_4603 : vector<8x128xi1>, vector<8x128xi32>
      %swap3A_4605 = arith.constant 31 : index
      %swap3A_4606 = arith.constant 0 : index
      %swap3A_4607 = arith.constant 0 : index
      %swap3A_4608 = vector.load %arg10[%swap3A_4605, %swap3A_4606, %swap3A_4607] : memref<32x8x128xi32, #tpu.memory_space<vmem>>, vector<1x8x128xi32>
      %swap3A_4609 = vector.shape_cast %swap3A_4608 : vector<1x8x128xi32> to vector<8x128xi32>
      %swap3A_4610 = vector.shape_cast %select_n3A_4604 : vector<8x128xi32> to vector<1x8x128xi32>
      tpu.vector_store %arg10[%swap3A_4605, %swap3A_4606, %swap3A_4607], %swap3A_4610 {strides = array<i32>} : memref<32x8x128xi32, #tpu.memory_space<vmem>>, vector<1x8x128xi32>,
      %gt3A_4611 = arith.cmpf ogt, %select_n3A_3149, %select_n3A_2435 : vector<8x128xf32>
      %select_n3A_4612 = arith.select %gt3A_4611, %select_n3A_3149, %select_n3A_2435 : vector<8x128xi1>, vector<8x128xf32>
      %select_n3A_4613 = arith.select %gt3A_4611, %select_n3A_3151, %select_n3A_2437 : vector<8x128xi1>, vector<8x128xf32>
      %select_n3A_4614 = arith.select %gt3A_4611, %select_n3A_3153, %select_n3A_2439 : vector<8x128xi1>, vector<8x128xf32>
      %select_n3A_4615 = arith.select %gt3A_4611, %select_n3A_3155, %select_n3A_2441 : vector<8x128xi1>, vector<8x128xf32>
      %select_n3A_4616 = arith.select %gt3A_4611, %select_n3A_3157, %select_n3A_2443 : vector<8x128xi1>, vector<8x128xf32>
      %gt3A_4617 = arith.cmpf ogt, %select_n3A_4577, %select_n3A_3863 : vector<8x128xf32>
      %select_n3A_4618 = arith.select %gt3A_4617, %select_n3A_4577, %select_n3A_3863 : vector<8x128xi1>, vector<8x128xf32>
      %select_n3A_4619 = arith.select %gt3A_4617, %select_n3A_4579, %select_n3A_3865 : vector<8x128xi1>, vector<8x128xf32>
      %select_n3A_4620 = arith.select %gt3A_4617, %select_n3A_4581, %select_n3A_3867 : vector<8x128xi1>, vector<8x128xf32>
      %select_n3A_4621 = arith.select %gt3A_4617, %select_n3A_4583, %select_n3A_3869 : vector<8x128xi1>, vector<8x128xf32>
      %select_n3A_4622 = arith.select %gt3A_4617, %select_n3A_4585, %select_n3A_3871 : vector<8x128xi1>, vector<8x128xf32>
      %gt3A_4623 = arith.cmpf ogt, %select_n3A_4618, %select_n3A_4612 : vector<8x128xf32>
      %select_n3A_4624 = arith.select %gt3A_4623, %select_n3A_4618, %select_n3A_4612 : vector<8x128xi1>, vector<8x128xf32>
      %select_n3A_4625 = arith.select %gt3A_4623, %select_n3A_4619, %select_n3A_4613 : vector<8x128xi1>, vector<8x128xf32>
      %select_n3A_4626 = arith.select %gt3A_4623, %select_n3A_4620, %select_n3A_4614 : vector<8x128xi1>, vector<8x128xf32>
      %select_n3A_4627 = arith.select %gt3A_4623, %select_n3A_4621, %select_n3A_4615 : vector<8x128xi1>, vector<8x128xf32>
      %select_n3A_4628 = arith.select %gt3A_4623, %select_n3A_4622, %select_n3A_4616 : vector<8x128xi1>, vector<8x128xf32>
      %swap3A_4629 = arith.index_cast %mul3A_1720 : i32 to index
      %swap3A_4630 = arith.constant 0 : index
      %swap3A_4631 = vector.load %arg4[%swap3A_4629, %swap3A_4630] : memref<288x128xf32, #tpu.memory_space<vmem>>, vector<8x128xf32>
      tpu.vector_store %arg4[%swap3A_4629, %swap3A_4630], %select_n3A_4624 {strides = array<i32>} : memref<288x128xf32, #tpu.memory_space<vmem>>, vector<8x128xf32>,
      %swap3A_4632 = arith.index_cast %mul3A_1720 : i32 to index
      %swap3A_4633 = arith.constant 0 : index
      %swap3A_4634 = vector.load %arg5[%swap3A_4632, %swap3A_4633] : memref<288x128xf32, #tpu.memory_space<vmem>>, vector<8x128xf32>
      tpu.vector_store %arg5[%swap3A_4632, %swap3A_4633], %select_n3A_4625 {strides = array<i32>} : memref<288x128xf32, #tpu.memory_space<vmem>>, vector<8x128xf32>,
      %swap3A_4635 = arith.index_cast %mul3A_1720 : i32 to index
      %swap3A_4636 = arith.constant 0 : index
      %swap3A_4637 = vector.load %arg6[%swap3A_4635, %swap3A_4636] : memref<288x128xf32, #tpu.memory_space<vmem>>, vector<8x128xf32>
      tpu.vector_store %arg6[%swap3A_4635, %swap3A_4636], %select_n3A_4626 {strides = array<i32>} : memref<288x128xf32, #tpu.memory_space<vmem>>, vector<8x128xf32>,
      %swap3A_4638 = arith.index_cast %mul3A_1720 : i32 to index
      %swap3A_4639 = arith.constant 0 : index
      %swap3A_4640 = vector.load %arg7[%swap3A_4638, %swap3A_4639] : memref<288x128xf32, #tpu.memory_space<vmem>>, vector<8x128xf32>
      tpu.vector_store %arg7[%swap3A_4638, %swap3A_4639], %select_n3A_4627 {strides = array<i32>} : memref<288x128xf32, #tpu.memory_space<vmem>>, vector<8x128xf32>,
      %swap3A_4641 = arith.index_cast %mul3A_1720 : i32 to index
      %swap3A_4642 = arith.constant 0 : index
      %swap3A_4643 = vector.load %arg8[%swap3A_4641, %swap3A_4642] : memref<288x128xf32, #tpu.memory_space<vmem>>, vector<8x128xf32>
      tpu.vector_store %arg8[%swap3A_4641, %swap3A_4642], %select_n3A_4628 {strides = array<i32>} : memref<288x128xf32, #tpu.memory_space<vmem>>, vector<8x128xf32>,
    }
    %scan3A_516 = arith.constant 36 : i32
    %get3A = arith.constant 0 : index
    %get3A_517 = arith.constant 0 : index
    %get3A_518 = arith.constant 0 : index
    %get3A_519 = vector.load %arg9[%get3A, %get3A_517, %get3A_518] : memref<32x8x128xf32, #tpu.memory_space<vmem>>, vector<1x8x128xf32>
    %get3A_520 = vector.shape_cast %get3A_519 : vector<1x8x128xf32> to vector<8x128xf32>
    %reduce_max3A = arith.constant dense<0xFF800000> : vector<128xf32>
    %reduce_max3A_521 = vector.multi_reduction <maximumf>, %get3A_520, %reduce_max3A [0] : vector<8x128xf32> to vector<128xf32>
    %broadcast_in_dim3A_522 = vector.shape_cast %reduce_max3A_521 : vector<128xf32> to vector<1x128xf32>
    %eq3A = vector.broadcast %broadcast_in_dim3A_522 : vector<1x128xf32> to vector<8x128xf32>
    %eq3A_523 = arith.cmpf oeq, %get3A_520, %eq3A : vector<8x128xf32>
    %get3A_524 = arith.constant 0 : index
    %get3A_525 = arith.constant 0 : index
    %get3A_526 = arith.constant 0 : index
    %get3A_527 = vector.load %arg10[%get3A_524, %get3A_525, %get3A_526] : memref<32x8x128xi32, #tpu.memory_space<vmem>>, vector<1x8x128xi32>
    %get3A_528 = vector.shape_cast %get3A_527 : vector<1x8x128xi32> to vector<8x128xi32>
    %jit3A = arith.constant 36864 : i32
    %broadcast_in_dim3A_529 = vector.broadcast %jit3A : i32 to vector<8x128xi32>
    %select_n3A = arith.select %eq3A_523, %get3A_528, %broadcast_in_dim3A_529 : vector<8x128xi1>, vector<8x128xi32>
    %reduce_min3A = arith.constant dense<2147483647> : vector<128xi32>
    %reduce_min3A_530 = vector.multi_reduction <minsi>, %select_n3A, %reduce_min3A [0] : vector<8x128xi32> to vector<128xi32>
    %broadcast_in_dim3A_531 = vector.shape_cast %reduce_min3A_530 : vector<128xi32> to vector<1x128xi32>
    %swap3A_532 = arith.constant 0 : index
    %swap3A_533 = arith.constant 0 : index
    %swap3A_534 = vector.load %arg11[%swap3A_532, %swap3A_533] : memref<32x128xf32, #tpu.memory_space<vmem>>, vector<1x128xf32>
    tpu.vector_store %arg11[%swap3A_532, %swap3A_533], %broadcast_in_dim3A_522 {strides = array<i32>} : memref<32x128xf32, #tpu.memory_space<vmem>>, vector<1x128xf32>,
    %swap3A_535 = arith.constant 0 : index
    %swap3A_536 = arith.constant 0 : index
    %swap3A_537 = vector.load %arg12[%swap3A_535, %swap3A_536] : memref<32x128xi32, #tpu.memory_space<vmem>>, vector<1x128xi32>
    tpu.vector_store %arg12[%swap3A_535, %swap3A_536], %broadcast_in_dim3A_531 {strides = array<i32>} : memref<32x128xi32, #tpu.memory_space<vmem>>, vector<1x128xi32>,
    %get3A_538 = arith.constant 1 : index
    %get3A_539 = arith.constant 0 : index
    %get3A_540 = arith.constant 0 : index
    %get3A_541 = vector.load %arg9[%get3A_538, %get3A_539, %get3A_540] : memref<32x8x128xf32, #tpu.memory_space<vmem>>, vector<1x8x128xf32>
    %get3A_542 = vector.shape_cast %get3A_541 : vector<1x8x128xf32> to vector<8x128xf32>
    %reduce_max3A_543 = arith.constant dense<0xFF800000> : vector<128xf32>
    %reduce_max3A_544 = vector.multi_reduction <maximumf>, %get3A_542, %reduce_max3A_543 [0] : vector<8x128xf32> to vector<128xf32>
    %broadcast_in_dim3A_545 = vector.shape_cast %reduce_max3A_544 : vector<128xf32> to vector<1x128xf32>
    %eq3A_546 = vector.broadcast %broadcast_in_dim3A_545 : vector<1x128xf32> to vector<8x128xf32>
    %eq3A_547 = arith.cmpf oeq, %get3A_542, %eq3A_546 : vector<8x128xf32>
    %get3A_548 = arith.constant 1 : index
    %get3A_549 = arith.constant 0 : index
    %get3A_550 = arith.constant 0 : index
    %get3A_551 = vector.load %arg10[%get3A_548, %get3A_549, %get3A_550] : memref<32x8x128xi32, #tpu.memory_space<vmem>>, vector<1x8x128xi32>
    %get3A_552 = vector.shape_cast %get3A_551 : vector<1x8x128xi32> to vector<8x128xi32>
    %jit3A_553 = arith.constant 36864 : i32
    %broadcast_in_dim3A_554 = vector.broadcast %jit3A_553 : i32 to vector<8x128xi32>
    %select_n3A_555 = arith.select %eq3A_547, %get3A_552, %broadcast_in_dim3A_554 : vector<8x128xi1>, vector<8x128xi32>
    %reduce_min3A_556 = arith.constant dense<2147483647> : vector<128xi32>
    %reduce_min3A_557 = vector.multi_reduction <minsi>, %select_n3A_555, %reduce_min3A_556 [0] : vector<8x128xi32> to vector<128xi32>
    %broadcast_in_dim3A_558 = vector.shape_cast %reduce_min3A_557 : vector<128xi32> to vector<1x128xi32>
    %swap3A_559 = arith.constant 1 : index
    %swap3A_560 = arith.constant 0 : index
    %swap3A_561 = vector.load %arg11[%swap3A_559, %swap3A_560] : memref<32x128xf32, #tpu.memory_space<vmem>>, vector<1x128xf32>
    tpu.vector_store %arg11[%swap3A_559, %swap3A_560], %broadcast_in_dim3A_545 {strides = array<i32>} : memref<32x128xf32, #tpu.memory_space<vmem>>, vector<1x128xf32>,
    %swap3A_562 = arith.constant 1 : index
    %swap3A_563 = arith.constant 0 : index
    %swap3A_564 = vector.load %arg12[%swap3A_562, %swap3A_563] : memref<32x128xi32, #tpu.memory_space<vmem>>, vector<1x128xi32>
    tpu.vector_store %arg12[%swap3A_562, %swap3A_563], %broadcast_in_dim3A_558 {strides = array<i32>} : memref<32x128xi32, #tpu.memory_space<vmem>>, vector<1x128xi32>,
    %get3A_565 = arith.constant 2 : index
    %get3A_566 = arith.constant 0 : index
    %get3A_567 = arith.constant 0 : index
    %get3A_568 = vector.load %arg9[%get3A_565, %get3A_566, %get3A_567] : memref<32x8x128xf32, #tpu.memory_space<vmem>>, vector<1x8x128xf32>
    %get3A_569 = vector.shape_cast %get3A_568 : vector<1x8x128xf32> to vector<8x128xf32>
    %reduce_max3A_570 = arith.constant dense<0xFF800000> : vector<128xf32>
    %reduce_max3A_571 = vector.multi_reduction <maximumf>, %get3A_569, %reduce_max3A_570 [0] : vector<8x128xf32> to vector<128xf32>
    %broadcast_in_dim3A_572 = vector.shape_cast %reduce_max3A_571 : vector<128xf32> to vector<1x128xf32>
    %eq3A_573 = vector.broadcast %broadcast_in_dim3A_572 : vector<1x128xf32> to vector<8x128xf32>
    %eq3A_574 = arith.cmpf oeq, %get3A_569, %eq3A_573 : vector<8x128xf32>
    %get3A_575 = arith.constant 2 : index
    %get3A_576 = arith.constant 0 : index
    %get3A_577 = arith.constant 0 : index
    %get3A_578 = vector.load %arg10[%get3A_575, %get3A_576, %get3A_577] : memref<32x8x128xi32, #tpu.memory_space<vmem>>, vector<1x8x128xi32>
    %get3A_579 = vector.shape_cast %get3A_578 : vector<1x8x128xi32> to vector<8x128xi32>
    %jit3A_580 = arith.constant 36864 : i32
    %broadcast_in_dim3A_581 = vector.broadcast %jit3A_580 : i32 to vector<8x128xi32>
    %select_n3A_582 = arith.select %eq3A_574, %get3A_579, %broadcast_in_dim3A_581 : vector<8x128xi1>, vector<8x128xi32>
    %reduce_min3A_583 = arith.constant dense<2147483647> : vector<128xi32>
    %reduce_min3A_584 = vector.multi_reduction <minsi>, %select_n3A_582, %reduce_min3A_583 [0] : vector<8x128xi32> to vector<128xi32>
    %broadcast_in_dim3A_585 = vector.shape_cast %reduce_min3A_584 : vector<128xi32> to vector<1x128xi32>
    %swap3A_586 = arith.constant 2 : index
    %swap3A_587 = arith.constant 0 : index
    %swap3A_588 = vector.load %arg11[%swap3A_586, %swap3A_587] : memref<32x128xf32, #tpu.memory_space<vmem>>, vector<1x128xf32>
    tpu.vector_store %arg11[%swap3A_586, %swap3A_587], %broadcast_in_dim3A_572 {strides = array<i32>} : memref<32x128xf32, #tpu.memory_space<vmem>>, vector<1x128xf32>,
    %swap3A_589 = arith.constant 2 : index
    %swap3A_590 = arith.constant 0 : index
    %swap3A_591 = vector.load %arg12[%swap3A_589, %swap3A_590] : memref<32x128xi32, #tpu.memory_space<vmem>>, vector<1x128xi32>
    tpu.vector_store %arg12[%swap3A_589, %swap3A_590], %broadcast_in_dim3A_585 {strides = array<i32>} : memref<32x128xi32, #tpu.memory_space<vmem>>, vector<1x128xi32>,
    %get3A_592 = arith.constant 3 : index
    %get3A_593 = arith.constant 0 : index
    %get3A_594 = arith.constant 0 : index
    %get3A_595 = vector.load %arg9[%get3A_592, %get3A_593, %get3A_594] : memref<32x8x128xf32, #tpu.memory_space<vmem>>, vector<1x8x128xf32>
    %get3A_596 = vector.shape_cast %get3A_595 : vector<1x8x128xf32> to vector<8x128xf32>
    %reduce_max3A_597 = arith.constant dense<0xFF800000> : vector<128xf32>
    %reduce_max3A_598 = vector.multi_reduction <maximumf>, %get3A_596, %reduce_max3A_597 [0] : vector<8x128xf32> to vector<128xf32>
    %broadcast_in_dim3A_599 = vector.shape_cast %reduce_max3A_598 : vector<128xf32> to vector<1x128xf32>
    %eq3A_600 = vector.broadcast %broadcast_in_dim3A_599 : vector<1x128xf32> to vector<8x128xf32>
    %eq3A_601 = arith.cmpf oeq, %get3A_596, %eq3A_600 : vector<8x128xf32>
    %get3A_602 = arith.constant 3 : index
    %get3A_603 = arith.constant 0 : index
    %get3A_604 = arith.constant 0 : index
    %get3A_605 = vector.load %arg10[%get3A_602, %get3A_603, %get3A_604] : memref<32x8x128xi32, #tpu.memory_space<vmem>>, vector<1x8x128xi32>
    %get3A_606 = vector.shape_cast %get3A_605 : vector<1x8x128xi32> to vector<8x128xi32>
    %jit3A_607 = arith.constant 36864 : i32
    %broadcast_in_dim3A_608 = vector.broadcast %jit3A_607 : i32 to vector<8x128xi32>
    %select_n3A_609 = arith.select %eq3A_601, %get3A_606, %broadcast_in_dim3A_608 : vector<8x128xi1>, vector<8x128xi32>
    %reduce_min3A_610 = arith.constant dense<2147483647> : vector<128xi32>
    %reduce_min3A_611 = vector.multi_reduction <minsi>, %select_n3A_609, %reduce_min3A_610 [0] : vector<8x128xi32> to vector<128xi32>
    %broadcast_in_dim3A_612 = vector.shape_cast %reduce_min3A_611 : vector<128xi32> to vector<1x128xi32>
    %swap3A_613 = arith.constant 3 : index
    %swap3A_614 = arith.constant 0 : index
    %swap3A_615 = vector.load %arg11[%swap3A_613, %swap3A_614] : memref<32x128xf32, #tpu.memory_space<vmem>>, vector<1x128xf32>
    tpu.vector_store %arg11[%swap3A_613, %swap3A_614], %broadcast_in_dim3A_599 {strides = array<i32>} : memref<32x128xf32, #tpu.memory_space<vmem>>, vector<1x128xf32>,
    %swap3A_616 = arith.constant 3 : index
    %swap3A_617 = arith.constant 0 : index
    %swap3A_618 = vector.load %arg12[%swap3A_616, %swap3A_617] : memref<32x128xi32, #tpu.memory_space<vmem>>, vector<1x128xi32>
    tpu.vector_store %arg12[%swap3A_616, %swap3A_617], %broadcast_in_dim3A_612 {strides = array<i32>} : memref<32x128xi32, #tpu.memory_space<vmem>>, vector<1x128xi32>,
    %get3A_619 = arith.constant 4 : index
    %get3A_620 = arith.constant 0 : index
    %get3A_621 = arith.constant 0 : index
    %get3A_622 = vector.load %arg9[%get3A_619, %get3A_620, %get3A_621] : memref<32x8x128xf32, #tpu.memory_space<vmem>>, vector<1x8x128xf32>
    %get3A_623 = vector.shape_cast %get3A_622 : vector<1x8x128xf32> to vector<8x128xf32>
    %reduce_max3A_624 = arith.constant dense<0xFF800000> : vector<128xf32>
    %reduce_max3A_625 = vector.multi_reduction <maximumf>, %get3A_623, %reduce_max3A_624 [0] : vector<8x128xf32> to vector<128xf32>
    %broadcast_in_dim3A_626 = vector.shape_cast %reduce_max3A_625 : vector<128xf32> to vector<1x128xf32>
    %eq3A_627 = vector.broadcast %broadcast_in_dim3A_626 : vector<1x128xf32> to vector<8x128xf32>
    %eq3A_628 = arith.cmpf oeq, %get3A_623, %eq3A_627 : vector<8x128xf32>
    %get3A_629 = arith.constant 4 : index
    %get3A_630 = arith.constant 0 : index
    %get3A_631 = arith.constant 0 : index
    %get3A_632 = vector.load %arg10[%get3A_629, %get3A_630, %get3A_631] : memref<32x8x128xi32, #tpu.memory_space<vmem>>, vector<1x8x128xi32>
    %get3A_633 = vector.shape_cast %get3A_632 : vector<1x8x128xi32> to vector<8x128xi32>
    %jit3A_634 = arith.constant 36864 : i32
    %broadcast_in_dim3A_635 = vector.broadcast %jit3A_634 : i32 to vector<8x128xi32>
    %select_n3A_636 = arith.select %eq3A_628, %get3A_633, %broadcast_in_dim3A_635 : vector<8x128xi1>, vector<8x128xi32>
    %reduce_min3A_637 = arith.constant dense<2147483647> : vector<128xi32>
    %reduce_min3A_638 = vector.multi_reduction <minsi>, %select_n3A_636, %reduce_min3A_637 [0] : vector<8x128xi32> to vector<128xi32>
    %broadcast_in_dim3A_639 = vector.shape_cast %reduce_min3A_638 : vector<128xi32> to vector<1x128xi32>
    %swap3A_640 = arith.constant 4 : index
    %swap3A_641 = arith.constant 0 : index
    %swap3A_642 = vector.load %arg11[%swap3A_640, %swap3A_641] : memref<32x128xf32, #tpu.memory_space<vmem>>, vector<1x128xf32>
    tpu.vector_store %arg11[%swap3A_640, %swap3A_641], %broadcast_in_dim3A_626 {strides = array<i32>} : memref<32x128xf32, #tpu.memory_space<vmem>>, vector<1x128xf32>,
    %swap3A_643 = arith.constant 4 : index
    %swap3A_644 = arith.constant 0 : index
    %swap3A_645 = vector.load %arg12[%swap3A_643, %swap3A_644] : memref<32x128xi32, #tpu.memory_space<vmem>>, vector<1x128xi32>
    tpu.vector_store %arg12[%swap3A_643, %swap3A_644], %broadcast_in_dim3A_639 {strides = array<i32>} : memref<32x128xi32, #tpu.memory_space<vmem>>, vector<1x128xi32>,
    %get3A_646 = arith.constant 5 : index
    %get3A_647 = arith.constant 0 : index
    %get3A_648 = arith.constant 0 : index
    %get3A_649 = vector.load %arg9[%get3A_646, %get3A_647, %get3A_648] : memref<32x8x128xf32, #tpu.memory_space<vmem>>, vector<1x8x128xf32>
    %get3A_650 = vector.shape_cast %get3A_649 : vector<1x8x128xf32> to vector<8x128xf32>
    %reduce_max3A_651 = arith.constant dense<0xFF800000> : vector<128xf32>
    %reduce_max3A_652 = vector.multi_reduction <maximumf>, %get3A_650, %reduce_max3A_651 [0] : vector<8x128xf32> to vector<128xf32>
    %broadcast_in_dim3A_653 = vector.shape_cast %reduce_max3A_652 : vector<128xf32> to vector<1x128xf32>
    %eq3A_654 = vector.broadcast %broadcast_in_dim3A_653 : vector<1x128xf32> to vector<8x128xf32>
    %eq3A_655 = arith.cmpf oeq, %get3A_650, %eq3A_654 : vector<8x128xf32>
    %get3A_656 = arith.constant 5 : index
    %get3A_657 = arith.constant 0 : index
    %get3A_658 = arith.constant 0 : index
    %get3A_659 = vector.load %arg10[%get3A_656, %get3A_657, %get3A_658] : memref<32x8x128xi32, #tpu.memory_space<vmem>>, vector<1x8x128xi32>
    %get3A_660 = vector.shape_cast %get3A_659 : vector<1x8x128xi32> to vector<8x128xi32>
    %jit3A_661 = arith.constant 36864 : i32
    %broadcast_in_dim3A_662 = vector.broadcast %jit3A_661 : i32 to vector<8x128xi32>
    %select_n3A_663 = arith.select %eq3A_655, %get3A_660, %broadcast_in_dim3A_662 : vector<8x128xi1>, vector<8x128xi32>
    %reduce_min3A_664 = arith.constant dense<2147483647> : vector<128xi32>
    %reduce_min3A_665 = vector.multi_reduction <minsi>, %select_n3A_663, %reduce_min3A_664 [0] : vector<8x128xi32> to vector<128xi32>
    %broadcast_in_dim3A_666 = vector.shape_cast %reduce_min3A_665 : vector<128xi32> to vector<1x128xi32>
    %swap3A_667 = arith.constant 5 : index
    %swap3A_668 = arith.constant 0 : index
    %swap3A_669 = vector.load %arg11[%swap3A_667, %swap3A_668] : memref<32x128xf32, #tpu.memory_space<vmem>>, vector<1x128xf32>
    tpu.vector_store %arg11[%swap3A_667, %swap3A_668], %broadcast_in_dim3A_653 {strides = array<i32>} : memref<32x128xf32, #tpu.memory_space<vmem>>, vector<1x128xf32>,
    %swap3A_670 = arith.constant 5 : index
    %swap3A_671 = arith.constant 0 : index
    %swap3A_672 = vector.load %arg12[%swap3A_670, %swap3A_671] : memref<32x128xi32, #tpu.memory_space<vmem>>, vector<1x128xi32>
    tpu.vector_store %arg12[%swap3A_670, %swap3A_671], %broadcast_in_dim3A_666 {strides = array<i32>} : memref<32x128xi32, #tpu.memory_space<vmem>>, vector<1x128xi32>,
    %get3A_673 = arith.constant 6 : index
    %get3A_674 = arith.constant 0 : index
    %get3A_675 = arith.constant 0 : index
    %get3A_676 = vector.load %arg9[%get3A_673, %get3A_674, %get3A_675] : memref<32x8x128xf32, #tpu.memory_space<vmem>>, vector<1x8x128xf32>
    %get3A_677 = vector.shape_cast %get3A_676 : vector<1x8x128xf32> to vector<8x128xf32>
    %reduce_max3A_678 = arith.constant dense<0xFF800000> : vector<128xf32>
    %reduce_max3A_679 = vector.multi_reduction <maximumf>, %get3A_677, %reduce_max3A_678 [0] : vector<8x128xf32> to vector<128xf32>
    %broadcast_in_dim3A_680 = vector.shape_cast %reduce_max3A_679 : vector<128xf32> to vector<1x128xf32>
    %eq3A_681 = vector.broadcast %broadcast_in_dim3A_680 : vector<1x128xf32> to vector<8x128xf32>
    %eq3A_682 = arith.cmpf oeq, %get3A_677, %eq3A_681 : vector<8x128xf32>
    %get3A_683 = arith.constant 6 : index
    %get3A_684 = arith.constant 0 : index
    %get3A_685 = arith.constant 0 : index
    %get3A_686 = vector.load %arg10[%get3A_683, %get3A_684, %get3A_685] : memref<32x8x128xi32, #tpu.memory_space<vmem>>, vector<1x8x128xi32>
    %get3A_687 = vector.shape_cast %get3A_686 : vector<1x8x128xi32> to vector<8x128xi32>
    %jit3A_688 = arith.constant 36864 : i32
    %broadcast_in_dim3A_689 = vector.broadcast %jit3A_688 : i32 to vector<8x128xi32>
    %select_n3A_690 = arith.select %eq3A_682, %get3A_687, %broadcast_in_dim3A_689 : vector<8x128xi1>, vector<8x128xi32>
    %reduce_min3A_691 = arith.constant dense<2147483647> : vector<128xi32>
    %reduce_min3A_692 = vector.multi_reduction <minsi>, %select_n3A_690, %reduce_min3A_691 [0] : vector<8x128xi32> to vector<128xi32>
    %broadcast_in_dim3A_693 = vector.shape_cast %reduce_min3A_692 : vector<128xi32> to vector<1x128xi32>
    %swap3A_694 = arith.constant 6 : index
    %swap3A_695 = arith.constant 0 : index
    %swap3A_696 = vector.load %arg11[%swap3A_694, %swap3A_695] : memref<32x128xf32, #tpu.memory_space<vmem>>, vector<1x128xf32>
    tpu.vector_store %arg11[%swap3A_694, %swap3A_695], %broadcast_in_dim3A_680 {strides = array<i32>} : memref<32x128xf32, #tpu.memory_space<vmem>>, vector<1x128xf32>,
    %swap3A_697 = arith.constant 6 : index
    %swap3A_698 = arith.constant 0 : index
    %swap3A_699 = vector.load %arg12[%swap3A_697, %swap3A_698] : memref<32x128xi32, #tpu.memory_space<vmem>>, vector<1x128xi32>
    tpu.vector_store %arg12[%swap3A_697, %swap3A_698], %broadcast_in_dim3A_693 {strides = array<i32>} : memref<32x128xi32, #tpu.memory_space<vmem>>, vector<1x128xi32>,
    %get3A_700 = arith.constant 7 : index
    %get3A_701 = arith.constant 0 : index
    %get3A_702 = arith.constant 0 : index
    %get3A_703 = vector.load %arg9[%get3A_700, %get3A_701, %get3A_702] : memref<32x8x128xf32, #tpu.memory_space<vmem>>, vector<1x8x128xf32>
    %get3A_704 = vector.shape_cast %get3A_703 : vector<1x8x128xf32> to vector<8x128xf32>
    %reduce_max3A_705 = arith.constant dense<0xFF800000> : vector<128xf32>
    %reduce_max3A_706 = vector.multi_reduction <maximumf>, %get3A_704, %reduce_max3A_705 [0] : vector<8x128xf32> to vector<128xf32>
    %broadcast_in_dim3A_707 = vector.shape_cast %reduce_max3A_706 : vector<128xf32> to vector<1x128xf32>
    %eq3A_708 = vector.broadcast %broadcast_in_dim3A_707 : vector<1x128xf32> to vector<8x128xf32>
    %eq3A_709 = arith.cmpf oeq, %get3A_704, %eq3A_708 : vector<8x128xf32>
    %get3A_710 = arith.constant 7 : index
    %get3A_711 = arith.constant 0 : index
    %get3A_712 = arith.constant 0 : index
    %get3A_713 = vector.load %arg10[%get3A_710, %get3A_711, %get3A_712] : memref<32x8x128xi32, #tpu.memory_space<vmem>>, vector<1x8x128xi32>
    %get3A_714 = vector.shape_cast %get3A_713 : vector<1x8x128xi32> to vector<8x128xi32>
    %jit3A_715 = arith.constant 36864 : i32
    %broadcast_in_dim3A_716 = vector.broadcast %jit3A_715 : i32 to vector<8x128xi32>
    %select_n3A_717 = arith.select %eq3A_709, %get3A_714, %broadcast_in_dim3A_716 : vector<8x128xi1>, vector<8x128xi32>
    %reduce_min3A_718 = arith.constant dense<2147483647> : vector<128xi32>
    %reduce_min3A_719 = vector.multi_reduction <minsi>, %select_n3A_717, %reduce_min3A_718 [0] : vector<8x128xi32> to vector<128xi32>
    %broadcast_in_dim3A_720 = vector.shape_cast %reduce_min3A_719 : vector<128xi32> to vector<1x128xi32>
    %swap3A_721 = arith.constant 7 : index
    %swap3A_722 = arith.constant 0 : index
    %swap3A_723 = vector.load %arg11[%swap3A_721, %swap3A_722] : memref<32x128xf32, #tpu.memory_space<vmem>>, vector<1x128xf32>
    tpu.vector_store %arg11[%swap3A_721, %swap3A_722], %broadcast_in_dim3A_707 {strides = array<i32>} : memref<32x128xf32, #tpu.memory_space<vmem>>, vector<1x128xf32>,
    %swap3A_724 = arith.constant 7 : index
    %swap3A_725 = arith.constant 0 : index
    %swap3A_726 = vector.load %arg12[%swap3A_724, %swap3A_725] : memref<32x128xi32, #tpu.memory_space<vmem>>, vector<1x128xi32>
    tpu.vector_store %arg12[%swap3A_724, %swap3A_725], %broadcast_in_dim3A_720 {strides = array<i32>} : memref<32x128xi32, #tpu.memory_space<vmem>>, vector<1x128xi32>,
    %get3A_727 = arith.constant 8 : index
    %get3A_728 = arith.constant 0 : index
    %get3A_729 = arith.constant 0 : index
    %get3A_730 = vector.load %arg9[%get3A_727, %get3A_728, %get3A_729] : memref<32x8x128xf32, #tpu.memory_space<vmem>>, vector<1x8x128xf32>
    %get3A_731 = vector.shape_cast %get3A_730 : vector<1x8x128xf32> to vector<8x128xf32>
    %reduce_max3A_732 = arith.constant dense<0xFF800000> : vector<128xf32>
    %reduce_max3A_733 = vector.multi_reduction <maximumf>, %get3A_731, %reduce_max3A_732 [0] : vector<8x128xf32> to vector<128xf32>
    %broadcast_in_dim3A_734 = vector.shape_cast %reduce_max3A_733 : vector<128xf32> to vector<1x128xf32>
    %eq3A_735 = vector.broadcast %broadcast_in_dim3A_734 : vector<1x128xf32> to vector<8x128xf32>
    %eq3A_736 = arith.cmpf oeq, %get3A_731, %eq3A_735 : vector<8x128xf32>
    %get3A_737 = arith.constant 8 : index
    %get3A_738 = arith.constant 0 : index
    %get3A_739 = arith.constant 0 : index
    %get3A_740 = vector.load %arg10[%get3A_737, %get3A_738, %get3A_739] : memref<32x8x128xi32, #tpu.memory_space<vmem>>, vector<1x8x128xi32>
    %get3A_741 = vector.shape_cast %get3A_740 : vector<1x8x128xi32> to vector<8x128xi32>
    %jit3A_742 = arith.constant 36864 : i32
    %broadcast_in_dim3A_743 = vector.broadcast %jit3A_742 : i32 to vector<8x128xi32>
    %select_n3A_744 = arith.select %eq3A_736, %get3A_741, %broadcast_in_dim3A_743 : vector<8x128xi1>, vector<8x128xi32>
    %reduce_min3A_745 = arith.constant dense<2147483647> : vector<128xi32>
    %reduce_min3A_746 = vector.multi_reduction <minsi>, %select_n3A_744, %reduce_min3A_745 [0] : vector<8x128xi32> to vector<128xi32>
    %broadcast_in_dim3A_747 = vector.shape_cast %reduce_min3A_746 : vector<128xi32> to vector<1x128xi32>
    %swap3A_748 = arith.constant 8 : index
    %swap3A_749 = arith.constant 0 : index
    %swap3A_750 = vector.load %arg11[%swap3A_748, %swap3A_749] : memref<32x128xf32, #tpu.memory_space<vmem>>, vector<1x128xf32>
    tpu.vector_store %arg11[%swap3A_748, %swap3A_749], %broadcast_in_dim3A_734 {strides = array<i32>} : memref<32x128xf32, #tpu.memory_space<vmem>>, vector<1x128xf32>,
    %swap3A_751 = arith.constant 8 : index
    %swap3A_752 = arith.constant 0 : index
    %swap3A_753 = vector.load %arg12[%swap3A_751, %swap3A_752] : memref<32x128xi32, #tpu.memory_space<vmem>>, vector<1x128xi32>
    tpu.vector_store %arg12[%swap3A_751, %swap3A_752], %broadcast_in_dim3A_747 {strides = array<i32>} : memref<32x128xi32, #tpu.memory_space<vmem>>, vector<1x128xi32>,
    %get3A_754 = arith.constant 9 : index
    %get3A_755 = arith.constant 0 : index
    %get3A_756 = arith.constant 0 : index
    %get3A_757 = vector.load %arg9[%get3A_754, %get3A_755, %get3A_756] : memref<32x8x128xf32, #tpu.memory_space<vmem>>, vector<1x8x128xf32>
    %get3A_758 = vector.shape_cast %get3A_757 : vector<1x8x128xf32> to vector<8x128xf32>
    %reduce_max3A_759 = arith.constant dense<0xFF800000> : vector<128xf32>
    %reduce_max3A_760 = vector.multi_reduction <maximumf>, %get3A_758, %reduce_max3A_759 [0] : vector<8x128xf32> to vector<128xf32>
    %broadcast_in_dim3A_761 = vector.shape_cast %reduce_max3A_760 : vector<128xf32> to vector<1x128xf32>
    %eq3A_762 = vector.broadcast %broadcast_in_dim3A_761 : vector<1x128xf32> to vector<8x128xf32>
    %eq3A_763 = arith.cmpf oeq, %get3A_758, %eq3A_762 : vector<8x128xf32>
    %get3A_764 = arith.constant 9 : index
    %get3A_765 = arith.constant 0 : index
    %get3A_766 = arith.constant 0 : index
    %get3A_767 = vector.load %arg10[%get3A_764, %get3A_765, %get3A_766] : memref<32x8x128xi32, #tpu.memory_space<vmem>>, vector<1x8x128xi32>
    %get3A_768 = vector.shape_cast %get3A_767 : vector<1x8x128xi32> to vector<8x128xi32>
    %jit3A_769 = arith.constant 36864 : i32
    %broadcast_in_dim3A_770 = vector.broadcast %jit3A_769 : i32 to vector<8x128xi32>
    %select_n3A_771 = arith.select %eq3A_763, %get3A_768, %broadcast_in_dim3A_770 : vector<8x128xi1>, vector<8x128xi32>
    %reduce_min3A_772 = arith.constant dense<2147483647> : vector<128xi32>
    %reduce_min3A_773 = vector.multi_reduction <minsi>, %select_n3A_771, %reduce_min3A_772 [0] : vector<8x128xi32> to vector<128xi32>
    %broadcast_in_dim3A_774 = vector.shape_cast %reduce_min3A_773 : vector<128xi32> to vector<1x128xi32>
    %swap3A_775 = arith.constant 9 : index
    %swap3A_776 = arith.constant 0 : index
    %swap3A_777 = vector.load %arg11[%swap3A_775, %swap3A_776] : memref<32x128xf32, #tpu.memory_space<vmem>>, vector<1x128xf32>
    tpu.vector_store %arg11[%swap3A_775, %swap3A_776], %broadcast_in_dim3A_761 {strides = array<i32>} : memref<32x128xf32, #tpu.memory_space<vmem>>, vector<1x128xf32>,
    %swap3A_778 = arith.constant 9 : index
    %swap3A_779 = arith.constant 0 : index
    %swap3A_780 = vector.load %arg12[%swap3A_778, %swap3A_779] : memref<32x128xi32, #tpu.memory_space<vmem>>, vector<1x128xi32>
    tpu.vector_store %arg12[%swap3A_778, %swap3A_779], %broadcast_in_dim3A_774 {strides = array<i32>} : memref<32x128xi32, #tpu.memory_space<vmem>>, vector<1x128xi32>,
    %get3A_781 = arith.constant 10 : index
    %get3A_782 = arith.constant 0 : index
    %get3A_783 = arith.constant 0 : index
    %get3A_784 = vector.load %arg9[%get3A_781, %get3A_782, %get3A_783] : memref<32x8x128xf32, #tpu.memory_space<vmem>>, vector<1x8x128xf32>
    %get3A_785 = vector.shape_cast %get3A_784 : vector<1x8x128xf32> to vector<8x128xf32>
    %reduce_max3A_786 = arith.constant dense<0xFF800000> : vector<128xf32>
    %reduce_max3A_787 = vector.multi_reduction <maximumf>, %get3A_785, %reduce_max3A_786 [0] : vector<8x128xf32> to vector<128xf32>
    %broadcast_in_dim3A_788 = vector.shape_cast %reduce_max3A_787 : vector<128xf32> to vector<1x128xf32>
    %eq3A_789 = vector.broadcast %broadcast_in_dim3A_788 : vector<1x128xf32> to vector<8x128xf32>
    %eq3A_790 = arith.cmpf oeq, %get3A_785, %eq3A_789 : vector<8x128xf32>
    %get3A_791 = arith.constant 10 : index
    %get3A_792 = arith.constant 0 : index
    %get3A_793 = arith.constant 0 : index
    %get3A_794 = vector.load %arg10[%get3A_791, %get3A_792, %get3A_793] : memref<32x8x128xi32, #tpu.memory_space<vmem>>, vector<1x8x128xi32>
    %get3A_795 = vector.shape_cast %get3A_794 : vector<1x8x128xi32> to vector<8x128xi32>
    %jit3A_796 = arith.constant 36864 : i32
    %broadcast_in_dim3A_797 = vector.broadcast %jit3A_796 : i32 to vector<8x128xi32>
    %select_n3A_798 = arith.select %eq3A_790, %get3A_795, %broadcast_in_dim3A_797 : vector<8x128xi1>, vector<8x128xi32>
    %reduce_min3A_799 = arith.constant dense<2147483647> : vector<128xi32>
    %reduce_min3A_800 = vector.multi_reduction <minsi>, %select_n3A_798, %reduce_min3A_799 [0] : vector<8x128xi32> to vector<128xi32>
    %broadcast_in_dim3A_801 = vector.shape_cast %reduce_min3A_800 : vector<128xi32> to vector<1x128xi32>
    %swap3A_802 = arith.constant 10 : index
    %swap3A_803 = arith.constant 0 : index
    %swap3A_804 = vector.load %arg11[%swap3A_802, %swap3A_803] : memref<32x128xf32, #tpu.memory_space<vmem>>, vector<1x128xf32>
    tpu.vector_store %arg11[%swap3A_802, %swap3A_803], %broadcast_in_dim3A_788 {strides = array<i32>} : memref<32x128xf32, #tpu.memory_space<vmem>>, vector<1x128xf32>,
    %swap3A_805 = arith.constant 10 : index
    %swap3A_806 = arith.constant 0 : index
    %swap3A_807 = vector.load %arg12[%swap3A_805, %swap3A_806] : memref<32x128xi32, #tpu.memory_space<vmem>>, vector<1x128xi32>
    tpu.vector_store %arg12[%swap3A_805, %swap3A_806], %broadcast_in_dim3A_801 {strides = array<i32>} : memref<32x128xi32, #tpu.memory_space<vmem>>, vector<1x128xi32>,
    %get3A_808 = arith.constant 11 : index
    %get3A_809 = arith.constant 0 : index
    %get3A_810 = arith.constant 0 : index
    %get3A_811 = vector.load %arg9[%get3A_808, %get3A_809, %get3A_810] : memref<32x8x128xf32, #tpu.memory_space<vmem>>, vector<1x8x128xf32>
    %get3A_812 = vector.shape_cast %get3A_811 : vector<1x8x128xf32> to vector<8x128xf32>
    %reduce_max3A_813 = arith.constant dense<0xFF800000> : vector<128xf32>
    %reduce_max3A_814 = vector.multi_reduction <maximumf>, %get3A_812, %reduce_max3A_813 [0] : vector<8x128xf32> to vector<128xf32>
    %broadcast_in_dim3A_815 = vector.shape_cast %reduce_max3A_814 : vector<128xf32> to vector<1x128xf32>
    %eq3A_816 = vector.broadcast %broadcast_in_dim3A_815 : vector<1x128xf32> to vector<8x128xf32>
    %eq3A_817 = arith.cmpf oeq, %get3A_812, %eq3A_816 : vector<8x128xf32>
    %get3A_818 = arith.constant 11 : index
    %get3A_819 = arith.constant 0 : index
    %get3A_820 = arith.constant 0 : index
    %get3A_821 = vector.load %arg10[%get3A_818, %get3A_819, %get3A_820] : memref<32x8x128xi32, #tpu.memory_space<vmem>>, vector<1x8x128xi32>
    %get3A_822 = vector.shape_cast %get3A_821 : vector<1x8x128xi32> to vector<8x128xi32>
    %jit3A_823 = arith.constant 36864 : i32
    %broadcast_in_dim3A_824 = vector.broadcast %jit3A_823 : i32 to vector<8x128xi32>
    %select_n3A_825 = arith.select %eq3A_817, %get3A_822, %broadcast_in_dim3A_824 : vector<8x128xi1>, vector<8x128xi32>
    %reduce_min3A_826 = arith.constant dense<2147483647> : vector<128xi32>
    %reduce_min3A_827 = vector.multi_reduction <minsi>, %select_n3A_825, %reduce_min3A_826 [0] : vector<8x128xi32> to vector<128xi32>
    %broadcast_in_dim3A_828 = vector.shape_cast %reduce_min3A_827 : vector<128xi32> to vector<1x128xi32>
    %swap3A_829 = arith.constant 11 : index
    %swap3A_830 = arith.constant 0 : index
    %swap3A_831 = vector.load %arg11[%swap3A_829, %swap3A_830] : memref<32x128xf32, #tpu.memory_space<vmem>>, vector<1x128xf32>
    tpu.vector_store %arg11[%swap3A_829, %swap3A_830], %broadcast_in_dim3A_815 {strides = array<i32>} : memref<32x128xf32, #tpu.memory_space<vmem>>, vector<1x128xf32>,
    %swap3A_832 = arith.constant 11 : index
    %swap3A_833 = arith.constant 0 : index
    %swap3A_834 = vector.load %arg12[%swap3A_832, %swap3A_833] : memref<32x128xi32, #tpu.memory_space<vmem>>, vector<1x128xi32>
    tpu.vector_store %arg12[%swap3A_832, %swap3A_833], %broadcast_in_dim3A_828 {strides = array<i32>} : memref<32x128xi32, #tpu.memory_space<vmem>>, vector<1x128xi32>,
    %get3A_835 = arith.constant 12 : index
    %get3A_836 = arith.constant 0 : index
    %get3A_837 = arith.constant 0 : index
    %get3A_838 = vector.load %arg9[%get3A_835, %get3A_836, %get3A_837] : memref<32x8x128xf32, #tpu.memory_space<vmem>>, vector<1x8x128xf32>
    %get3A_839 = vector.shape_cast %get3A_838 : vector<1x8x128xf32> to vector<8x128xf32>
    %reduce_max3A_840 = arith.constant dense<0xFF800000> : vector<128xf32>
    %reduce_max3A_841 = vector.multi_reduction <maximumf>, %get3A_839, %reduce_max3A_840 [0] : vector<8x128xf32> to vector<128xf32>
    %broadcast_in_dim3A_842 = vector.shape_cast %reduce_max3A_841 : vector<128xf32> to vector<1x128xf32>
    %eq3A_843 = vector.broadcast %broadcast_in_dim3A_842 : vector<1x128xf32> to vector<8x128xf32>
    %eq3A_844 = arith.cmpf oeq, %get3A_839, %eq3A_843 : vector<8x128xf32>
    %get3A_845 = arith.constant 12 : index
    %get3A_846 = arith.constant 0 : index
    %get3A_847 = arith.constant 0 : index
    %get3A_848 = vector.load %arg10[%get3A_845, %get3A_846, %get3A_847] : memref<32x8x128xi32, #tpu.memory_space<vmem>>, vector<1x8x128xi32>
    %get3A_849 = vector.shape_cast %get3A_848 : vector<1x8x128xi32> to vector<8x128xi32>
    %jit3A_850 = arith.constant 36864 : i32
    %broadcast_in_dim3A_851 = vector.broadcast %jit3A_850 : i32 to vector<8x128xi32>
    %select_n3A_852 = arith.select %eq3A_844, %get3A_849, %broadcast_in_dim3A_851 : vector<8x128xi1>, vector<8x128xi32>
    %reduce_min3A_853 = arith.constant dense<2147483647> : vector<128xi32>
    %reduce_min3A_854 = vector.multi_reduction <minsi>, %select_n3A_852, %reduce_min3A_853 [0] : vector<8x128xi32> to vector<128xi32>
    %broadcast_in_dim3A_855 = vector.shape_cast %reduce_min3A_854 : vector<128xi32> to vector<1x128xi32>
    %swap3A_856 = arith.constant 12 : index
    %swap3A_857 = arith.constant 0 : index
    %swap3A_858 = vector.load %arg11[%swap3A_856, %swap3A_857] : memref<32x128xf32, #tpu.memory_space<vmem>>, vector<1x128xf32>
    tpu.vector_store %arg11[%swap3A_856, %swap3A_857], %broadcast_in_dim3A_842 {strides = array<i32>} : memref<32x128xf32, #tpu.memory_space<vmem>>, vector<1x128xf32>,
    %swap3A_859 = arith.constant 12 : index
    %swap3A_860 = arith.constant 0 : index
    %swap3A_861 = vector.load %arg12[%swap3A_859, %swap3A_860] : memref<32x128xi32, #tpu.memory_space<vmem>>, vector<1x128xi32>
    tpu.vector_store %arg12[%swap3A_859, %swap3A_860], %broadcast_in_dim3A_855 {strides = array<i32>} : memref<32x128xi32, #tpu.memory_space<vmem>>, vector<1x128xi32>,
    %get3A_862 = arith.constant 13 : index
    %get3A_863 = arith.constant 0 : index
    %get3A_864 = arith.constant 0 : index
    %get3A_865 = vector.load %arg9[%get3A_862, %get3A_863, %get3A_864] : memref<32x8x128xf32, #tpu.memory_space<vmem>>, vector<1x8x128xf32>
    %get3A_866 = vector.shape_cast %get3A_865 : vector<1x8x128xf32> to vector<8x128xf32>
    %reduce_max3A_867 = arith.constant dense<0xFF800000> : vector<128xf32>
    %reduce_max3A_868 = vector.multi_reduction <maximumf>, %get3A_866, %reduce_max3A_867 [0] : vector<8x128xf32> to vector<128xf32>
    %broadcast_in_dim3A_869 = vector.shape_cast %reduce_max3A_868 : vector<128xf32> to vector<1x128xf32>
    %eq3A_870 = vector.broadcast %broadcast_in_dim3A_869 : vector<1x128xf32> to vector<8x128xf32>
    %eq3A_871 = arith.cmpf oeq, %get3A_866, %eq3A_870 : vector<8x128xf32>
    %get3A_872 = arith.constant 13 : index
    %get3A_873 = arith.constant 0 : index
    %get3A_874 = arith.constant 0 : index
    %get3A_875 = vector.load %arg10[%get3A_872, %get3A_873, %get3A_874] : memref<32x8x128xi32, #tpu.memory_space<vmem>>, vector<1x8x128xi32>
    %get3A_876 = vector.shape_cast %get3A_875 : vector<1x8x128xi32> to vector<8x128xi32>
    %jit3A_877 = arith.constant 36864 : i32
    %broadcast_in_dim3A_878 = vector.broadcast %jit3A_877 : i32 to vector<8x128xi32>
    %select_n3A_879 = arith.select %eq3A_871, %get3A_876, %broadcast_in_dim3A_878 : vector<8x128xi1>, vector<8x128xi32>
    %reduce_min3A_880 = arith.constant dense<2147483647> : vector<128xi32>
    %reduce_min3A_881 = vector.multi_reduction <minsi>, %select_n3A_879, %reduce_min3A_880 [0] : vector<8x128xi32> to vector<128xi32>
    %broadcast_in_dim3A_882 = vector.shape_cast %reduce_min3A_881 : vector<128xi32> to vector<1x128xi32>
    %swap3A_883 = arith.constant 13 : index
    %swap3A_884 = arith.constant 0 : index
    %swap3A_885 = vector.load %arg11[%swap3A_883, %swap3A_884] : memref<32x128xf32, #tpu.memory_space<vmem>>, vector<1x128xf32>
    tpu.vector_store %arg11[%swap3A_883, %swap3A_884], %broadcast_in_dim3A_869 {strides = array<i32>} : memref<32x128xf32, #tpu.memory_space<vmem>>, vector<1x128xf32>,
    %swap3A_886 = arith.constant 13 : index
    %swap3A_887 = arith.constant 0 : index
    %swap3A_888 = vector.load %arg12[%swap3A_886, %swap3A_887] : memref<32x128xi32, #tpu.memory_space<vmem>>, vector<1x128xi32>
    tpu.vector_store %arg12[%swap3A_886, %swap3A_887], %broadcast_in_dim3A_882 {strides = array<i32>} : memref<32x128xi32, #tpu.memory_space<vmem>>, vector<1x128xi32>,
    %get3A_889 = arith.constant 14 : index
    %get3A_890 = arith.constant 0 : index
    %get3A_891 = arith.constant 0 : index
    %get3A_892 = vector.load %arg9[%get3A_889, %get3A_890, %get3A_891] : memref<32x8x128xf32, #tpu.memory_space<vmem>>, vector<1x8x128xf32>
    %get3A_893 = vector.shape_cast %get3A_892 : vector<1x8x128xf32> to vector<8x128xf32>
    %reduce_max3A_894 = arith.constant dense<0xFF800000> : vector<128xf32>
    %reduce_max3A_895 = vector.multi_reduction <maximumf>, %get3A_893, %reduce_max3A_894 [0] : vector<8x128xf32> to vector<128xf32>
    %broadcast_in_dim3A_896 = vector.shape_cast %reduce_max3A_895 : vector<128xf32> to vector<1x128xf32>
    %eq3A_897 = vector.broadcast %broadcast_in_dim3A_896 : vector<1x128xf32> to vector<8x128xf32>
    %eq3A_898 = arith.cmpf oeq, %get3A_893, %eq3A_897 : vector<8x128xf32>
    %get3A_899 = arith.constant 14 : index
    %get3A_900 = arith.constant 0 : index
    %get3A_901 = arith.constant 0 : index
    %get3A_902 = vector.load %arg10[%get3A_899, %get3A_900, %get3A_901] : memref<32x8x128xi32, #tpu.memory_space<vmem>>, vector<1x8x128xi32>
    %get3A_903 = vector.shape_cast %get3A_902 : vector<1x8x128xi32> to vector<8x128xi32>
    %jit3A_904 = arith.constant 36864 : i32
    %broadcast_in_dim3A_905 = vector.broadcast %jit3A_904 : i32 to vector<8x128xi32>
    %select_n3A_906 = arith.select %eq3A_898, %get3A_903, %broadcast_in_dim3A_905 : vector<8x128xi1>, vector<8x128xi32>
    %reduce_min3A_907 = arith.constant dense<2147483647> : vector<128xi32>
    %reduce_min3A_908 = vector.multi_reduction <minsi>, %select_n3A_906, %reduce_min3A_907 [0] : vector<8x128xi32> to vector<128xi32>
    %broadcast_in_dim3A_909 = vector.shape_cast %reduce_min3A_908 : vector<128xi32> to vector<1x128xi32>
    %swap3A_910 = arith.constant 14 : index
    %swap3A_911 = arith.constant 0 : index
    %swap3A_912 = vector.load %arg11[%swap3A_910, %swap3A_911] : memref<32x128xf32, #tpu.memory_space<vmem>>, vector<1x128xf32>
    tpu.vector_store %arg11[%swap3A_910, %swap3A_911], %broadcast_in_dim3A_896 {strides = array<i32>} : memref<32x128xf32, #tpu.memory_space<vmem>>, vector<1x128xf32>,
    %swap3A_913 = arith.constant 14 : index
    %swap3A_914 = arith.constant 0 : index
    %swap3A_915 = vector.load %arg12[%swap3A_913, %swap3A_914] : memref<32x128xi32, #tpu.memory_space<vmem>>, vector<1x128xi32>
    tpu.vector_store %arg12[%swap3A_913, %swap3A_914], %broadcast_in_dim3A_909 {strides = array<i32>} : memref<32x128xi32, #tpu.memory_space<vmem>>, vector<1x128xi32>,
    %get3A_916 = arith.constant 15 : index
    %get3A_917 = arith.constant 0 : index
    %get3A_918 = arith.constant 0 : index
    %get3A_919 = vector.load %arg9[%get3A_916, %get3A_917, %get3A_918] : memref<32x8x128xf32, #tpu.memory_space<vmem>>, vector<1x8x128xf32>
    %get3A_920 = vector.shape_cast %get3A_919 : vector<1x8x128xf32> to vector<8x128xf32>
    %reduce_max3A_921 = arith.constant dense<0xFF800000> : vector<128xf32>
    %reduce_max3A_922 = vector.multi_reduction <maximumf>, %get3A_920, %reduce_max3A_921 [0] : vector<8x128xf32> to vector<128xf32>
    %broadcast_in_dim3A_923 = vector.shape_cast %reduce_max3A_922 : vector<128xf32> to vector<1x128xf32>
    %eq3A_924 = vector.broadcast %broadcast_in_dim3A_923 : vector<1x128xf32> to vector<8x128xf32>
    %eq3A_925 = arith.cmpf oeq, %get3A_920, %eq3A_924 : vector<8x128xf32>
    %get3A_926 = arith.constant 15 : index
    %get3A_927 = arith.constant 0 : index
    %get3A_928 = arith.constant 0 : index
    %get3A_929 = vector.load %arg10[%get3A_926, %get3A_927, %get3A_928] : memref<32x8x128xi32, #tpu.memory_space<vmem>>, vector<1x8x128xi32>
    %get3A_930 = vector.shape_cast %get3A_929 : vector<1x8x128xi32> to vector<8x128xi32>
    %jit3A_931 = arith.constant 36864 : i32
    %broadcast_in_dim3A_932 = vector.broadcast %jit3A_931 : i32 to vector<8x128xi32>
    %select_n3A_933 = arith.select %eq3A_925, %get3A_930, %broadcast_in_dim3A_932 : vector<8x128xi1>, vector<8x128xi32>
    %reduce_min3A_934 = arith.constant dense<2147483647> : vector<128xi32>
    %reduce_min3A_935 = vector.multi_reduction <minsi>, %select_n3A_933, %reduce_min3A_934 [0] : vector<8x128xi32> to vector<128xi32>
    %broadcast_in_dim3A_936 = vector.shape_cast %reduce_min3A_935 : vector<128xi32> to vector<1x128xi32>
    %swap3A_937 = arith.constant 15 : index
    %swap3A_938 = arith.constant 0 : index
    %swap3A_939 = vector.load %arg11[%swap3A_937, %swap3A_938] : memref<32x128xf32, #tpu.memory_space<vmem>>, vector<1x128xf32>
    tpu.vector_store %arg11[%swap3A_937, %swap3A_938], %broadcast_in_dim3A_923 {strides = array<i32>} : memref<32x128xf32, #tpu.memory_space<vmem>>, vector<1x128xf32>,
    %swap3A_940 = arith.constant 15 : index
    %swap3A_941 = arith.constant 0 : index
    %swap3A_942 = vector.load %arg12[%swap3A_940, %swap3A_941] : memref<32x128xi32, #tpu.memory_space<vmem>>, vector<1x128xi32>
    tpu.vector_store %arg12[%swap3A_940, %swap3A_941], %broadcast_in_dim3A_936 {strides = array<i32>} : memref<32x128xi32, #tpu.memory_space<vmem>>, vector<1x128xi32>,
    %get3A_943 = arith.constant 16 : index
    %get3A_944 = arith.constant 0 : index
    %get3A_945 = arith.constant 0 : index
    %get3A_946 = vector.load %arg9[%get3A_943, %get3A_944, %get3A_945] : memref<32x8x128xf32, #tpu.memory_space<vmem>>, vector<1x8x128xf32>
    %get3A_947 = vector.shape_cast %get3A_946 : vector<1x8x128xf32> to vector<8x128xf32>
    %reduce_max3A_948 = arith.constant dense<0xFF800000> : vector<128xf32>
    %reduce_max3A_949 = vector.multi_reduction <maximumf>, %get3A_947, %reduce_max3A_948 [0] : vector<8x128xf32> to vector<128xf32>
    %broadcast_in_dim3A_950 = vector.shape_cast %reduce_max3A_949 : vector<128xf32> to vector<1x128xf32>
    %eq3A_951 = vector.broadcast %broadcast_in_dim3A_950 : vector<1x128xf32> to vector<8x128xf32>
    %eq3A_952 = arith.cmpf oeq, %get3A_947, %eq3A_951 : vector<8x128xf32>
    %get3A_953 = arith.constant 16 : index
    %get3A_954 = arith.constant 0 : index
    %get3A_955 = arith.constant 0 : index
    %get3A_956 = vector.load %arg10[%get3A_953, %get3A_954, %get3A_955] : memref<32x8x128xi32, #tpu.memory_space<vmem>>, vector<1x8x128xi32>
    %get3A_957 = vector.shape_cast %get3A_956 : vector<1x8x128xi32> to vector<8x128xi32>
    %jit3A_958 = arith.constant 36864 : i32
    %broadcast_in_dim3A_959 = vector.broadcast %jit3A_958 : i32 to vector<8x128xi32>
    %select_n3A_960 = arith.select %eq3A_952, %get3A_957, %broadcast_in_dim3A_959 : vector<8x128xi1>, vector<8x128xi32>
    %reduce_min3A_961 = arith.constant dense<2147483647> : vector<128xi32>
    %reduce_min3A_962 = vector.multi_reduction <minsi>, %select_n3A_960, %reduce_min3A_961 [0] : vector<8x128xi32> to vector<128xi32>
    %broadcast_in_dim3A_963 = vector.shape_cast %reduce_min3A_962 : vector<128xi32> to vector<1x128xi32>
    %swap3A_964 = arith.constant 16 : index
    %swap3A_965 = arith.constant 0 : index
    %swap3A_966 = vector.load %arg11[%swap3A_964, %swap3A_965] : memref<32x128xf32, #tpu.memory_space<vmem>>, vector<1x128xf32>
    tpu.vector_store %arg11[%swap3A_964, %swap3A_965], %broadcast_in_dim3A_950 {strides = array<i32>} : memref<32x128xf32, #tpu.memory_space<vmem>>, vector<1x128xf32>,
    %swap3A_967 = arith.constant 16 : index
    %swap3A_968 = arith.constant 0 : index
    %swap3A_969 = vector.load %arg12[%swap3A_967, %swap3A_968] : memref<32x128xi32, #tpu.memory_space<vmem>>, vector<1x128xi32>
    tpu.vector_store %arg12[%swap3A_967, %swap3A_968], %broadcast_in_dim3A_963 {strides = array<i32>} : memref<32x128xi32, #tpu.memory_space<vmem>>, vector<1x128xi32>,
    %get3A_970 = arith.constant 17 : index
    %get3A_971 = arith.constant 0 : index
    %get3A_972 = arith.constant 0 : index
    %get3A_973 = vector.load %arg9[%get3A_970, %get3A_971, %get3A_972] : memref<32x8x128xf32, #tpu.memory_space<vmem>>, vector<1x8x128xf32>
    %get3A_974 = vector.shape_cast %get3A_973 : vector<1x8x128xf32> to vector<8x128xf32>
    %reduce_max3A_975 = arith.constant dense<0xFF800000> : vector<128xf32>
    %reduce_max3A_976 = vector.multi_reduction <maximumf>, %get3A_974, %reduce_max3A_975 [0] : vector<8x128xf32> to vector<128xf32>
    %broadcast_in_dim3A_977 = vector.shape_cast %reduce_max3A_976 : vector<128xf32> to vector<1x128xf32>
    %eq3A_978 = vector.broadcast %broadcast_in_dim3A_977 : vector<1x128xf32> to vector<8x128xf32>
    %eq3A_979 = arith.cmpf oeq, %get3A_974, %eq3A_978 : vector<8x128xf32>
    %get3A_980 = arith.constant 17 : index
    %get3A_981 = arith.constant 0 : index
    %get3A_982 = arith.constant 0 : index
    %get3A_983 = vector.load %arg10[%get3A_980, %get3A_981, %get3A_982] : memref<32x8x128xi32, #tpu.memory_space<vmem>>, vector<1x8x128xi32>
    %get3A_984 = vector.shape_cast %get3A_983 : vector<1x8x128xi32> to vector<8x128xi32>
    %jit3A_985 = arith.constant 36864 : i32
    %broadcast_in_dim3A_986 = vector.broadcast %jit3A_985 : i32 to vector<8x128xi32>
    %select_n3A_987 = arith.select %eq3A_979, %get3A_984, %broadcast_in_dim3A_986 : vector<8x128xi1>, vector<8x128xi32>
    %reduce_min3A_988 = arith.constant dense<2147483647> : vector<128xi32>
    %reduce_min3A_989 = vector.multi_reduction <minsi>, %select_n3A_987, %reduce_min3A_988 [0] : vector<8x128xi32> to vector<128xi32>
    %broadcast_in_dim3A_990 = vector.shape_cast %reduce_min3A_989 : vector<128xi32> to vector<1x128xi32>
    %swap3A_991 = arith.constant 17 : index
    %swap3A_992 = arith.constant 0 : index
    %swap3A_993 = vector.load %arg11[%swap3A_991, %swap3A_992] : memref<32x128xf32, #tpu.memory_space<vmem>>, vector<1x128xf32>
    tpu.vector_store %arg11[%swap3A_991, %swap3A_992], %broadcast_in_dim3A_977 {strides = array<i32>} : memref<32x128xf32, #tpu.memory_space<vmem>>, vector<1x128xf32>,
    %swap3A_994 = arith.constant 17 : index
    %swap3A_995 = arith.constant 0 : index
    %swap3A_996 = vector.load %arg12[%swap3A_994, %swap3A_995] : memref<32x128xi32, #tpu.memory_space<vmem>>, vector<1x128xi32>
    tpu.vector_store %arg12[%swap3A_994, %swap3A_995], %broadcast_in_dim3A_990 {strides = array<i32>} : memref<32x128xi32, #tpu.memory_space<vmem>>, vector<1x128xi32>,
    %get3A_997 = arith.constant 18 : index
    %get3A_998 = arith.constant 0 : index
    %get3A_999 = arith.constant 0 : index
    %get3A_1000 = vector.load %arg9[%get3A_997, %get3A_998, %get3A_999] : memref<32x8x128xf32, #tpu.memory_space<vmem>>, vector<1x8x128xf32>
    %get3A_1001 = vector.shape_cast %get3A_1000 : vector<1x8x128xf32> to vector<8x128xf32>
    %reduce_max3A_1002 = arith.constant dense<0xFF800000> : vector<128xf32>
    %reduce_max3A_1003 = vector.multi_reduction <maximumf>, %get3A_1001, %reduce_max3A_1002 [0] : vector<8x128xf32> to vector<128xf32>
    %broadcast_in_dim3A_1004 = vector.shape_cast %reduce_max3A_1003 : vector<128xf32> to vector<1x128xf32>
    %eq3A_1005 = vector.broadcast %broadcast_in_dim3A_1004 : vector<1x128xf32> to vector<8x128xf32>
    %eq3A_1006 = arith.cmpf oeq, %get3A_1001, %eq3A_1005 : vector<8x128xf32>
    %get3A_1007 = arith.constant 18 : index
    %get3A_1008 = arith.constant 0 : index
    %get3A_1009 = arith.constant 0 : index
    %get3A_1010 = vector.load %arg10[%get3A_1007, %get3A_1008, %get3A_1009] : memref<32x8x128xi32, #tpu.memory_space<vmem>>, vector<1x8x128xi32>
    %get3A_1011 = vector.shape_cast %get3A_1010 : vector<1x8x128xi32> to vector<8x128xi32>
    %jit3A_1012 = arith.constant 36864 : i32
    %broadcast_in_dim3A_1013 = vector.broadcast %jit3A_1012 : i32 to vector<8x128xi32>
    %select_n3A_1014 = arith.select %eq3A_1006, %get3A_1011, %broadcast_in_dim3A_1013 : vector<8x128xi1>, vector<8x128xi32>
    %reduce_min3A_1015 = arith.constant dense<2147483647> : vector<128xi32>
    %reduce_min3A_1016 = vector.multi_reduction <minsi>, %select_n3A_1014, %reduce_min3A_1015 [0] : vector<8x128xi32> to vector<128xi32>
    %broadcast_in_dim3A_1017 = vector.shape_cast %reduce_min3A_1016 : vector<128xi32> to vector<1x128xi32>
    %swap3A_1018 = arith.constant 18 : index
    %swap3A_1019 = arith.constant 0 : index
    %swap3A_1020 = vector.load %arg11[%swap3A_1018, %swap3A_1019] : memref<32x128xf32, #tpu.memory_space<vmem>>, vector<1x128xf32>
    tpu.vector_store %arg11[%swap3A_1018, %swap3A_1019], %broadcast_in_dim3A_1004 {strides = array<i32>} : memref<32x128xf32, #tpu.memory_space<vmem>>, vector<1x128xf32>,
    %swap3A_1021 = arith.constant 18 : index
    %swap3A_1022 = arith.constant 0 : index
    %swap3A_1023 = vector.load %arg12[%swap3A_1021, %swap3A_1022] : memref<32x128xi32, #tpu.memory_space<vmem>>, vector<1x128xi32>
    tpu.vector_store %arg12[%swap3A_1021, %swap3A_1022], %broadcast_in_dim3A_1017 {strides = array<i32>} : memref<32x128xi32, #tpu.memory_space<vmem>>, vector<1x128xi32>,
    %get3A_1024 = arith.constant 19 : index
    %get3A_1025 = arith.constant 0 : index
    %get3A_1026 = arith.constant 0 : index
    %get3A_1027 = vector.load %arg9[%get3A_1024, %get3A_1025, %get3A_1026] : memref<32x8x128xf32, #tpu.memory_space<vmem>>, vector<1x8x128xf32>
    %get3A_1028 = vector.shape_cast %get3A_1027 : vector<1x8x128xf32> to vector<8x128xf32>
    %reduce_max3A_1029 = arith.constant dense<0xFF800000> : vector<128xf32>
    %reduce_max3A_1030 = vector.multi_reduction <maximumf>, %get3A_1028, %reduce_max3A_1029 [0] : vector<8x128xf32> to vector<128xf32>
    %broadcast_in_dim3A_1031 = vector.shape_cast %reduce_max3A_1030 : vector<128xf32> to vector<1x128xf32>
    %eq3A_1032 = vector.broadcast %broadcast_in_dim3A_1031 : vector<1x128xf32> to vector<8x128xf32>
    %eq3A_1033 = arith.cmpf oeq, %get3A_1028, %eq3A_1032 : vector<8x128xf32>
    %get3A_1034 = arith.constant 19 : index
    %get3A_1035 = arith.constant 0 : index
    %get3A_1036 = arith.constant 0 : index
    %get3A_1037 = vector.load %arg10[%get3A_1034, %get3A_1035, %get3A_1036] : memref<32x8x128xi32, #tpu.memory_space<vmem>>, vector<1x8x128xi32>
    %get3A_1038 = vector.shape_cast %get3A_1037 : vector<1x8x128xi32> to vector<8x128xi32>
    %jit3A_1039 = arith.constant 36864 : i32
    %broadcast_in_dim3A_1040 = vector.broadcast %jit3A_1039 : i32 to vector<8x128xi32>
    %select_n3A_1041 = arith.select %eq3A_1033, %get3A_1038, %broadcast_in_dim3A_1040 : vector<8x128xi1>, vector<8x128xi32>
    %reduce_min3A_1042 = arith.constant dense<2147483647> : vector<128xi32>
    %reduce_min3A_1043 = vector.multi_reduction <minsi>, %select_n3A_1041, %reduce_min3A_1042 [0] : vector<8x128xi32> to vector<128xi32>
    %broadcast_in_dim3A_1044 = vector.shape_cast %reduce_min3A_1043 : vector<128xi32> to vector<1x128xi32>
    %swap3A_1045 = arith.constant 19 : index
    %swap3A_1046 = arith.constant 0 : index
    %swap3A_1047 = vector.load %arg11[%swap3A_1045, %swap3A_1046] : memref<32x128xf32, #tpu.memory_space<vmem>>, vector<1x128xf32>
    tpu.vector_store %arg11[%swap3A_1045, %swap3A_1046], %broadcast_in_dim3A_1031 {strides = array<i32>} : memref<32x128xf32, #tpu.memory_space<vmem>>, vector<1x128xf32>,
    %swap3A_1048 = arith.constant 19 : index
    %swap3A_1049 = arith.constant 0 : index
    %swap3A_1050 = vector.load %arg12[%swap3A_1048, %swap3A_1049] : memref<32x128xi32, #tpu.memory_space<vmem>>, vector<1x128xi32>
    tpu.vector_store %arg12[%swap3A_1048, %swap3A_1049], %broadcast_in_dim3A_1044 {strides = array<i32>} : memref<32x128xi32, #tpu.memory_space<vmem>>, vector<1x128xi32>,
    %get3A_1051 = arith.constant 20 : index
    %get3A_1052 = arith.constant 0 : index
    %get3A_1053 = arith.constant 0 : index
    %get3A_1054 = vector.load %arg9[%get3A_1051, %get3A_1052, %get3A_1053] : memref<32x8x128xf32, #tpu.memory_space<vmem>>, vector<1x8x128xf32>
    %get3A_1055 = vector.shape_cast %get3A_1054 : vector<1x8x128xf32> to vector<8x128xf32>
    %reduce_max3A_1056 = arith.constant dense<0xFF800000> : vector<128xf32>
    %reduce_max3A_1057 = vector.multi_reduction <maximumf>, %get3A_1055, %reduce_max3A_1056 [0] : vector<8x128xf32> to vector<128xf32>
    %broadcast_in_dim3A_1058 = vector.shape_cast %reduce_max3A_1057 : vector<128xf32> to vector<1x128xf32>
    %eq3A_1059 = vector.broadcast %broadcast_in_dim3A_1058 : vector<1x128xf32> to vector<8x128xf32>
    %eq3A_1060 = arith.cmpf oeq, %get3A_1055, %eq3A_1059 : vector<8x128xf32>
    %get3A_1061 = arith.constant 20 : index
    %get3A_1062 = arith.constant 0 : index
    %get3A_1063 = arith.constant 0 : index
    %get3A_1064 = vector.load %arg10[%get3A_1061, %get3A_1062, %get3A_1063] : memref<32x8x128xi32, #tpu.memory_space<vmem>>, vector<1x8x128xi32>
    %get3A_1065 = vector.shape_cast %get3A_1064 : vector<1x8x128xi32> to vector<8x128xi32>
    %jit3A_1066 = arith.constant 36864 : i32
    %broadcast_in_dim3A_1067 = vector.broadcast %jit3A_1066 : i32 to vector<8x128xi32>
    %select_n3A_1068 = arith.select %eq3A_1060, %get3A_1065, %broadcast_in_dim3A_1067 : vector<8x128xi1>, vector<8x128xi32>
    %reduce_min3A_1069 = arith.constant dense<2147483647> : vector<128xi32>
    %reduce_min3A_1070 = vector.multi_reduction <minsi>, %select_n3A_1068, %reduce_min3A_1069 [0] : vector<8x128xi32> to vector<128xi32>
    %broadcast_in_dim3A_1071 = vector.shape_cast %reduce_min3A_1070 : vector<128xi32> to vector<1x128xi32>
    %swap3A_1072 = arith.constant 20 : index
    %swap3A_1073 = arith.constant 0 : index
    %swap3A_1074 = vector.load %arg11[%swap3A_1072, %swap3A_1073] : memref<32x128xf32, #tpu.memory_space<vmem>>, vector<1x128xf32>
    tpu.vector_store %arg11[%swap3A_1072, %swap3A_1073], %broadcast_in_dim3A_1058 {strides = array<i32>} : memref<32x128xf32, #tpu.memory_space<vmem>>, vector<1x128xf32>,
    %swap3A_1075 = arith.constant 20 : index
    %swap3A_1076 = arith.constant 0 : index
    %swap3A_1077 = vector.load %arg12[%swap3A_1075, %swap3A_1076] : memref<32x128xi32, #tpu.memory_space<vmem>>, vector<1x128xi32>
    tpu.vector_store %arg12[%swap3A_1075, %swap3A_1076], %broadcast_in_dim3A_1071 {strides = array<i32>} : memref<32x128xi32, #tpu.memory_space<vmem>>, vector<1x128xi32>,
    %get3A_1078 = arith.constant 21 : index
    %get3A_1079 = arith.constant 0 : index
    %get3A_1080 = arith.constant 0 : index
    %get3A_1081 = vector.load %arg9[%get3A_1078, %get3A_1079, %get3A_1080] : memref<32x8x128xf32, #tpu.memory_space<vmem>>, vector<1x8x128xf32>
    %get3A_1082 = vector.shape_cast %get3A_1081 : vector<1x8x128xf32> to vector<8x128xf32>
    %reduce_max3A_1083 = arith.constant dense<0xFF800000> : vector<128xf32>
    %reduce_max3A_1084 = vector.multi_reduction <maximumf>, %get3A_1082, %reduce_max3A_1083 [0] : vector<8x128xf32> to vector<128xf32>
    %broadcast_in_dim3A_1085 = vector.shape_cast %reduce_max3A_1084 : vector<128xf32> to vector<1x128xf32>
    %eq3A_1086 = vector.broadcast %broadcast_in_dim3A_1085 : vector<1x128xf32> to vector<8x128xf32>
    %eq3A_1087 = arith.cmpf oeq, %get3A_1082, %eq3A_1086 : vector<8x128xf32>
    %get3A_1088 = arith.constant 21 : index
    %get3A_1089 = arith.constant 0 : index
    %get3A_1090 = arith.constant 0 : index
    %get3A_1091 = vector.load %arg10[%get3A_1088, %get3A_1089, %get3A_1090] : memref<32x8x128xi32, #tpu.memory_space<vmem>>, vector<1x8x128xi32>
    %get3A_1092 = vector.shape_cast %get3A_1091 : vector<1x8x128xi32> to vector<8x128xi32>
    %jit3A_1093 = arith.constant 36864 : i32
    %broadcast_in_dim3A_1094 = vector.broadcast %jit3A_1093 : i32 to vector<8x128xi32>
    %select_n3A_1095 = arith.select %eq3A_1087, %get3A_1092, %broadcast_in_dim3A_1094 : vector<8x128xi1>, vector<8x128xi32>
    %reduce_min3A_1096 = arith.constant dense<2147483647> : vector<128xi32>
    %reduce_min3A_1097 = vector.multi_reduction <minsi>, %select_n3A_1095, %reduce_min3A_1096 [0] : vector<8x128xi32> to vector<128xi32>
    %broadcast_in_dim3A_1098 = vector.shape_cast %reduce_min3A_1097 : vector<128xi32> to vector<1x128xi32>
    %swap3A_1099 = arith.constant 21 : index
    %swap3A_1100 = arith.constant 0 : index
    %swap3A_1101 = vector.load %arg11[%swap3A_1099, %swap3A_1100] : memref<32x128xf32, #tpu.memory_space<vmem>>, vector<1x128xf32>
    tpu.vector_store %arg11[%swap3A_1099, %swap3A_1100], %broadcast_in_dim3A_1085 {strides = array<i32>} : memref<32x128xf32, #tpu.memory_space<vmem>>, vector<1x128xf32>,
    %swap3A_1102 = arith.constant 21 : index
    %swap3A_1103 = arith.constant 0 : index
    %swap3A_1104 = vector.load %arg12[%swap3A_1102, %swap3A_1103] : memref<32x128xi32, #tpu.memory_space<vmem>>, vector<1x128xi32>
    tpu.vector_store %arg12[%swap3A_1102, %swap3A_1103], %broadcast_in_dim3A_1098 {strides = array<i32>} : memref<32x128xi32, #tpu.memory_space<vmem>>, vector<1x128xi32>,
    %get3A_1105 = arith.constant 22 : index
    %get3A_1106 = arith.constant 0 : index
    %get3A_1107 = arith.constant 0 : index
    %get3A_1108 = vector.load %arg9[%get3A_1105, %get3A_1106, %get3A_1107] : memref<32x8x128xf32, #tpu.memory_space<vmem>>, vector<1x8x128xf32>
    %get3A_1109 = vector.shape_cast %get3A_1108 : vector<1x8x128xf32> to vector<8x128xf32>
    %reduce_max3A_1110 = arith.constant dense<0xFF800000> : vector<128xf32>
    %reduce_max3A_1111 = vector.multi_reduction <maximumf>, %get3A_1109, %reduce_max3A_1110 [0] : vector<8x128xf32> to vector<128xf32>
    %broadcast_in_dim3A_1112 = vector.shape_cast %reduce_max3A_1111 : vector<128xf32> to vector<1x128xf32>
    %eq3A_1113 = vector.broadcast %broadcast_in_dim3A_1112 : vector<1x128xf32> to vector<8x128xf32>
    %eq3A_1114 = arith.cmpf oeq, %get3A_1109, %eq3A_1113 : vector<8x128xf32>
    %get3A_1115 = arith.constant 22 : index
    %get3A_1116 = arith.constant 0 : index
    %get3A_1117 = arith.constant 0 : index
    %get3A_1118 = vector.load %arg10[%get3A_1115, %get3A_1116, %get3A_1117] : memref<32x8x128xi32, #tpu.memory_space<vmem>>, vector<1x8x128xi32>
    %get3A_1119 = vector.shape_cast %get3A_1118 : vector<1x8x128xi32> to vector<8x128xi32>
    %jit3A_1120 = arith.constant 36864 : i32
    %broadcast_in_dim3A_1121 = vector.broadcast %jit3A_1120 : i32 to vector<8x128xi32>
    %select_n3A_1122 = arith.select %eq3A_1114, %get3A_1119, %broadcast_in_dim3A_1121 : vector<8x128xi1>, vector<8x128xi32>
    %reduce_min3A_1123 = arith.constant dense<2147483647> : vector<128xi32>
    %reduce_min3A_1124 = vector.multi_reduction <minsi>, %select_n3A_1122, %reduce_min3A_1123 [0] : vector<8x128xi32> to vector<128xi32>
    %broadcast_in_dim3A_1125 = vector.shape_cast %reduce_min3A_1124 : vector<128xi32> to vector<1x128xi32>
    %swap3A_1126 = arith.constant 22 : index
    %swap3A_1127 = arith.constant 0 : index
    %swap3A_1128 = vector.load %arg11[%swap3A_1126, %swap3A_1127] : memref<32x128xf32, #tpu.memory_space<vmem>>, vector<1x128xf32>
    tpu.vector_store %arg11[%swap3A_1126, %swap3A_1127], %broadcast_in_dim3A_1112 {strides = array<i32>} : memref<32x128xf32, #tpu.memory_space<vmem>>, vector<1x128xf32>,
    %swap3A_1129 = arith.constant 22 : index
    %swap3A_1130 = arith.constant 0 : index
    %swap3A_1131 = vector.load %arg12[%swap3A_1129, %swap3A_1130] : memref<32x128xi32, #tpu.memory_space<vmem>>, vector<1x128xi32>
    tpu.vector_store %arg12[%swap3A_1129, %swap3A_1130], %broadcast_in_dim3A_1125 {strides = array<i32>} : memref<32x128xi32, #tpu.memory_space<vmem>>, vector<1x128xi32>,
    %get3A_1132 = arith.constant 23 : index
    %get3A_1133 = arith.constant 0 : index
    %get3A_1134 = arith.constant 0 : index
    %get3A_1135 = vector.load %arg9[%get3A_1132, %get3A_1133, %get3A_1134] : memref<32x8x128xf32, #tpu.memory_space<vmem>>, vector<1x8x128xf32>
    %get3A_1136 = vector.shape_cast %get3A_1135 : vector<1x8x128xf32> to vector<8x128xf32>
    %reduce_max3A_1137 = arith.constant dense<0xFF800000> : vector<128xf32>
    %reduce_max3A_1138 = vector.multi_reduction <maximumf>, %get3A_1136, %reduce_max3A_1137 [0] : vector<8x128xf32> to vector<128xf32>
    %broadcast_in_dim3A_1139 = vector.shape_cast %reduce_max3A_1138 : vector<128xf32> to vector<1x128xf32>
    %eq3A_1140 = vector.broadcast %broadcast_in_dim3A_1139 : vector<1x128xf32> to vector<8x128xf32>
    %eq3A_1141 = arith.cmpf oeq, %get3A_1136, %eq3A_1140 : vector<8x128xf32>
    %get3A_1142 = arith.constant 23 : index
    %get3A_1143 = arith.constant 0 : index
    %get3A_1144 = arith.constant 0 : index
    %get3A_1145 = vector.load %arg10[%get3A_1142, %get3A_1143, %get3A_1144] : memref<32x8x128xi32, #tpu.memory_space<vmem>>, vector<1x8x128xi32>
    %get3A_1146 = vector.shape_cast %get3A_1145 : vector<1x8x128xi32> to vector<8x128xi32>
    %jit3A_1147 = arith.constant 36864 : i32
    %broadcast_in_dim3A_1148 = vector.broadcast %jit3A_1147 : i32 to vector<8x128xi32>
    %select_n3A_1149 = arith.select %eq3A_1141, %get3A_1146, %broadcast_in_dim3A_1148 : vector<8x128xi1>, vector<8x128xi32>
    %reduce_min3A_1150 = arith.constant dense<2147483647> : vector<128xi32>
    %reduce_min3A_1151 = vector.multi_reduction <minsi>, %select_n3A_1149, %reduce_min3A_1150 [0] : vector<8x128xi32> to vector<128xi32>
    %broadcast_in_dim3A_1152 = vector.shape_cast %reduce_min3A_1151 : vector<128xi32> to vector<1x128xi32>
    %swap3A_1153 = arith.constant 23 : index
    %swap3A_1154 = arith.constant 0 : index
    %swap3A_1155 = vector.load %arg11[%swap3A_1153, %swap3A_1154] : memref<32x128xf32, #tpu.memory_space<vmem>>, vector<1x128xf32>
    tpu.vector_store %arg11[%swap3A_1153, %swap3A_1154], %broadcast_in_dim3A_1139 {strides = array<i32>} : memref<32x128xf32, #tpu.memory_space<vmem>>, vector<1x128xf32>,
    %swap3A_1156 = arith.constant 23 : index
    %swap3A_1157 = arith.constant 0 : index
    %swap3A_1158 = vector.load %arg12[%swap3A_1156, %swap3A_1157] : memref<32x128xi32, #tpu.memory_space<vmem>>, vector<1x128xi32>
    tpu.vector_store %arg12[%swap3A_1156, %swap3A_1157], %broadcast_in_dim3A_1152 {strides = array<i32>} : memref<32x128xi32, #tpu.memory_space<vmem>>, vector<1x128xi32>,
    %get3A_1159 = arith.constant 24 : index
    %get3A_1160 = arith.constant 0 : index
    %get3A_1161 = arith.constant 0 : index
    %get3A_1162 = vector.load %arg9[%get3A_1159, %get3A_1160, %get3A_1161] : memref<32x8x128xf32, #tpu.memory_space<vmem>>, vector<1x8x128xf32>
    %get3A_1163 = vector.shape_cast %get3A_1162 : vector<1x8x128xf32> to vector<8x128xf32>
    %reduce_max3A_1164 = arith.constant dense<0xFF800000> : vector<128xf32>
    %reduce_max3A_1165 = vector.multi_reduction <maximumf>, %get3A_1163, %reduce_max3A_1164 [0] : vector<8x128xf32> to vector<128xf32>
    %broadcast_in_dim3A_1166 = vector.shape_cast %reduce_max3A_1165 : vector<128xf32> to vector<1x128xf32>
    %eq3A_1167 = vector.broadcast %broadcast_in_dim3A_1166 : vector<1x128xf32> to vector<8x128xf32>
    %eq3A_1168 = arith.cmpf oeq, %get3A_1163, %eq3A_1167 : vector<8x128xf32>
    %get3A_1169 = arith.constant 24 : index
    %get3A_1170 = arith.constant 0 : index
    %get3A_1171 = arith.constant 0 : index
    %get3A_1172 = vector.load %arg10[%get3A_1169, %get3A_1170, %get3A_1171] : memref<32x8x128xi32, #tpu.memory_space<vmem>>, vector<1x8x128xi32>
    %get3A_1173 = vector.shape_cast %get3A_1172 : vector<1x8x128xi32> to vector<8x128xi32>
    %jit3A_1174 = arith.constant 36864 : i32
    %broadcast_in_dim3A_1175 = vector.broadcast %jit3A_1174 : i32 to vector<8x128xi32>
    %select_n3A_1176 = arith.select %eq3A_1168, %get3A_1173, %broadcast_in_dim3A_1175 : vector<8x128xi1>, vector<8x128xi32>
    %reduce_min3A_1177 = arith.constant dense<2147483647> : vector<128xi32>
    %reduce_min3A_1178 = vector.multi_reduction <minsi>, %select_n3A_1176, %reduce_min3A_1177 [0] : vector<8x128xi32> to vector<128xi32>
    %broadcast_in_dim3A_1179 = vector.shape_cast %reduce_min3A_1178 : vector<128xi32> to vector<1x128xi32>
    %swap3A_1180 = arith.constant 24 : index
    %swap3A_1181 = arith.constant 0 : index
    %swap3A_1182 = vector.load %arg11[%swap3A_1180, %swap3A_1181] : memref<32x128xf32, #tpu.memory_space<vmem>>, vector<1x128xf32>
    tpu.vector_store %arg11[%swap3A_1180, %swap3A_1181], %broadcast_in_dim3A_1166 {strides = array<i32>} : memref<32x128xf32, #tpu.memory_space<vmem>>, vector<1x128xf32>,
    %swap3A_1183 = arith.constant 24 : index
    %swap3A_1184 = arith.constant 0 : index
    %swap3A_1185 = vector.load %arg12[%swap3A_1183, %swap3A_1184] : memref<32x128xi32, #tpu.memory_space<vmem>>, vector<1x128xi32>
    tpu.vector_store %arg12[%swap3A_1183, %swap3A_1184], %broadcast_in_dim3A_1179 {strides = array<i32>} : memref<32x128xi32, #tpu.memory_space<vmem>>, vector<1x128xi32>,
    %get3A_1186 = arith.constant 25 : index
    %get3A_1187 = arith.constant 0 : index
    %get3A_1188 = arith.constant 0 : index
    %get3A_1189 = vector.load %arg9[%get3A_1186, %get3A_1187, %get3A_1188] : memref<32x8x128xf32, #tpu.memory_space<vmem>>, vector<1x8x128xf32>
    %get3A_1190 = vector.shape_cast %get3A_1189 : vector<1x8x128xf32> to vector<8x128xf32>
    %reduce_max3A_1191 = arith.constant dense<0xFF800000> : vector<128xf32>
    %reduce_max3A_1192 = vector.multi_reduction <maximumf>, %get3A_1190, %reduce_max3A_1191 [0] : vector<8x128xf32> to vector<128xf32>
    %broadcast_in_dim3A_1193 = vector.shape_cast %reduce_max3A_1192 : vector<128xf32> to vector<1x128xf32>
    %eq3A_1194 = vector.broadcast %broadcast_in_dim3A_1193 : vector<1x128xf32> to vector<8x128xf32>
    %eq3A_1195 = arith.cmpf oeq, %get3A_1190, %eq3A_1194 : vector<8x128xf32>
    %get3A_1196 = arith.constant 25 : index
    %get3A_1197 = arith.constant 0 : index
    %get3A_1198 = arith.constant 0 : index
    %get3A_1199 = vector.load %arg10[%get3A_1196, %get3A_1197, %get3A_1198] : memref<32x8x128xi32, #tpu.memory_space<vmem>>, vector<1x8x128xi32>
    %get3A_1200 = vector.shape_cast %get3A_1199 : vector<1x8x128xi32> to vector<8x128xi32>
    %jit3A_1201 = arith.constant 36864 : i32
    %broadcast_in_dim3A_1202 = vector.broadcast %jit3A_1201 : i32 to vector<8x128xi32>
    %select_n3A_1203 = arith.select %eq3A_1195, %get3A_1200, %broadcast_in_dim3A_1202 : vector<8x128xi1>, vector<8x128xi32>
    %reduce_min3A_1204 = arith.constant dense<2147483647> : vector<128xi32>
    %reduce_min3A_1205 = vector.multi_reduction <minsi>, %select_n3A_1203, %reduce_min3A_1204 [0] : vector<8x128xi32> to vector<128xi32>
    %broadcast_in_dim3A_1206 = vector.shape_cast %reduce_min3A_1205 : vector<128xi32> to vector<1x128xi32>
    %swap3A_1207 = arith.constant 25 : index
    %swap3A_1208 = arith.constant 0 : index
    %swap3A_1209 = vector.load %arg11[%swap3A_1207, %swap3A_1208] : memref<32x128xf32, #tpu.memory_space<vmem>>, vector<1x128xf32>
    tpu.vector_store %arg11[%swap3A_1207, %swap3A_1208], %broadcast_in_dim3A_1193 {strides = array<i32>} : memref<32x128xf32, #tpu.memory_space<vmem>>, vector<1x128xf32>,
    %swap3A_1210 = arith.constant 25 : index
    %swap3A_1211 = arith.constant 0 : index
    %swap3A_1212 = vector.load %arg12[%swap3A_1210, %swap3A_1211] : memref<32x128xi32, #tpu.memory_space<vmem>>, vector<1x128xi32>
    tpu.vector_store %arg12[%swap3A_1210, %swap3A_1211], %broadcast_in_dim3A_1206 {strides = array<i32>} : memref<32x128xi32, #tpu.memory_space<vmem>>, vector<1x128xi32>,
    %get3A_1213 = arith.constant 26 : index
    %get3A_1214 = arith.constant 0 : index
    %get3A_1215 = arith.constant 0 : index
    %get3A_1216 = vector.load %arg9[%get3A_1213, %get3A_1214, %get3A_1215] : memref<32x8x128xf32, #tpu.memory_space<vmem>>, vector<1x8x128xf32>
    %get3A_1217 = vector.shape_cast %get3A_1216 : vector<1x8x128xf32> to vector<8x128xf32>
    %reduce_max3A_1218 = arith.constant dense<0xFF800000> : vector<128xf32>
    %reduce_max3A_1219 = vector.multi_reduction <maximumf>, %get3A_1217, %reduce_max3A_1218 [0] : vector<8x128xf32> to vector<128xf32>
    %broadcast_in_dim3A_1220 = vector.shape_cast %reduce_max3A_1219 : vector<128xf32> to vector<1x128xf32>
    %eq3A_1221 = vector.broadcast %broadcast_in_dim3A_1220 : vector<1x128xf32> to vector<8x128xf32>
    %eq3A_1222 = arith.cmpf oeq, %get3A_1217, %eq3A_1221 : vector<8x128xf32>
    %get3A_1223 = arith.constant 26 : index
    %get3A_1224 = arith.constant 0 : index
    %get3A_1225 = arith.constant 0 : index
    %get3A_1226 = vector.load %arg10[%get3A_1223, %get3A_1224, %get3A_1225] : memref<32x8x128xi32, #tpu.memory_space<vmem>>, vector<1x8x128xi32>
    %get3A_1227 = vector.shape_cast %get3A_1226 : vector<1x8x128xi32> to vector<8x128xi32>
    %jit3A_1228 = arith.constant 36864 : i32
    %broadcast_in_dim3A_1229 = vector.broadcast %jit3A_1228 : i32 to vector<8x128xi32>
    %select_n3A_1230 = arith.select %eq3A_1222, %get3A_1227, %broadcast_in_dim3A_1229 : vector<8x128xi1>, vector<8x128xi32>
    %reduce_min3A_1231 = arith.constant dense<2147483647> : vector<128xi32>
    %reduce_min3A_1232 = vector.multi_reduction <minsi>, %select_n3A_1230, %reduce_min3A_1231 [0] : vector<8x128xi32> to vector<128xi32>
    %broadcast_in_dim3A_1233 = vector.shape_cast %reduce_min3A_1232 : vector<128xi32> to vector<1x128xi32>
    %swap3A_1234 = arith.constant 26 : index
    %swap3A_1235 = arith.constant 0 : index
    %swap3A_1236 = vector.load %arg11[%swap3A_1234, %swap3A_1235] : memref<32x128xf32, #tpu.memory_space<vmem>>, vector<1x128xf32>
    tpu.vector_store %arg11[%swap3A_1234, %swap3A_1235], %broadcast_in_dim3A_1220 {strides = array<i32>} : memref<32x128xf32, #tpu.memory_space<vmem>>, vector<1x128xf32>,
    %swap3A_1237 = arith.constant 26 : index
    %swap3A_1238 = arith.constant 0 : index
    %swap3A_1239 = vector.load %arg12[%swap3A_1237, %swap3A_1238] : memref<32x128xi32, #tpu.memory_space<vmem>>, vector<1x128xi32>
    tpu.vector_store %arg12[%swap3A_1237, %swap3A_1238], %broadcast_in_dim3A_1233 {strides = array<i32>} : memref<32x128xi32, #tpu.memory_space<vmem>>, vector<1x128xi32>,
    %get3A_1240 = arith.constant 27 : index
    %get3A_1241 = arith.constant 0 : index
    %get3A_1242 = arith.constant 0 : index
    %get3A_1243 = vector.load %arg9[%get3A_1240, %get3A_1241, %get3A_1242] : memref<32x8x128xf32, #tpu.memory_space<vmem>>, vector<1x8x128xf32>
    %get3A_1244 = vector.shape_cast %get3A_1243 : vector<1x8x128xf32> to vector<8x128xf32>
    %reduce_max3A_1245 = arith.constant dense<0xFF800000> : vector<128xf32>
    %reduce_max3A_1246 = vector.multi_reduction <maximumf>, %get3A_1244, %reduce_max3A_1245 [0] : vector<8x128xf32> to vector<128xf32>
    %broadcast_in_dim3A_1247 = vector.shape_cast %reduce_max3A_1246 : vector<128xf32> to vector<1x128xf32>
    %eq3A_1248 = vector.broadcast %broadcast_in_dim3A_1247 : vector<1x128xf32> to vector<8x128xf32>
    %eq3A_1249 = arith.cmpf oeq, %get3A_1244, %eq3A_1248 : vector<8x128xf32>
    %get3A_1250 = arith.constant 27 : index
    %get3A_1251 = arith.constant 0 : index
    %get3A_1252 = arith.constant 0 : index
    %get3A_1253 = vector.load %arg10[%get3A_1250, %get3A_1251, %get3A_1252] : memref<32x8x128xi32, #tpu.memory_space<vmem>>, vector<1x8x128xi32>
    %get3A_1254 = vector.shape_cast %get3A_1253 : vector<1x8x128xi32> to vector<8x128xi32>
    %jit3A_1255 = arith.constant 36864 : i32
    %broadcast_in_dim3A_1256 = vector.broadcast %jit3A_1255 : i32 to vector<8x128xi32>
    %select_n3A_1257 = arith.select %eq3A_1249, %get3A_1254, %broadcast_in_dim3A_1256 : vector<8x128xi1>, vector<8x128xi32>
    %reduce_min3A_1258 = arith.constant dense<2147483647> : vector<128xi32>
    %reduce_min3A_1259 = vector.multi_reduction <minsi>, %select_n3A_1257, %reduce_min3A_1258 [0] : vector<8x128xi32> to vector<128xi32>
    %broadcast_in_dim3A_1260 = vector.shape_cast %reduce_min3A_1259 : vector<128xi32> to vector<1x128xi32>
    %swap3A_1261 = arith.constant 27 : index
    %swap3A_1262 = arith.constant 0 : index
    %swap3A_1263 = vector.load %arg11[%swap3A_1261, %swap3A_1262] : memref<32x128xf32, #tpu.memory_space<vmem>>, vector<1x128xf32>
    tpu.vector_store %arg11[%swap3A_1261, %swap3A_1262], %broadcast_in_dim3A_1247 {strides = array<i32>} : memref<32x128xf32, #tpu.memory_space<vmem>>, vector<1x128xf32>,
    %swap3A_1264 = arith.constant 27 : index
    %swap3A_1265 = arith.constant 0 : index
    %swap3A_1266 = vector.load %arg12[%swap3A_1264, %swap3A_1265] : memref<32x128xi32, #tpu.memory_space<vmem>>, vector<1x128xi32>
    tpu.vector_store %arg12[%swap3A_1264, %swap3A_1265], %broadcast_in_dim3A_1260 {strides = array<i32>} : memref<32x128xi32, #tpu.memory_space<vmem>>, vector<1x128xi32>,
    %get3A_1267 = arith.constant 28 : index
    %get3A_1268 = arith.constant 0 : index
    %get3A_1269 = arith.constant 0 : index
    %get3A_1270 = vector.load %arg9[%get3A_1267, %get3A_1268, %get3A_1269] : memref<32x8x128xf32, #tpu.memory_space<vmem>>, vector<1x8x128xf32>
    %get3A_1271 = vector.shape_cast %get3A_1270 : vector<1x8x128xf32> to vector<8x128xf32>
    %reduce_max3A_1272 = arith.constant dense<0xFF800000> : vector<128xf32>
    %reduce_max3A_1273 = vector.multi_reduction <maximumf>, %get3A_1271, %reduce_max3A_1272 [0] : vector<8x128xf32> to vector<128xf32>
    %broadcast_in_dim3A_1274 = vector.shape_cast %reduce_max3A_1273 : vector<128xf32> to vector<1x128xf32>
    %eq3A_1275 = vector.broadcast %broadcast_in_dim3A_1274 : vector<1x128xf32> to vector<8x128xf32>
    %eq3A_1276 = arith.cmpf oeq, %get3A_1271, %eq3A_1275 : vector<8x128xf32>
    %get3A_1277 = arith.constant 28 : index
    %get3A_1278 = arith.constant 0 : index
    %get3A_1279 = arith.constant 0 : index
    %get3A_1280 = vector.load %arg10[%get3A_1277, %get3A_1278, %get3A_1279] : memref<32x8x128xi32, #tpu.memory_space<vmem>>, vector<1x8x128xi32>
    %get3A_1281 = vector.shape_cast %get3A_1280 : vector<1x8x128xi32> to vector<8x128xi32>
    %jit3A_1282 = arith.constant 36864 : i32
    %broadcast_in_dim3A_1283 = vector.broadcast %jit3A_1282 : i32 to vector<8x128xi32>
    %select_n3A_1284 = arith.select %eq3A_1276, %get3A_1281, %broadcast_in_dim3A_1283 : vector<8x128xi1>, vector<8x128xi32>
    %reduce_min3A_1285 = arith.constant dense<2147483647> : vector<128xi32>
    %reduce_min3A_1286 = vector.multi_reduction <minsi>, %select_n3A_1284, %reduce_min3A_1285 [0] : vector<8x128xi32> to vector<128xi32>
    %broadcast_in_dim3A_1287 = vector.shape_cast %reduce_min3A_1286 : vector<128xi32> to vector<1x128xi32>
    %swap3A_1288 = arith.constant 28 : index
    %swap3A_1289 = arith.constant 0 : index
    %swap3A_1290 = vector.load %arg11[%swap3A_1288, %swap3A_1289] : memref<32x128xf32, #tpu.memory_space<vmem>>, vector<1x128xf32>
    tpu.vector_store %arg11[%swap3A_1288, %swap3A_1289], %broadcast_in_dim3A_1274 {strides = array<i32>} : memref<32x128xf32, #tpu.memory_space<vmem>>, vector<1x128xf32>,
    %swap3A_1291 = arith.constant 28 : index
    %swap3A_1292 = arith.constant 0 : index
    %swap3A_1293 = vector.load %arg12[%swap3A_1291, %swap3A_1292] : memref<32x128xi32, #tpu.memory_space<vmem>>, vector<1x128xi32>
    tpu.vector_store %arg12[%swap3A_1291, %swap3A_1292], %broadcast_in_dim3A_1287 {strides = array<i32>} : memref<32x128xi32, #tpu.memory_space<vmem>>, vector<1x128xi32>,
    %get3A_1294 = arith.constant 29 : index
    %get3A_1295 = arith.constant 0 : index
    %get3A_1296 = arith.constant 0 : index
    %get3A_1297 = vector.load %arg9[%get3A_1294, %get3A_1295, %get3A_1296] : memref<32x8x128xf32, #tpu.memory_space<vmem>>, vector<1x8x128xf32>
    %get3A_1298 = vector.shape_cast %get3A_1297 : vector<1x8x128xf32> to vector<8x128xf32>
    %reduce_max3A_1299 = arith.constant dense<0xFF800000> : vector<128xf32>
    %reduce_max3A_1300 = vector.multi_reduction <maximumf>, %get3A_1298, %reduce_max3A_1299 [0] : vector<8x128xf32> to vector<128xf32>
    %broadcast_in_dim3A_1301 = vector.shape_cast %reduce_max3A_1300 : vector<128xf32> to vector<1x128xf32>
    %eq3A_1302 = vector.broadcast %broadcast_in_dim3A_1301 : vector<1x128xf32> to vector<8x128xf32>
    %eq3A_1303 = arith.cmpf oeq, %get3A_1298, %eq3A_1302 : vector<8x128xf32>
    %get3A_1304 = arith.constant 29 : index
    %get3A_1305 = arith.constant 0 : index
    %get3A_1306 = arith.constant 0 : index
    %get3A_1307 = vector.load %arg10[%get3A_1304, %get3A_1305, %get3A_1306] : memref<32x8x128xi32, #tpu.memory_space<vmem>>, vector<1x8x128xi32>
    %get3A_1308 = vector.shape_cast %get3A_1307 : vector<1x8x128xi32> to vector<8x128xi32>
    %jit3A_1309 = arith.constant 36864 : i32
    %broadcast_in_dim3A_1310 = vector.broadcast %jit3A_1309 : i32 to vector<8x128xi32>
    %select_n3A_1311 = arith.select %eq3A_1303, %get3A_1308, %broadcast_in_dim3A_1310 : vector<8x128xi1>, vector<8x128xi32>
    %reduce_min3A_1312 = arith.constant dense<2147483647> : vector<128xi32>
    %reduce_min3A_1313 = vector.multi_reduction <minsi>, %select_n3A_1311, %reduce_min3A_1312 [0] : vector<8x128xi32> to vector<128xi32>
    %broadcast_in_dim3A_1314 = vector.shape_cast %reduce_min3A_1313 : vector<128xi32> to vector<1x128xi32>
    %swap3A_1315 = arith.constant 29 : index
    %swap3A_1316 = arith.constant 0 : index
    %swap3A_1317 = vector.load %arg11[%swap3A_1315, %swap3A_1316] : memref<32x128xf32, #tpu.memory_space<vmem>>, vector<1x128xf32>
    tpu.vector_store %arg11[%swap3A_1315, %swap3A_1316], %broadcast_in_dim3A_1301 {strides = array<i32>} : memref<32x128xf32, #tpu.memory_space<vmem>>, vector<1x128xf32>,
    %swap3A_1318 = arith.constant 29 : index
    %swap3A_1319 = arith.constant 0 : index
    %swap3A_1320 = vector.load %arg12[%swap3A_1318, %swap3A_1319] : memref<32x128xi32, #tpu.memory_space<vmem>>, vector<1x128xi32>
    tpu.vector_store %arg12[%swap3A_1318, %swap3A_1319], %broadcast_in_dim3A_1314 {strides = array<i32>} : memref<32x128xi32, #tpu.memory_space<vmem>>, vector<1x128xi32>,
    %get3A_1321 = arith.constant 30 : index
    %get3A_1322 = arith.constant 0 : index
    %get3A_1323 = arith.constant 0 : index
    %get3A_1324 = vector.load %arg9[%get3A_1321, %get3A_1322, %get3A_1323] : memref<32x8x128xf32, #tpu.memory_space<vmem>>, vector<1x8x128xf32>
    %get3A_1325 = vector.shape_cast %get3A_1324 : vector<1x8x128xf32> to vector<8x128xf32>
    %reduce_max3A_1326 = arith.constant dense<0xFF800000> : vector<128xf32>
    %reduce_max3A_1327 = vector.multi_reduction <maximumf>, %get3A_1325, %reduce_max3A_1326 [0] : vector<8x128xf32> to vector<128xf32>
    %broadcast_in_dim3A_1328 = vector.shape_cast %reduce_max3A_1327 : vector<128xf32> to vector<1x128xf32>
    %eq3A_1329 = vector.broadcast %broadcast_in_dim3A_1328 : vector<1x128xf32> to vector<8x128xf32>
    %eq3A_1330 = arith.cmpf oeq, %get3A_1325, %eq3A_1329 : vector<8x128xf32>
    %get3A_1331 = arith.constant 30 : index
    %get3A_1332 = arith.constant 0 : index
    %get3A_1333 = arith.constant 0 : index
    %get3A_1334 = vector.load %arg10[%get3A_1331, %get3A_1332, %get3A_1333] : memref<32x8x128xi32, #tpu.memory_space<vmem>>, vector<1x8x128xi32>
    %get3A_1335 = vector.shape_cast %get3A_1334 : vector<1x8x128xi32> to vector<8x128xi32>
    %jit3A_1336 = arith.constant 36864 : i32
    %broadcast_in_dim3A_1337 = vector.broadcast %jit3A_1336 : i32 to vector<8x128xi32>
    %select_n3A_1338 = arith.select %eq3A_1330, %get3A_1335, %broadcast_in_dim3A_1337 : vector<8x128xi1>, vector<8x128xi32>
    %reduce_min3A_1339 = arith.constant dense<2147483647> : vector<128xi32>
    %reduce_min3A_1340 = vector.multi_reduction <minsi>, %select_n3A_1338, %reduce_min3A_1339 [0] : vector<8x128xi32> to vector<128xi32>
    %broadcast_in_dim3A_1341 = vector.shape_cast %reduce_min3A_1340 : vector<128xi32> to vector<1x128xi32>
    %swap3A_1342 = arith.constant 30 : index
    %swap3A_1343 = arith.constant 0 : index
    %swap3A_1344 = vector.load %arg11[%swap3A_1342, %swap3A_1343] : memref<32x128xf32, #tpu.memory_space<vmem>>, vector<1x128xf32>
    tpu.vector_store %arg11[%swap3A_1342, %swap3A_1343], %broadcast_in_dim3A_1328 {strides = array<i32>} : memref<32x128xf32, #tpu.memory_space<vmem>>, vector<1x128xf32>,
    %swap3A_1345 = arith.constant 30 : index
    %swap3A_1346 = arith.constant 0 : index
    %swap3A_1347 = vector.load %arg12[%swap3A_1345, %swap3A_1346] : memref<32x128xi32, #tpu.memory_space<vmem>>, vector<1x128xi32>
    tpu.vector_store %arg12[%swap3A_1345, %swap3A_1346], %broadcast_in_dim3A_1341 {strides = array<i32>} : memref<32x128xi32, #tpu.memory_space<vmem>>, vector<1x128xi32>,
    %get3A_1348 = arith.constant 31 : index
    %get3A_1349 = arith.constant 0 : index
    %get3A_1350 = arith.constant 0 : index
    %get3A_1351 = vector.load %arg9[%get3A_1348, %get3A_1349, %get3A_1350] : memref<32x8x128xf32, #tpu.memory_space<vmem>>, vector<1x8x128xf32>
    %get3A_1352 = vector.shape_cast %get3A_1351 : vector<1x8x128xf32> to vector<8x128xf32>
    %reduce_max3A_1353 = arith.constant dense<0xFF800000> : vector<128xf32>
    %reduce_max3A_1354 = vector.multi_reduction <maximumf>, %get3A_1352, %reduce_max3A_1353 [0] : vector<8x128xf32> to vector<128xf32>
    %broadcast_in_dim3A_1355 = vector.shape_cast %reduce_max3A_1354 : vector<128xf32> to vector<1x128xf32>
    %eq3A_1356 = vector.broadcast %broadcast_in_dim3A_1355 : vector<1x128xf32> to vector<8x128xf32>
    %eq3A_1357 = arith.cmpf oeq, %get3A_1352, %eq3A_1356 : vector<8x128xf32>
    %get3A_1358 = arith.constant 31 : index
    %get3A_1359 = arith.constant 0 : index
    %get3A_1360 = arith.constant 0 : index
    %get3A_1361 = vector.load %arg10[%get3A_1358, %get3A_1359, %get3A_1360] : memref<32x8x128xi32, #tpu.memory_space<vmem>>, vector<1x8x128xi32>
    %get3A_1362 = vector.shape_cast %get3A_1361 : vector<1x8x128xi32> to vector<8x128xi32>
    %jit3A_1363 = arith.constant 36864 : i32
    %broadcast_in_dim3A_1364 = vector.broadcast %jit3A_1363 : i32 to vector<8x128xi32>
    %select_n3A_1365 = arith.select %eq3A_1357, %get3A_1362, %broadcast_in_dim3A_1364 : vector<8x128xi1>, vector<8x128xi32>
    %reduce_min3A_1366 = arith.constant dense<2147483647> : vector<128xi32>
    %reduce_min3A_1367 = vector.multi_reduction <minsi>, %select_n3A_1365, %reduce_min3A_1366 [0] : vector<8x128xi32> to vector<128xi32>
    %broadcast_in_dim3A_1368 = vector.shape_cast %reduce_min3A_1367 : vector<128xi32> to vector<1x128xi32>
    %swap3A_1369 = arith.constant 31 : index
    %swap3A_1370 = arith.constant 0 : index
    %swap3A_1371 = vector.load %arg11[%swap3A_1369, %swap3A_1370] : memref<32x128xf32, #tpu.memory_space<vmem>>, vector<1x128xf32>
    tpu.vector_store %arg11[%swap3A_1369, %swap3A_1370], %broadcast_in_dim3A_1355 {strides = array<i32>} : memref<32x128xf32, #tpu.memory_space<vmem>>, vector<1x128xf32>,
    %swap3A_1372 = arith.constant 31 : index
    %swap3A_1373 = arith.constant 0 : index
    %swap3A_1374 = vector.load %arg12[%swap3A_1372, %swap3A_1373] : memref<32x128xi32, #tpu.memory_space<vmem>>, vector<1x128xi32>
    tpu.vector_store %arg12[%swap3A_1372, %swap3A_1373], %broadcast_in_dim3A_1368 {strides = array<i32>} : memref<32x128xi32, #tpu.memory_space<vmem>>, vector<1x128xi32>,
    %get3A_1375 = arith.constant 0 : index
    %get3A_1376 = arith.constant 0 : index
    %get3A_1377 = vector.load %arg11[%get3A_1375, %get3A_1376] : memref<32x128xf32, #tpu.memory_space<vmem>>, vector<32x128xf32>
    %reduce_max3A_1378 = arith.constant dense<0xFF800000> : vector<32xf32>
    %reduce_max3A_1379 = vector.multi_reduction <maximumf>, %get3A_1377, %reduce_max3A_1378 [1] : vector<32x128xf32> to vector<32xf32>
    %broadcast_in_dim3A_1380 = vector.shape_cast %reduce_max3A_1379 : vector<32xf32> to vector<32x1xf32>
    %eq3A_1381 = vector.broadcast %broadcast_in_dim3A_1380 : vector<32x1xf32> to vector<32x128xf32>
    %eq3A_1382 = arith.cmpf oeq, %get3A_1377, %eq3A_1381 : vector<32x128xf32>
    %get3A_1383 = arith.constant 0 : index
    %get3A_1384 = arith.constant 0 : index
    %get3A_1385 = vector.load %arg12[%get3A_1383, %get3A_1384] : memref<32x128xi32, #tpu.memory_space<vmem>>, vector<32x128xi32>
    %jit3A_1386 = arith.constant 36864 : i32
    %broadcast_in_dim3A_1387 = vector.broadcast %jit3A_1386 : i32 to vector<32x128xi32>
    %select_n3A_1388 = arith.select %eq3A_1382, %get3A_1385, %broadcast_in_dim3A_1387 : vector<32x128xi1>, vector<32x128xi32>
    %reduce_min3A_1389 = arith.constant dense<2147483647> : vector<32xi32>
    %reduce_min3A_1390 = vector.multi_reduction <minsi>, %select_n3A_1388, %reduce_min3A_1389 [1] : vector<32x128xi32> to vector<32xi32>
    %broadcast_in_dim3A_1391 = vector.shape_cast %reduce_min3A_1390 : vector<32xi32> to vector<32x1xi32>
    %swap3A_1392 = arith.constant 0 : index
    %swap3A_1393 = arith.constant 0 : index
    %swap3A_1394 = vector.load %arg12[%swap3A_1392, %swap3A_1393] : memref<32x128xi32, #tpu.memory_space<vmem>>, vector<32x1xi32>
    tpu.vector_store %arg12[%swap3A_1392, %swap3A_1393], %broadcast_in_dim3A_1391 {strides = array<i32>} : memref<32x128xi32, #tpu.memory_space<vmem>>, vector<32x1xi32>,
    %iota3A_1395 = tpu.iota {dimensions = array<i32: 0>} : vector<288x128xi32>
    %mul3A_1396 = arith.constant 128 : i32
    %mul3A_1397 = vector.broadcast %mul3A_1396 : i32 to vector<288x128xi32>
    %mul3A_1398 = arith.muli %iota3A_1395, %mul3A_1397 : vector<288x128xi32>
    %iota3A_1399 = tpu.iota {dimensions = array<i32: 1>} : vector<288x128xi32>
    %add3A_1400 = arith.addi %mul3A_1398, %iota3A_1399 : vector<288x128xi32>
    %broadcast_in_dim3A_1401 = arith.constant false
    %broadcast_in_dim3A_1402 = vector.broadcast %broadcast_in_dim3A_1401 : i1 to vector<288x128xi1>
    %get3A_1403 = arith.constant 0 : index
    %get3A_1404 = arith.constant 0 : index
    %get3A_1405 = vector.load %arg12[%get3A_1403, %get3A_1404] : memref<32x128xi32, #tpu.memory_space<vmem>>, vector<1x1xi32>
    %get3A_1406 = vector.extract %get3A_1405[0, 0] : i32 from vector<1x1xi32>
    %eq3A_1407 = vector.broadcast %get3A_1406 : i32 to vector<288x128xi32>
    %eq3A_1408 = arith.cmpi eq, %add3A_1400, %eq3A_1407 : vector<288x128xi32>
    %or3A = arith.ori %broadcast_in_dim3A_1402, %eq3A_1408 : vector<288x128xi1>
    %get3A_1409 = arith.constant 1 : index
    %get3A_1410 = arith.constant 0 : index
    %get3A_1411 = vector.load %arg12[%get3A_1409, %get3A_1410] : memref<32x128xi32, #tpu.memory_space<vmem>>, vector<1x1xi32>
    %get3A_1412 = vector.extract %get3A_1411[0, 0] : i32 from vector<1x1xi32>
    %eq3A_1413 = vector.broadcast %get3A_1412 : i32 to vector<288x128xi32>
    %eq3A_1414 = arith.cmpi eq, %add3A_1400, %eq3A_1413 : vector<288x128xi32>
    %or3A_1415 = arith.ori %or3A, %eq3A_1414 : vector<288x128xi1>
    %get3A_1416 = arith.constant 2 : index
    %get3A_1417 = arith.constant 0 : index
    %get3A_1418 = vector.load %arg12[%get3A_1416, %get3A_1417] : memref<32x128xi32, #tpu.memory_space<vmem>>, vector<1x1xi32>
    %get3A_1419 = vector.extract %get3A_1418[0, 0] : i32 from vector<1x1xi32>
    %eq3A_1420 = vector.broadcast %get3A_1419 : i32 to vector<288x128xi32>
    %eq3A_1421 = arith.cmpi eq, %add3A_1400, %eq3A_1420 : vector<288x128xi32>
    %or3A_1422 = arith.ori %or3A_1415, %eq3A_1421 : vector<288x128xi1>
    %get3A_1423 = arith.constant 3 : index
    %get3A_1424 = arith.constant 0 : index
    %get3A_1425 = vector.load %arg12[%get3A_1423, %get3A_1424] : memref<32x128xi32, #tpu.memory_space<vmem>>, vector<1x1xi32>
    %get3A_1426 = vector.extract %get3A_1425[0, 0] : i32 from vector<1x1xi32>
    %eq3A_1427 = vector.broadcast %get3A_1426 : i32 to vector<288x128xi32>
    %eq3A_1428 = arith.cmpi eq, %add3A_1400, %eq3A_1427 : vector<288x128xi32>
    %or3A_1429 = arith.ori %or3A_1422, %eq3A_1428 : vector<288x128xi1>
    %get3A_1430 = arith.constant 4 : index
    %get3A_1431 = arith.constant 0 : index
    %get3A_1432 = vector.load %arg12[%get3A_1430, %get3A_1431] : memref<32x128xi32, #tpu.memory_space<vmem>>, vector<1x1xi32>
    %get3A_1433 = vector.extract %get3A_1432[0, 0] : i32 from vector<1x1xi32>
    %eq3A_1434 = vector.broadcast %get3A_1433 : i32 to vector<288x128xi32>
    %eq3A_1435 = arith.cmpi eq, %add3A_1400, %eq3A_1434 : vector<288x128xi32>
    %or3A_1436 = arith.ori %or3A_1429, %eq3A_1435 : vector<288x128xi1>
    %get3A_1437 = arith.constant 5 : index
    %get3A_1438 = arith.constant 0 : index
    %get3A_1439 = vector.load %arg12[%get3A_1437, %get3A_1438] : memref<32x128xi32, #tpu.memory_space<vmem>>, vector<1x1xi32>
    %get3A_1440 = vector.extract %get3A_1439[0, 0] : i32 from vector<1x1xi32>
    %eq3A_1441 = vector.broadcast %get3A_1440 : i32 to vector<288x128xi32>
    %eq3A_1442 = arith.cmpi eq, %add3A_1400, %eq3A_1441 : vector<288x128xi32>
    %or3A_1443 = arith.ori %or3A_1436, %eq3A_1442 : vector<288x128xi1>
    %get3A_1444 = arith.constant 6 : index
    %get3A_1445 = arith.constant 0 : index
    %get3A_1446 = vector.load %arg12[%get3A_1444, %get3A_1445] : memref<32x128xi32, #tpu.memory_space<vmem>>, vector<1x1xi32>
    %get3A_1447 = vector.extract %get3A_1446[0, 0] : i32 from vector<1x1xi32>
    %eq3A_1448 = vector.broadcast %get3A_1447 : i32 to vector<288x128xi32>
    %eq3A_1449 = arith.cmpi eq, %add3A_1400, %eq3A_1448 : vector<288x128xi32>
    %or3A_1450 = arith.ori %or3A_1443, %eq3A_1449 : vector<288x128xi1>
    %get3A_1451 = arith.constant 7 : index
    %get3A_1452 = arith.constant 0 : index
    %get3A_1453 = vector.load %arg12[%get3A_1451, %get3A_1452] : memref<32x128xi32, #tpu.memory_space<vmem>>, vector<1x1xi32>
    %get3A_1454 = vector.extract %get3A_1453[0, 0] : i32 from vector<1x1xi32>
    %eq3A_1455 = vector.broadcast %get3A_1454 : i32 to vector<288x128xi32>
    %eq3A_1456 = arith.cmpi eq, %add3A_1400, %eq3A_1455 : vector<288x128xi32>
    %or3A_1457 = arith.ori %or3A_1450, %eq3A_1456 : vector<288x128xi1>
    %get3A_1458 = arith.constant 8 : index
    %get3A_1459 = arith.constant 0 : index
    %get3A_1460 = vector.load %arg12[%get3A_1458, %get3A_1459] : memref<32x128xi32, #tpu.memory_space<vmem>>, vector<1x1xi32>
    %get3A_1461 = vector.extract %get3A_1460[0, 0] : i32 from vector<1x1xi32>
    %eq3A_1462 = vector.broadcast %get3A_1461 : i32 to vector<288x128xi32>
    %eq3A_1463 = arith.cmpi eq, %add3A_1400, %eq3A_1462 : vector<288x128xi32>
    %or3A_1464 = arith.ori %or3A_1457, %eq3A_1463 : vector<288x128xi1>
    %get3A_1465 = arith.constant 9 : index
    %get3A_1466 = arith.constant 0 : index
    %get3A_1467 = vector.load %arg12[%get3A_1465, %get3A_1466] : memref<32x128xi32, #tpu.memory_space<vmem>>, vector<1x1xi32>
    %get3A_1468 = vector.extract %get3A_1467[0, 0] : i32 from vector<1x1xi32>
    %eq3A_1469 = vector.broadcast %get3A_1468 : i32 to vector<288x128xi32>
    %eq3A_1470 = arith.cmpi eq, %add3A_1400, %eq3A_1469 : vector<288x128xi32>
    %or3A_1471 = arith.ori %or3A_1464, %eq3A_1470 : vector<288x128xi1>
    %get3A_1472 = arith.constant 10 : index
    %get3A_1473 = arith.constant 0 : index
    %get3A_1474 = vector.load %arg12[%get3A_1472, %get3A_1473] : memref<32x128xi32, #tpu.memory_space<vmem>>, vector<1x1xi32>
    %get3A_1475 = vector.extract %get3A_1474[0, 0] : i32 from vector<1x1xi32>
    %eq3A_1476 = vector.broadcast %get3A_1475 : i32 to vector<288x128xi32>
    %eq3A_1477 = arith.cmpi eq, %add3A_1400, %eq3A_1476 : vector<288x128xi32>
    %or3A_1478 = arith.ori %or3A_1471, %eq3A_1477 : vector<288x128xi1>
    %get3A_1479 = arith.constant 11 : index
    %get3A_1480 = arith.constant 0 : index
    %get3A_1481 = vector.load %arg12[%get3A_1479, %get3A_1480] : memref<32x128xi32, #tpu.memory_space<vmem>>, vector<1x1xi32>
    %get3A_1482 = vector.extract %get3A_1481[0, 0] : i32 from vector<1x1xi32>
    %eq3A_1483 = vector.broadcast %get3A_1482 : i32 to vector<288x128xi32>
    %eq3A_1484 = arith.cmpi eq, %add3A_1400, %eq3A_1483 : vector<288x128xi32>
    %or3A_1485 = arith.ori %or3A_1478, %eq3A_1484 : vector<288x128xi1>
    %get3A_1486 = arith.constant 12 : index
    %get3A_1487 = arith.constant 0 : index
    %get3A_1488 = vector.load %arg12[%get3A_1486, %get3A_1487] : memref<32x128xi32, #tpu.memory_space<vmem>>, vector<1x1xi32>
    %get3A_1489 = vector.extract %get3A_1488[0, 0] : i32 from vector<1x1xi32>
    %eq3A_1490 = vector.broadcast %get3A_1489 : i32 to vector<288x128xi32>
    %eq3A_1491 = arith.cmpi eq, %add3A_1400, %eq3A_1490 : vector<288x128xi32>
    %or3A_1492 = arith.ori %or3A_1485, %eq3A_1491 : vector<288x128xi1>
    %get3A_1493 = arith.constant 13 : index
    %get3A_1494 = arith.constant 0 : index
    %get3A_1495 = vector.load %arg12[%get3A_1493, %get3A_1494] : memref<32x128xi32, #tpu.memory_space<vmem>>, vector<1x1xi32>
    %get3A_1496 = vector.extract %get3A_1495[0, 0] : i32 from vector<1x1xi32>
    %eq3A_1497 = vector.broadcast %get3A_1496 : i32 to vector<288x128xi32>
    %eq3A_1498 = arith.cmpi eq, %add3A_1400, %eq3A_1497 : vector<288x128xi32>
    %or3A_1499 = arith.ori %or3A_1492, %eq3A_1498 : vector<288x128xi1>
    %get3A_1500 = arith.constant 14 : index
    %get3A_1501 = arith.constant 0 : index
    %get3A_1502 = vector.load %arg12[%get3A_1500, %get3A_1501] : memref<32x128xi32, #tpu.memory_space<vmem>>, vector<1x1xi32>
    %get3A_1503 = vector.extract %get3A_1502[0, 0] : i32 from vector<1x1xi32>
    %eq3A_1504 = vector.broadcast %get3A_1503 : i32 to vector<288x128xi32>
    %eq3A_1505 = arith.cmpi eq, %add3A_1400, %eq3A_1504 : vector<288x128xi32>
    %or3A_1506 = arith.ori %or3A_1499, %eq3A_1505 : vector<288x128xi1>
    %get3A_1507 = arith.constant 15 : index
    %get3A_1508 = arith.constant 0 : index
    %get3A_1509 = vector.load %arg12[%get3A_1507, %get3A_1508] : memref<32x128xi32, #tpu.memory_space<vmem>>, vector<1x1xi32>
    %get3A_1510 = vector.extract %get3A_1509[0, 0] : i32 from vector<1x1xi32>
    %eq3A_1511 = vector.broadcast %get3A_1510 : i32 to vector<288x128xi32>
    %eq3A_1512 = arith.cmpi eq, %add3A_1400, %eq3A_1511 : vector<288x128xi32>
    %or3A_1513 = arith.ori %or3A_1506, %eq3A_1512 : vector<288x128xi1>
    %get3A_1514 = arith.constant 16 : index
    %get3A_1515 = arith.constant 0 : index
    %get3A_1516 = vector.load %arg12[%get3A_1514, %get3A_1515] : memref<32x128xi32, #tpu.memory_space<vmem>>, vector<1x1xi32>
    %get3A_1517 = vector.extract %get3A_1516[0, 0] : i32 from vector<1x1xi32>
    %eq3A_1518 = vector.broadcast %get3A_1517 : i32 to vector<288x128xi32>
    %eq3A_1519 = arith.cmpi eq, %add3A_1400, %eq3A_1518 : vector<288x128xi32>
    %or3A_1520 = arith.ori %or3A_1513, %eq3A_1519 : vector<288x128xi1>
    %get3A_1521 = arith.constant 17 : index
    %get3A_1522 = arith.constant 0 : index
    %get3A_1523 = vector.load %arg12[%get3A_1521, %get3A_1522] : memref<32x128xi32, #tpu.memory_space<vmem>>, vector<1x1xi32>
    %get3A_1524 = vector.extract %get3A_1523[0, 0] : i32 from vector<1x1xi32>
    %eq3A_1525 = vector.broadcast %get3A_1524 : i32 to vector<288x128xi32>
    %eq3A_1526 = arith.cmpi eq, %add3A_1400, %eq3A_1525 : vector<288x128xi32>
    %or3A_1527 = arith.ori %or3A_1520, %eq3A_1526 : vector<288x128xi1>
    %get3A_1528 = arith.constant 18 : index
    %get3A_1529 = arith.constant 0 : index
    %get3A_1530 = vector.load %arg12[%get3A_1528, %get3A_1529] : memref<32x128xi32, #tpu.memory_space<vmem>>, vector<1x1xi32>
    %get3A_1531 = vector.extract %get3A_1530[0, 0] : i32 from vector<1x1xi32>
    %eq3A_1532 = vector.broadcast %get3A_1531 : i32 to vector<288x128xi32>
    %eq3A_1533 = arith.cmpi eq, %add3A_1400, %eq3A_1532 : vector<288x128xi32>
    %or3A_1534 = arith.ori %or3A_1527, %eq3A_1533 : vector<288x128xi1>
    %get3A_1535 = arith.constant 19 : index
    %get3A_1536 = arith.constant 0 : index
    %get3A_1537 = vector.load %arg12[%get3A_1535, %get3A_1536] : memref<32x128xi32, #tpu.memory_space<vmem>>, vector<1x1xi32>
    %get3A_1538 = vector.extract %get3A_1537[0, 0] : i32 from vector<1x1xi32>
    %eq3A_1539 = vector.broadcast %get3A_1538 : i32 to vector<288x128xi32>
    %eq3A_1540 = arith.cmpi eq, %add3A_1400, %eq3A_1539 : vector<288x128xi32>
    %or3A_1541 = arith.ori %or3A_1534, %eq3A_1540 : vector<288x128xi1>
    %get3A_1542 = arith.constant 20 : index
    %get3A_1543 = arith.constant 0 : index
    %get3A_1544 = vector.load %arg12[%get3A_1542, %get3A_1543] : memref<32x128xi32, #tpu.memory_space<vmem>>, vector<1x1xi32>
    %get3A_1545 = vector.extract %get3A_1544[0, 0] : i32 from vector<1x1xi32>
    %eq3A_1546 = vector.broadcast %get3A_1545 : i32 to vector<288x128xi32>
    %eq3A_1547 = arith.cmpi eq, %add3A_1400, %eq3A_1546 : vector<288x128xi32>
    %or3A_1548 = arith.ori %or3A_1541, %eq3A_1547 : vector<288x128xi1>
    %get3A_1549 = arith.constant 21 : index
    %get3A_1550 = arith.constant 0 : index
    %get3A_1551 = vector.load %arg12[%get3A_1549, %get3A_1550] : memref<32x128xi32, #tpu.memory_space<vmem>>, vector<1x1xi32>
    %get3A_1552 = vector.extract %get3A_1551[0, 0] : i32 from vector<1x1xi32>
    %eq3A_1553 = vector.broadcast %get3A_1552 : i32 to vector<288x128xi32>
    %eq3A_1554 = arith.cmpi eq, %add3A_1400, %eq3A_1553 : vector<288x128xi32>
    %or3A_1555 = arith.ori %or3A_1548, %eq3A_1554 : vector<288x128xi1>
    %get3A_1556 = arith.constant 22 : index
    %get3A_1557 = arith.constant 0 : index
    %get3A_1558 = vector.load %arg12[%get3A_1556, %get3A_1557] : memref<32x128xi32, #tpu.memory_space<vmem>>, vector<1x1xi32>
    %get3A_1559 = vector.extract %get3A_1558[0, 0] : i32 from vector<1x1xi32>
    %eq3A_1560 = vector.broadcast %get3A_1559 : i32 to vector<288x128xi32>
    %eq3A_1561 = arith.cmpi eq, %add3A_1400, %eq3A_1560 : vector<288x128xi32>
    %or3A_1562 = arith.ori %or3A_1555, %eq3A_1561 : vector<288x128xi1>
    %get3A_1563 = arith.constant 23 : index
    %get3A_1564 = arith.constant 0 : index
    %get3A_1565 = vector.load %arg12[%get3A_1563, %get3A_1564] : memref<32x128xi32, #tpu.memory_space<vmem>>, vector<1x1xi32>
    %get3A_1566 = vector.extract %get3A_1565[0, 0] : i32 from vector<1x1xi32>
    %eq3A_1567 = vector.broadcast %get3A_1566 : i32 to vector<288x128xi32>
    %eq3A_1568 = arith.cmpi eq, %add3A_1400, %eq3A_1567 : vector<288x128xi32>
    %or3A_1569 = arith.ori %or3A_1562, %eq3A_1568 : vector<288x128xi1>
    %get3A_1570 = arith.constant 24 : index
    %get3A_1571 = arith.constant 0 : index
    %get3A_1572 = vector.load %arg12[%get3A_1570, %get3A_1571] : memref<32x128xi32, #tpu.memory_space<vmem>>, vector<1x1xi32>
    %get3A_1573 = vector.extract %get3A_1572[0, 0] : i32 from vector<1x1xi32>
    %eq3A_1574 = vector.broadcast %get3A_1573 : i32 to vector<288x128xi32>
    %eq3A_1575 = arith.cmpi eq, %add3A_1400, %eq3A_1574 : vector<288x128xi32>
    %or3A_1576 = arith.ori %or3A_1569, %eq3A_1575 : vector<288x128xi1>
    %get3A_1577 = arith.constant 25 : index
    %get3A_1578 = arith.constant 0 : index
    %get3A_1579 = vector.load %arg12[%get3A_1577, %get3A_1578] : memref<32x128xi32, #tpu.memory_space<vmem>>, vector<1x1xi32>
    %get3A_1580 = vector.extract %get3A_1579[0, 0] : i32 from vector<1x1xi32>
    %eq3A_1581 = vector.broadcast %get3A_1580 : i32 to vector<288x128xi32>
    %eq3A_1582 = arith.cmpi eq, %add3A_1400, %eq3A_1581 : vector<288x128xi32>
    %or3A_1583 = arith.ori %or3A_1576, %eq3A_1582 : vector<288x128xi1>
    %get3A_1584 = arith.constant 26 : index
    %get3A_1585 = arith.constant 0 : index
    %get3A_1586 = vector.load %arg12[%get3A_1584, %get3A_1585] : memref<32x128xi32, #tpu.memory_space<vmem>>, vector<1x1xi32>
    %get3A_1587 = vector.extract %get3A_1586[0, 0] : i32 from vector<1x1xi32>
    %eq3A_1588 = vector.broadcast %get3A_1587 : i32 to vector<288x128xi32>
    %eq3A_1589 = arith.cmpi eq, %add3A_1400, %eq3A_1588 : vector<288x128xi32>
    %or3A_1590 = arith.ori %or3A_1583, %eq3A_1589 : vector<288x128xi1>
    %get3A_1591 = arith.constant 27 : index
    %get3A_1592 = arith.constant 0 : index
    %get3A_1593 = vector.load %arg12[%get3A_1591, %get3A_1592] : memref<32x128xi32, #tpu.memory_space<vmem>>, vector<1x1xi32>
    %get3A_1594 = vector.extract %get3A_1593[0, 0] : i32 from vector<1x1xi32>
    %eq3A_1595 = vector.broadcast %get3A_1594 : i32 to vector<288x128xi32>
    %eq3A_1596 = arith.cmpi eq, %add3A_1400, %eq3A_1595 : vector<288x128xi32>
    %or3A_1597 = arith.ori %or3A_1590, %eq3A_1596 : vector<288x128xi1>
    %get3A_1598 = arith.constant 28 : index
    %get3A_1599 = arith.constant 0 : index
    %get3A_1600 = vector.load %arg12[%get3A_1598, %get3A_1599] : memref<32x128xi32, #tpu.memory_space<vmem>>, vector<1x1xi32>
    %get3A_1601 = vector.extract %get3A_1600[0, 0] : i32 from vector<1x1xi32>
    %eq3A_1602 = vector.broadcast %get3A_1601 : i32 to vector<288x128xi32>
    %eq3A_1603 = arith.cmpi eq, %add3A_1400, %eq3A_1602 : vector<288x128xi32>
    %or3A_1604 = arith.ori %or3A_1597, %eq3A_1603 : vector<288x128xi1>
    %get3A_1605 = arith.constant 29 : index
    %get3A_1606 = arith.constant 0 : index
    %get3A_1607 = vector.load %arg12[%get3A_1605, %get3A_1606] : memref<32x128xi32, #tpu.memory_space<vmem>>, vector<1x1xi32>
    %get3A_1608 = vector.extract %get3A_1607[0, 0] : i32 from vector<1x1xi32>
    %eq3A_1609 = vector.broadcast %get3A_1608 : i32 to vector<288x128xi32>
    %eq3A_1610 = arith.cmpi eq, %add3A_1400, %eq3A_1609 : vector<288x128xi32>
    %or3A_1611 = arith.ori %or3A_1604, %eq3A_1610 : vector<288x128xi1>
    %get3A_1612 = arith.constant 30 : index
    %get3A_1613 = arith.constant 0 : index
    %get3A_1614 = vector.load %arg12[%get3A_1612, %get3A_1613] : memref<32x128xi32, #tpu.memory_space<vmem>>, vector<1x1xi32>
    %get3A_1615 = vector.extract %get3A_1614[0, 0] : i32 from vector<1x1xi32>
    %eq3A_1616 = vector.broadcast %get3A_1615 : i32 to vector<288x128xi32>
    %eq3A_1617 = arith.cmpi eq, %add3A_1400, %eq3A_1616 : vector<288x128xi32>
    %or3A_1618 = arith.ori %or3A_1611, %eq3A_1617 : vector<288x128xi1>
    %get3A_1619 = arith.constant 31 : index
    %get3A_1620 = arith.constant 0 : index
    %get3A_1621 = vector.load %arg12[%get3A_1619, %get3A_1620] : memref<32x128xi32, #tpu.memory_space<vmem>>, vector<1x1xi32>
    %get3A_1622 = vector.extract %get3A_1621[0, 0] : i32 from vector<1x1xi32>
    %eq3A_1623 = vector.broadcast %get3A_1622 : i32 to vector<288x128xi32>
    %eq3A_1624 = arith.cmpi eq, %add3A_1400, %eq3A_1623 : vector<288x128xi32>
    %or3A_1625 = arith.ori %or3A_1618, %eq3A_1624 : vector<288x128xi1>
    %get3A_1626 = arith.constant 7 : index
    %get3A_1627 = arith.constant 0 : index
    %get3A_1628 = arith.constant 0 : index
    %get3A_1629 = vector.load %arg1[%get3A_1626, %get3A_1627, %get3A_1628] : memref<8x288x128xf32, #tpu.memory_space<vmem>>, vector<1x288x128xf32>
    %get3A_1630 = vector.shape_cast %get3A_1629 : vector<1x288x128xf32> to vector<288x128xf32>
    %ne3A = arith.constant 0.000000e+00 : f32
    %ne3A_1631 = vector.broadcast %ne3A : f32 to vector<288x128xf32>
    %ne3A_1632 = arith.cmpf one, %get3A_1630, %ne3A_1631 : vector<288x128xf32>
    %get3A_1633 = arith.constant 0 : index
    %get3A_1634 = arith.constant 0 : index
    %get3A_1635 = arith.constant 0 : index
    %get3A_1636 = vector.load %arg1[%get3A_1633, %get3A_1634, %get3A_1635] : memref<8x288x128xf32, #tpu.memory_space<vmem>>, vector<1x288x128xf32>
    %get3A_1637 = vector.shape_cast %get3A_1636 : vector<1x288x128xf32> to vector<288x128xf32>
    %get3A_1638 = arith.constant 1 : index
    %get3A_1639 = arith.constant 0 : index
    %get3A_1640 = arith.constant 0 : index
    %get3A_1641 = vector.load %arg1[%get3A_1638, %get3A_1639, %get3A_1640] : memref<8x288x128xf32, #tpu.memory_space<vmem>>, vector<1x288x128xf32>
    %get3A_1642 = vector.shape_cast %get3A_1641 : vector<1x288x128xf32> to vector<288x128xf32>
    %get3A_1643 = arith.constant 4 : index
    %get3A_1644 = arith.constant 0 : index
    %get3A_1645 = arith.constant 0 : index
    %get3A_1646 = vector.load %arg1[%get3A_1643, %get3A_1644, %get3A_1645] : memref<8x288x128xf32, #tpu.memory_space<vmem>>, vector<1x288x128xf32>
    %get3A_1647 = vector.shape_cast %get3A_1646 : vector<1x288x128xf32> to vector<288x128xf32>
    %get3A_1648 = arith.constant 5 : index
    %get3A_1649 = arith.constant 0 : index
    %get3A_1650 = arith.constant 0 : index
    %get3A_1651 = vector.load %arg1[%get3A_1648, %get3A_1649, %get3A_1650] : memref<8x288x128xf32, #tpu.memory_space<vmem>>, vector<1x288x128xf32>
    %get3A_1652 = vector.shape_cast %get3A_1651 : vector<1x288x128xf32> to vector<288x128xf32>
    %get3A_1653 = arith.constant 0 : index
    %get3A_1654 = arith.constant 0 : index
    %get3A_1655 = vector.load %arg4[%get3A_1653, %get3A_1654] : memref<288x128xf32, #tpu.memory_space<vmem>>, vector<288x128xf32>
    %get3A_1656 = arith.constant 0 : index
    %get3A_1657 = arith.constant 0 : index
    %get3A_1658 = vector.load %arg5[%get3A_1656, %get3A_1657] : memref<288x128xf32, #tpu.memory_space<vmem>>, vector<288x128xf32>
    %get3A_1659 = arith.constant 0 : index
    %get3A_1660 = arith.constant 0 : index
    %get3A_1661 = vector.load %arg6[%get3A_1659, %get3A_1660] : memref<288x128xf32, #tpu.memory_space<vmem>>, vector<288x128xf32>
    %get3A_1662 = arith.constant 0 : index
    %get3A_1663 = arith.constant 0 : index
    %get3A_1664 = vector.load %arg7[%get3A_1662, %get3A_1663] : memref<288x128xf32, #tpu.memory_space<vmem>>, vector<288x128xf32>
    %get3A_1665 = arith.constant 0 : index
    %get3A_1666 = arith.constant 0 : index
    %get3A_1667 = vector.load %arg8[%get3A_1665, %get3A_1666] : memref<288x128xf32, #tpu.memory_space<vmem>>, vector<288x128xf32>
    %broadcast_in_dim3A_1668 = arith.constant -1 : i32
    %broadcast_in_dim3A_1669 = vector.broadcast %broadcast_in_dim3A_1668 : i32 to vector<288x128xi32>
    %ge3A = arith.constant 0.699999988 : f32
    %ge3A_1670 = vector.broadcast %ge3A : f32 to vector<288x128xf32>
    %ge3A_1671 = arith.cmpf oge, %get3A_1655, %ge3A_1670 : vector<288x128xf32>
    %jit3A_1672 = arith.constant 1 : i32
    %broadcast_in_dim3A_1673 = vector.broadcast %jit3A_1672 : i32 to vector<288x128xi32>
    %select_n3A_1674 = arith.select %ge3A_1671, %broadcast_in_dim3A_1673, %broadcast_in_dim3A_1669 : vector<288x128xi1>, vector<288x128xi32>
    %le3A = arith.constant 3.000000e-01 : f32
    %le3A_1675 = vector.broadcast %le3A : f32 to vector<288x128xf32>
    %le3A_1676 = arith.cmpf ole, %get3A_1655, %le3A_1675 : vector<288x128xf32>
    %jit3A_1677 = arith.constant 0 : i32
    %broadcast_in_dim3A_1678 = vector.broadcast %jit3A_1677 : i32 to vector<288x128xi32>
    %select_n3A_1679 = arith.select %le3A_1676, %broadcast_in_dim3A_1678, %select_n3A_1674 : vector<288x128xi1>, vector<288x128xi32>
    %jit3A_1680 = arith.constant 1 : i32
    %broadcast_in_dim3A_1681 = vector.broadcast %jit3A_1680 : i32 to vector<288x128xi32>
    %select_n3A_1682 = arith.select %or3A_1625, %broadcast_in_dim3A_1681, %select_n3A_1679 : vector<288x128xi1>, vector<288x128xi32>
    %jit3A_1683 = arith.constant -1 : i32
    %broadcast_in_dim3A_1684 = vector.broadcast %jit3A_1683 : i32 to vector<288x128xi32>
    %select_n3A_1685 = arith.select %ne3A_1632, %select_n3A_1682, %broadcast_in_dim3A_1684 : vector<288x128xi1>, vector<288x128xi32>
    %swap3A_1686 = arith.constant 0 : index
    %swap3A_1687 = arith.constant 0 : index
    %swap3A_1688 = vector.load %arg2[%swap3A_1686, %swap3A_1687] : memref<288x128xi32, #tpu.memory_space<vmem>>, vector<288x128xi32>
    tpu.vector_store %arg2[%swap3A_1686, %swap3A_1687], %select_n3A_1685 {strides = array<i32>} : memref<288x128xi32, #tpu.memory_space<vmem>>, vector<288x128xi32>,
    %sub3A = arith.subf %get3A_1658, %get3A_1637 : vector<288x128xf32>
    %div3A = arith.divf %sub3A, %get3A_1647 : vector<288x128xf32>
    %swap3A_1689 = arith.constant 0 : index
    %swap3A_1690 = arith.constant 0 : index
    %swap3A_1691 = arith.constant 0 : index
    %swap3A_1692 = vector.load %arg3[%swap3A_1689, %swap3A_1690, %swap3A_1691] : memref<4x288x128xf32, #tpu.memory_space<vmem>>, vector<1x288x128xf32>
    %swap3A_1693 = vector.shape_cast %swap3A_1692 : vector<1x288x128xf32> to vector<288x128xf32>
    %swap3A_1694 = vector.shape_cast %div3A : vector<288x128xf32> to vector<1x288x128xf32>
    tpu.vector_store %arg3[%swap3A_1689, %swap3A_1690, %swap3A_1691], %swap3A_1694 {strides = array<i32>} : memref<4x288x128xf32, #tpu.memory_space<vmem>>, vector<1x288x128xf32>,
    %sub3A_1695 = arith.subf %get3A_1661, %get3A_1642 : vector<288x128xf32>
    %div3A_1696 = arith.divf %sub3A_1695, %get3A_1652 : vector<288x128xf32>
    %swap3A_1697 = arith.constant 1 : index
    %swap3A_1698 = arith.constant 0 : index
    %swap3A_1699 = arith.constant 0 : index
    %swap3A_1700 = vector.load %arg3[%swap3A_1697, %swap3A_1698, %swap3A_1699] : memref<4x288x128xf32, #tpu.memory_space<vmem>>, vector<1x288x128xf32>
    %swap3A_1701 = vector.shape_cast %swap3A_1700 : vector<1x288x128xf32> to vector<288x128xf32>
    %swap3A_1702 = vector.shape_cast %div3A_1696 : vector<288x128xf32> to vector<1x288x128xf32>
    tpu.vector_store %arg3[%swap3A_1697, %swap3A_1698, %swap3A_1699], %swap3A_1702 {strides = array<i32>} : memref<4x288x128xf32, #tpu.memory_space<vmem>>, vector<1x288x128xf32>,
    %div3A_1703 = arith.divf %get3A_1664, %get3A_1647 : vector<288x128xf32>
    %log3A = math.log %div3A_1703 : vector<288x128xf32>
    %swap3A_1704 = arith.constant 2 : index
    %swap3A_1705 = arith.constant 0 : index
    %swap3A_1706 = arith.constant 0 : index
    %swap3A_1707 = vector.load %arg3[%swap3A_1704, %swap3A_1705, %swap3A_1706] : memref<4x288x128xf32, #tpu.memory_space<vmem>>, vector<1x288x128xf32>
    %swap3A_1708 = vector.shape_cast %swap3A_1707 : vector<1x288x128xf32> to vector<288x128xf32>
    %swap3A_1709 = vector.shape_cast %log3A : vector<288x128xf32> to vector<1x288x128xf32>
    tpu.vector_store %arg3[%swap3A_1704, %swap3A_1705, %swap3A_1706], %swap3A_1709 {strides = array<i32>} : memref<4x288x128xf32, #tpu.memory_space<vmem>>, vector<1x288x128xf32>,
    %div3A_1710 = arith.divf %get3A_1667, %get3A_1652 : vector<288x128xf32>
    %log3A_1711 = math.log %div3A_1710 : vector<288x128xf32>
    %swap3A_1712 = arith.constant 3 : index
    %swap3A_1713 = arith.constant 0 : index
    %swap3A_1714 = arith.constant 0 : index
    %swap3A_1715 = vector.load %arg3[%swap3A_1712, %swap3A_1713, %swap3A_1714] : memref<4x288x128xf32, #tpu.memory_space<vmem>>, vector<1x288x128xf32>
    %swap3A_1716 = vector.shape_cast %swap3A_1715 : vector<1x288x128xf32> to vector<288x128xf32>
    %swap3A_1717 = vector.shape_cast %log3A_1711 : vector<288x128xf32> to vector<1x288x128xf32>
    tpu.vector_store %arg3[%swap3A_1712, %swap3A_1713, %swap3A_1714], %swap3A_1717 {strides = array<i32>} : memref<4x288x128xf32, #tpu.memory_space<vmem>>, vector<1x288x128xf32>,
    return
  }
}

</mosaic_0001>

<sc_bundles>
// kernel: kernel.5.cloned.1.call-start
scs
__scs_entry_jumppad:
0x0: {  	(pc) =	sbr.rel $0x88, $3  }
0x1: {  	(tag) =	ssettag $0x0;
	lr =	simm.s32 $0x1  }
0x2: {  	[smem:$0x3FA0] =	sst lr;
	_ =	strace $0xD0000000  }
0x3: {  	_ = 	snop  }
0x4: {  	_ = 	snop  }
0x5: {  	_ = 	snop  }
0x6: {  	_ = 	snop  }
0x7: {  	_ = 	snop  }
__scs_overlays_trampoline_lowered:
0x8: {  	[smem:$0x3FAF] =	sst s0  }
0x9: {  	[smem:$0x3FB0] =	sst s1  }
0xa: {  	[smem:$0x3FB1] =	sst s2  }
0xb: {  	[smem:$0x3FB2] =	sst s3  }
0xc: {  	[smem:$0x3FB3] =	sst s4  }
0xd: {  	[smem:$0x3FB4] =	sst s5  }
0xe: {  	[smem:$0x3FB5] =	sst s6  }
0xf: {  	[smem:$0x3FB6] =	sst s7  }
0x10: {  	[smem:$0x3FB7] =	sst s8  }
0x11: {  	[smem:$0x3FB8] =	sst s9;
	s0 =	simm.s32 @!p0 $0x0  }
0x12: {  	s1 =	sld [smem:$0x3F9E];
	s0 =	simm.s32 @p0 $0x1  }
0x13: {  	[smem:$0x3FB9] =	sst s0;
	s0 =	simm.s32 @!p1 $0x0  }
0x14: {  	s2 =	sld [smem:$0x3F9D];
	s0 =	simm.s32 @p1 $0x1  }
0x15: {  	[smem:$0x3FBA] =	sst s0;
	s0 =	simm.s32 @!p2 $0x0  }
0x16: {  	s3 =	sld [smem:$0x3FDB];
	s0 =	simm.s32 @p2 $0x1  }
0x17: {  	s4 =	simm.s32 $0x1BF5;
	[smem:$0x3FBC] =	sst s0  }
0x18: {  	s0 =	sld [smem:$0x3F9F];
	_ =	swait.ge [sflag:s4], $0x0  }
0x19: {  	s7 =	sld [smem:$0x3FA0]  }
0x1a: {  	s8 =	sadd.s32 $0xFFFFE003, lr  }
0x1b: {  	s9 =	sadd.s32 $0xFFFFFEF7, lr;
	s5 =	simm.s32 $0xFFFFFFFF;
	p2 =	slt.u32 s8, $0xFFFFF086  }
0x1c: {  	p1 =	slt.u32 s9, $0xF7A;
	s5 =	simm.s32 @!p2 $0x0  }
0x1d: {  	s5 =	simm.s32 @p1 $0x1;
	p0 =	seq.s32 s7, s2  }
0x1e: {  	s7 =	smul.u32 @!p0 $0xF7A, s2;
	p2 =	seq.s32 @!p0 s5, $0x0  }
0x1f: {  	s9 =	smul.u32 $0xF7A, s1;
	s8 =	simm.s32 @!p0 $0x1BF5;
	p2 =	por !p2, p0  }
0x20: {  	[sflag:s8] =	ssyncset.s32 @!p0 $0xFFFFF086;
	s6 =	sadd.s32 @!p0 s3, s7;
	s7 =	simm.s32 @!p0 $0x108  }
0x21: {  	s3 =	sadd.s32 s3, s9;
	s6 =	sadd.s32 @!p0 $0x88, s6;
	s7 =	simm.s32 @p2 $0x1082  }
0x22: {  	[simem:s7], [sflag:s8] =	dma.local @!p0 [hbm:s6], $0xF7A  }
0x23: {  	s9 =	sor.u32 $0xD0000000, s2;
	s6 =	simm.s32 $0x108;
	_ =	swait.ge @!p0 [sflag:s8], $0x0  }
0x24: {  	s3 =	sadd.s32 $0x88, s3;
	s6 =	simm.s32 @!p1 $0x1082;
	[sflag:s4] =	ssyncset.s32 $0xFFFFF086  }
0x25: {  	[simem:s6], [sflag:s4] =	dma.local [hbm:s3], $0xF7A  }
0x26: {  	[smem:$0x3FA0] =	sst s1;
	(tag) =	ssettag s2;
	_ =	strace s9  }
0x27: {  	s1 =	sld [smem:$0x3FB0]  }
0x28: {  	s2 =	sld [smem:$0x3FB1]  }
0x29: {  	s4 =	sld [smem:$0x3FB3]  }
0x2a: {  	p0 =	seq.s32 s5, $0x0;
	s5 =	sld [smem:$0x3FB4]  }
0x2b: {  	s6 =	sld [smem:$0x3FB5]  }
0x2c: {  	s7 =	sld [smem:$0x3FB6]  }
0x2d: {  	s3 =	simm.s32 $0x108;
	s8 =	sld [smem:$0x3FB7]  }
0x2e: {  	s3 =	simm.s32 @!p0 $0x1082;
	s9 =	sld [smem:$0x3FB8]  }
0x2f: {  	lr =	sadd.s32 s0, s3;
	s0 =	sld [smem:$0x3FAF]  }
0x30: {  	s3 =	sld [smem:$0x3FB2]  }
0x31: {  	[smem:$0x3FBB] =	sst s10  }
0x32: {  	s10 =	sld [smem:$0x3FB9];
	_ =	sdelay $0x3  }
0x33: {  	p0 =	seq.s32 s10, $0x1;
	s10 =	sld [smem:$0x3FBB];
	_ =	sdelay $0x3  }
0x34: {  	[smem:$0x3FBB] =	sst s10  }
0x35: {  	s10 =	sld [smem:$0x3FBA];
	_ =	sdelay $0x3  }
0x36: {  	p1 =	seq.s32 s10, $0x1;
	s10 =	sld [smem:$0x3FBB];
	_ =	sdelay $0x3  }
0x37: {  	[smem:$0x3FBB] =	sst s10  }
0x38: {  	s10 =	sld [smem:$0x3FBC]  }
0x39: {  	_ = 	snop;
	(pc) =	sbr.ind lr, $3  }
0x3a: {  	_ = 	snop  }
0x3b: {  	_ = 	snop  }
0x3c: {  	p2 =	seq.s32 s10, $0x1;
	s10 =	sld [smem:$0x3FBB]  }
0x3d: {  	_ =	shalt  }
0x3e: {  	_ =	shalt  }
0x3f: {  	_ =	shalt  }
0x40: {  	_ =	shalt  }
0x41: {  	_ =	shalt  }
0x42: {  	_ =	shalt  }
0x43: {  	_ =	shalt  }
0x44: {  	_ =	shalt  }
0x45: {  	_ =	shalt  }
0x46: {  	_ =	shalt  }
0x47: {  	_ =	shalt  }
0x48: {  	_ =	shalt  }
0x49: {  	_ =	shalt  }
0x4a: {  	_ =	shalt  }
0x4b: {  	_ =	shalt  }
0x4c: {  	_ =	shalt  }
0x4d: {  	_ =	shalt  }
0x4e: {  	_ =	shalt  }
0x4f: {  	_ =	shalt  }
0x50: {  	_ =	shalt  }
0x51: {  	_ =	shalt  }
0x52: {  	_ =	shalt  }
0x53: {  	_ =	shalt  }
0x54: {  	_ =	shalt  }
0x55: {  	_ =	shalt  }
0x56: {  	_ =	shalt  }
0x57: {  	_ =	shalt  }
0x58: {  	_ =	shalt  }
0x59: {  	_ =	shalt  }
0x5a: {  	_ =	shalt  }
0x5b: {  	_ =	shalt  }
0x5c: {  	_ =	shalt  }
0x5d: {  	_ =	shalt  }
0x5e: {  	_ =	shalt  }
0x5f: {  	_ =	shalt  }
0x60: {  	_ =	shalt  }
0x61: {  	_ =	shalt  }
0x62: {  	_ =	shalt  }
0x63: {  	_ =	shalt  }
0x64: {  	_ =	shalt  }
0x65: {  	_ =	shalt  }
0x66: {  	_ =	shalt  }
0x67: {  	_ =	shalt  }
0x68: {  	_ =	shalt  }
0x69: {  	_ =	shalt  }
0x6a: {  	_ =	shalt  }
0x6b: {  	_ =	shalt  }
0x6c: {  	_ =	shalt  }
0x6d: {  	_ =	shalt  }
0x6e: {  	_ =	shalt  }
0x6f: {  	_ =	shalt  }
0x70: {  	_ =	shalt  }
0x71: {  	_ =	shalt  }
0x72: {  	_ =	shalt  }
0x73: {  	_ =	shalt  }
0x74: {  	_ =	shalt  }
0x75: {  	_ =	shalt  }
0x76: {  	_ =	shalt  }
0x77: {  	_ =	shalt  }
0x78: {  	_ =	shalt  }
0x79: {  	_ =	shalt  }
0x7a: {  	_ =	shalt  }
0x7b: {  	_ =	shalt  }
0x7c: {  	_ =	shalt  }
0x7d: {  	_ =	shalt  }
0x7e: {  	_ =	shalt  }
0x7f: {  	_ =	shalt  }
0x80: {  	_ =	shalt  }
0x81: {  	_ =	shalt  }
0x82: {  	_ =	shalt  }
0x83: {  	_ =	shalt  }
0x84: {  	_ =	shalt  }
0x85: {  	_ =	shalt  }
0x86: {  	_ =	shalt  }
0x87: {  	_ =	shalt  }
.Lfunc_end0:
.L_simem_size_0:
called_computation_lowered:
.L_overlay_start_0:
0x88: {  	s2 =	sld [smem:$0x3FD9]  }
0x89: {  	s3 =	sld [smem:$0x3FFE];
	_ =	sdelay $0x1  }
0x8a: {  	s1 =	srdreg.scid  }
0x8b: {  	s0 =	sand.u32 $0x1, s1  }
0x8c: {  	s14 =	sshll.u32 s0, $0xA;
	s2 =	sadd.s32 s3, s2  }
0x8d: {  	s2 =	sadd.s32 s2, s14  }
0x8e: {  	[smem:$0x3FC7] =	sst s2  }
0x8f: {  	_ = 	snop  }
0x90: {  	s2 =	sld [smem:$0x3FD0];
	_ =	sdelay $0x2  }
0x91: {  	s15 =	simm.s32 $0xA;
	s4 =	simm.s32 $0x10  }
0x92: {  	[smem:s4], [sflag:s15] =	dma.local [hbm:s2], $0x1  }
0x93: {  	_ =	swait.eq [sflag:s15], $0x1  }
0x94: {  	[sflag:s15] =	ssyncset.done $0x0  }
0x95: {  	s16 =	sld [smem:$0x10];
	[sflag:s15] =	ssyncadd.s32 $0xFFFFFFFF  }
0x96: {  	s17 =	sld [smem:$0x11];
	(tm) =	ssettm $0x1  }
0x97: {  	s18 =	sld [smem:$0x3FFB];
	_ =	sdelay $0x3  }
0x98: {  	_ =	strace s18  }
0x99: {  	s4 =	sld [smem:$0x3FFC];
	_ =	sdelay $0x3  }
0x9a: {  	_ =	strace s4  }
0x9b: {  	s4 =	sld [smem:$0x3FFD];
	_ =	sdelay $0x3  }
0x9c: {  	_ =	strace s4  }
0x9d: {  	_ =	strace $0x8FFFFFFF  }
0x9e: {  	s19 =	sld [smem:$0x3FDB];
	_ =	sdelay $0x1  }
0x9f: {  	s5 =	simm.s32 $_scs_section_size  }
0xa0: {  	s6 =	simm.s32 $_size__tile_overlayer_lowered;
	s7 =	simm.s32 $_tile_overlayer_lowered  }
0xa1: {  	s22 =	simm.s32 $0x1BFF;
	s21 =	sshll.u32 s7, $0x1;
	s4 =	sadd.s32 s5, s19  }
0xa2: {  	s8 =	simm.s32 $0x0;
	s20 =	sshll.u32 s6, $0x1;
	s6 =	sadd.s32 s21, s4  }
0xa3: {  	[timem:s8], [sflag:s22] =	dma.local [hbm:s6], s20  }
0xa4: {  	_ =	swait.ge [sflag:s22], s20  }
0xa5: {  	s5 =	ssub.s32 $0x0, s20;
	[sflag:s22] =	ssyncset.done $0x0  }
0xa6: {  	[sflag:s22] =	ssyncadd.s32 s5;
	_ =	sdelay $0x1  }
0xa7: {  	s23 =	simm.s32 $0x1B8B  }
0xa8: {  	_ =	swait.ge [sflag:s23], $0x1  }
0xa9: {  	[sflag:s23] =	ssyncset.done $0x0  }
0xaa: {  	s25 =	simm.s32 $0x1B8E;
	s24 =	sld [smem:$0x3FFE];
	[sflag:s23] =	ssyncadd.s32 $0xFFFFFFFF  }
0xab: {  	s26 =	simm.s32 $execute0_lowered;
	[smem:$0x3FD2] =	sst s25  }
0xac: {  	s6 =	sshll.u32 s26, $0x1;
	_ =	strace $0x80000046;
	[dreg:$0x1] =	wrdreg $0xFFFFFFFF  }
0xad: {  	s28 =	simm.s32 $_size_execute0_lowered;
	s4 =	sadd.s32 s4, s6;
	[dreg:$0x0] =	wrdreg $0x0  }
0xae: {  	s6 =	sshll.u32 s28, $0x1;
	[dreg:$0x2] =	wrdreg s4  }
0xaf: {  	[dreg:$0x3] =	wrdreg s6  }
0xb0: {  	[dreg:$0x4] =	wrdreg $0xC0  }
0xb1: {  	_ =	task [dreg:s8], $0x5FFFF  }
0xb2: {  	[dreg:$0x1] =	wrdreg $0xFFFFFFFF  }
0xb3: {  	[dreg:$0x0] =	wrdreg $0x60  }
0xb4: {  	[dreg:$0x2] =	wrdreg s16  }
0xb5: {  	[dreg:$0x3] =	wrdreg s17  }
0xb6: {  	[dreg:$0x4] =	wrdreg s24  }
0xb7: {  	[dreg:$0x5] =	wrdreg $0x9  }
0xb8: {  	_ =	task.clear_ibuf [dreg:s8], $0x6FFFF;
	_ =	strace $0x90000046  }
0xb9: {  	s29 =	simm.s32 $0x9;
	_ =	strace $0x80000048  }
0xba: {  	_ =	swait.ge [sflag:s29], $0x1  }
0xbb: {  	[sflag:s29] =	ssyncadd.s32 $0xFFFFFFFF  }
0xbc: {  	_ =	strace $0x90000048  }
0xbd: {  	_ =	sfence  }
0xbe: {  	s30 =	sld [smem:$0x0];
	_ =	sdelay $0x2  }
0xbf: {  	s31 =	sshll.u32 s1, $0xD;
	s1 =	sshrl.u32 s1, $0x2  }
0xc0: {  	s3 =	sand.u32 $0x4000, s31;
	s1 =	sadd.s32 s1, s30  }
0xc1: {  	s0 =	sor.u32 s3, s0;
	s1 =	sshll.u32 s1, $0x11  }
0xc2: {  	s0 =	sor.u32 s1, s0  }
0xc3: {  	s0 =	sadd.s32 $0x8F2B, s0  }
0xc4: {  	[sflag:s0] =	ssyncadd.remote.s32 $0x1  }
0xc5: {  	_ =	sfence.sel $0xFFFF  }
0xc6: {  	[dreg:$0x0] =	wrdreg $0xFFFFFFFF;
	(pc) =	sbr.abs _section_cstart, $3  }
0xc7: {  	[dreg:$0x1] =	wrdreg $0xFFFFFFFF  }
0xc8: {  	_ =	task.clear_ibuf [dreg:s8], $0x2FFFF;
	_ =	strace $0x9FFFFFFF  }
0xc9: {  	(tm) =	ssettm $0x7FFFFFFF  }
tec
execute0_lowered:
.L_overlay_start_1:
0x0: {  	(tag) =	ssettag $0x1  }
0x1: {  	s0 =	srdreg.scid  }
0x2: {  	s4 =	sand.u32 $0x1, s0;
	s0 =	stileid.u32  }
0x3: {  	s6 =	sshll.u32 s0, $0x1;
	s7 =	ssub.s32 $0x0, s4  }
0x4: {  	p0 =	sne.s32 s6, s7  }
.Ltmp0:
0x5: {  	_ = 	snop;
	(pc) =	sbr.rel @p0 .LBB2_7-.Ltmp0, $4  }
0x6: {  	s1 =	rddreg [dreg:$0x0]  }
0x7: {  	s3 =	rddreg [dreg:$0x1]  }
0x8: {  	s5 =	rddreg [dreg:$0x2]  }
0x9: {  	s2 =	rddreg [dreg:$0x3];
	_ =	strace $0x80000047  }
0xa: {  	s6 =	ssub.s32 $0x2, s4  }
0xb: {  	s4 =	sadd.s32 $0xE00, s5;
	s5 =	sadd.s32 $0x2000, s5;
	s7 =	sshrl.u32 s6, $0x1  }
0xc: {  	s8 =	simm.s32 $0x1;
	s9 =	simm.s32 $0x9000;
	s6 =	ssub.s32 s6, s7  }
0xd: {  	v0 =	vimm.s32 $0x0;
	s10 =	simm.s32 $0x0;
	s7 =	simm.s32 $0x0;
	s6 =	smax.u32 s6, $0x1  }
.LBB2_2:
0xe: {  	[tilespmem:s7], [sflag:$0x1] =	stream.linear.gather [hbm4b:s1+s7], $0x9000, $0x38;
	[tilespmem:$0x12000] =	vst v63  }
0xf: {  	_ =	swait.ge [sflag:s8], $0x9000  }
0x10: {  	[sflag:s8] =	ssyncset.done $0x0  }
0x11: {  	[sflag:s8] =	ssyncadd.s32 $0xFFFF7000  }
0x12: {  	[tilespmem:s9], [sflag:$0x1] =	stream.linear.gather [hbm4b:s3+s7], $0x9000, $0x38;
	[tilespmem:$0x12000] =	vst v63  }
0x13: {  	_ =	swait.ge [sflag:s8], $0x9000  }
0x14: {  	[sflag:s8] =	ssyncset.done $0x0  }
0x15: {  	s11 =	simm.s32 $0x0;
	[sflag:s8] =	ssyncadd.s32 $0xFFFF7000  }
0x16: {  	v1 =	vld [tilespmem:s11+$0x9000];
	_ =	sdelay $0x7  }
0x17: {  	v2 =	vld.idx.msk [tilespmem:v1+s7+$0x0], $0xffff;
	_ =	sdelay $0x4  }
0x18: {  	vm0 =	veq.s32 v2, $0x0  }
0x19: {  	v3 =	vsel vm0, $0x1, v0  }
0x1a: {  	(xrf0) =	vadd.scan.msk.s32 $0xffff, v3;
	_ =	sdelay $0x5  }
0x1b: {  	v3, _, _ =	vpop (xrf0)  }
0x1c: {  	v4 =	vadd.s32 s7, v3;
	(v2sf) =	vpush v3, $0xF  }
0x1d: {  	vm1 =	vgt.s32 v4, $0xAA  }
0x1e: {  	vm0 =	vmand vm0, vm1  }
0x1f: {  	v2 =	vsel vm0, $0xFFFFFFFF, v2  }
0x20: {  	s13 =	simm.s32 $0x10;
	s12 =	simm.s32 $0x80;
	s11 =	simm.s32 $0x0;
	[tilespmem:v1+s7+$0x0] =	vst.idx.msk $0xffff, v2  }
.LBB2_3:
0x21: {  	p0 =	sne.s32 s12, $0x23FC0;
	v1 =	vld [tilespmem:s13+$0x9000];
	_ =	sdelay $0x7  }
0x22: {  	v2 =	vld.idx.msk [tilespmem:v1+s7+$0x0], $0xffff;
	_ =	sdelay $0x1  }
0x23: {  	s13 =	spop (v2sf)  }
0x24: {  	s11 =	sadd.s32 s11, s13;
	_ =	sdelay $0x2  }
0x25: {  	vm0 =	veq.s32 v2, $0x0  }
0x26: {  	v3 =	vsel vm0, $0x1, v0  }
0x27: {  	(xrf0) =	vadd.scan.msk.s32 $0xffff, v3;
	_ =	sdelay $0x5  }
0x28: {  	v3, _, _ =	vpop (xrf0)  }
.Ltmp1:
0x29: {  	v4 =	vadd.s32 s11, v3;
	(v2sf) =	vpush v3, $0xF;
	(pc) =	sbr.rel @p0 .LBB2_3-.Ltmp1, $4  }
0x2a: {  	vm1 =	vgt.s32 v4, $0xAA  }
0x2b: {  	vm0 =	vmand vm0, vm1  }
0x2c: {  	v2 =	vsel vm0, $0xFFFFFFFF, v2  }
0x2d: {  	s13 =	sshra.s32 s12, $0x2;
	s12 =	sadd.s32 $0x40, s12;
	[tilespmem:v1+s7+$0x0] =	vst.idx.msk $0xffff, v2  }
0x2e: {  	v1 =	vld [tilespmem:s13+$0x9000];
	_ =	sdelay $0x7  }
0x2f: {  	v2 =	vld.idx.msk [tilespmem:v1+s7+$0x0], $0xffff;
	_ =	sdelay $0x4  }
0x30: {  	vm0 =	veq.s32 v2, $0x0  }
0x31: {  	v3 =	vsel vm0, $0x1, v0  }
0x32: {  	(xrf0) =	vadd.scan.msk.s32 $0xffff, v3;
	_ =	sdelay $0x5  }
0x33: {  	v3, _, _ =	vpop (xrf0)  }
0x34: {  	(v2sf) =	vpush v3, $0xF;
	_ =	sdelay $0x6  }
0x35: {  	s12 =	spop (v2sf)  }
0x36: {  	s11 =	sadd.s32 s11, s12  }
0x37: {  	v3 =	vadd.s32 s11, v3  }
0x38: {  	vm1 =	vgt.s32 v3, $0xAA  }
0x39: {  	vm0 =	vmand vm0, vm1  }
0x3a: {  	v2 =	vsel vm0, $0xFFFFFFFF, v2  }
0x3b: {  	s11 =	simm.s32 $0x0;
	[tilespmem:v1+s7+$0x0] =	vst.idx.msk $0xffff, v2  }
0x3c: {  	[tilespmem:s9], [sflag:$0x1] =	stream.linear.gather [hbm4b:s4+s11], $0x9000, $0x38;
	[tilespmem:$0x12000] =	vst v63  }
0x3d: {  	s30 =	spop (v2sf)  }
0x3e: {  	_ =	swait.ge [sflag:s8], $0x9000  }
0x3f: {  	[sflag:s8] =	ssyncset.done $0x0  }
0x40: {  	s31 =	simm.s32 $0x0;
	[sflag:s8] =	ssyncadd.s32 $0xFFFF7000  }
0x41: {  	v1 =	vld [tilespmem:s31+$0x9000];
	_ =	sdelay $0x7  }
0x42: {  	v2 =	vld.idx.msk [tilespmem:v1+s7+$0x0], $0xffff;
	_ =	sdelay $0x4  }
0x43: {  	vm14 =	veq.s32 v2, $0x1  }
0x44: {  	v3 =	vsel vm14, $0x1, v0  }
0x45: {  	(xrf0) =	vadd.scan.msk.s32 $0xffff, v3;
	_ =	sdelay $0x5  }
0x46: {  	v3, _, _ =	vpop (xrf0)  }
0x47: {  	v4 =	vadd.s32 s11, v3;
	(v2sf) =	vpush v3, $0xF  }
0x48: {  	vm15 =	vgt.s32 v4, $0x55  }
0x49: {  	vm0 =	vmand vm14, vm15  }
0x4a: {  	v2 =	vsel vm0, $0xFFFFFFFF, v2  }
0x4b: {  	s13 =	simm.s32 $0x10;
	s12 =	simm.s32 $0x80;
	[tilespmem:v1+s7+$0x0] =	vst.idx.msk $0xffff, v2  }
.LBB2_5:
0x4c: {  	p0 =	sne.s32 s12, $0x23FC0;
	v1 =	vld [tilespmem:s13+$0x9000];
	_ =	sdelay $0x7  }
0x4d: {  	v2 =	vld.idx.msk [tilespmem:v1+s7+$0x0], $0xffff;
	_ =	sdelay $0x1  }
0x4e: {  	s13 =	spop (v2sf)  }
0x4f: {  	s11 =	sadd.s32 s11, s13;
	_ =	sdelay $0x2  }
0x50: {  	vm0 =	veq.s32 v2, $0x1  }
0x51: {  	v3 =	vsel vm0, $0x1, v0  }
0x52: {  	(xrf0) =	vadd.scan.msk.s32 $0xffff, v3;
	_ =	sdelay $0x5  }
0x53: {  	v3, _, _ =	vpop (xrf0)  }
.Ltmp2:
0x54: {  	v4 =	vadd.s32 s11, v3;
	(v2sf) =	vpush v3, $0xF;
	(pc) =	sbr.rel @p0 .LBB2_5-.Ltmp2, $4  }
0x55: {  	vm1 =	vgt.s32 v4, $0x55  }
0x56: {  	vm0 =	vmand vm0, vm1  }
0x57: {  	v2 =	vsel vm0, $0xFFFFFFFF, v2  }
0x58: {  	s13 =	sshra.s32 s12, $0x2;
	s12 =	sadd.s32 $0x40, s12;
	[tilespmem:v1+s7+$0x0] =	vst.idx.msk $0xffff, v2  }
0x59: {  	v1 =	vld [tilespmem:s13+$0x9000];
	_ =	sdelay $0x7  }
0x5a: {  	v2 =	vld.idx.msk [tilespmem:v1+s7+$0x0], $0xffff;
	_ =	sdelay $0x4  }
0x5b: {  	vm0 =	veq.s32 v2, $0x1  }
0x5c: {  	v3 =	vsel vm0, $0x1, v0  }
0x5d: {  	(xrf0) =	vadd.scan.msk.s32 $0xffff, v3;
	_ =	sdelay $0x5  }
0x5e: {  	v3, _, _ =	vpop (xrf0)  }
0x5f: {  	(v2sf) =	vpush v3, $0xF;
	_ =	sdelay $0x5  }
0x60: {  	s12 =	spop (v2sf)  }
0x61: {  	s11 =	sadd.s32 s11, s12  }
0x62: {  	v3 =	vadd.s32 s11, v3  }
0x63: {  	vm1 =	vgt.s32 v3, $0x55  }
0x64: {  	vm0 =	vmand vm0, vm1  }
0x65: {  	s10 =	sadd.s32 $0x1, s10;
	v2 =	vsel vm0, $0xFFFFFFFF, v2  }
0x66: {  	p0 =	sne.s32 s10, s6;
	[tilespmem:v1+s7+$0x0] =	vst.idx.msk $0xffff, v2  }
0x67: {  	[hbm4b:s5+s7] =	stream.linear.scatter [tilespmem:s7], [sflag:$0x1], $0x9000, $0x38;
	[tilespmem:$0x12000] =	vst v63  }
.Ltmp3:
0x68: {  	_ = 	snop;
	(pc) =	sbr.rel @p0 .LBB2_2-.Ltmp3, $4  }
0x69: {  	s31 =	spop (v2sf)  }
0x6a: {  	_ =	swait.ge [sflag:s8], $0x9000  }
0x6b: {  	[sflag:s8] =	ssyncset.done $0x0  }
0x6c: {  	[sflag:s8] =	ssyncadd.s32 $0xFFFF7000  }
.LBB2_7:
0x6d: {  	_ =	sfence.sel $0x180000  }
0x6e: {  	[bflag:$0x0] =	sbarrier.arrive $0xFFFF  }
0x6f: {  	p0 =	sne.s32 s0, $0x0;
	_ =	strace $0x90000047  }
0x70: {  	s0 =	sadd.s32 @!p0 $0x100000, s2;
	[bflag:$0x2] =	sbarrier.arrive $0xFFFF  }
0x71: {  	[sflag:s0] =	ssyncadd.tile.s32 @!p0 $0x1;
	_ =	shalt  }
.Lfunc_end2:
_tile_overlayer_lowered:
.L_overlay_start_2:
0x72: {  	(tag) =	ssettag $0x2  }
0x73: {  	s0 =	rddreg [dreg:$0x0];
	s2 =	stileid.u32  }
0x74: {  	s1 =	rddreg [dreg:$0x1];
	p0 =	sne.s32 s2, $0x0  }
0x75: {  	s3 =	rddreg [dreg:$0x2];
	[bflag:$0x3] =	sbarrier.arrive $0xFFFF;
	s2 =	simm.s32 @!p0 $0x1C01  }
0x76: {  	[timem:s3], [sflag:s2] =	dma.local @!p0 [hbm:s0], s1  }
0x77: {  	s0 =	simm.s32 @!p0 $0x1  }
0x78: {  	_ =	swait.ge @!p0 [sflag:s0], s1  }
0x79: {  	s1 =	ssub.s32 @!p0 $0x0, s1;
	[sflag:s0] =	ssyncset.done @!p0 $0x0  }
0x7a: {  	[sflag:s0] =	ssyncadd.s32 @!p0 s1  }
0x7b: {  	[bflag:$0x3] =	sbarrier.arrive $0xFFFF  }
0x7c: {  	_ =	shalt  }

</sc_bundles>
